<compile_context>
chip_gen: v7x
topology: tpu7x:2x2x1
jax: 0.10.2.dev20260603
libtpu: 0.0.44.dev20260713+nightly
codegen_flags: <defaults>
</compile_context>

<pallas_src>
import functools

import jax
import jax.numpy as jnp
import numpy as np
from jax import lax
from jax.experimental import pallas as pl
from jax.experimental.pallas import tpu as pltpu
from jax.experimental.pallas import tpu_sc as plsc

N = 10000
E = 320000
R = 4
F = 128
OUT = 64
EPR = E // R

NC = 2
NS = 16
EPT = EPR // NS
NPAD = 10240
DUMMY = N
OPT = NPAD // NS

CHD = 128
NCHD = EPT // CHD + 1
NPTD = NCHD * CHD

SLT = N // NS
CH = 128
NCH = 44
NPT = NCH * CH

BLK = 1000
GRID = N // BLK


_mesh = functools.partial(
    plsc.VectorSubcoreMesh, core_axis_name="c", subcore_axis_name="s"
)


def _for_each_owned_relation(c, fn):
    for k in range(2):
        for core_id in range(NC):
            r = core_id * 2 + k

            @pl.when(c == core_id)
            def _(r=r):
                fn(r)


def _deg_body(dstp_hbm, out_hbm, didx, ones, zb, acc1, sem):
    del sem
    c = lax.axis_index("c")
    s = lax.axis_index("s")
    one16 = jnp.full((16,), 1.0, jnp.float32)
    zero16 = jnp.zeros((16,), jnp.float32)
    for i in range(CHD):
        ones[i, :] = one16
    for i in range(16):
        zb[i, :] = zero16

    def run(r):
        def zbody(i, _):
            pltpu.sync_copy(zb, acc1.at[pl.ds(s * OPT + i * 16, 16)])
            return 0

        lax.fori_loop(0, OPT // 16, zbody, 0)
        pltpu.sync_copy(dstp_hbm.at[pl.ds((r * NS + s) * NCHD, NCHD)], didx)
        plsc.subcore_barrier()

        def body(j, _):
            pltpu.sync_copy(ones, acc1.at[didx.at[j]], add=True)
            return 0

        lax.fori_loop(0, NCHD, body, 0)
        plsc.subcore_barrier()
        pltpu.sync_copy(
            acc1.at[pl.ds(s * OPT, OPT)],
            out_hbm.at[pl.ds(r * NPAD + s * OPT, OPT)],
        )
        plsc.subcore_barrier()

    _for_each_owned_relation(c, run)


def _deg_kernel(dst_pad):
    return pl.kernel(
        _deg_body,
        out_type=jax.ShapeDtypeStruct((R * NPAD, 16), jnp.float32),
        mesh=_mesh(),
        scratch_types=[
            pltpu.VMEM((NCHD, CHD), jnp.int32),
            pltpu.VMEM((CHD, 16), jnp.float32),
            pltpu.VMEM((16, 16), jnp.float32),
            pltpu.VMEM_SHARED((NPAD, 16), jnp.float32),
            pltpu.SemaphoreType.DMA,
        ],
    )(dst_pad)


def _gs_body(
    tbl_hbm, srcp_hbm, dstp_hbm, out_hbm,
    sidx, didx, g0, g1, acc, sga, sgb, ssa, ssb,
):
    c = lax.axis_index("c")
    s = lax.axis_index("s")
    zero16 = jnp.zeros((16,), jnp.float32)

    def run(r):
        def zfill(i, _):
            for j2 in range(F // 16):
                g0[i, pl.ds(j2 * 16, 16)] = zero16
            return 0

        lax.fori_loop(0, CH, zfill, 0)

        def zbody(i, _):
            pltpu.sync_copy(g0, acc.at[pl.ds(s * OPT + i * CH, CH)])
            return 0

        lax.fori_loop(0, OPT // CH, zbody, 0)
        pltpu.sync_copy(srcp_hbm.at[r * NS + s], sidx)
        pltpu.sync_copy(dstp_hbm.at[r * NS + s], didx)
        plsc.subcore_barrier()

        def body(i, _):
            j0 = 2 * i
            j1 = 2 * i + 1
            d0 = pltpu.async_copy(tbl_hbm.at[sidx.at[j0]], g0, sga)
            d1 = pltpu.async_copy(tbl_hbm.at[sidx.at[j1]], g1, sgb)
            d0.wait()
            sc0 = pltpu.make_async_copy(g0, acc.at[didx.at[j0]], ssa)
            sc0.start(add=True)
            d1.wait()
            sc1 = pltpu.make_async_copy(g1, acc.at[didx.at[j1]], ssb)
            sc1.start(add=True)
            sc0.wait()
            sc1.wait()
            return 0

        lax.fori_loop(0, NCH // 2, body, 0)
        plsc.subcore_barrier()
        pltpu.sync_copy(
            acc.at[pl.ds(s * OPT, OPT)],
            out_hbm.at[pl.ds(r * NPAD + s * OPT, OPT)],
        )
        plsc.subcore_barrier()

    _for_each_owned_relation(c, run)


def _gs_kernel(tbl, src_pad, dst_pad):
    return pl.kernel(
        _gs_body,
        out_type=jax.ShapeDtypeStruct((R * NPAD, F), jnp.float32),
        mesh=_mesh(),
        scratch_types=[
            pltpu.VMEM((NCH, CH), jnp.int32),
            pltpu.VMEM((NCH, CH), jnp.int32),
            pltpu.VMEM((CH, F), jnp.float32),
            pltpu.VMEM((CH, F), jnp.float32),
            pltpu.VMEM_SHARED((NPAD, F), jnp.float32),
            pltpu.SemaphoreType.DMA,
            pltpu.SemaphoreType.DMA,
            pltpu.SemaphoreType.DMA,
            pltpu.SemaphoreType.DMA,
        ],
    )(tbl, src_pad, dst_pad)


def _tc1_body(x_ref, wm_ref, bm_ref, wg_ref, degc_ref, h_ref, dinv_ref, tmp_ref):
    h = jnp.maximum(
        jnp.dot(x_ref[...], wm_ref[...], preferred_element_type=jnp.float32)
        + bm_ref[...],
        0.0,
    )
    h_ref[...] = h
    deg = degc_ref[...][:, :, 0] + 1.0
    dinv = lax.rsqrt(deg)
    dinv_ref[...] = dinv
    for r in range(R):
        tmp_ref[r] = (
            jnp.dot(h, wg_ref[r], preferred_element_type=jnp.float32)
            * dinv[:, r : r + 1]
        )


def _tc1(x, w_mlp, b_mlp, wg0, degc):
    return pl.pallas_call(
        _tc1_body,
        grid=(GRID,),
        in_specs=[
            pl.BlockSpec((BLK, F), lambda i: (i, 0)),
            pl.BlockSpec((F, F), lambda i: (0, 0)),
            pl.BlockSpec((1, F), lambda i: (0, 0)),
            pl.BlockSpec((R, F, F), lambda i: (0, 0, 0)),
            pl.BlockSpec((BLK, R, 16), lambda i: (i, 0, 0)),
        ],
        out_specs=[
            pl.BlockSpec((BLK, F), lambda i: (i, 0)),
            pl.BlockSpec((BLK, R), lambda i: (i, 0)),
            pl.BlockSpec((R, BLK, F), lambda i: (0, i, 0)),
        ],
        out_shape=[
            jax.ShapeDtypeStruct((N, F), jnp.float32),
            jax.ShapeDtypeStruct((N, R), jnp.float32),
            jax.ShapeDtypeStruct((R, N, F), jnp.float32),
        ],
    )(x, w_mlp, b_mlp, wg0, degc)


def _post_body(acc_ref, dinv_ref, bg_ref, h_ref, sums_ref):
    i = pl.program_id(0)
    acc = acc_ref[...]
    dinv = dinv_ref[...]
    tot = jnp.zeros((BLK, F), jnp.float32)
    for r in range(R):
        tot = tot + acc[r] * dinv[:, r : r + 1] + bg_ref[r]
    h = tot * (1.0 / R)
    h_ref[...] = h
    stats = jnp.concatenate(
        [
            jnp.sum(h, axis=0, keepdims=True),
            jnp.sum(h * h, axis=0, keepdims=True),
        ],
        axis=0,
    )

    @pl.when(i == 0)
    def _():
        sums_ref[...] = stats

    @pl.when(i > 0)
    def _():
        sums_ref[...] += stats


def _post(acc, dinv, bg):
    return pl.pallas_call(
        _post_body,
        grid=(GRID,),
        in_specs=[
            pl.BlockSpec((R, BLK, F), lambda i: (0, i, 0)),
            pl.BlockSpec((BLK, R), lambda i: (i, 0)),
            pl.BlockSpec((R, 1, F), lambda i: (0, 0, 0)),
        ],
        out_specs=[
            pl.BlockSpec((BLK, F), lambda i: (i, 0)),
            pl.BlockSpec((2, F), lambda i: (0, 0)),
        ],
        out_shape=[
            jax.ShapeDtypeStruct((N, F), jnp.float32),
            jax.ShapeDtypeStruct((2, F), jnp.float32),
        ],
    )(acc, dinv, bg)


def _bn_next_body(hpre_ref, sums_ref, g_ref, b_ref, wg_ref, dinv_ref, tmp_ref):
    mu = sums_ref[0:1, :] * (1.0 / N)
    ex2 = sums_ref[1:2, :] * (1.0 / N)
    var = ex2 - mu * mu
    scale = g_ref[...] * lax.rsqrt(var + 1e-5)
    h = jnp.maximum((hpre_ref[...] - mu) * scale + b_ref[...], 0.0)
    dinv = dinv_ref[...]
    for r in range(R):
        tmp_ref[r] = (
            jnp.dot(h, wg_ref[r], preferred_element_type=jnp.float32)
            * dinv[:, r : r + 1]
        )


def _bn_next(hpre, sums, gamma, beta, wg1, dinv):
    return pl.pallas_call(
        _bn_next_body,
        grid=(GRID,),
        in_specs=[
            pl.BlockSpec((BLK, F), lambda i: (i, 0)),
            pl.BlockSpec((2, F), lambda i: (0, 0)),
            pl.BlockSpec((1, F), lambda i: (0, 0)),
            pl.BlockSpec((1, F), lambda i: (0, 0)),
            pl.BlockSpec((R, F, F), lambda i: (0, 0, 0)),
            pl.BlockSpec((BLK, R), lambda i: (i, 0)),
        ],
        out_specs=[pl.BlockSpec((R, BLK, F), lambda i: (0, i, 0))],
        out_shape=[jax.ShapeDtypeStruct((R, N, F), jnp.float32)],
    )(hpre, sums, gamma, beta, wg1, dinv)[0]


def _final_body(hpre_ref, sums_ref, g_ref, b_ref, res_ref, wl_ref, bl_ref, out_ref):
    mu = sums_ref[0:1, :] * (1.0 / N)
    ex2 = sums_ref[1:2, :] * (1.0 / N)
    var = ex2 - mu * mu
    scale = g_ref[...] * lax.rsqrt(var + 1e-5)
    h = jnp.maximum((hpre_ref[...] - mu) * scale + b_ref[...], 0.0)
    h = h + res_ref[...]
    out_ref[...] = (
        jnp.dot(h, wl_ref[...], preferred_element_type=jnp.float32) + bl_ref[...]
    )


def _final(hpre, sums, gamma, beta, res, w_last, b_last):
    return pl.pallas_call(
        _final_body,
        grid=(GRID,),
        in_specs=[
            pl.BlockSpec((BLK, F), lambda i: (i, 0)),
            pl.BlockSpec((2, F), lambda i: (0, 0)),
            pl.BlockSpec((1, F), lambda i: (0, 0)),
            pl.BlockSpec((1, F), lambda i: (0, 0)),
            pl.BlockSpec((BLK, F), lambda i: (i, 0)),
            pl.BlockSpec((F, OUT), lambda i: (0, 0)),
            pl.BlockSpec((1, OUT), lambda i: (0, 0)),
        ],
        out_specs=[pl.BlockSpec((BLK, OUT), lambda i: (i, 0))],
        out_shape=[jax.ShapeDtypeStruct((N, OUT), jnp.float32)],
    )(hpre, sums, gamma, beta, res, w_last, b_last)[0]


def kernel(x, edge_index, W_mlp, b_mlp, W_gcn, b_gcn, bn_gamma, bn_beta, W_last, b_last):
    ei = edge_index.astype(jnp.int32)
    src = ei[0].reshape(R, NS, EPT)
    dst = ei[1].reshape(R, NS, EPT)

    padd = ((0, 0), (0, 0), (0, NPTD - EPT))
    dst_pad_deg = jnp.pad(dst, padd, constant_values=DUMMY).reshape(
        R * NS * NCHD, CHD
    )

    selfe = jnp.broadcast_to(
        jnp.arange(N, dtype=jnp.int32).reshape(1, NS, SLT), (R, NS, SLT)
    )
    src_full = jnp.concatenate([src, selfe], axis=2)
    dst_full = jnp.concatenate([dst, selfe], axis=2)
    src_full = src_full + (jnp.arange(R, dtype=jnp.int32) * N)[:, None, None]
    pads = ((0, 0), (0, 0), (0, NPT - EPT - SLT))
    src_pad = jnp.pad(src_full, pads, constant_values=0).reshape(R * NS, NCH, CH)
    dst_pad = jnp.pad(dst_full, pads, constant_values=DUMMY).reshape(
        R * NS, NCH, CH
    )

    degc = _deg_kernel(dst_pad_deg).reshape(R, NPAD, 16)[:, :N].transpose(1, 0, 2)

    b_mlp2 = b_mlp.reshape(1, F)
    bg = b_gcn.reshape(2, R, 1, F)
    gamma = bn_gamma.reshape(2, 1, F)
    beta = bn_beta.reshape(2, 1, F)
    h0, dinv, tbl1 = _tc1(x, W_mlp, b_mlp2, W_gcn[0], degc)

    acc = _gs_kernel(tbl1.reshape(R * N, F), src_pad, dst_pad)
    acc = acc.reshape(R, NPAD, F)[:, :N]
    h1pre, sums1 = _post(acc, dinv, bg[0])
    tbl2 = _bn_next(h1pre, sums1, gamma[0], beta[0], W_gcn[1], dinv)

    acc2 = _gs_kernel(tbl2.reshape(R * N, F), src_pad, dst_pad)
    acc2 = acc2.reshape(R, NPAD, F)[:, :N]
    h2pre, sums2 = _post(acc2, dinv, bg[1])
    return _final(
        h2pre, sums2, gamma[1], beta[1], h0, W_last, b_last.reshape(1, OUT)
    )

# --- scband reference (transcript-rebuilt; emitter-appended) ---
"""Pipeline reference for scband-hgnn-50345606644032 (READ-ONLY COPY).

The authoritative reference and input builder live on the scoring server;
editing this copy changes nothing except your own understanding.
"""

import jax, jax.numpy as jnp
import numpy as np

N = 10000
E = 320000
FEAT = 128
HID = 128
OUT = 64
L = 2
R = 4


def setup_inputs(seed: int = 0) -> dict:
    key = jax.random.key(seed)
    ks = jax.random.split(key, 11)
    x = jax.random.normal(ks[0], (N, FEAT), dtype=jnp.float32)
    edge_index = jax.random.randint(ks[1], (2, E), 0, N)
    # learned parameters
    W_mlp = jax.random.normal(ks[2], (FEAT, HID), dtype=jnp.float32) * (1.0 / np.sqrt(FEAT))
    b_mlp = jnp.zeros((HID,), dtype=jnp.float32)
    # per-layer, per-relation GCNConv weights
    W_gcn = jax.random.normal(ks[3], (L, R, HID, HID), dtype=jnp.float32) * (1.0 / np.sqrt(HID))
    b_gcn = jnp.zeros((L, R, HID), dtype=jnp.float32)
    bn_gamma = jnp.ones((L, HID), dtype=jnp.float32)
    bn_beta = jnp.zeros((L, HID), dtype=jnp.float32)
    W_last = jax.random.normal(ks[4], (HID, OUT), dtype=jnp.float32) * (1.414 / np.sqrt(HID))
    b_last = jnp.zeros((OUT,), dtype=jnp.float32)
    return {
        "x": x,
        "edge_index": edge_index,
        "W_mlp": W_mlp,
        "b_mlp": b_mlp,
        "W_gcn": W_gcn,
        "b_gcn": b_gcn,
        "bn_gamma": bn_gamma,
        "bn_beta": bn_beta,
        "W_last": W_last,
        "b_last": b_last,
    }


def _gcn_conv(h, src, dst, W, b):
    # GCNConv with added self-loops and symmetric normalization
    n = h.shape[0]
    loop = jnp.arange(n, dtype=src.dtype)
    s = jnp.concatenate([src, loop])
    d = jnp.concatenate([dst, loop])
    deg = jnp.zeros((n,), jnp.float32).at[d].add(1.0)
    dinv = jax.lax.rsqrt(jnp.maximum(deg, 1.0))
    norm = dinv[s] * dinv[d]
    hw = h @ W
    msg = hw[s] * norm[:, None]
    out = jnp.zeros((n, hw.shape[1]), jnp.float32).at[d].add(msg)
    return out + b


def reference(x, edge_index, W_mlp, b_mlp, W_gcn, b_gcn, bn_gamma, bn_beta, W_last, b_last):
    # x = act(mlp(x))
    h = jax.nn.relu(x @ W_mlp + b_mlp)
    residual = h
    e_per = E // R
    for l in range(L):
        outs = []
        for r in range(R):
            ei = edge_index[:, r * e_per:(r + 1) * e_per]
            outs.append(_gcn_conv(h, ei[0], ei[1], W_gcn[l, r], b_gcn[l, r]))
        # agg_type == 'mean' across relations
        h = jnp.mean(jnp.stack(outs, axis=0), axis=0)
        # BatchNorm over node dimension
        mu = jnp.mean(h, axis=0)
        var = jnp.var(h, axis=0)
        h = bn_gamma[l] * (h - mu) / jnp.sqrt(var + 1e-5) + bn_beta[l]
        h = jax.nn.relu(h)
    h = h + residual
    return h @ W_last + b_last

if __name__ == "__main__":
    import jax
    _d = setup_inputs()
    print(jax.jit(kernel)(*tuple(_d.values())))

</pallas_src>

<mosaic_0001>
#map = affine_map<(d0, d1) -> (0, 0)>
module attributes {stable_mosaic.version = 14 : i64} {
  func.func @_deg_body(%arg0: i32, %arg1: i32, %arg2: memref<2560x128xi32, #tpu.memory_space<hbm>>, %arg3: memref<40960x16xf32, #tpu.memory_space<hbm>>, %arg4: memref<40x128xi32, #tpu.memory_space<vmem>>, %arg5: memref<128x16xf32, #tpu.memory_space<vmem>>, %arg6: memref<16x16xf32, #tpu.memory_space<vmem>>, %arg7: memref<10240x16xf32, #tpu.memory_space<vmem_shared>>, %arg8: memref<!tpu.dma_semaphore, #tpu.memory_space<semaphore_mem>>) attributes {dimension_semantics = [#tpu.dimension_semantics<core_parallel>, #tpu.dimension_semantics<subcore_parallel>], iteration_bounds = array<i64: 2, 16>, scalar_prefetch = 0 : i64, scratch_operands = 5 : i64, tpu.core_type = #tpu.core_type<sc_vector_subcore>, window_params = [{transform_indices = #map}, {transform_indices = #map}]} {
    %broadcast_in_dim3A = arith.constant 1.000000e+00 : f32
    %broadcast_in_dim3A_0 = vector.broadcast %broadcast_in_dim3A : f32 to vector<16xf32>
    %broadcast_in_dim3A_1 = arith.constant 0.000000e+00 : f32
    %broadcast_in_dim3A_2 = vector.broadcast %broadcast_in_dim3A_1 : f32 to vector<16xf32>
    %swap3A = arith.constant 0 : i32
    %swap3A_3 = arith.index_cast %swap3A : i32 to index
    %swap3A_4 = arith.constant 0 : index
    %swap3A_5 = tpu.vector_load %arg5[%swap3A_3, %swap3A_4] {strides = array<i32>} : memref<128x16xf32, #tpu.memory_space<vmem>>, vector<1x16xf32>,
    %swap3A_6 = vector.shape_cast %swap3A_5 : vector<1x16xf32> to vector<16xf32>
    %swap3A_7 = vector.shape_cast %broadcast_in_dim3A_0 : vector<16xf32> to vector<1x16xf32>
    tpu.vector_store %arg5[%swap3A_3, %swap3A_4], %swap3A_7 {strides = array<i32>} : memref<128x16xf32, #tpu.memory_space<vmem>>, vector<1x16xf32>,
    %swap3A_8 = arith.constant 1 : i32
    %swap3A_9 = arith.index_cast %swap3A_8 : i32 to index
    %swap3A_10 = arith.constant 0 : index
    %swap3A_11 = tpu.vector_load %arg5[%swap3A_9, %swap3A_10] {strides = array<i32>} : memref<128x16xf32, #tpu.memory_space<vmem>>, vector<1x16xf32>,
    %swap3A_12 = vector.shape_cast %swap3A_11 : vector<1x16xf32> to vector<16xf32>
    %swap3A_13 = vector.shape_cast %broadcast_in_dim3A_0 : vector<16xf32> to vector<1x16xf32>
    tpu.vector_store %arg5[%swap3A_9, %swap3A_10], %swap3A_13 {strides = array<i32>} : memref<128x16xf32, #tpu.memory_space<vmem>>, vector<1x16xf32>,
    %swap3A_14 = arith.constant 2 : i32
    %swap3A_15 = arith.index_cast %swap3A_14 : i32 to index
    %swap3A_16 = arith.constant 0 : index
    %swap3A_17 = tpu.vector_load %arg5[%swap3A_15, %swap3A_16] {strides = array<i32>} : memref<128x16xf32, #tpu.memory_space<vmem>>, vector<1x16xf32>,
    %swap3A_18 = vector.shape_cast %swap3A_17 : vector<1x16xf32> to vector<16xf32>
    %swap3A_19 = vector.shape_cast %broadcast_in_dim3A_0 : vector<16xf32> to vector<1x16xf32>
    tpu.vector_store %arg5[%swap3A_15, %swap3A_16], %swap3A_19 {strides = array<i32>} : memref<128x16xf32, #tpu.memory_space<vmem>>, vector<1x16xf32>,
    %swap3A_20 = arith.constant 3 : i32
    %swap3A_21 = arith.index_cast %swap3A_20 : i32 to index
    %swap3A_22 = arith.constant 0 : index
    %swap3A_23 = tpu.vector_load %arg5[%swap3A_21, %swap3A_22] {strides = array<i32>} : memref<128x16xf32, #tpu.memory_space<vmem>>, vector<1x16xf32>,
    %swap3A_24 = vector.shape_cast %swap3A_23 : vector<1x16xf32> to vector<16xf32>
    %swap3A_25 = vector.shape_cast %broadcast_in_dim3A_0 : vector<16xf32> to vector<1x16xf32>
    tpu.vector_store %arg5[%swap3A_21, %swap3A_22], %swap3A_25 {strides = array<i32>} : memref<128x16xf32, #tpu.memory_space<vmem>>, vector<1x16xf32>,
    %swap3A_26 = arith.constant 4 : i32
    %swap3A_27 = arith.index_cast %swap3A_26 : i32 to index
    %swap3A_28 = arith.constant 0 : index
    %swap3A_29 = tpu.vector_load %arg5[%swap3A_27, %swap3A_28] {strides = array<i32>} : memref<128x16xf32, #tpu.memory_space<vmem>>, vector<1x16xf32>,
    %swap3A_30 = vector.shape_cast %swap3A_29 : vector<1x16xf32> to vector<16xf32>
    %swap3A_31 = vector.shape_cast %broadcast_in_dim3A_0 : vector<16xf32> to vector<1x16xf32>
    tpu.vector_store %arg5[%swap3A_27, %swap3A_28], %swap3A_31 {strides = array<i32>} : memref<128x16xf32, #tpu.memory_space<vmem>>, vector<1x16xf32>,
    %swap3A_32 = arith.constant 5 : i32
    %swap3A_33 = arith.index_cast %swap3A_32 : i32 to index
    %swap3A_34 = arith.constant 0 : index
    %swap3A_35 = tpu.vector_load %arg5[%swap3A_33, %swap3A_34] {strides = array<i32>} : memref<128x16xf32, #tpu.memory_space<vmem>>, vector<1x16xf32>,
    %swap3A_36 = vector.shape_cast %swap3A_35 : vector<1x16xf32> to vector<16xf32>
    %swap3A_37 = vector.shape_cast %broadcast_in_dim3A_0 : vector<16xf32> to vector<1x16xf32>
    tpu.vector_store %arg5[%swap3A_33, %swap3A_34], %swap3A_37 {strides = array<i32>} : memref<128x16xf32, #tpu.memory_space<vmem>>, vector<1x16xf32>,
    %swap3A_38 = arith.constant 6 : i32
    %swap3A_39 = arith.index_cast %swap3A_38 : i32 to index
    %swap3A_40 = arith.constant 0 : index
    %swap3A_41 = tpu.vector_load %arg5[%swap3A_39, %swap3A_40] {strides = array<i32>} : memref<128x16xf32, #tpu.memory_space<vmem>>, vector<1x16xf32>,
    %swap3A_42 = vector.shape_cast %swap3A_41 : vector<1x16xf32> to vector<16xf32>
    %swap3A_43 = vector.shape_cast %broadcast_in_dim3A_0 : vector<16xf32> to vector<1x16xf32>
    tpu.vector_store %arg5[%swap3A_39, %swap3A_40], %swap3A_43 {strides = array<i32>} : memref<128x16xf32, #tpu.memory_space<vmem>>, vector<1x16xf32>,
    %swap3A_44 = arith.constant 7 : i32
    %swap3A_45 = arith.index_cast %swap3A_44 : i32 to index
    %swap3A_46 = arith.constant 0 : index
    %swap3A_47 = tpu.vector_load %arg5[%swap3A_45, %swap3A_46] {strides = array<i32>} : memref<128x16xf32, #tpu.memory_space<vmem>>, vector<1x16xf32>,
    %swap3A_48 = vector.shape_cast %swap3A_47 : vector<1x16xf32> to vector<16xf32>
    %swap3A_49 = vector.shape_cast %broadcast_in_dim3A_0 : vector<16xf32> to vector<1x16xf32>
    tpu.vector_store %arg5[%swap3A_45, %swap3A_46], %swap3A_49 {strides = array<i32>} : memref<128x16xf32, #tpu.memory_space<vmem>>, vector<1x16xf32>,
    %swap3A_50 = arith.constant 8 : i32
    %swap3A_51 = arith.index_cast %swap3A_50 : i32 to index
    %swap3A_52 = arith.constant 0 : index
    %swap3A_53 = tpu.vector_load %arg5[%swap3A_51, %swap3A_52] {strides = array<i32>} : memref<128x16xf32, #tpu.memory_space<vmem>>, vector<1x16xf32>,
    %swap3A_54 = vector.shape_cast %swap3A_53 : vector<1x16xf32> to vector<16xf32>
    %swap3A_55 = vector.shape_cast %broadcast_in_dim3A_0 : vector<16xf32> to vector<1x16xf32>
    tpu.vector_store %arg5[%swap3A_51, %swap3A_52], %swap3A_55 {strides = array<i32>} : memref<128x16xf32, #tpu.memory_space<vmem>>, vector<1x16xf32>,
    %swap3A_56 = arith.constant 9 : i32
    %swap3A_57 = arith.index_cast %swap3A_56 : i32 to index
    %swap3A_58 = arith.constant 0 : index
    %swap3A_59 = tpu.vector_load %arg5[%swap3A_57, %swap3A_58] {strides = array<i32>} : memref<128x16xf32, #tpu.memory_space<vmem>>, vector<1x16xf32>,
    %swap3A_60 = vector.shape_cast %swap3A_59 : vector<1x16xf32> to vector<16xf32>
    %swap3A_61 = vector.shape_cast %broadcast_in_dim3A_0 : vector<16xf32> to vector<1x16xf32>
    tpu.vector_store %arg5[%swap3A_57, %swap3A_58], %swap3A_61 {strides = array<i32>} : memref<128x16xf32, #tpu.memory_space<vmem>>, vector<1x16xf32>,
    %swap3A_62 = arith.constant 10 : i32
    %swap3A_63 = arith.index_cast %swap3A_62 : i32 to index
    %swap3A_64 = arith.constant 0 : index
    %swap3A_65 = tpu.vector_load %arg5[%swap3A_63, %swap3A_64] {strides = array<i32>} : memref<128x16xf32, #tpu.memory_space<vmem>>, vector<1x16xf32>,
    %swap3A_66 = vector.shape_cast %swap3A_65 : vector<1x16xf32> to vector<16xf32>
    %swap3A_67 = vector.shape_cast %broadcast_in_dim3A_0 : vector<16xf32> to vector<1x16xf32>
    tpu.vector_store %arg5[%swap3A_63, %swap3A_64], %swap3A_67 {strides = array<i32>} : memref<128x16xf32, #tpu.memory_space<vmem>>, vector<1x16xf32>,
    %swap3A_68 = arith.constant 11 : i32
    %swap3A_69 = arith.index_cast %swap3A_68 : i32 to index
    %swap3A_70 = arith.constant 0 : index
    %swap3A_71 = tpu.vector_load %arg5[%swap3A_69, %swap3A_70] {strides = array<i32>} : memref<128x16xf32, #tpu.memory_space<vmem>>, vector<1x16xf32>,
    %swap3A_72 = vector.shape_cast %swap3A_71 : vector<1x16xf32> to vector<16xf32>
    %swap3A_73 = vector.shape_cast %broadcast_in_dim3A_0 : vector<16xf32> to vector<1x16xf32>
    tpu.vector_store %arg5[%swap3A_69, %swap3A_70], %swap3A_73 {strides = array<i32>} : memref<128x16xf32, #tpu.memory_space<vmem>>, vector<1x16xf32>,
    %swap3A_74 = arith.constant 12 : i32
    %swap3A_75 = arith.index_cast %swap3A_74 : i32 to index
    %swap3A_76 = arith.constant 0 : index
    %swap3A_77 = tpu.vector_load %arg5[%swap3A_75, %swap3A_76] {strides = array<i32>} : memref<128x16xf32, #tpu.memory_space<vmem>>, vector<1x16xf32>,
    %swap3A_78 = vector.shape_cast %swap3A_77 : vector<1x16xf32> to vector<16xf32>
    %swap3A_79 = vector.shape_cast %broadcast_in_dim3A_0 : vector<16xf32> to vector<1x16xf32>
    tpu.vector_store %arg5[%swap3A_75, %swap3A_76], %swap3A_79 {strides = array<i32>} : memref<128x16xf32, #tpu.memory_space<vmem>>, vector<1x16xf32>,
    %swap3A_80 = arith.constant 13 : i32
    %swap3A_81 = arith.index_cast %swap3A_80 : i32 to index
    %swap3A_82 = arith.constant 0 : index
    %swap3A_83 = tpu.vector_load %arg5[%swap3A_81, %swap3A_82] {strides = array<i32>} : memref<128x16xf32, #tpu.memory_space<vmem>>, vector<1x16xf32>,
    %swap3A_84 = vector.shape_cast %swap3A_83 : vector<1x16xf32> to vector<16xf32>
    %swap3A_85 = vector.shape_cast %broadcast_in_dim3A_0 : vector<16xf32> to vector<1x16xf32>
    tpu.vector_store %arg5[%swap3A_81, %swap3A_82], %swap3A_85 {strides = array<i32>} : memref<128x16xf32, #tpu.memory_space<vmem>>, vector<1x16xf32>,
    %swap3A_86 = arith.constant 14 : i32
    %swap3A_87 = arith.index_cast %swap3A_86 : i32 to index
    %swap3A_88 = arith.constant 0 : index
    %swap3A_89 = tpu.vector_load %arg5[%swap3A_87, %swap3A_88] {strides = array<i32>} : memref<128x16xf32, #tpu.memory_space<vmem>>, vector<1x16xf32>,
    %swap3A_90 = vector.shape_cast %swap3A_89 : vector<1x16xf32> to vector<16xf32>
    %swap3A_91 = vector.shape_cast %broadcast_in_dim3A_0 : vector<16xf32> to vector<1x16xf32>
    tpu.vector_store %arg5[%swap3A_87, %swap3A_88], %swap3A_91 {strides = array<i32>} : memref<128x16xf32, #tpu.memory_space<vmem>>, vector<1x16xf32>,
    %swap3A_92 = arith.constant 15 : i32
    %swap3A_93 = arith.index_cast %swap3A_92 : i32 to index
    %swap3A_94 = arith.constant 0 : index
    %swap3A_95 = tpu.vector_load %arg5[%swap3A_93, %swap3A_94] {strides = array<i32>} : memref<128x16xf32, #tpu.memory_space<vmem>>, vector<1x16xf32>,
    %swap3A_96 = vector.shape_cast %swap3A_95 : vector<1x16xf32> to vector<16xf32>
    %swap3A_97 = vector.shape_cast %broadcast_in_dim3A_0 : vector<16xf32> to vector<1x16xf32>
    tpu.vector_store %arg5[%swap3A_93, %swap3A_94], %swap3A_97 {strides = array<i32>} : memref<128x16xf32, #tpu.memory_space<vmem>>, vector<1x16xf32>,
    %swap3A_98 = arith.constant 16 : i32
    %swap3A_99 = arith.index_cast %swap3A_98 : i32 to index
    %swap3A_100 = arith.constant 0 : index
    %swap3A_101 = tpu.vector_load %arg5[%swap3A_99, %swap3A_100] {strides = array<i32>} : memref<128x16xf32, #tpu.memory_space<vmem>>, vector<1x16xf32>,
    %swap3A_102 = vector.shape_cast %swap3A_101 : vector<1x16xf32> to vector<16xf32>
    %swap3A_103 = vector.shape_cast %broadcast_in_dim3A_0 : vector<16xf32> to vector<1x16xf32>
    tpu.vector_store %arg5[%swap3A_99, %swap3A_100], %swap3A_103 {strides = array<i32>} : memref<128x16xf32, #tpu.memory_space<vmem>>, vector<1x16xf32>,
    %swap3A_104 = arith.constant 17 : i32
    %swap3A_105 = arith.index_cast %swap3A_104 : i32 to index
    %swap3A_106 = arith.constant 0 : index
    %swap3A_107 = tpu.vector_load %arg5[%swap3A_105, %swap3A_106] {strides = array<i32>} : memref<128x16xf32, #tpu.memory_space<vmem>>, vector<1x16xf32>,
    %swap3A_108 = vector.shape_cast %swap3A_107 : vector<1x16xf32> to vector<16xf32>
    %swap3A_109 = vector.shape_cast %broadcast_in_dim3A_0 : vector<16xf32> to vector<1x16xf32>
    tpu.vector_store %arg5[%swap3A_105, %swap3A_106], %swap3A_109 {strides = array<i32>} : memref<128x16xf32, #tpu.memory_space<vmem>>, vector<1x16xf32>,
    %swap3A_110 = arith.constant 18 : i32
    %swap3A_111 = arith.index_cast %swap3A_110 : i32 to index
    %swap3A_112 = arith.constant 0 : index
    %swap3A_113 = tpu.vector_load %arg5[%swap3A_111, %swap3A_112] {strides = array<i32>} : memref<128x16xf32, #tpu.memory_space<vmem>>, vector<1x16xf32>,
    %swap3A_114 = vector.shape_cast %swap3A_113 : vector<1x16xf32> to vector<16xf32>
    %swap3A_115 = vector.shape_cast %broadcast_in_dim3A_0 : vector<16xf32> to vector<1x16xf32>
    tpu.vector_store %arg5[%swap3A_111, %swap3A_112], %swap3A_115 {strides = array<i32>} : memref<128x16xf32, #tpu.memory_space<vmem>>, vector<1x16xf32>,
    %swap3A_116 = arith.constant 19 : i32
    %swap3A_117 = arith.index_cast %swap3A_116 : i32 to index
    %swap3A_118 = arith.constant 0 : index
    %swap3A_119 = tpu.vector_load %arg5[%swap3A_117, %swap3A_118] {strides = array<i32>} : memref<128x16xf32, #tpu.memory_space<vmem>>, vector<1x16xf32>,
    %swap3A_120 = vector.shape_cast %swap3A_119 : vector<1x16xf32> to vector<16xf32>
    %swap3A_121 = vector.shape_cast %broadcast_in_dim3A_0 : vector<16xf32> to vector<1x16xf32>
    tpu.vector_store %arg5[%swap3A_117, %swap3A_118], %swap3A_121 {strides = array<i32>} : memref<128x16xf32, #tpu.memory_space<vmem>>, vector<1x16xf32>,
    %swap3A_122 = arith.constant 20 : i32
    %swap3A_123 = arith.index_cast %swap3A_122 : i32 to index
    %swap3A_124 = arith.constant 0 : index
    %swap3A_125 = tpu.vector_load %arg5[%swap3A_123, %swap3A_124] {strides = array<i32>} : memref<128x16xf32, #tpu.memory_space<vmem>>, vector<1x16xf32>,
    %swap3A_126 = vector.shape_cast %swap3A_125 : vector<1x16xf32> to vector<16xf32>
    %swap3A_127 = vector.shape_cast %broadcast_in_dim3A_0 : vector<16xf32> to vector<1x16xf32>
    tpu.vector_store %arg5[%swap3A_123, %swap3A_124], %swap3A_127 {strides = array<i32>} : memref<128x16xf32, #tpu.memory_space<vmem>>, vector<1x16xf32>,
    %swap3A_128 = arith.constant 21 : i32
    %swap3A_129 = arith.index_cast %swap3A_128 : i32 to index
    %swap3A_130 = arith.constant 0 : index
    %swap3A_131 = tpu.vector_load %arg5[%swap3A_129, %swap3A_130] {strides = array<i32>} : memref<128x16xf32, #tpu.memory_space<vmem>>, vector<1x16xf32>,
    %swap3A_132 = vector.shape_cast %swap3A_131 : vector<1x16xf32> to vector<16xf32>
    %swap3A_133 = vector.shape_cast %broadcast_in_dim3A_0 : vector<16xf32> to vector<1x16xf32>
    tpu.vector_store %arg5[%swap3A_129, %swap3A_130], %swap3A_133 {strides = array<i32>} : memref<128x16xf32, #tpu.memory_space<vmem>>, vector<1x16xf32>,
    %swap3A_134 = arith.constant 22 : i32
    %swap3A_135 = arith.index_cast %swap3A_134 : i32 to index
    %swap3A_136 = arith.constant 0 : index
    %swap3A_137 = tpu.vector_load %arg5[%swap3A_135, %swap3A_136] {strides = array<i32>} : memref<128x16xf32, #tpu.memory_space<vmem>>, vector<1x16xf32>,
    %swap3A_138 = vector.shape_cast %swap3A_137 : vector<1x16xf32> to vector<16xf32>
    %swap3A_139 = vector.shape_cast %broadcast_in_dim3A_0 : vector<16xf32> to vector<1x16xf32>
    tpu.vector_store %arg5[%swap3A_135, %swap3A_136], %swap3A_139 {strides = array<i32>} : memref<128x16xf32, #tpu.memory_space<vmem>>, vector<1x16xf32>,
    %swap3A_140 = arith.constant 23 : i32
    %swap3A_141 = arith.index_cast %swap3A_140 : i32 to index
    %swap3A_142 = arith.constant 0 : index
    %swap3A_143 = tpu.vector_load %arg5[%swap3A_141, %swap3A_142] {strides = array<i32>} : memref<128x16xf32, #tpu.memory_space<vmem>>, vector<1x16xf32>,
    %swap3A_144 = vector.shape_cast %swap3A_143 : vector<1x16xf32> to vector<16xf32>
    %swap3A_145 = vector.shape_cast %broadcast_in_dim3A_0 : vector<16xf32> to vector<1x16xf32>
    tpu.vector_store %arg5[%swap3A_141, %swap3A_142], %swap3A_145 {strides = array<i32>} : memref<128x16xf32, #tpu.memory_space<vmem>>, vector<1x16xf32>,
    %swap3A_146 = arith.constant 24 : i32
    %swap3A_147 = arith.index_cast %swap3A_146 : i32 to index
    %swap3A_148 = arith.constant 0 : index
    %swap3A_149 = tpu.vector_load %arg5[%swap3A_147, %swap3A_148] {strides = array<i32>} : memref<128x16xf32, #tpu.memory_space<vmem>>, vector<1x16xf32>,
    %swap3A_150 = vector.shape_cast %swap3A_149 : vector<1x16xf32> to vector<16xf32>
    %swap3A_151 = vector.shape_cast %broadcast_in_dim3A_0 : vector<16xf32> to vector<1x16xf32>
    tpu.vector_store %arg5[%swap3A_147, %swap3A_148], %swap3A_151 {strides = array<i32>} : memref<128x16xf32, #tpu.memory_space<vmem>>, vector<1x16xf32>,
    %swap3A_152 = arith.constant 25 : i32
    %swap3A_153 = arith.index_cast %swap3A_152 : i32 to index
    %swap3A_154 = arith.constant 0 : index
    %swap3A_155 = tpu.vector_load %arg5[%swap3A_153, %swap3A_154] {strides = array<i32>} : memref<128x16xf32, #tpu.memory_space<vmem>>, vector<1x16xf32>,
    %swap3A_156 = vector.shape_cast %swap3A_155 : vector<1x16xf32> to vector<16xf32>
    %swap3A_157 = vector.shape_cast %broadcast_in_dim3A_0 : vector<16xf32> to vector<1x16xf32>
    tpu.vector_store %arg5[%swap3A_153, %swap3A_154], %swap3A_157 {strides = array<i32>} : memref<128x16xf32, #tpu.memory_space<vmem>>, vector<1x16xf32>,
    %swap3A_158 = arith.constant 26 : i32
    %swap3A_159 = arith.index_cast %swap3A_158 : i32 to index
    %swap3A_160 = arith.constant 0 : index
    %swap3A_161 = tpu.vector_load %arg5[%swap3A_159, %swap3A_160] {strides = array<i32>} : memref<128x16xf32, #tpu.memory_space<vmem>>, vector<1x16xf32>,
    %swap3A_162 = vector.shape_cast %swap3A_161 : vector<1x16xf32> to vector<16xf32>
    %swap3A_163 = vector.shape_cast %broadcast_in_dim3A_0 : vector<16xf32> to vector<1x16xf32>
    tpu.vector_store %arg5[%swap3A_159, %swap3A_160], %swap3A_163 {strides = array<i32>} : memref<128x16xf32, #tpu.memory_space<vmem>>, vector<1x16xf32>,
    %swap3A_164 = arith.constant 27 : i32
    %swap3A_165 = arith.index_cast %swap3A_164 : i32 to index
    %swap3A_166 = arith.constant 0 : index
    %swap3A_167 = tpu.vector_load %arg5[%swap3A_165, %swap3A_166] {strides = array<i32>} : memref<128x16xf32, #tpu.memory_space<vmem>>, vector<1x16xf32>,
    %swap3A_168 = vector.shape_cast %swap3A_167 : vector<1x16xf32> to vector<16xf32>
    %swap3A_169 = vector.shape_cast %broadcast_in_dim3A_0 : vector<16xf32> to vector<1x16xf32>
    tpu.vector_store %arg5[%swap3A_165, %swap3A_166], %swap3A_169 {strides = array<i32>} : memref<128x16xf32, #tpu.memory_space<vmem>>, vector<1x16xf32>,
    %swap3A_170 = arith.constant 28 : i32
    %swap3A_171 = arith.index_cast %swap3A_170 : i32 to index
    %swap3A_172 = arith.constant 0 : index
    %swap3A_173 = tpu.vector_load %arg5[%swap3A_171, %swap3A_172] {strides = array<i32>} : memref<128x16xf32, #tpu.memory_space<vmem>>, vector<1x16xf32>,
    %swap3A_174 = vector.shape_cast %swap3A_173 : vector<1x16xf32> to vector<16xf32>
    %swap3A_175 = vector.shape_cast %broadcast_in_dim3A_0 : vector<16xf32> to vector<1x16xf32>
    tpu.vector_store %arg5[%swap3A_171, %swap3A_172], %swap3A_175 {strides = array<i32>} : memref<128x16xf32, #tpu.memory_space<vmem>>, vector<1x16xf32>,
    %swap3A_176 = arith.constant 29 : i32
    %swap3A_177 = arith.index_cast %swap3A_176 : i32 to index
    %swap3A_178 = arith.constant 0 : index
    %swap3A_179 = tpu.vector_load %arg5[%swap3A_177, %swap3A_178] {strides = array<i32>} : memref<128x16xf32, #tpu.memory_space<vmem>>, vector<1x16xf32>,
    %swap3A_180 = vector.shape_cast %swap3A_179 : vector<1x16xf32> to vector<16xf32>
    %swap3A_181 = vector.shape_cast %broadcast_in_dim3A_0 : vector<16xf32> to vector<1x16xf32>
    tpu.vector_store %arg5[%swap3A_177, %swap3A_178], %swap3A_181 {strides = array<i32>} : memref<128x16xf32, #tpu.memory_space<vmem>>, vector<1x16xf32>,
    %swap3A_182 = arith.constant 30 : i32
    %swap3A_183 = arith.index_cast %swap3A_182 : i32 to index
    %swap3A_184 = arith.constant 0 : index
    %swap3A_185 = tpu.vector_load %arg5[%swap3A_183, %swap3A_184] {strides = array<i32>} : memref<128x16xf32, #tpu.memory_space<vmem>>, vector<1x16xf32>,
    %swap3A_186 = vector.shape_cast %swap3A_185 : vector<1x16xf32> to vector<16xf32>
    %swap3A_187 = vector.shape_cast %broadcast_in_dim3A_0 : vector<16xf32> to vector<1x16xf32>
    tpu.vector_store %arg5[%swap3A_183, %swap3A_184], %swap3A_187 {strides = array<i32>} : memref<128x16xf32, #tpu.memory_space<vmem>>, vector<1x16xf32>,
    %swap3A_188 = arith.constant 31 : i32
    %swap3A_189 = arith.index_cast %swap3A_188 : i32 to index
    %swap3A_190 = arith.constant 0 : index
    %swap3A_191 = tpu.vector_load %arg5[%swap3A_189, %swap3A_190] {strides = array<i32>} : memref<128x16xf32, #tpu.memory_space<vmem>>, vector<1x16xf32>,
    %swap3A_192 = vector.shape_cast %swap3A_191 : vector<1x16xf32> to vector<16xf32>
    %swap3A_193 = vector.shape_cast %broadcast_in_dim3A_0 : vector<16xf32> to vector<1x16xf32>
    tpu.vector_store %arg5[%swap3A_189, %swap3A_190], %swap3A_193 {strides = array<i32>} : memref<128x16xf32, #tpu.memory_space<vmem>>, vector<1x16xf32>,
    %swap3A_194 = arith.constant 32 : i32
    %swap3A_195 = arith.index_cast %swap3A_194 : i32 to index
    %swap3A_196 = arith.constant 0 : index
    %swap3A_197 = tpu.vector_load %arg5[%swap3A_195, %swap3A_196] {strides = array<i32>} : memref<128x16xf32, #tpu.memory_space<vmem>>, vector<1x16xf32>,
    %swap3A_198 = vector.shape_cast %swap3A_197 : vector<1x16xf32> to vector<16xf32>
    %swap3A_199 = vector.shape_cast %broadcast_in_dim3A_0 : vector<16xf32> to vector<1x16xf32>
    tpu.vector_store %arg5[%swap3A_195, %swap3A_196], %swap3A_199 {strides = array<i32>} : memref<128x16xf32, #tpu.memory_space<vmem>>, vector<1x16xf32>,
    %swap3A_200 = arith.constant 33 : i32
    %swap3A_201 = arith.index_cast %swap3A_200 : i32 to index
    %swap3A_202 = arith.constant 0 : index
    %swap3A_203 = tpu.vector_load %arg5[%swap3A_201, %swap3A_202] {strides = array<i32>} : memref<128x16xf32, #tpu.memory_space<vmem>>, vector<1x16xf32>,
    %swap3A_204 = vector.shape_cast %swap3A_203 : vector<1x16xf32> to vector<16xf32>
    %swap3A_205 = vector.shape_cast %broadcast_in_dim3A_0 : vector<16xf32> to vector<1x16xf32>
    tpu.vector_store %arg5[%swap3A_201, %swap3A_202], %swap3A_205 {strides = array<i32>} : memref<128x16xf32, #tpu.memory_space<vmem>>, vector<1x16xf32>,
    %swap3A_206 = arith.constant 34 : i32
    %swap3A_207 = arith.index_cast %swap3A_206 : i32 to index
    %swap3A_208 = arith.constant 0 : index
    %swap3A_209 = tpu.vector_load %arg5[%swap3A_207, %swap3A_208] {strides = array<i32>} : memref<128x16xf32, #tpu.memory_space<vmem>>, vector<1x16xf32>,
    %swap3A_210 = vector.shape_cast %swap3A_209 : vector<1x16xf32> to vector<16xf32>
    %swap3A_211 = vector.shape_cast %broadcast_in_dim3A_0 : vector<16xf32> to vector<1x16xf32>
    tpu.vector_store %arg5[%swap3A_207, %swap3A_208], %swap3A_211 {strides = array<i32>} : memref<128x16xf32, #tpu.memory_space<vmem>>, vector<1x16xf32>,
    %swap3A_212 = arith.constant 35 : i32
    %swap3A_213 = arith.index_cast %swap3A_212 : i32 to index
    %swap3A_214 = arith.constant 0 : index
    %swap3A_215 = tpu.vector_load %arg5[%swap3A_213, %swap3A_214] {strides = array<i32>} : memref<128x16xf32, #tpu.memory_space<vmem>>, vector<1x16xf32>,
    %swap3A_216 = vector.shape_cast %swap3A_215 : vector<1x16xf32> to vector<16xf32>
    %swap3A_217 = vector.shape_cast %broadcast_in_dim3A_0 : vector<16xf32> to vector<1x16xf32>
    tpu.vector_store %arg5[%swap3A_213, %swap3A_214], %swap3A_217 {strides = array<i32>} : memref<128x16xf32, #tpu.memory_space<vmem>>, vector<1x16xf32>,
    %swap3A_218 = arith.constant 36 : i32
    %swap3A_219 = arith.index_cast %swap3A_218 : i32 to index
    %swap3A_220 = arith.constant 0 : index
    %swap3A_221 = tpu.vector_load %arg5[%swap3A_219, %swap3A_220] {strides = array<i32>} : memref<128x16xf32, #tpu.memory_space<vmem>>, vector<1x16xf32>,
    %swap3A_222 = vector.shape_cast %swap3A_221 : vector<1x16xf32> to vector<16xf32>
    %swap3A_223 = vector.shape_cast %broadcast_in_dim3A_0 : vector<16xf32> to vector<1x16xf32>
    tpu.vector_store %arg5[%swap3A_219, %swap3A_220], %swap3A_223 {strides = array<i32>} : memref<128x16xf32, #tpu.memory_space<vmem>>, vector<1x16xf32>,
    %swap3A_224 = arith.constant 37 : i32
    %swap3A_225 = arith.index_cast %swap3A_224 : i32 to index
    %swap3A_226 = arith.constant 0 : index
    %swap3A_227 = tpu.vector_load %arg5[%swap3A_225, %swap3A_226] {strides = array<i32>} : memref<128x16xf32, #tpu.memory_space<vmem>>, vector<1x16xf32>,
    %swap3A_228 = vector.shape_cast %swap3A_227 : vector<1x16xf32> to vector<16xf32>
    %swap3A_229 = vector.shape_cast %broadcast_in_dim3A_0 : vector<16xf32> to vector<1x16xf32>
    tpu.vector_store %arg5[%swap3A_225, %swap3A_226], %swap3A_229 {strides = array<i32>} : memref<128x16xf32, #tpu.memory_space<vmem>>, vector<1x16xf32>,
    %swap3A_230 = arith.constant 38 : i32
    %swap3A_231 = arith.index_cast %swap3A_230 : i32 to index
    %swap3A_232 = arith.constant 0 : index
    %swap3A_233 = tpu.vector_load %arg5[%swap3A_231, %swap3A_232] {strides = array<i32>} : memref<128x16xf32, #tpu.memory_space<vmem>>, vector<1x16xf32>,
    %swap3A_234 = vector.shape_cast %swap3A_233 : vector<1x16xf32> to vector<16xf32>
    %swap3A_235 = vector.shape_cast %broadcast_in_dim3A_0 : vector<16xf32> to vector<1x16xf32>
    tpu.vector_store %arg5[%swap3A_231, %swap3A_232], %swap3A_235 {strides = array<i32>} : memref<128x16xf32, #tpu.memory_space<vmem>>, vector<1x16xf32>,
    %swap3A_236 = arith.constant 39 : i32
    %swap3A_237 = arith.index_cast %swap3A_236 : i32 to index
    %swap3A_238 = arith.constant 0 : index
    %swap3A_239 = tpu.vector_load %arg5[%swap3A_237, %swap3A_238] {strides = array<i32>} : memref<128x16xf32, #tpu.memory_space<vmem>>, vector<1x16xf32>,
    %swap3A_240 = vector.shape_cast %swap3A_239 : vector<1x16xf32> to vector<16xf32>
    %swap3A_241 = vector.shape_cast %broadcast_in_dim3A_0 : vector<16xf32> to vector<1x16xf32>
    tpu.vector_store %arg5[%swap3A_237, %swap3A_238], %swap3A_241 {strides = array<i32>} : memref<128x16xf32, #tpu.memory_space<vmem>>, vector<1x16xf32>,
    %swap3A_242 = arith.constant 40 : i32
    %swap3A_243 = arith.index_cast %swap3A_242 : i32 to index
    %swap3A_244 = arith.constant 0 : index
    %swap3A_245 = tpu.vector_load %arg5[%swap3A_243, %swap3A_244] {strides = array<i32>} : memref<128x16xf32, #tpu.memory_space<vmem>>, vector<1x16xf32>,
    %swap3A_246 = vector.shape_cast %swap3A_245 : vector<1x16xf32> to vector<16xf32>
    %swap3A_247 = vector.shape_cast %broadcast_in_dim3A_0 : vector<16xf32> to vector<1x16xf32>
    tpu.vector_store %arg5[%swap3A_243, %swap3A_244], %swap3A_247 {strides = array<i32>} : memref<128x16xf32, #tpu.memory_space<vmem>>, vector<1x16xf32>,
    %swap3A_248 = arith.constant 41 : i32
    %swap3A_249 = arith.index_cast %swap3A_248 : i32 to index
    %swap3A_250 = arith.constant 0 : index
    %swap3A_251 = tpu.vector_load %arg5[%swap3A_249, %swap3A_250] {strides = array<i32>} : memref<128x16xf32, #tpu.memory_space<vmem>>, vector<1x16xf32>,
    %swap3A_252 = vector.shape_cast %swap3A_251 : vector<1x16xf32> to vector<16xf32>
    %swap3A_253 = vector.shape_cast %broadcast_in_dim3A_0 : vector<16xf32> to vector<1x16xf32>
    tpu.vector_store %arg5[%swap3A_249, %swap3A_250], %swap3A_253 {strides = array<i32>} : memref<128x16xf32, #tpu.memory_space<vmem>>, vector<1x16xf32>,
    %swap3A_254 = arith.constant 42 : i32
    %swap3A_255 = arith.index_cast %swap3A_254 : i32 to index
    %swap3A_256 = arith.constant 0 : index
    %swap3A_257 = tpu.vector_load %arg5[%swap3A_255, %swap3A_256] {strides = array<i32>} : memref<128x16xf32, #tpu.memory_space<vmem>>, vector<1x16xf32>,
    %swap3A_258 = vector.shape_cast %swap3A_257 : vector<1x16xf32> to vector<16xf32>
    %swap3A_259 = vector.shape_cast %broadcast_in_dim3A_0 : vector<16xf32> to vector<1x16xf32>
    tpu.vector_store %arg5[%swap3A_255, %swap3A_256], %swap3A_259 {strides = array<i32>} : memref<128x16xf32, #tpu.memory_space<vmem>>, vector<1x16xf32>,
    %swap3A_260 = arith.constant 43 : i32
    %swap3A_261 = arith.index_cast %swap3A_260 : i32 to index
    %swap3A_262 = arith.constant 0 : index
    %swap3A_263 = tpu.vector_load %arg5[%swap3A_261, %swap3A_262] {strides = array<i32>} : memref<128x16xf32, #tpu.memory_space<vmem>>, vector<1x16xf32>,
    %swap3A_264 = vector.shape_cast %swap3A_263 : vector<1x16xf32> to vector<16xf32>
    %swap3A_265 = vector.shape_cast %broadcast_in_dim3A_0 : vector<16xf32> to vector<1x16xf32>
    tpu.vector_store %arg5[%swap3A_261, %swap3A_262], %swap3A_265 {strides = array<i32>} : memref<128x16xf32, #tpu.memory_space<vmem>>, vector<1x16xf32>,
    %swap3A_266 = arith.constant 44 : i32
    %swap3A_267 = arith.index_cast %swap3A_266 : i32 to index
    %swap3A_268 = arith.constant 0 : index
    %swap3A_269 = tpu.vector_load %arg5[%swap3A_267, %swap3A_268] {strides = array<i32>} : memref<128x16xf32, #tpu.memory_space<vmem>>, vector<1x16xf32>,
    %swap3A_270 = vector.shape_cast %swap3A_269 : vector<1x16xf32> to vector<16xf32>
    %swap3A_271 = vector.shape_cast %broadcast_in_dim3A_0 : vector<16xf32> to vector<1x16xf32>
    tpu.vector_store %arg5[%swap3A_267, %swap3A_268], %swap3A_271 {strides = array<i32>} : memref<128x16xf32, #tpu.memory_space<vmem>>, vector<1x16xf32>,
    %swap3A_272 = arith.constant 45 : i32
    %swap3A_273 = arith.index_cast %swap3A_272 : i32 to index
    %swap3A_274 = arith.constant 0 : index
    %swap3A_275 = tpu.vector_load %arg5[%swap3A_273, %swap3A_274] {strides = array<i32>} : memref<128x16xf32, #tpu.memory_space<vmem>>, vector<1x16xf32>,
    %swap3A_276 = vector.shape_cast %swap3A_275 : vector<1x16xf32> to vector<16xf32>
    %swap3A_277 = vector.shape_cast %broadcast_in_dim3A_0 : vector<16xf32> to vector<1x16xf32>
    tpu.vector_store %arg5[%swap3A_273, %swap3A_274], %swap3A_277 {strides = array<i32>} : memref<128x16xf32, #tpu.memory_space<vmem>>, vector<1x16xf32>,
    %swap3A_278 = arith.constant 46 : i32
    %swap3A_279 = arith.index_cast %swap3A_278 : i32 to index
    %swap3A_280 = arith.constant 0 : index
    %swap3A_281 = tpu.vector_load %arg5[%swap3A_279, %swap3A_280] {strides = array<i32>} : memref<128x16xf32, #tpu.memory_space<vmem>>, vector<1x16xf32>,
    %swap3A_282 = vector.shape_cast %swap3A_281 : vector<1x16xf32> to vector<16xf32>
    %swap3A_283 = vector.shape_cast %broadcast_in_dim3A_0 : vector<16xf32> to vector<1x16xf32>
    tpu.vector_store %arg5[%swap3A_279, %swap3A_280], %swap3A_283 {strides = array<i32>} : memref<128x16xf32, #tpu.memory_space<vmem>>, vector<1x16xf32>,
    %swap3A_284 = arith.constant 47 : i32
    %swap3A_285 = arith.index_cast %swap3A_284 : i32 to index
    %swap3A_286 = arith.constant 0 : index
    %swap3A_287 = tpu.vector_load %arg5[%swap3A_285, %swap3A_286] {strides = array<i32>} : memref<128x16xf32, #tpu.memory_space<vmem>>, vector<1x16xf32>,
    %swap3A_288 = vector.shape_cast %swap3A_287 : vector<1x16xf32> to vector<16xf32>
    %swap3A_289 = vector.shape_cast %broadcast_in_dim3A_0 : vector<16xf32> to vector<1x16xf32>
    tpu.vector_store %arg5[%swap3A_285, %swap3A_286], %swap3A_289 {strides = array<i32>} : memref<128x16xf32, #tpu.memory_space<vmem>>, vector<1x16xf32>,
    %swap3A_290 = arith.constant 48 : i32
    %swap3A_291 = arith.index_cast %swap3A_290 : i32 to index
    %swap3A_292 = arith.constant 0 : index
    %swap3A_293 = tpu.vector_load %arg5[%swap3A_291, %swap3A_292] {strides = array<i32>} : memref<128x16xf32, #tpu.memory_space<vmem>>, vector<1x16xf32>,
    %swap3A_294 = vector.shape_cast %swap3A_293 : vector<1x16xf32> to vector<16xf32>
    %swap3A_295 = vector.shape_cast %broadcast_in_dim3A_0 : vector<16xf32> to vector<1x16xf32>
    tpu.vector_store %arg5[%swap3A_291, %swap3A_292], %swap3A_295 {strides = array<i32>} : memref<128x16xf32, #tpu.memory_space<vmem>>, vector<1x16xf32>,
    %swap3A_296 = arith.constant 49 : i32
    %swap3A_297 = arith.index_cast %swap3A_296 : i32 to index
    %swap3A_298 = arith.constant 0 : index
    %swap3A_299 = tpu.vector_load %arg5[%swap3A_297, %swap3A_298] {strides = array<i32>} : memref<128x16xf32, #tpu.memory_space<vmem>>, vector<1x16xf32>,
    %swap3A_300 = vector.shape_cast %swap3A_299 : vector<1x16xf32> to vector<16xf32>
    %swap3A_301 = vector.shape_cast %broadcast_in_dim3A_0 : vector<16xf32> to vector<1x16xf32>
    tpu.vector_store %arg5[%swap3A_297, %swap3A_298], %swap3A_301 {strides = array<i32>} : memref<128x16xf32, #tpu.memory_space<vmem>>, vector<1x16xf32>,
    %swap3A_302 = arith.constant 50 : i32
    %swap3A_303 = arith.index_cast %swap3A_302 : i32 to index
    %swap3A_304 = arith.constant 0 : index
    %swap3A_305 = tpu.vector_load %arg5[%swap3A_303, %swap3A_304] {strides = array<i32>} : memref<128x16xf32, #tpu.memory_space<vmem>>, vector<1x16xf32>,
    %swap3A_306 = vector.shape_cast %swap3A_305 : vector<1x16xf32> to vector<16xf32>
    %swap3A_307 = vector.shape_cast %broadcast_in_dim3A_0 : vector<16xf32> to vector<1x16xf32>
    tpu.vector_store %arg5[%swap3A_303, %swap3A_304], %swap3A_307 {strides = array<i32>} : memref<128x16xf32, #tpu.memory_space<vmem>>, vector<1x16xf32>,
    %swap3A_308 = arith.constant 51 : i32
    %swap3A_309 = arith.index_cast %swap3A_308 : i32 to index
    %swap3A_310 = arith.constant 0 : index
    %swap3A_311 = tpu.vector_load %arg5[%swap3A_309, %swap3A_310] {strides = array<i32>} : memref<128x16xf32, #tpu.memory_space<vmem>>, vector<1x16xf32>,
    %swap3A_312 = vector.shape_cast %swap3A_311 : vector<1x16xf32> to vector<16xf32>
    %swap3A_313 = vector.shape_cast %broadcast_in_dim3A_0 : vector<16xf32> to vector<1x16xf32>
    tpu.vector_store %arg5[%swap3A_309, %swap3A_310], %swap3A_313 {strides = array<i32>} : memref<128x16xf32, #tpu.memory_space<vmem>>, vector<1x16xf32>,
    %swap3A_314 = arith.constant 52 : i32
    %swap3A_315 = arith.index_cast %swap3A_314 : i32 to index
    %swap3A_316 = arith.constant 0 : index
    %swap3A_317 = tpu.vector_load %arg5[%swap3A_315, %swap3A_316] {strides = array<i32>} : memref<128x16xf32, #tpu.memory_space<vmem>>, vector<1x16xf32>,
    %swap3A_318 = vector.shape_cast %swap3A_317 : vector<1x16xf32> to vector<16xf32>
    %swap3A_319 = vector.shape_cast %broadcast_in_dim3A_0 : vector<16xf32> to vector<1x16xf32>
    tpu.vector_store %arg5[%swap3A_315, %swap3A_316], %swap3A_319 {strides = array<i32>} : memref<128x16xf32, #tpu.memory_space<vmem>>, vector<1x16xf32>,
    %swap3A_320 = arith.constant 53 : i32
    %swap3A_321 = arith.index_cast %swap3A_320 : i32 to index
    %swap3A_322 = arith.constant 0 : index
    %swap3A_323 = tpu.vector_load %arg5[%swap3A_321, %swap3A_322] {strides = array<i32>} : memref<128x16xf32, #tpu.memory_space<vmem>>, vector<1x16xf32>,
    %swap3A_324 = vector.shape_cast %swap3A_323 : vector<1x16xf32> to vector<16xf32>
    %swap3A_325 = vector.shape_cast %broadcast_in_dim3A_0 : vector<16xf32> to vector<1x16xf32>
    tpu.vector_store %arg5[%swap3A_321, %swap3A_322], %swap3A_325 {strides = array<i32>} : memref<128x16xf32, #tpu.memory_space<vmem>>, vector<1x16xf32>,
    %swap3A_326 = arith.constant 54 : i32
    %swap3A_327 = arith.index_cast %swap3A_326 : i32 to index
    %swap3A_328 = arith.constant 0 : index
    %swap3A_329 = tpu.vector_load %arg5[%swap3A_327, %swap3A_328] {strides = array<i32>} : memref<128x16xf32, #tpu.memory_space<vmem>>, vector<1x16xf32>,
    %swap3A_330 = vector.shape_cast %swap3A_329 : vector<1x16xf32> to vector<16xf32>
    %swap3A_331 = vector.shape_cast %broadcast_in_dim3A_0 : vector<16xf32> to vector<1x16xf32>
    tpu.vector_store %arg5[%swap3A_327, %swap3A_328], %swap3A_331 {strides = array<i32>} : memref<128x16xf32, #tpu.memory_space<vmem>>, vector<1x16xf32>,
    %swap3A_332 = arith.constant 55 : i32
    %swap3A_333 = arith.index_cast %swap3A_332 : i32 to index
    %swap3A_334 = arith.constant 0 : index
    %swap3A_335 = tpu.vector_load %arg5[%swap3A_333, %swap3A_334] {strides = array<i32>} : memref<128x16xf32, #tpu.memory_space<vmem>>, vector<1x16xf32>,
    %swap3A_336 = vector.shape_cast %swap3A_335 : vector<1x16xf32> to vector<16xf32>
    %swap3A_337 = vector.shape_cast %broadcast_in_dim3A_0 : vector<16xf32> to vector<1x16xf32>
    tpu.vector_store %arg5[%swap3A_333, %swap3A_334], %swap3A_337 {strides = array<i32>} : memref<128x16xf32, #tpu.memory_space<vmem>>, vector<1x16xf32>,
    %swap3A_338 = arith.constant 56 : i32
    %swap3A_339 = arith.index_cast %swap3A_338 : i32 to index
    %swap3A_340 = arith.constant 0 : index
    %swap3A_341 = tpu.vector_load %arg5[%swap3A_339, %swap3A_340] {strides = array<i32>} : memref<128x16xf32, #tpu.memory_space<vmem>>, vector<1x16xf32>,
    %swap3A_342 = vector.shape_cast %swap3A_341 : vector<1x16xf32> to vector<16xf32>
    %swap3A_343 = vector.shape_cast %broadcast_in_dim3A_0 : vector<16xf32> to vector<1x16xf32>
    tpu.vector_store %arg5[%swap3A_339, %swap3A_340], %swap3A_343 {strides = array<i32>} : memref<128x16xf32, #tpu.memory_space<vmem>>, vector<1x16xf32>,
    %swap3A_344 = arith.constant 57 : i32
    %swap3A_345 = arith.index_cast %swap3A_344 : i32 to index
    %swap3A_346 = arith.constant 0 : index
    %swap3A_347 = tpu.vector_load %arg5[%swap3A_345, %swap3A_346] {strides = array<i32>} : memref<128x16xf32, #tpu.memory_space<vmem>>, vector<1x16xf32>,
    %swap3A_348 = vector.shape_cast %swap3A_347 : vector<1x16xf32> to vector<16xf32>
    %swap3A_349 = vector.shape_cast %broadcast_in_dim3A_0 : vector<16xf32> to vector<1x16xf32>
    tpu.vector_store %arg5[%swap3A_345, %swap3A_346], %swap3A_349 {strides = array<i32>} : memref<128x16xf32, #tpu.memory_space<vmem>>, vector<1x16xf32>,
    %swap3A_350 = arith.constant 58 : i32
    %swap3A_351 = arith.index_cast %swap3A_350 : i32 to index
    %swap3A_352 = arith.constant 0 : index
    %swap3A_353 = tpu.vector_load %arg5[%swap3A_351, %swap3A_352] {strides = array<i32>} : memref<128x16xf32, #tpu.memory_space<vmem>>, vector<1x16xf32>,
    %swap3A_354 = vector.shape_cast %swap3A_353 : vector<1x16xf32> to vector<16xf32>
    %swap3A_355 = vector.shape_cast %broadcast_in_dim3A_0 : vector<16xf32> to vector<1x16xf32>
    tpu.vector_store %arg5[%swap3A_351, %swap3A_352], %swap3A_355 {strides = array<i32>} : memref<128x16xf32, #tpu.memory_space<vmem>>, vector<1x16xf32>,
    %swap3A_356 = arith.constant 59 : i32
    %swap3A_357 = arith.index_cast %swap3A_356 : i32 to index
    %swap3A_358 = arith.constant 0 : index
    %swap3A_359 = tpu.vector_load %arg5[%swap3A_357, %swap3A_358] {strides = array<i32>} : memref<128x16xf32, #tpu.memory_space<vmem>>, vector<1x16xf32>,
    %swap3A_360 = vector.shape_cast %swap3A_359 : vector<1x16xf32> to vector<16xf32>
    %swap3A_361 = vector.shape_cast %broadcast_in_dim3A_0 : vector<16xf32> to vector<1x16xf32>
    tpu.vector_store %arg5[%swap3A_357, %swap3A_358], %swap3A_361 {strides = array<i32>} : memref<128x16xf32, #tpu.memory_space<vmem>>, vector<1x16xf32>,
    %swap3A_362 = arith.constant 60 : i32
    %swap3A_363 = arith.index_cast %swap3A_362 : i32 to index
    %swap3A_364 = arith.constant 0 : index
    %swap3A_365 = tpu.vector_load %arg5[%swap3A_363, %swap3A_364] {strides = array<i32>} : memref<128x16xf32, #tpu.memory_space<vmem>>, vector<1x16xf32>,
    %swap3A_366 = vector.shape_cast %swap3A_365 : vector<1x16xf32> to vector<16xf32>
    %swap3A_367 = vector.shape_cast %broadcast_in_dim3A_0 : vector<16xf32> to vector<1x16xf32>
    tpu.vector_store %arg5[%swap3A_363, %swap3A_364], %swap3A_367 {strides = array<i32>} : memref<128x16xf32, #tpu.memory_space<vmem>>, vector<1x16xf32>,
    %swap3A_368 = arith.constant 61 : i32
    %swap3A_369 = arith.index_cast %swap3A_368 : i32 to index
    %swap3A_370 = arith.constant 0 : index
    %swap3A_371 = tpu.vector_load %arg5[%swap3A_369, %swap3A_370] {strides = array<i32>} : memref<128x16xf32, #tpu.memory_space<vmem>>, vector<1x16xf32>,
    %swap3A_372 = vector.shape_cast %swap3A_371 : vector<1x16xf32> to vector<16xf32>
    %swap3A_373 = vector.shape_cast %broadcast_in_dim3A_0 : vector<16xf32> to vector<1x16xf32>
    tpu.vector_store %arg5[%swap3A_369, %swap3A_370], %swap3A_373 {strides = array<i32>} : memref<128x16xf32, #tpu.memory_space<vmem>>, vector<1x16xf32>,
    %swap3A_374 = arith.constant 62 : i32
    %swap3A_375 = arith.index_cast %swap3A_374 : i32 to index
    %swap3A_376 = arith.constant 0 : index
    %swap3A_377 = tpu.vector_load %arg5[%swap3A_375, %swap3A_376] {strides = array<i32>} : memref<128x16xf32, #tpu.memory_space<vmem>>, vector<1x16xf32>,
    %swap3A_378 = vector.shape_cast %swap3A_377 : vector<1x16xf32> to vector<16xf32>
    %swap3A_379 = vector.shape_cast %broadcast_in_dim3A_0 : vector<16xf32> to vector<1x16xf32>
    tpu.vector_store %arg5[%swap3A_375, %swap3A_376], %swap3A_379 {strides = array<i32>} : memref<128x16xf32, #tpu.memory_space<vmem>>, vector<1x16xf32>,
    %swap3A_380 = arith.constant 63 : i32
    %swap3A_381 = arith.index_cast %swap3A_380 : i32 to index
    %swap3A_382 = arith.constant 0 : index
    %swap3A_383 = tpu.vector_load %arg5[%swap3A_381, %swap3A_382] {strides = array<i32>} : memref<128x16xf32, #tpu.memory_space<vmem>>, vector<1x16xf32>,
    %swap3A_384 = vector.shape_cast %swap3A_383 : vector<1x16xf32> to vector<16xf32>
    %swap3A_385 = vector.shape_cast %broadcast_in_dim3A_0 : vector<16xf32> to vector<1x16xf32>
    tpu.vector_store %arg5[%swap3A_381, %swap3A_382], %swap3A_385 {strides = array<i32>} : memref<128x16xf32, #tpu.memory_space<vmem>>, vector<1x16xf32>,
    %swap3A_386 = arith.constant 64 : i32
    %swap3A_387 = arith.index_cast %swap3A_386 : i32 to index
    %swap3A_388 = arith.constant 0 : index
    %swap3A_389 = tpu.vector_load %arg5[%swap3A_387, %swap3A_388] {strides = array<i32>} : memref<128x16xf32, #tpu.memory_space<vmem>>, vector<1x16xf32>,
    %swap3A_390 = vector.shape_cast %swap3A_389 : vector<1x16xf32> to vector<16xf32>
    %swap3A_391 = vector.shape_cast %broadcast_in_dim3A_0 : vector<16xf32> to vector<1x16xf32>
    tpu.vector_store %arg5[%swap3A_387, %swap3A_388], %swap3A_391 {strides = array<i32>} : memref<128x16xf32, #tpu.memory_space<vmem>>, vector<1x16xf32>,
    %swap3A_392 = arith.constant 65 : i32
    %swap3A_393 = arith.index_cast %swap3A_392 : i32 to index
    %swap3A_394 = arith.constant 0 : index
    %swap3A_395 = tpu.vector_load %arg5[%swap3A_393, %swap3A_394] {strides = array<i32>} : memref<128x16xf32, #tpu.memory_space<vmem>>, vector<1x16xf32>,
    %swap3A_396 = vector.shape_cast %swap3A_395 : vector<1x16xf32> to vector<16xf32>
    %swap3A_397 = vector.shape_cast %broadcast_in_dim3A_0 : vector<16xf32> to vector<1x16xf32>
    tpu.vector_store %arg5[%swap3A_393, %swap3A_394], %swap3A_397 {strides = array<i32>} : memref<128x16xf32, #tpu.memory_space<vmem>>, vector<1x16xf32>,
    %swap3A_398 = arith.constant 66 : i32
    %swap3A_399 = arith.index_cast %swap3A_398 : i32 to index
    %swap3A_400 = arith.constant 0 : index
    %swap3A_401 = tpu.vector_load %arg5[%swap3A_399, %swap3A_400] {strides = array<i32>} : memref<128x16xf32, #tpu.memory_space<vmem>>, vector<1x16xf32>,
    %swap3A_402 = vector.shape_cast %swap3A_401 : vector<1x16xf32> to vector<16xf32>
    %swap3A_403 = vector.shape_cast %broadcast_in_dim3A_0 : vector<16xf32> to vector<1x16xf32>
    tpu.vector_store %arg5[%swap3A_399, %swap3A_400], %swap3A_403 {strides = array<i32>} : memref<128x16xf32, #tpu.memory_space<vmem>>, vector<1x16xf32>,
    %swap3A_404 = arith.constant 67 : i32
    %swap3A_405 = arith.index_cast %swap3A_404 : i32 to index
    %swap3A_406 = arith.constant 0 : index
    %swap3A_407 = tpu.vector_load %arg5[%swap3A_405, %swap3A_406] {strides = array<i32>} : memref<128x16xf32, #tpu.memory_space<vmem>>, vector<1x16xf32>,
    %swap3A_408 = vector.shape_cast %swap3A_407 : vector<1x16xf32> to vector<16xf32>
    %swap3A_409 = vector.shape_cast %broadcast_in_dim3A_0 : vector<16xf32> to vector<1x16xf32>
    tpu.vector_store %arg5[%swap3A_405, %swap3A_406], %swap3A_409 {strides = array<i32>} : memref<128x16xf32, #tpu.memory_space<vmem>>, vector<1x16xf32>,
    %swap3A_410 = arith.constant 68 : i32
    %swap3A_411 = arith.index_cast %swap3A_410 : i32 to index
    %swap3A_412 = arith.constant 0 : index
    %swap3A_413 = tpu.vector_load %arg5[%swap3A_411, %swap3A_412] {strides = array<i32>} : memref<128x16xf32, #tpu.memory_space<vmem>>, vector<1x16xf32>,
    %swap3A_414 = vector.shape_cast %swap3A_413 : vector<1x16xf32> to vector<16xf32>
    %swap3A_415 = vector.shape_cast %broadcast_in_dim3A_0 : vector<16xf32> to vector<1x16xf32>
    tpu.vector_store %arg5[%swap3A_411, %swap3A_412], %swap3A_415 {strides = array<i32>} : memref<128x16xf32, #tpu.memory_space<vmem>>, vector<1x16xf32>,
    %swap3A_416 = arith.constant 69 : i32
    %swap3A_417 = arith.index_cast %swap3A_416 : i32 to index
    %swap3A_418 = arith.constant 0 : index
    %swap3A_419 = tpu.vector_load %arg5[%swap3A_417, %swap3A_418] {strides = array<i32>} : memref<128x16xf32, #tpu.memory_space<vmem>>, vector<1x16xf32>,
    %swap3A_420 = vector.shape_cast %swap3A_419 : vector<1x16xf32> to vector<16xf32>
    %swap3A_421 = vector.shape_cast %broadcast_in_dim3A_0 : vector<16xf32> to vector<1x16xf32>
    tpu.vector_store %arg5[%swap3A_417, %swap3A_418], %swap3A_421 {strides = array<i32>} : memref<128x16xf32, #tpu.memory_space<vmem>>, vector<1x16xf32>,
    %swap3A_422 = arith.constant 70 : i32
    %swap3A_423 = arith.index_cast %swap3A_422 : i32 to index
    %swap3A_424 = arith.constant 0 : index
    %swap3A_425 = tpu.vector_load %arg5[%swap3A_423, %swap3A_424] {strides = array<i32>} : memref<128x16xf32, #tpu.memory_space<vmem>>, vector<1x16xf32>,
    %swap3A_426 = vector.shape_cast %swap3A_425 : vector<1x16xf32> to vector<16xf32>
    %swap3A_427 = vector.shape_cast %broadcast_in_dim3A_0 : vector<16xf32> to vector<1x16xf32>
    tpu.vector_store %arg5[%swap3A_423, %swap3A_424], %swap3A_427 {strides = array<i32>} : memref<128x16xf32, #tpu.memory_space<vmem>>, vector<1x16xf32>,
    %swap3A_428 = arith.constant 71 : i32
    %swap3A_429 = arith.index_cast %swap3A_428 : i32 to index
    %swap3A_430 = arith.constant 0 : index
    %swap3A_431 = tpu.vector_load %arg5[%swap3A_429, %swap3A_430] {strides = array<i32>} : memref<128x16xf32, #tpu.memory_space<vmem>>, vector<1x16xf32>,
    %swap3A_432 = vector.shape_cast %swap3A_431 : vector<1x16xf32> to vector<16xf32>
    %swap3A_433 = vector.shape_cast %broadcast_in_dim3A_0 : vector<16xf32> to vector<1x16xf32>
    tpu.vector_store %arg5[%swap3A_429, %swap3A_430], %swap3A_433 {strides = array<i32>} : memref<128x16xf32, #tpu.memory_space<vmem>>, vector<1x16xf32>,
    %swap3A_434 = arith.constant 72 : i32
    %swap3A_435 = arith.index_cast %swap3A_434 : i32 to index
    %swap3A_436 = arith.constant 0 : index
    %swap3A_437 = tpu.vector_load %arg5[%swap3A_435, %swap3A_436] {strides = array<i32>} : memref<128x16xf32, #tpu.memory_space<vmem>>, vector<1x16xf32>,
    %swap3A_438 = vector.shape_cast %swap3A_437 : vector<1x16xf32> to vector<16xf32>
    %swap3A_439 = vector.shape_cast %broadcast_in_dim3A_0 : vector<16xf32> to vector<1x16xf32>
    tpu.vector_store %arg5[%swap3A_435, %swap3A_436], %swap3A_439 {strides = array<i32>} : memref<128x16xf32, #tpu.memory_space<vmem>>, vector<1x16xf32>,
    %swap3A_440 = arith.constant 73 : i32
    %swap3A_441 = arith.index_cast %swap3A_440 : i32 to index
    %swap3A_442 = arith.constant 0 : index
    %swap3A_443 = tpu.vector_load %arg5[%swap3A_441, %swap3A_442] {strides = array<i32>} : memref<128x16xf32, #tpu.memory_space<vmem>>, vector<1x16xf32>,
    %swap3A_444 = vector.shape_cast %swap3A_443 : vector<1x16xf32> to vector<16xf32>
    %swap3A_445 = vector.shape_cast %broadcast_in_dim3A_0 : vector<16xf32> to vector<1x16xf32>
    tpu.vector_store %arg5[%swap3A_441, %swap3A_442], %swap3A_445 {strides = array<i32>} : memref<128x16xf32, #tpu.memory_space<vmem>>, vector<1x16xf32>,
    %swap3A_446 = arith.constant 74 : i32
    %swap3A_447 = arith.index_cast %swap3A_446 : i32 to index
    %swap3A_448 = arith.constant 0 : index
    %swap3A_449 = tpu.vector_load %arg5[%swap3A_447, %swap3A_448] {strides = array<i32>} : memref<128x16xf32, #tpu.memory_space<vmem>>, vector<1x16xf32>,
    %swap3A_450 = vector.shape_cast %swap3A_449 : vector<1x16xf32> to vector<16xf32>
    %swap3A_451 = vector.shape_cast %broadcast_in_dim3A_0 : vector<16xf32> to vector<1x16xf32>
    tpu.vector_store %arg5[%swap3A_447, %swap3A_448], %swap3A_451 {strides = array<i32>} : memref<128x16xf32, #tpu.memory_space<vmem>>, vector<1x16xf32>,
    %swap3A_452 = arith.constant 75 : i32
    %swap3A_453 = arith.index_cast %swap3A_452 : i32 to index
    %swap3A_454 = arith.constant 0 : index
    %swap3A_455 = tpu.vector_load %arg5[%swap3A_453, %swap3A_454] {strides = array<i32>} : memref<128x16xf32, #tpu.memory_space<vmem>>, vector<1x16xf32>,
    %swap3A_456 = vector.shape_cast %swap3A_455 : vector<1x16xf32> to vector<16xf32>
    %swap3A_457 = vector.shape_cast %broadcast_in_dim3A_0 : vector<16xf32> to vector<1x16xf32>
    tpu.vector_store %arg5[%swap3A_453, %swap3A_454], %swap3A_457 {strides = array<i32>} : memref<128x16xf32, #tpu.memory_space<vmem>>, vector<1x16xf32>,
    %swap3A_458 = arith.constant 76 : i32
    %swap3A_459 = arith.index_cast %swap3A_458 : i32 to index
    %swap3A_460 = arith.constant 0 : index
    %swap3A_461 = tpu.vector_load %arg5[%swap3A_459, %swap3A_460] {strides = array<i32>} : memref<128x16xf32, #tpu.memory_space<vmem>>, vector<1x16xf32>,
    %swap3A_462 = vector.shape_cast %swap3A_461 : vector<1x16xf32> to vector<16xf32>
    %swap3A_463 = vector.shape_cast %broadcast_in_dim3A_0 : vector<16xf32> to vector<1x16xf32>
    tpu.vector_store %arg5[%swap3A_459, %swap3A_460], %swap3A_463 {strides = array<i32>} : memref<128x16xf32, #tpu.memory_space<vmem>>, vector<1x16xf32>,
    %swap3A_464 = arith.constant 77 : i32
    %swap3A_465 = arith.index_cast %swap3A_464 : i32 to index
    %swap3A_466 = arith.constant 0 : index
    %swap3A_467 = tpu.vector_load %arg5[%swap3A_465, %swap3A_466] {strides = array<i32>} : memref<128x16xf32, #tpu.memory_space<vmem>>, vector<1x16xf32>,
    %swap3A_468 = vector.shape_cast %swap3A_467 : vector<1x16xf32> to vector<16xf32>
    %swap3A_469 = vector.shape_cast %broadcast_in_dim3A_0 : vector<16xf32> to vector<1x16xf32>
    tpu.vector_store %arg5[%swap3A_465, %swap3A_466], %swap3A_469 {strides = array<i32>} : memref<128x16xf32, #tpu.memory_space<vmem>>, vector<1x16xf32>,
    %swap3A_470 = arith.constant 78 : i32
    %swap3A_471 = arith.index_cast %swap3A_470 : i32 to index
    %swap3A_472 = arith.constant 0 : index
    %swap3A_473 = tpu.vector_load %arg5[%swap3A_471, %swap3A_472] {strides = array<i32>} : memref<128x16xf32, #tpu.memory_space<vmem>>, vector<1x16xf32>,
    %swap3A_474 = vector.shape_cast %swap3A_473 : vector<1x16xf32> to vector<16xf32>
    %swap3A_475 = vector.shape_cast %broadcast_in_dim3A_0 : vector<16xf32> to vector<1x16xf32>
    tpu.vector_store %arg5[%swap3A_471, %swap3A_472], %swap3A_475 {strides = array<i32>} : memref<128x16xf32, #tpu.memory_space<vmem>>, vector<1x16xf32>,
    %swap3A_476 = arith.constant 79 : i32
    %swap3A_477 = arith.index_cast %swap3A_476 : i32 to index
    %swap3A_478 = arith.constant 0 : index
    %swap3A_479 = tpu.vector_load %arg5[%swap3A_477, %swap3A_478] {strides = array<i32>} : memref<128x16xf32, #tpu.memory_space<vmem>>, vector<1x16xf32>,
    %swap3A_480 = vector.shape_cast %swap3A_479 : vector<1x16xf32> to vector<16xf32>
    %swap3A_481 = vector.shape_cast %broadcast_in_dim3A_0 : vector<16xf32> to vector<1x16xf32>
    tpu.vector_store %arg5[%swap3A_477, %swap3A_478], %swap3A_481 {strides = array<i32>} : memref<128x16xf32, #tpu.memory_space<vmem>>, vector<1x16xf32>,
    %swap3A_482 = arith.constant 80 : i32
    %swap3A_483 = arith.index_cast %swap3A_482 : i32 to index
    %swap3A_484 = arith.constant 0 : index
    %swap3A_485 = tpu.vector_load %arg5[%swap3A_483, %swap3A_484] {strides = array<i32>} : memref<128x16xf32, #tpu.memory_space<vmem>>, vector<1x16xf32>,
    %swap3A_486 = vector.shape_cast %swap3A_485 : vector<1x16xf32> to vector<16xf32>
    %swap3A_487 = vector.shape_cast %broadcast_in_dim3A_0 : vector<16xf32> to vector<1x16xf32>
    tpu.vector_store %arg5[%swap3A_483, %swap3A_484], %swap3A_487 {strides = array<i32>} : memref<128x16xf32, #tpu.memory_space<vmem>>, vector<1x16xf32>,
    %swap3A_488 = arith.constant 81 : i32
    %swap3A_489 = arith.index_cast %swap3A_488 : i32 to index
    %swap3A_490 = arith.constant 0 : index
    %swap3A_491 = tpu.vector_load %arg5[%swap3A_489, %swap3A_490] {strides = array<i32>} : memref<128x16xf32, #tpu.memory_space<vmem>>, vector<1x16xf32>,
    %swap3A_492 = vector.shape_cast %swap3A_491 : vector<1x16xf32> to vector<16xf32>
    %swap3A_493 = vector.shape_cast %broadcast_in_dim3A_0 : vector<16xf32> to vector<1x16xf32>
    tpu.vector_store %arg5[%swap3A_489, %swap3A_490], %swap3A_493 {strides = array<i32>} : memref<128x16xf32, #tpu.memory_space<vmem>>, vector<1x16xf32>,
    %swap3A_494 = arith.constant 82 : i32
    %swap3A_495 = arith.index_cast %swap3A_494 : i32 to index
    %swap3A_496 = arith.constant 0 : index
    %swap3A_497 = tpu.vector_load %arg5[%swap3A_495, %swap3A_496] {strides = array<i32>} : memref<128x16xf32, #tpu.memory_space<vmem>>, vector<1x16xf32>,
    %swap3A_498 = vector.shape_cast %swap3A_497 : vector<1x16xf32> to vector<16xf32>
    %swap3A_499 = vector.shape_cast %broadcast_in_dim3A_0 : vector<16xf32> to vector<1x16xf32>
    tpu.vector_store %arg5[%swap3A_495, %swap3A_496], %swap3A_499 {strides = array<i32>} : memref<128x16xf32, #tpu.memory_space<vmem>>, vector<1x16xf32>,
    %swap3A_500 = arith.constant 83 : i32
    %swap3A_501 = arith.index_cast %swap3A_500 : i32 to index
    %swap3A_502 = arith.constant 0 : index
    %swap3A_503 = tpu.vector_load %arg5[%swap3A_501, %swap3A_502] {strides = array<i32>} : memref<128x16xf32, #tpu.memory_space<vmem>>, vector<1x16xf32>,
    %swap3A_504 = vector.shape_cast %swap3A_503 : vector<1x16xf32> to vector<16xf32>
    %swap3A_505 = vector.shape_cast %broadcast_in_dim3A_0 : vector<16xf32> to vector<1x16xf32>
    tpu.vector_store %arg5[%swap3A_501, %swap3A_502], %swap3A_505 {strides = array<i32>} : memref<128x16xf32, #tpu.memory_space<vmem>>, vector<1x16xf32>,
    %swap3A_506 = arith.constant 84 : i32
    %swap3A_507 = arith.index_cast %swap3A_506 : i32 to index
    %swap3A_508 = arith.constant 0 : index
    %swap3A_509 = tpu.vector_load %arg5[%swap3A_507, %swap3A_508] {strides = array<i32>} : memref<128x16xf32, #tpu.memory_space<vmem>>, vector<1x16xf32>,
    %swap3A_510 = vector.shape_cast %swap3A_509 : vector<1x16xf32> to vector<16xf32>
    %swap3A_511 = vector.shape_cast %broadcast_in_dim3A_0 : vector<16xf32> to vector<1x16xf32>
    tpu.vector_store %arg5[%swap3A_507, %swap3A_508], %swap3A_511 {strides = array<i32>} : memref<128x16xf32, #tpu.memory_space<vmem>>, vector<1x16xf32>,
    %swap3A_512 = arith.constant 85 : i32
    %swap3A_513 = arith.index_cast %swap3A_512 : i32 to index
    %swap3A_514 = arith.constant 0 : index
    %swap3A_515 = tpu.vector_load %arg5[%swap3A_513, %swap3A_514] {strides = array<i32>} : memref<128x16xf32, #tpu.memory_space<vmem>>, vector<1x16xf32>,
    %swap3A_516 = vector.shape_cast %swap3A_515 : vector<1x16xf32> to vector<16xf32>
    %swap3A_517 = vector.shape_cast %broadcast_in_dim3A_0 : vector<16xf32> to vector<1x16xf32>
    tpu.vector_store %arg5[%swap3A_513, %swap3A_514], %swap3A_517 {strides = array<i32>} : memref<128x16xf32, #tpu.memory_space<vmem>>, vector<1x16xf32>,
    %swap3A_518 = arith.constant 86 : i32
    %swap3A_519 = arith.index_cast %swap3A_518 : i32 to index
    %swap3A_520 = arith.constant 0 : index
    %swap3A_521 = tpu.vector_load %arg5[%swap3A_519, %swap3A_520] {strides = array<i32>} : memref<128x16xf32, #tpu.memory_space<vmem>>, vector<1x16xf32>,
    %swap3A_522 = vector.shape_cast %swap3A_521 : vector<1x16xf32> to vector<16xf32>
    %swap3A_523 = vector.shape_cast %broadcast_in_dim3A_0 : vector<16xf32> to vector<1x16xf32>
    tpu.vector_store %arg5[%swap3A_519, %swap3A_520], %swap3A_523 {strides = array<i32>} : memref<128x16xf32, #tpu.memory_space<vmem>>, vector<1x16xf32>,
    %swap3A_524 = arith.constant 87 : i32
    %swap3A_525 = arith.index_cast %swap3A_524 : i32 to index
    %swap3A_526 = arith.constant 0 : index
    %swap3A_527 = tpu.vector_load %arg5[%swap3A_525, %swap3A_526] {strides = array<i32>} : memref<128x16xf32, #tpu.memory_space<vmem>>, vector<1x16xf32>,
    %swap3A_528 = vector.shape_cast %swap3A_527 : vector<1x16xf32> to vector<16xf32>
    %swap3A_529 = vector.shape_cast %broadcast_in_dim3A_0 : vector<16xf32> to vector<1x16xf32>
    tpu.vector_store %arg5[%swap3A_525, %swap3A_526], %swap3A_529 {strides = array<i32>} : memref<128x16xf32, #tpu.memory_space<vmem>>, vector<1x16xf32>,
    %swap3A_530 = arith.constant 88 : i32
    %swap3A_531 = arith.index_cast %swap3A_530 : i32 to index
    %swap3A_532 = arith.constant 0 : index
    %swap3A_533 = tpu.vector_load %arg5[%swap3A_531, %swap3A_532] {strides = array<i32>} : memref<128x16xf32, #tpu.memory_space<vmem>>, vector<1x16xf32>,
    %swap3A_534 = vector.shape_cast %swap3A_533 : vector<1x16xf32> to vector<16xf32>
    %swap3A_535 = vector.shape_cast %broadcast_in_dim3A_0 : vector<16xf32> to vector<1x16xf32>
    tpu.vector_store %arg5[%swap3A_531, %swap3A_532], %swap3A_535 {strides = array<i32>} : memref<128x16xf32, #tpu.memory_space<vmem>>, vector<1x16xf32>,
    %swap3A_536 = arith.constant 89 : i32
    %swap3A_537 = arith.index_cast %swap3A_536 : i32 to index
    %swap3A_538 = arith.constant 0 : index
    %swap3A_539 = tpu.vector_load %arg5[%swap3A_537, %swap3A_538] {strides = array<i32>} : memref<128x16xf32, #tpu.memory_space<vmem>>, vector<1x16xf32>,
    %swap3A_540 = vector.shape_cast %swap3A_539 : vector<1x16xf32> to vector<16xf32>
    %swap3A_541 = vector.shape_cast %broadcast_in_dim3A_0 : vector<16xf32> to vector<1x16xf32>
    tpu.vector_store %arg5[%swap3A_537, %swap3A_538], %swap3A_541 {strides = array<i32>} : memref<128x16xf32, #tpu.memory_space<vmem>>, vector<1x16xf32>,
    %swap3A_542 = arith.constant 90 : i32
    %swap3A_543 = arith.index_cast %swap3A_542 : i32 to index
    %swap3A_544 = arith.constant 0 : index
    %swap3A_545 = tpu.vector_load %arg5[%swap3A_543, %swap3A_544] {strides = array<i32>} : memref<128x16xf32, #tpu.memory_space<vmem>>, vector<1x16xf32>,
    %swap3A_546 = vector.shape_cast %swap3A_545 : vector<1x16xf32> to vector<16xf32>
    %swap3A_547 = vector.shape_cast %broadcast_in_dim3A_0 : vector<16xf32> to vector<1x16xf32>
    tpu.vector_store %arg5[%swap3A_543, %swap3A_544], %swap3A_547 {strides = array<i32>} : memref<128x16xf32, #tpu.memory_space<vmem>>, vector<1x16xf32>,
    %swap3A_548 = arith.constant 91 : i32
    %swap3A_549 = arith.index_cast %swap3A_548 : i32 to index
    %swap3A_550 = arith.constant 0 : index
    %swap3A_551 = tpu.vector_load %arg5[%swap3A_549, %swap3A_550] {strides = array<i32>} : memref<128x16xf32, #tpu.memory_space<vmem>>, vector<1x16xf32>,
    %swap3A_552 = vector.shape_cast %swap3A_551 : vector<1x16xf32> to vector<16xf32>
    %swap3A_553 = vector.shape_cast %broadcast_in_dim3A_0 : vector<16xf32> to vector<1x16xf32>
    tpu.vector_store %arg5[%swap3A_549, %swap3A_550], %swap3A_553 {strides = array<i32>} : memref<128x16xf32, #tpu.memory_space<vmem>>, vector<1x16xf32>,
    %swap3A_554 = arith.constant 92 : i32
    %swap3A_555 = arith.index_cast %swap3A_554 : i32 to index
    %swap3A_556 = arith.constant 0 : index
    %swap3A_557 = tpu.vector_load %arg5[%swap3A_555, %swap3A_556] {strides = array<i32>} : memref<128x16xf32, #tpu.memory_space<vmem>>, vector<1x16xf32>,
    %swap3A_558 = vector.shape_cast %swap3A_557 : vector<1x16xf32> to vector<16xf32>
    %swap3A_559 = vector.shape_cast %broadcast_in_dim3A_0 : vector<16xf32> to vector<1x16xf32>
    tpu.vector_store %arg5[%swap3A_555, %swap3A_556], %swap3A_559 {strides = array<i32>} : memref<128x16xf32, #tpu.memory_space<vmem>>, vector<1x16xf32>,
    %swap3A_560 = arith.constant 93 : i32
    %swap3A_561 = arith.index_cast %swap3A_560 : i32 to index
    %swap3A_562 = arith.constant 0 : index
    %swap3A_563 = tpu.vector_load %arg5[%swap3A_561, %swap3A_562] {strides = array<i32>} : memref<128x16xf32, #tpu.memory_space<vmem>>, vector<1x16xf32>,
    %swap3A_564 = vector.shape_cast %swap3A_563 : vector<1x16xf32> to vector<16xf32>
    %swap3A_565 = vector.shape_cast %broadcast_in_dim3A_0 : vector<16xf32> to vector<1x16xf32>
    tpu.vector_store %arg5[%swap3A_561, %swap3A_562], %swap3A_565 {strides = array<i32>} : memref<128x16xf32, #tpu.memory_space<vmem>>, vector<1x16xf32>,
    %swap3A_566 = arith.constant 94 : i32
    %swap3A_567 = arith.index_cast %swap3A_566 : i32 to index
    %swap3A_568 = arith.constant 0 : index
    %swap3A_569 = tpu.vector_load %arg5[%swap3A_567, %swap3A_568] {strides = array<i32>} : memref<128x16xf32, #tpu.memory_space<vmem>>, vector<1x16xf32>,
    %swap3A_570 = vector.shape_cast %swap3A_569 : vector<1x16xf32> to vector<16xf32>
    %swap3A_571 = vector.shape_cast %broadcast_in_dim3A_0 : vector<16xf32> to vector<1x16xf32>
    tpu.vector_store %arg5[%swap3A_567, %swap3A_568], %swap3A_571 {strides = array<i32>} : memref<128x16xf32, #tpu.memory_space<vmem>>, vector<1x16xf32>,
    %swap3A_572 = arith.constant 95 : i32
    %swap3A_573 = arith.index_cast %swap3A_572 : i32 to index
    %swap3A_574 = arith.constant 0 : index
    %swap3A_575 = tpu.vector_load %arg5[%swap3A_573, %swap3A_574] {strides = array<i32>} : memref<128x16xf32, #tpu.memory_space<vmem>>, vector<1x16xf32>,
    %swap3A_576 = vector.shape_cast %swap3A_575 : vector<1x16xf32> to vector<16xf32>
    %swap3A_577 = vector.shape_cast %broadcast_in_dim3A_0 : vector<16xf32> to vector<1x16xf32>
    tpu.vector_store %arg5[%swap3A_573, %swap3A_574], %swap3A_577 {strides = array<i32>} : memref<128x16xf32, #tpu.memory_space<vmem>>, vector<1x16xf32>,
    %swap3A_578 = arith.constant 96 : i32
    %swap3A_579 = arith.index_cast %swap3A_578 : i32 to index
    %swap3A_580 = arith.constant 0 : index
    %swap3A_581 = tpu.vector_load %arg5[%swap3A_579, %swap3A_580] {strides = array<i32>} : memref<128x16xf32, #tpu.memory_space<vmem>>, vector<1x16xf32>,
    %swap3A_582 = vector.shape_cast %swap3A_581 : vector<1x16xf32> to vector<16xf32>
    %swap3A_583 = vector.shape_cast %broadcast_in_dim3A_0 : vector<16xf32> to vector<1x16xf32>
    tpu.vector_store %arg5[%swap3A_579, %swap3A_580], %swap3A_583 {strides = array<i32>} : memref<128x16xf32, #tpu.memory_space<vmem>>, vector<1x16xf32>,
    %swap3A_584 = arith.constant 97 : i32
    %swap3A_585 = arith.index_cast %swap3A_584 : i32 to index
    %swap3A_586 = arith.constant 0 : index
    %swap3A_587 = tpu.vector_load %arg5[%swap3A_585, %swap3A_586] {strides = array<i32>} : memref<128x16xf32, #tpu.memory_space<vmem>>, vector<1x16xf32>,
    %swap3A_588 = vector.shape_cast %swap3A_587 : vector<1x16xf32> to vector<16xf32>
    %swap3A_589 = vector.shape_cast %broadcast_in_dim3A_0 : vector<16xf32> to vector<1x16xf32>
    tpu.vector_store %arg5[%swap3A_585, %swap3A_586], %swap3A_589 {strides = array<i32>} : memref<128x16xf32, #tpu.memory_space<vmem>>, vector<1x16xf32>,
    %swap3A_590 = arith.constant 98 : i32
    %swap3A_591 = arith.index_cast %swap3A_590 : i32 to index
    %swap3A_592 = arith.constant 0 : index
    %swap3A_593 = tpu.vector_load %arg5[%swap3A_591, %swap3A_592] {strides = array<i32>} : memref<128x16xf32, #tpu.memory_space<vmem>>, vector<1x16xf32>,
    %swap3A_594 = vector.shape_cast %swap3A_593 : vector<1x16xf32> to vector<16xf32>
    %swap3A_595 = vector.shape_cast %broadcast_in_dim3A_0 : vector<16xf32> to vector<1x16xf32>
    tpu.vector_store %arg5[%swap3A_591, %swap3A_592], %swap3A_595 {strides = array<i32>} : memref<128x16xf32, #tpu.memory_space<vmem>>, vector<1x16xf32>,
    %swap3A_596 = arith.constant 99 : i32
    %swap3A_597 = arith.index_cast %swap3A_596 : i32 to index
    %swap3A_598 = arith.constant 0 : index
    %swap3A_599 = tpu.vector_load %arg5[%swap3A_597, %swap3A_598] {strides = array<i32>} : memref<128x16xf32, #tpu.memory_space<vmem>>, vector<1x16xf32>,
    %swap3A_600 = vector.shape_cast %swap3A_599 : vector<1x16xf32> to vector<16xf32>
    %swap3A_601 = vector.shape_cast %broadcast_in_dim3A_0 : vector<16xf32> to vector<1x16xf32>
    tpu.vector_store %arg5[%swap3A_597, %swap3A_598], %swap3A_601 {strides = array<i32>} : memref<128x16xf32, #tpu.memory_space<vmem>>, vector<1x16xf32>,
    %swap3A_602 = arith.constant 100 : i32
    %swap3A_603 = arith.index_cast %swap3A_602 : i32 to index
    %swap3A_604 = arith.constant 0 : index
    %swap3A_605 = tpu.vector_load %arg5[%swap3A_603, %swap3A_604] {strides = array<i32>} : memref<128x16xf32, #tpu.memory_space<vmem>>, vector<1x16xf32>,
    %swap3A_606 = vector.shape_cast %swap3A_605 : vector<1x16xf32> to vector<16xf32>
    %swap3A_607 = vector.shape_cast %broadcast_in_dim3A_0 : vector<16xf32> to vector<1x16xf32>
    tpu.vector_store %arg5[%swap3A_603, %swap3A_604], %swap3A_607 {strides = array<i32>} : memref<128x16xf32, #tpu.memory_space<vmem>>, vector<1x16xf32>,
    %swap3A_608 = arith.constant 101 : i32
    %swap3A_609 = arith.index_cast %swap3A_608 : i32 to index
    %swap3A_610 = arith.constant 0 : index
    %swap3A_611 = tpu.vector_load %arg5[%swap3A_609, %swap3A_610] {strides = array<i32>} : memref<128x16xf32, #tpu.memory_space<vmem>>, vector<1x16xf32>,
    %swap3A_612 = vector.shape_cast %swap3A_611 : vector<1x16xf32> to vector<16xf32>
    %swap3A_613 = vector.shape_cast %broadcast_in_dim3A_0 : vector<16xf32> to vector<1x16xf32>
    tpu.vector_store %arg5[%swap3A_609, %swap3A_610], %swap3A_613 {strides = array<i32>} : memref<128x16xf32, #tpu.memory_space<vmem>>, vector<1x16xf32>,
    %swap3A_614 = arith.constant 102 : i32
    %swap3A_615 = arith.index_cast %swap3A_614 : i32 to index
    %swap3A_616 = arith.constant 0 : index
    %swap3A_617 = tpu.vector_load %arg5[%swap3A_615, %swap3A_616] {strides = array<i32>} : memref<128x16xf32, #tpu.memory_space<vmem>>, vector<1x16xf32>,
    %swap3A_618 = vector.shape_cast %swap3A_617 : vector<1x16xf32> to vector<16xf32>
    %swap3A_619 = vector.shape_cast %broadcast_in_dim3A_0 : vector<16xf32> to vector<1x16xf32>
    tpu.vector_store %arg5[%swap3A_615, %swap3A_616], %swap3A_619 {strides = array<i32>} : memref<128x16xf32, #tpu.memory_space<vmem>>, vector<1x16xf32>,
    %swap3A_620 = arith.constant 103 : i32
    %swap3A_621 = arith.index_cast %swap3A_620 : i32 to index
    %swap3A_622 = arith.constant 0 : index
    %swap3A_623 = tpu.vector_load %arg5[%swap3A_621, %swap3A_622] {strides = array<i32>} : memref<128x16xf32, #tpu.memory_space<vmem>>, vector<1x16xf32>,
    %swap3A_624 = vector.shape_cast %swap3A_623 : vector<1x16xf32> to vector<16xf32>
    %swap3A_625 = vector.shape_cast %broadcast_in_dim3A_0 : vector<16xf32> to vector<1x16xf32>
    tpu.vector_store %arg5[%swap3A_621, %swap3A_622], %swap3A_625 {strides = array<i32>} : memref<128x16xf32, #tpu.memory_space<vmem>>, vector<1x16xf32>,
    %swap3A_626 = arith.constant 104 : i32
    %swap3A_627 = arith.index_cast %swap3A_626 : i32 to index
    %swap3A_628 = arith.constant 0 : index
    %swap3A_629 = tpu.vector_load %arg5[%swap3A_627, %swap3A_628] {strides = array<i32>} : memref<128x16xf32, #tpu.memory_space<vmem>>, vector<1x16xf32>,
    %swap3A_630 = vector.shape_cast %swap3A_629 : vector<1x16xf32> to vector<16xf32>
    %swap3A_631 = vector.shape_cast %broadcast_in_dim3A_0 : vector<16xf32> to vector<1x16xf32>
    tpu.vector_store %arg5[%swap3A_627, %swap3A_628], %swap3A_631 {strides = array<i32>} : memref<128x16xf32, #tpu.memory_space<vmem>>, vector<1x16xf32>,
    %swap3A_632 = arith.constant 105 : i32
    %swap3A_633 = arith.index_cast %swap3A_632 : i32 to index
    %swap3A_634 = arith.constant 0 : index
    %swap3A_635 = tpu.vector_load %arg5[%swap3A_633, %swap3A_634] {strides = array<i32>} : memref<128x16xf32, #tpu.memory_space<vmem>>, vector<1x16xf32>,
    %swap3A_636 = vector.shape_cast %swap3A_635 : vector<1x16xf32> to vector<16xf32>
    %swap3A_637 = vector.shape_cast %broadcast_in_dim3A_0 : vector<16xf32> to vector<1x16xf32>
    tpu.vector_store %arg5[%swap3A_633, %swap3A_634], %swap3A_637 {strides = array<i32>} : memref<128x16xf32, #tpu.memory_space<vmem>>, vector<1x16xf32>,
    %swap3A_638 = arith.constant 106 : i32
    %swap3A_639 = arith.index_cast %swap3A_638 : i32 to index
    %swap3A_640 = arith.constant 0 : index
    %swap3A_641 = tpu.vector_load %arg5[%swap3A_639, %swap3A_640] {strides = array<i32>} : memref<128x16xf32, #tpu.memory_space<vmem>>, vector<1x16xf32>,
    %swap3A_642 = vector.shape_cast %swap3A_641 : vector<1x16xf32> to vector<16xf32>
    %swap3A_643 = vector.shape_cast %broadcast_in_dim3A_0 : vector<16xf32> to vector<1x16xf32>
    tpu.vector_store %arg5[%swap3A_639, %swap3A_640], %swap3A_643 {strides = array<i32>} : memref<128x16xf32, #tpu.memory_space<vmem>>, vector<1x16xf32>,
    %swap3A_644 = arith.constant 107 : i32
    %swap3A_645 = arith.index_cast %swap3A_644 : i32 to index
    %swap3A_646 = arith.constant 0 : index
    %swap3A_647 = tpu.vector_load %arg5[%swap3A_645, %swap3A_646] {strides = array<i32>} : memref<128x16xf32, #tpu.memory_space<vmem>>, vector<1x16xf32>,
    %swap3A_648 = vector.shape_cast %swap3A_647 : vector<1x16xf32> to vector<16xf32>
    %swap3A_649 = vector.shape_cast %broadcast_in_dim3A_0 : vector<16xf32> to vector<1x16xf32>
    tpu.vector_store %arg5[%swap3A_645, %swap3A_646], %swap3A_649 {strides = array<i32>} : memref<128x16xf32, #tpu.memory_space<vmem>>, vector<1x16xf32>,
    %swap3A_650 = arith.constant 108 : i32
    %swap3A_651 = arith.index_cast %swap3A_650 : i32 to index
    %swap3A_652 = arith.constant 0 : index
    %swap3A_653 = tpu.vector_load %arg5[%swap3A_651, %swap3A_652] {strides = array<i32>} : memref<128x16xf32, #tpu.memory_space<vmem>>, vector<1x16xf32>,
    %swap3A_654 = vector.shape_cast %swap3A_653 : vector<1x16xf32> to vector<16xf32>
    %swap3A_655 = vector.shape_cast %broadcast_in_dim3A_0 : vector<16xf32> to vector<1x16xf32>
    tpu.vector_store %arg5[%swap3A_651, %swap3A_652], %swap3A_655 {strides = array<i32>} : memref<128x16xf32, #tpu.memory_space<vmem>>, vector<1x16xf32>,
    %swap3A_656 = arith.constant 109 : i32
    %swap3A_657 = arith.index_cast %swap3A_656 : i32 to index
    %swap3A_658 = arith.constant 0 : index
    %swap3A_659 = tpu.vector_load %arg5[%swap3A_657, %swap3A_658] {strides = array<i32>} : memref<128x16xf32, #tpu.memory_space<vmem>>, vector<1x16xf32>,
    %swap3A_660 = vector.shape_cast %swap3A_659 : vector<1x16xf32> to vector<16xf32>
    %swap3A_661 = vector.shape_cast %broadcast_in_dim3A_0 : vector<16xf32> to vector<1x16xf32>
    tpu.vector_store %arg5[%swap3A_657, %swap3A_658], %swap3A_661 {strides = array<i32>} : memref<128x16xf32, #tpu.memory_space<vmem>>, vector<1x16xf32>,
    %swap3A_662 = arith.constant 110 : i32
    %swap3A_663 = arith.index_cast %swap3A_662 : i32 to index
    %swap3A_664 = arith.constant 0 : index
    %swap3A_665 = tpu.vector_load %arg5[%swap3A_663, %swap3A_664] {strides = array<i32>} : memref<128x16xf32, #tpu.memory_space<vmem>>, vector<1x16xf32>,
    %swap3A_666 = vector.shape_cast %swap3A_665 : vector<1x16xf32> to vector<16xf32>
    %swap3A_667 = vector.shape_cast %broadcast_in_dim3A_0 : vector<16xf32> to vector<1x16xf32>
    tpu.vector_store %arg5[%swap3A_663, %swap3A_664], %swap3A_667 {strides = array<i32>} : memref<128x16xf32, #tpu.memory_space<vmem>>, vector<1x16xf32>,
    %swap3A_668 = arith.constant 111 : i32
    %swap3A_669 = arith.index_cast %swap3A_668 : i32 to index
    %swap3A_670 = arith.constant 0 : index
    %swap3A_671 = tpu.vector_load %arg5[%swap3A_669, %swap3A_670] {strides = array<i32>} : memref<128x16xf32, #tpu.memory_space<vmem>>, vector<1x16xf32>,
    %swap3A_672 = vector.shape_cast %swap3A_671 : vector<1x16xf32> to vector<16xf32>
    %swap3A_673 = vector.shape_cast %broadcast_in_dim3A_0 : vector<16xf32> to vector<1x16xf32>
    tpu.vector_store %arg5[%swap3A_669, %swap3A_670], %swap3A_673 {strides = array<i32>} : memref<128x16xf32, #tpu.memory_space<vmem>>, vector<1x16xf32>,
    %swap3A_674 = arith.constant 112 : i32
    %swap3A_675 = arith.index_cast %swap3A_674 : i32 to index
    %swap3A_676 = arith.constant 0 : index
    %swap3A_677 = tpu.vector_load %arg5[%swap3A_675, %swap3A_676] {strides = array<i32>} : memref<128x16xf32, #tpu.memory_space<vmem>>, vector<1x16xf32>,
    %swap3A_678 = vector.shape_cast %swap3A_677 : vector<1x16xf32> to vector<16xf32>
    %swap3A_679 = vector.shape_cast %broadcast_in_dim3A_0 : vector<16xf32> to vector<1x16xf32>
    tpu.vector_store %arg5[%swap3A_675, %swap3A_676], %swap3A_679 {strides = array<i32>} : memref<128x16xf32, #tpu.memory_space<vmem>>, vector<1x16xf32>,
    %swap3A_680 = arith.constant 113 : i32
    %swap3A_681 = arith.index_cast %swap3A_680 : i32 to index
    %swap3A_682 = arith.constant 0 : index
    %swap3A_683 = tpu.vector_load %arg5[%swap3A_681, %swap3A_682] {strides = array<i32>} : memref<128x16xf32, #tpu.memory_space<vmem>>, vector<1x16xf32>,
    %swap3A_684 = vector.shape_cast %swap3A_683 : vector<1x16xf32> to vector<16xf32>
    %swap3A_685 = vector.shape_cast %broadcast_in_dim3A_0 : vector<16xf32> to vector<1x16xf32>
    tpu.vector_store %arg5[%swap3A_681, %swap3A_682], %swap3A_685 {strides = array<i32>} : memref<128x16xf32, #tpu.memory_space<vmem>>, vector<1x16xf32>,
    %swap3A_686 = arith.constant 114 : i32
    %swap3A_687 = arith.index_cast %swap3A_686 : i32 to index
    %swap3A_688 = arith.constant 0 : index
    %swap3A_689 = tpu.vector_load %arg5[%swap3A_687, %swap3A_688] {strides = array<i32>} : memref<128x16xf32, #tpu.memory_space<vmem>>, vector<1x16xf32>,
    %swap3A_690 = vector.shape_cast %swap3A_689 : vector<1x16xf32> to vector<16xf32>
    %swap3A_691 = vector.shape_cast %broadcast_in_dim3A_0 : vector<16xf32> to vector<1x16xf32>
    tpu.vector_store %arg5[%swap3A_687, %swap3A_688], %swap3A_691 {strides = array<i32>} : memref<128x16xf32, #tpu.memory_space<vmem>>, vector<1x16xf32>,
    %swap3A_692 = arith.constant 115 : i32
    %swap3A_693 = arith.index_cast %swap3A_692 : i32 to index
    %swap3A_694 = arith.constant 0 : index
    %swap3A_695 = tpu.vector_load %arg5[%swap3A_693, %swap3A_694] {strides = array<i32>} : memref<128x16xf32, #tpu.memory_space<vmem>>, vector<1x16xf32>,
    %swap3A_696 = vector.shape_cast %swap3A_695 : vector<1x16xf32> to vector<16xf32>
    %swap3A_697 = vector.shape_cast %broadcast_in_dim3A_0 : vector<16xf32> to vector<1x16xf32>
    tpu.vector_store %arg5[%swap3A_693, %swap3A_694], %swap3A_697 {strides = array<i32>} : memref<128x16xf32, #tpu.memory_space<vmem>>, vector<1x16xf32>,
    %swap3A_698 = arith.constant 116 : i32
    %swap3A_699 = arith.index_cast %swap3A_698 : i32 to index
    %swap3A_700 = arith.constant 0 : index
    %swap3A_701 = tpu.vector_load %arg5[%swap3A_699, %swap3A_700] {strides = array<i32>} : memref<128x16xf32, #tpu.memory_space<vmem>>, vector<1x16xf32>,
    %swap3A_702 = vector.shape_cast %swap3A_701 : vector<1x16xf32> to vector<16xf32>
    %swap3A_703 = vector.shape_cast %broadcast_in_dim3A_0 : vector<16xf32> to vector<1x16xf32>
    tpu.vector_store %arg5[%swap3A_699, %swap3A_700], %swap3A_703 {strides = array<i32>} : memref<128x16xf32, #tpu.memory_space<vmem>>, vector<1x16xf32>,
    %swap3A_704 = arith.constant 117 : i32
    %swap3A_705 = arith.index_cast %swap3A_704 : i32 to index
    %swap3A_706 = arith.constant 0 : index
    %swap3A_707 = tpu.vector_load %arg5[%swap3A_705, %swap3A_706] {strides = array<i32>} : memref<128x16xf32, #tpu.memory_space<vmem>>, vector<1x16xf32>,
    %swap3A_708 = vector.shape_cast %swap3A_707 : vector<1x16xf32> to vector<16xf32>
    %swap3A_709 = vector.shape_cast %broadcast_in_dim3A_0 : vector<16xf32> to vector<1x16xf32>
    tpu.vector_store %arg5[%swap3A_705, %swap3A_706], %swap3A_709 {strides = array<i32>} : memref<128x16xf32, #tpu.memory_space<vmem>>, vector<1x16xf32>,
    %swap3A_710 = arith.constant 118 : i32
    %swap3A_711 = arith.index_cast %swap3A_710 : i32 to index
    %swap3A_712 = arith.constant 0 : index
    %swap3A_713 = tpu.vector_load %arg5[%swap3A_711, %swap3A_712] {strides = array<i32>} : memref<128x16xf32, #tpu.memory_space<vmem>>, vector<1x16xf32>,
    %swap3A_714 = vector.shape_cast %swap3A_713 : vector<1x16xf32> to vector<16xf32>
    %swap3A_715 = vector.shape_cast %broadcast_in_dim3A_0 : vector<16xf32> to vector<1x16xf32>
    tpu.vector_store %arg5[%swap3A_711, %swap3A_712], %swap3A_715 {strides = array<i32>} : memref<128x16xf32, #tpu.memory_space<vmem>>, vector<1x16xf32>,
    %swap3A_716 = arith.constant 119 : i32
    %swap3A_717 = arith.index_cast %swap3A_716 : i32 to index
    %swap3A_718 = arith.constant 0 : index
    %swap3A_719 = tpu.vector_load %arg5[%swap3A_717, %swap3A_718] {strides = array<i32>} : memref<128x16xf32, #tpu.memory_space<vmem>>, vector<1x16xf32>,
    %swap3A_720 = vector.shape_cast %swap3A_719 : vector<1x16xf32> to vector<16xf32>
    %swap3A_721 = vector.shape_cast %broadcast_in_dim3A_0 : vector<16xf32> to vector<1x16xf32>
    tpu.vector_store %arg5[%swap3A_717, %swap3A_718], %swap3A_721 {strides = array<i32>} : memref<128x16xf32, #tpu.memory_space<vmem>>, vector<1x16xf32>,
    %swap3A_722 = arith.constant 120 : i32
    %swap3A_723 = arith.index_cast %swap3A_722 : i32 to index
    %swap3A_724 = arith.constant 0 : index
    %swap3A_725 = tpu.vector_load %arg5[%swap3A_723, %swap3A_724] {strides = array<i32>} : memref<128x16xf32, #tpu.memory_space<vmem>>, vector<1x16xf32>,
    %swap3A_726 = vector.shape_cast %swap3A_725 : vector<1x16xf32> to vector<16xf32>
    %swap3A_727 = vector.shape_cast %broadcast_in_dim3A_0 : vector<16xf32> to vector<1x16xf32>
    tpu.vector_store %arg5[%swap3A_723, %swap3A_724], %swap3A_727 {strides = array<i32>} : memref<128x16xf32, #tpu.memory_space<vmem>>, vector<1x16xf32>,
    %swap3A_728 = arith.constant 121 : i32
    %swap3A_729 = arith.index_cast %swap3A_728 : i32 to index
    %swap3A_730 = arith.constant 0 : index
    %swap3A_731 = tpu.vector_load %arg5[%swap3A_729, %swap3A_730] {strides = array<i32>} : memref<128x16xf32, #tpu.memory_space<vmem>>, vector<1x16xf32>,
    %swap3A_732 = vector.shape_cast %swap3A_731 : vector<1x16xf32> to vector<16xf32>
    %swap3A_733 = vector.shape_cast %broadcast_in_dim3A_0 : vector<16xf32> to vector<1x16xf32>
    tpu.vector_store %arg5[%swap3A_729, %swap3A_730], %swap3A_733 {strides = array<i32>} : memref<128x16xf32, #tpu.memory_space<vmem>>, vector<1x16xf32>,
    %swap3A_734 = arith.constant 122 : i32
    %swap3A_735 = arith.index_cast %swap3A_734 : i32 to index
    %swap3A_736 = arith.constant 0 : index
    %swap3A_737 = tpu.vector_load %arg5[%swap3A_735, %swap3A_736] {strides = array<i32>} : memref<128x16xf32, #tpu.memory_space<vmem>>, vector<1x16xf32>,
    %swap3A_738 = vector.shape_cast %swap3A_737 : vector<1x16xf32> to vector<16xf32>
    %swap3A_739 = vector.shape_cast %broadcast_in_dim3A_0 : vector<16xf32> to vector<1x16xf32>
    tpu.vector_store %arg5[%swap3A_735, %swap3A_736], %swap3A_739 {strides = array<i32>} : memref<128x16xf32, #tpu.memory_space<vmem>>, vector<1x16xf32>,
    %swap3A_740 = arith.constant 123 : i32
    %swap3A_741 = arith.index_cast %swap3A_740 : i32 to index
    %swap3A_742 = arith.constant 0 : index
    %swap3A_743 = tpu.vector_load %arg5[%swap3A_741, %swap3A_742] {strides = array<i32>} : memref<128x16xf32, #tpu.memory_space<vmem>>, vector<1x16xf32>,
    %swap3A_744 = vector.shape_cast %swap3A_743 : vector<1x16xf32> to vector<16xf32>
    %swap3A_745 = vector.shape_cast %broadcast_in_dim3A_0 : vector<16xf32> to vector<1x16xf32>
    tpu.vector_store %arg5[%swap3A_741, %swap3A_742], %swap3A_745 {strides = array<i32>} : memref<128x16xf32, #tpu.memory_space<vmem>>, vector<1x16xf32>,
    %swap3A_746 = arith.constant 124 : i32
    %swap3A_747 = arith.index_cast %swap3A_746 : i32 to index
    %swap3A_748 = arith.constant 0 : index
    %swap3A_749 = tpu.vector_load %arg5[%swap3A_747, %swap3A_748] {strides = array<i32>} : memref<128x16xf32, #tpu.memory_space<vmem>>, vector<1x16xf32>,
    %swap3A_750 = vector.shape_cast %swap3A_749 : vector<1x16xf32> to vector<16xf32>
    %swap3A_751 = vector.shape_cast %broadcast_in_dim3A_0 : vector<16xf32> to vector<1x16xf32>
    tpu.vector_store %arg5[%swap3A_747, %swap3A_748], %swap3A_751 {strides = array<i32>} : memref<128x16xf32, #tpu.memory_space<vmem>>, vector<1x16xf32>,
    %swap3A_752 = arith.constant 125 : i32
    %swap3A_753 = arith.index_cast %swap3A_752 : i32 to index
    %swap3A_754 = arith.constant 0 : index
    %swap3A_755 = tpu.vector_load %arg5[%swap3A_753, %swap3A_754] {strides = array<i32>} : memref<128x16xf32, #tpu.memory_space<vmem>>, vector<1x16xf32>,
    %swap3A_756 = vector.shape_cast %swap3A_755 : vector<1x16xf32> to vector<16xf32>
    %swap3A_757 = vector.shape_cast %broadcast_in_dim3A_0 : vector<16xf32> to vector<1x16xf32>
    tpu.vector_store %arg5[%swap3A_753, %swap3A_754], %swap3A_757 {strides = array<i32>} : memref<128x16xf32, #tpu.memory_space<vmem>>, vector<1x16xf32>,
    %swap3A_758 = arith.constant 126 : i32
    %swap3A_759 = arith.index_cast %swap3A_758 : i32 to index
    %swap3A_760 = arith.constant 0 : index
    %swap3A_761 = tpu.vector_load %arg5[%swap3A_759, %swap3A_760] {strides = array<i32>} : memref<128x16xf32, #tpu.memory_space<vmem>>, vector<1x16xf32>,
    %swap3A_762 = vector.shape_cast %swap3A_761 : vector<1x16xf32> to vector<16xf32>
    %swap3A_763 = vector.shape_cast %broadcast_in_dim3A_0 : vector<16xf32> to vector<1x16xf32>
    tpu.vector_store %arg5[%swap3A_759, %swap3A_760], %swap3A_763 {strides = array<i32>} : memref<128x16xf32, #tpu.memory_space<vmem>>, vector<1x16xf32>,
    %swap3A_764 = arith.constant 127 : i32
    %swap3A_765 = arith.index_cast %swap3A_764 : i32 to index
    %swap3A_766 = arith.constant 0 : index
    %swap3A_767 = tpu.vector_load %arg5[%swap3A_765, %swap3A_766] {strides = array<i32>} : memref<128x16xf32, #tpu.memory_space<vmem>>, vector<1x16xf32>,
    %swap3A_768 = vector.shape_cast %swap3A_767 : vector<1x16xf32> to vector<16xf32>
    %swap3A_769 = vector.shape_cast %broadcast_in_dim3A_0 : vector<16xf32> to vector<1x16xf32>
    tpu.vector_store %arg5[%swap3A_765, %swap3A_766], %swap3A_769 {strides = array<i32>} : memref<128x16xf32, #tpu.memory_space<vmem>>, vector<1x16xf32>,
    %swap3A_770 = arith.constant 0 : i32
    %swap3A_771 = arith.index_cast %swap3A_770 : i32 to index
    %swap3A_772 = arith.constant 0 : index
    %swap3A_773 = tpu.vector_load %arg6[%swap3A_771, %swap3A_772] {strides = array<i32>} : memref<16x16xf32, #tpu.memory_space<vmem>>, vector<1x16xf32>,
    %swap3A_774 = vector.shape_cast %swap3A_773 : vector<1x16xf32> to vector<16xf32>
    %swap3A_775 = vector.shape_cast %broadcast_in_dim3A_2 : vector<16xf32> to vector<1x16xf32>
    tpu.vector_store %arg6[%swap3A_771, %swap3A_772], %swap3A_775 {strides = array<i32>} : memref<16x16xf32, #tpu.memory_space<vmem>>, vector<1x16xf32>,
    %swap3A_776 = arith.constant 1 : i32
    %swap3A_777 = arith.index_cast %swap3A_776 : i32 to index
    %swap3A_778 = arith.constant 0 : index
    %swap3A_779 = tpu.vector_load %arg6[%swap3A_777, %swap3A_778] {strides = array<i32>} : memref<16x16xf32, #tpu.memory_space<vmem>>, vector<1x16xf32>,
    %swap3A_780 = vector.shape_cast %swap3A_779 : vector<1x16xf32> to vector<16xf32>
    %swap3A_781 = vector.shape_cast %broadcast_in_dim3A_2 : vector<16xf32> to vector<1x16xf32>
    tpu.vector_store %arg6[%swap3A_777, %swap3A_778], %swap3A_781 {strides = array<i32>} : memref<16x16xf32, #tpu.memory_space<vmem>>, vector<1x16xf32>,
    %swap3A_782 = arith.constant 2 : i32
    %swap3A_783 = arith.index_cast %swap3A_782 : i32 to index
    %swap3A_784 = arith.constant 0 : index
    %swap3A_785 = tpu.vector_load %arg6[%swap3A_783, %swap3A_784] {strides = array<i32>} : memref<16x16xf32, #tpu.memory_space<vmem>>, vector<1x16xf32>,
    %swap3A_786 = vector.shape_cast %swap3A_785 : vector<1x16xf32> to vector<16xf32>
    %swap3A_787 = vector.shape_cast %broadcast_in_dim3A_2 : vector<16xf32> to vector<1x16xf32>
    tpu.vector_store %arg6[%swap3A_783, %swap3A_784], %swap3A_787 {strides = array<i32>} : memref<16x16xf32, #tpu.memory_space<vmem>>, vector<1x16xf32>,
    %swap3A_788 = arith.constant 3 : i32
    %swap3A_789 = arith.index_cast %swap3A_788 : i32 to index
    %swap3A_790 = arith.constant 0 : index
    %swap3A_791 = tpu.vector_load %arg6[%swap3A_789, %swap3A_790] {strides = array<i32>} : memref<16x16xf32, #tpu.memory_space<vmem>>, vector<1x16xf32>,
    %swap3A_792 = vector.shape_cast %swap3A_791 : vector<1x16xf32> to vector<16xf32>
    %swap3A_793 = vector.shape_cast %broadcast_in_dim3A_2 : vector<16xf32> to vector<1x16xf32>
    tpu.vector_store %arg6[%swap3A_789, %swap3A_790], %swap3A_793 {strides = array<i32>} : memref<16x16xf32, #tpu.memory_space<vmem>>, vector<1x16xf32>,
    %swap3A_794 = arith.constant 4 : i32
    %swap3A_795 = arith.index_cast %swap3A_794 : i32 to index
    %swap3A_796 = arith.constant 0 : index
    %swap3A_797 = tpu.vector_load %arg6[%swap3A_795, %swap3A_796] {strides = array<i32>} : memref<16x16xf32, #tpu.memory_space<vmem>>, vector<1x16xf32>,
    %swap3A_798 = vector.shape_cast %swap3A_797 : vector<1x16xf32> to vector<16xf32>
    %swap3A_799 = vector.shape_cast %broadcast_in_dim3A_2 : vector<16xf32> to vector<1x16xf32>
    tpu.vector_store %arg6[%swap3A_795, %swap3A_796], %swap3A_799 {strides = array<i32>} : memref<16x16xf32, #tpu.memory_space<vmem>>, vector<1x16xf32>,
    %swap3A_800 = arith.constant 5 : i32
    %swap3A_801 = arith.index_cast %swap3A_800 : i32 to index
    %swap3A_802 = arith.constant 0 : index
    %swap3A_803 = tpu.vector_load %arg6[%swap3A_801, %swap3A_802] {strides = array<i32>} : memref<16x16xf32, #tpu.memory_space<vmem>>, vector<1x16xf32>,
    %swap3A_804 = vector.shape_cast %swap3A_803 : vector<1x16xf32> to vector<16xf32>
    %swap3A_805 = vector.shape_cast %broadcast_in_dim3A_2 : vector<16xf32> to vector<1x16xf32>
    tpu.vector_store %arg6[%swap3A_801, %swap3A_802], %swap3A_805 {strides = array<i32>} : memref<16x16xf32, #tpu.memory_space<vmem>>, vector<1x16xf32>,
    %swap3A_806 = arith.constant 6 : i32
    %swap3A_807 = arith.index_cast %swap3A_806 : i32 to index
    %swap3A_808 = arith.constant 0 : index
    %swap3A_809 = tpu.vector_load %arg6[%swap3A_807, %swap3A_808] {strides = array<i32>} : memref<16x16xf32, #tpu.memory_space<vmem>>, vector<1x16xf32>,
    %swap3A_810 = vector.shape_cast %swap3A_809 : vector<1x16xf32> to vector<16xf32>
    %swap3A_811 = vector.shape_cast %broadcast_in_dim3A_2 : vector<16xf32> to vector<1x16xf32>
    tpu.vector_store %arg6[%swap3A_807, %swap3A_808], %swap3A_811 {strides = array<i32>} : memref<16x16xf32, #tpu.memory_space<vmem>>, vector<1x16xf32>,
    %swap3A_812 = arith.constant 7 : i32
    %swap3A_813 = arith.index_cast %swap3A_812 : i32 to index
    %swap3A_814 = arith.constant 0 : index
    %swap3A_815 = tpu.vector_load %arg6[%swap3A_813, %swap3A_814] {strides = array<i32>} : memref<16x16xf32, #tpu.memory_space<vmem>>, vector<1x16xf32>,
    %swap3A_816 = vector.shape_cast %swap3A_815 : vector<1x16xf32> to vector<16xf32>
    %swap3A_817 = vector.shape_cast %broadcast_in_dim3A_2 : vector<16xf32> to vector<1x16xf32>
    tpu.vector_store %arg6[%swap3A_813, %swap3A_814], %swap3A_817 {strides = array<i32>} : memref<16x16xf32, #tpu.memory_space<vmem>>, vector<1x16xf32>,
    %swap3A_818 = arith.constant 8 : i32
    %swap3A_819 = arith.index_cast %swap3A_818 : i32 to index
    %swap3A_820 = arith.constant 0 : index
    %swap3A_821 = tpu.vector_load %arg6[%swap3A_819, %swap3A_820] {strides = array<i32>} : memref<16x16xf32, #tpu.memory_space<vmem>>, vector<1x16xf32>,
    %swap3A_822 = vector.shape_cast %swap3A_821 : vector<1x16xf32> to vector<16xf32>
    %swap3A_823 = vector.shape_cast %broadcast_in_dim3A_2 : vector<16xf32> to vector<1x16xf32>
    tpu.vector_store %arg6[%swap3A_819, %swap3A_820], %swap3A_823 {strides = array<i32>} : memref<16x16xf32, #tpu.memory_space<vmem>>, vector<1x16xf32>,
    %swap3A_824 = arith.constant 9 : i32
    %swap3A_825 = arith.index_cast %swap3A_824 : i32 to index
    %swap3A_826 = arith.constant 0 : index
    %swap3A_827 = tpu.vector_load %arg6[%swap3A_825, %swap3A_826] {strides = array<i32>} : memref<16x16xf32, #tpu.memory_space<vmem>>, vector<1x16xf32>,
    %swap3A_828 = vector.shape_cast %swap3A_827 : vector<1x16xf32> to vector<16xf32>
    %swap3A_829 = vector.shape_cast %broadcast_in_dim3A_2 : vector<16xf32> to vector<1x16xf32>
    tpu.vector_store %arg6[%swap3A_825, %swap3A_826], %swap3A_829 {strides = array<i32>} : memref<16x16xf32, #tpu.memory_space<vmem>>, vector<1x16xf32>,
    %swap3A_830 = arith.constant 10 : i32
    %swap3A_831 = arith.index_cast %swap3A_830 : i32 to index
    %swap3A_832 = arith.constant 0 : index
    %swap3A_833 = tpu.vector_load %arg6[%swap3A_831, %swap3A_832] {strides = array<i32>} : memref<16x16xf32, #tpu.memory_space<vmem>>, vector<1x16xf32>,
    %swap3A_834 = vector.shape_cast %swap3A_833 : vector<1x16xf32> to vector<16xf32>
    %swap3A_835 = vector.shape_cast %broadcast_in_dim3A_2 : vector<16xf32> to vector<1x16xf32>
    tpu.vector_store %arg6[%swap3A_831, %swap3A_832], %swap3A_835 {strides = array<i32>} : memref<16x16xf32, #tpu.memory_space<vmem>>, vector<1x16xf32>,
    %swap3A_836 = arith.constant 11 : i32
    %swap3A_837 = arith.index_cast %swap3A_836 : i32 to index
    %swap3A_838 = arith.constant 0 : index
    %swap3A_839 = tpu.vector_load %arg6[%swap3A_837, %swap3A_838] {strides = array<i32>} : memref<16x16xf32, #tpu.memory_space<vmem>>, vector<1x16xf32>,
    %swap3A_840 = vector.shape_cast %swap3A_839 : vector<1x16xf32> to vector<16xf32>
    %swap3A_841 = vector.shape_cast %broadcast_in_dim3A_2 : vector<16xf32> to vector<1x16xf32>
    tpu.vector_store %arg6[%swap3A_837, %swap3A_838], %swap3A_841 {strides = array<i32>} : memref<16x16xf32, #tpu.memory_space<vmem>>, vector<1x16xf32>,
    %swap3A_842 = arith.constant 12 : i32
    %swap3A_843 = arith.index_cast %swap3A_842 : i32 to index
    %swap3A_844 = arith.constant 0 : index
    %swap3A_845 = tpu.vector_load %arg6[%swap3A_843, %swap3A_844] {strides = array<i32>} : memref<16x16xf32, #tpu.memory_space<vmem>>, vector<1x16xf32>,
    %swap3A_846 = vector.shape_cast %swap3A_845 : vector<1x16xf32> to vector<16xf32>
    %swap3A_847 = vector.shape_cast %broadcast_in_dim3A_2 : vector<16xf32> to vector<1x16xf32>
    tpu.vector_store %arg6[%swap3A_843, %swap3A_844], %swap3A_847 {strides = array<i32>} : memref<16x16xf32, #tpu.memory_space<vmem>>, vector<1x16xf32>,
    %swap3A_848 = arith.constant 13 : i32
    %swap3A_849 = arith.index_cast %swap3A_848 : i32 to index
    %swap3A_850 = arith.constant 0 : index
    %swap3A_851 = tpu.vector_load %arg6[%swap3A_849, %swap3A_850] {strides = array<i32>} : memref<16x16xf32, #tpu.memory_space<vmem>>, vector<1x16xf32>,
    %swap3A_852 = vector.shape_cast %swap3A_851 : vector<1x16xf32> to vector<16xf32>
    %swap3A_853 = vector.shape_cast %broadcast_in_dim3A_2 : vector<16xf32> to vector<1x16xf32>
    tpu.vector_store %arg6[%swap3A_849, %swap3A_850], %swap3A_853 {strides = array<i32>} : memref<16x16xf32, #tpu.memory_space<vmem>>, vector<1x16xf32>,
    %swap3A_854 = arith.constant 14 : i32
    %swap3A_855 = arith.index_cast %swap3A_854 : i32 to index
    %swap3A_856 = arith.constant 0 : index
    %swap3A_857 = tpu.vector_load %arg6[%swap3A_855, %swap3A_856] {strides = array<i32>} : memref<16x16xf32, #tpu.memory_space<vmem>>, vector<1x16xf32>,
    %swap3A_858 = vector.shape_cast %swap3A_857 : vector<1x16xf32> to vector<16xf32>
    %swap3A_859 = vector.shape_cast %broadcast_in_dim3A_2 : vector<16xf32> to vector<1x16xf32>
    tpu.vector_store %arg6[%swap3A_855, %swap3A_856], %swap3A_859 {strides = array<i32>} : memref<16x16xf32, #tpu.memory_space<vmem>>, vector<1x16xf32>,
    %swap3A_860 = arith.constant 15 : i32
    %swap3A_861 = arith.index_cast %swap3A_860 : i32 to index
    %swap3A_862 = arith.constant 0 : index
    %swap3A_863 = tpu.vector_load %arg6[%swap3A_861, %swap3A_862] {strides = array<i32>} : memref<16x16xf32, #tpu.memory_space<vmem>>, vector<1x16xf32>,
    %swap3A_864 = vector.shape_cast %swap3A_863 : vector<1x16xf32> to vector<16xf32>
    %swap3A_865 = vector.shape_cast %broadcast_in_dim3A_2 : vector<16xf32> to vector<1x16xf32>
    tpu.vector_store %arg6[%swap3A_861, %swap3A_862], %swap3A_865 {strides = array<i32>} : memref<16x16xf32, #tpu.memory_space<vmem>>, vector<1x16xf32>,
    %eq3A = arith.constant 0 : i32
    %eq3A_866 = arith.cmpi eq, %arg0, %eq3A : i32
    %convert_element_type3A = arith.extui %eq3A_866 : i1 to i32
    %cond3A = arith.constant 0 : i32
    %cond3A_867 = arith.cmpi ne, %convert_element_type3A, %cond3A : i32
    scf.if %cond3A_867 {
      %scan3A = arith.constant 0 : i32
      %scan3A_883 = arith.constant 0 : i32
      %scan3A_884 = arith.constant 40 : i32
      %scan3A_885 = arith.addi %scan3A_883, %scan3A_884 : i32
      %scan3A_886 = arith.constant 1 : i32
      %scan3A_887 = scf.for %scan3A_906 = %scan3A_883 to %scan3A_885 step %scan3A_886 iter_args(%scan3A_907 = %scan3A) -> (i32)  : i32 {
        %mul3A_908 = arith.constant 640 : i32
        %mul3A_909 = arith.muli %arg1, %mul3A_908 : i32
        %mul3A_910 = arith.constant 16 : i32
        %mul3A_911 = arith.muli %scan3A_906, %mul3A_910 : i32
        %add3A_912 = arith.addi %mul3A_909, %mul3A_911 : i32
        "tpu.region"() ({
          %run_scoped3A = tpu.sem_alloc : memref<!tpu.dma_semaphore, #tpu.memory_space<semaphore_mem>>
          %dma_start3A = arith.constant 0 : i32
          %dma_start3A_914 = tpu.memref_slice %arg7[%add3A_912, %dma_start3A] : memref<10240x16xf32, #tpu.memory_space<vmem_shared>> -> memref<16x16xf32, #tpu.memory_space<vmem_shared>>
          %dma_start3A_915 = arith.constant 0 : i32
          %dma_start3A_916 = tpu.memref_slice %arg7[%add3A_912, %dma_start3A_915] : memref<10240x16xf32, #tpu.memory_space<vmem_shared>> -> memref<16x16xf32, #tpu.memory_space<vmem_shared>>
          tpu.enqueue_dma source(%arg6 : memref<16x16xf32, #tpu.memory_space<vmem>>) target(%dma_start3A_916 : memref<16x16xf32, #tpu.memory_space<vmem_shared>>) target_semaphore(%run_scoped3A : memref<!tpu.dma_semaphore, #tpu.memory_space<semaphore_mem>>)
          %dma_wait3A = arith.constant 0 : i32
          %dma_wait3A_917 = tpu.memref_slice %arg7[%add3A_912, %dma_wait3A] : memref<10240x16xf32, #tpu.memory_space<vmem_shared>> -> memref<16x16xf32, #tpu.memory_space<vmem_shared>>
          %dma_wait3A_918 = arith.constant 0 : i32
          %dma_wait3A_919 = tpu.memref_slice %arg7[%add3A_912, %dma_wait3A_918] : memref<10240x16xf32, #tpu.memory_space<vmem_shared>> -> memref<16x16xf32, #tpu.memory_space<vmem_shared>>
          tpu.wait_dma2 semaphore(%run_scoped3A : memref<!tpu.dma_semaphore, #tpu.memory_space<semaphore_mem>>) src(%arg6 : memref<16x16xf32, #tpu.memory_space<vmem>>) dst(%dma_wait3A_919 : memref<16x16xf32, #tpu.memory_space<vmem_shared>>)
          tpu.yield
        }) : () -> ()
        %scan3A_913 = arith.constant 0 : i32
        scf.yield %scan3A_913 : i32
      }
      %scan3A_888 = arith.constant 40 : i32
      %add3A = arith.constant 0 : i32
      %add3A_889 = arith.addi %add3A, %arg1 : i32
      %mul3A = arith.constant 40 : i32
      %mul3A_890 = arith.muli %add3A_889, %mul3A : i32
      "tpu.region"() ({
        %run_scoped3A = tpu.sem_alloc : memref<!tpu.dma_semaphore, #tpu.memory_space<semaphore_mem>>
        %dma_start3A = arith.constant 0 : i32
        %dma_start3A_906 = tpu.memref_slice %arg2[%mul3A_890, %dma_start3A] : memref<2560x128xi32, #tpu.memory_space<hbm>> -> memref<40x128xi32, #tpu.memory_space<hbm>>
        %dma_start3A_907 = arith.constant 0 : i32
        %dma_start3A_908 = tpu.memref_slice %arg2[%mul3A_890, %dma_start3A_907] : memref<2560x128xi32, #tpu.memory_space<hbm>> -> memref<40x128xi32, #tpu.memory_space<hbm>>
        tpu.enqueue_dma source(%dma_start3A_908 : memref<40x128xi32, #tpu.memory_space<hbm>>) target(%arg4 : memref<40x128xi32, #tpu.memory_space<vmem>>) target_semaphore(%run_scoped3A : memref<!tpu.dma_semaphore, #tpu.memory_space<semaphore_mem>>)
        %dma_wait3A = arith.constant 0 : i32
        %dma_wait3A_909 = tpu.memref_slice %arg2[%mul3A_890, %dma_wait3A] : memref<2560x128xi32, #tpu.memory_space<hbm>> -> memref<40x128xi32, #tpu.memory_space<hbm>>
        %dma_wait3A_910 = arith.constant 0 : i32
        %dma_wait3A_911 = tpu.memref_slice %arg2[%mul3A_890, %dma_wait3A_910] : memref<2560x128xi32, #tpu.memory_space<hbm>> -> memref<40x128xi32, #tpu.memory_space<hbm>>
        tpu.wait_dma2 semaphore(%run_scoped3A : memref<!tpu.dma_semaphore, #tpu.memory_space<semaphore_mem>>) src(%dma_wait3A_911 : memref<40x128xi32, #tpu.memory_space<hbm>>) dst(%arg4 : memref<40x128xi32, #tpu.memory_space<vmem>>)
        tpu.yield
      }) : () -> ()
      %barrier3A = arith.constant 0 : index
      tpu.barrier barrier_id(%barrier3A)
      %scan3A_891 = arith.constant 0 : i32
      %scan3A_892 = arith.constant 0 : i32
      %scan3A_893 = arith.constant 40 : i32
      %scan3A_894 = arith.addi %scan3A_892, %scan3A_893 : i32
      %scan3A_895 = arith.constant 1 : i32
      %scan3A_896 = scf.for %scan3A_906 = %scan3A_892 to %scan3A_894 step %scan3A_895 iter_args(%scan3A_907 = %scan3A_891) -> (i32)  : i32 {
        "tpu.region"() ({
          %run_scoped3A = tpu.sem_alloc : memref<!tpu.dma_semaphore, #tpu.memory_space<semaphore_mem>>
          %dma_start3A = arith.constant 0 : i32
          %dma_start3A_909 = tpu.memref_slice %arg4[%scan3A_906, %dma_start3A] : memref<40x128xi32, #tpu.memory_space<vmem>> -> memref<1x128xi32, #tpu.memory_space<vmem>>
          %dma_start3A_910 = tpu.memref_squeeze %dma_start3A_909 : memref<1x128xi32, #tpu.memory_space<vmem>> -> memref<128xi32, #tpu.memory_space<vmem>>
          %dma_start3A_911 = arith.constant 0 : i32
          %dma_start3A_912 = arith.constant 0 : i32
          %dma_start3A_913 = tpu.memref_slice %arg7[%dma_start3A_911, %dma_start3A_912] : memref<10240x16xf32, #tpu.memory_space<vmem_shared>> -> memref<10240x16xf32, #tpu.memory_space<vmem_shared>>
          tpu.enqueue_indirect_dma source(%arg5 : memref<128x16xf32, #tpu.memory_space<vmem>>) target(%dma_start3A_913 : memref<10240x16xf32, #tpu.memory_space<vmem_shared>>) offsets(%dma_start3A_910 : memref<128xi32, #tpu.memory_space<vmem>>) semaphore(%run_scoped3A : memref<!tpu.dma_semaphore, #tpu.memory_space<semaphore_mem>>) {add = true}
          %dma_wait3A = arith.constant 0 : i32
          %dma_wait3A_914 = tpu.memref_slice %arg4[%scan3A_906, %dma_wait3A] : memref<40x128xi32, #tpu.memory_space<vmem>> -> memref<1x128xi32, #tpu.memory_space<vmem>>
          %dma_wait3A_915 = tpu.memref_squeeze %dma_wait3A_914 : memref<1x128xi32, #tpu.memory_space<vmem>> -> memref<128xi32, #tpu.memory_space<vmem>>
          %dma_wait3A_916 = arith.constant 0 : i32
          %dma_wait3A_917 = arith.constant 0 : i32
          %dma_wait3A_918 = tpu.memref_slice %arg7[%dma_wait3A_916, %dma_wait3A_917] : memref<10240x16xf32, #tpu.memory_space<vmem_shared>> -> memref<10240x16xf32, #tpu.memory_space<vmem_shared>>
          tpu.wait_indirect_dma semaphore(%run_scoped3A : memref<!tpu.dma_semaphore, #tpu.memory_space<semaphore_mem>>) src(%arg5 : memref<128x16xf32, #tpu.memory_space<vmem>>) dst(%dma_wait3A_918 : memref<10240x16xf32, #tpu.memory_space<vmem_shared>>)
          tpu.yield
        }) : () -> ()
        %scan3A_908 = arith.constant 0 : i32
        scf.yield %scan3A_908 : i32
      }
      %scan3A_897 = arith.constant 40 : i32
      %barrier3A_898 = arith.constant 0 : index
      tpu.barrier barrier_id(%barrier3A_898)
      %mul3A_899 = arith.constant 640 : i32
      %mul3A_900 = arith.muli %arg1, %mul3A_899 : i32
      %mul3A_901 = arith.constant 640 : i32
      %mul3A_902 = arith.muli %arg1, %mul3A_901 : i32
      %add3A_903 = arith.constant 0 : i32
      %add3A_904 = arith.addi %add3A_903, %mul3A_902 : i32
      "tpu.region"() ({
        %run_scoped3A = tpu.sem_alloc : memref<!tpu.dma_semaphore, #tpu.memory_space<semaphore_mem>>
        %dma_start3A = arith.constant 0 : i32
        %dma_start3A_906 = tpu.memref_slice %arg3[%add3A_904, %dma_start3A] : memref<40960x16xf32, #tpu.memory_space<hbm>> -> memref<640x16xf32, #tpu.memory_space<hbm>>
        %dma_start3A_907 = arith.constant 0 : i32
        %dma_start3A_908 = tpu.memref_slice %arg7[%mul3A_900, %dma_start3A_907] : memref<10240x16xf32, #tpu.memory_space<vmem_shared>> -> memref<640x16xf32, #tpu.memory_space<vmem_shared>>
        tpu.enqueue_dma source(%dma_start3A_908 : memref<640x16xf32, #tpu.memory_space<vmem_shared>>) target(%dma_start3A_906 : memref<640x16xf32, #tpu.memory_space<hbm>>) target_semaphore(%run_scoped3A : memref<!tpu.dma_semaphore, #tpu.memory_space<semaphore_mem>>)
        %dma_wait3A = arith.constant 0 : i32
        %dma_wait3A_909 = tpu.memref_slice %arg3[%add3A_904, %dma_wait3A] : memref<40960x16xf32, #tpu.memory_space<hbm>> -> memref<640x16xf32, #tpu.memory_space<hbm>>
        %dma_wait3A_910 = arith.constant 0 : i32
        %dma_wait3A_911 = tpu.memref_slice %arg7[%mul3A_900, %dma_wait3A_910] : memref<10240x16xf32, #tpu.memory_space<vmem_shared>> -> memref<640x16xf32, #tpu.memory_space<vmem_shared>>
        tpu.wait_dma2 semaphore(%run_scoped3A : memref<!tpu.dma_semaphore, #tpu.memory_space<semaphore_mem>>) src(%dma_wait3A_911 : memref<640x16xf32, #tpu.memory_space<vmem_shared>>) dst(%dma_wait3A_909 : memref<640x16xf32, #tpu.memory_space<hbm>>)
        tpu.yield
      }) : () -> ()
      %barrier3A_905 = arith.constant 0 : index
      tpu.barrier barrier_id(%barrier3A_905)
    } else {
    }
    %eq3A_868 = arith.constant 1 : i32
    %eq3A_869 = arith.cmpi eq, %arg0, %eq3A_868 : i32
    %convert_element_type3A_870 = arith.extui %eq3A_869 : i1 to i32
    %cond3A_871 = arith.constant 0 : i32
    %cond3A_872 = arith.cmpi ne, %convert_element_type3A_870, %cond3A_871 : i32
    scf.if %cond3A_872 {
      %scan3A = arith.constant 0 : i32
      %scan3A_883 = arith.constant 0 : i32
      %scan3A_884 = arith.constant 40 : i32
      %scan3A_885 = arith.addi %scan3A_883, %scan3A_884 : i32
      %scan3A_886 = arith.constant 1 : i32
      %scan3A_887 = scf.for %scan3A_906 = %scan3A_883 to %scan3A_885 step %scan3A_886 iter_args(%scan3A_907 = %scan3A) -> (i32)  : i32 {
        %mul3A_908 = arith.constant 640 : i32
        %mul3A_909 = arith.muli %arg1, %mul3A_908 : i32
        %mul3A_910 = arith.constant 16 : i32
        %mul3A_911 = arith.muli %scan3A_906, %mul3A_910 : i32
        %add3A_912 = arith.addi %mul3A_909, %mul3A_911 : i32
        "tpu.region"() ({
          %run_scoped3A = tpu.sem_alloc : memref<!tpu.dma_semaphore, #tpu.memory_space<semaphore_mem>>
          %dma_start3A = arith.constant 0 : i32
          %dma_start3A_914 = tpu.memref_slice %arg7[%add3A_912, %dma_start3A] : memref<10240x16xf32, #tpu.memory_space<vmem_shared>> -> memref<16x16xf32, #tpu.memory_space<vmem_shared>>
          %dma_start3A_915 = arith.constant 0 : i32
          %dma_start3A_916 = tpu.memref_slice %arg7[%add3A_912, %dma_start3A_915] : memref<10240x16xf32, #tpu.memory_space<vmem_shared>> -> memref<16x16xf32, #tpu.memory_space<vmem_shared>>
          tpu.enqueue_dma source(%arg6 : memref<16x16xf32, #tpu.memory_space<vmem>>) target(%dma_start3A_916 : memref<16x16xf32, #tpu.memory_space<vmem_shared>>) target_semaphore(%run_scoped3A : memref<!tpu.dma_semaphore, #tpu.memory_space<semaphore_mem>>)
          %dma_wait3A = arith.constant 0 : i32
          %dma_wait3A_917 = tpu.memref_slice %arg7[%add3A_912, %dma_wait3A] : memref<10240x16xf32, #tpu.memory_space<vmem_shared>> -> memref<16x16xf32, #tpu.memory_space<vmem_shared>>
          %dma_wait3A_918 = arith.constant 0 : i32
          %dma_wait3A_919 = tpu.memref_slice %arg7[%add3A_912, %dma_wait3A_918] : memref<10240x16xf32, #tpu.memory_space<vmem_shared>> -> memref<16x16xf32, #tpu.memory_space<vmem_shared>>
          tpu.wait_dma2 semaphore(%run_scoped3A : memref<!tpu.dma_semaphore, #tpu.memory_space<semaphore_mem>>) src(%arg6 : memref<16x16xf32, #tpu.memory_space<vmem>>) dst(%dma_wait3A_919 : memref<16x16xf32, #tpu.memory_space<vmem_shared>>)
          tpu.yield
        }) : () -> ()
        %scan3A_913 = arith.constant 0 : i32
        scf.yield %scan3A_913 : i32
      }
      %scan3A_888 = arith.constant 40 : i32
      %add3A = arith.constant 32 : i32
      %add3A_889 = arith.addi %add3A, %arg1 : i32
      %mul3A = arith.constant 40 : i32
      %mul3A_890 = arith.muli %add3A_889, %mul3A : i32
      "tpu.region"() ({
        %run_scoped3A = tpu.sem_alloc : memref<!tpu.dma_semaphore, #tpu.memory_space<semaphore_mem>>
        %dma_start3A = arith.constant 0 : i32
        %dma_start3A_906 = tpu.memref_slice %arg2[%mul3A_890, %dma_start3A] : memref<2560x128xi32, #tpu.memory_space<hbm>> -> memref<40x128xi32, #tpu.memory_space<hbm>>
        %dma_start3A_907 = arith.constant 0 : i32
        %dma_start3A_908 = tpu.memref_slice %arg2[%mul3A_890, %dma_start3A_907] : memref<2560x128xi32, #tpu.memory_space<hbm>> -> memref<40x128xi32, #tpu.memory_space<hbm>>
        tpu.enqueue_dma source(%dma_start3A_908 : memref<40x128xi32, #tpu.memory_space<hbm>>) target(%arg4 : memref<40x128xi32, #tpu.memory_space<vmem>>) target_semaphore(%run_scoped3A : memref<!tpu.dma_semaphore, #tpu.memory_space<semaphore_mem>>)
        %dma_wait3A = arith.constant 0 : i32
        %dma_wait3A_909 = tpu.memref_slice %arg2[%mul3A_890, %dma_wait3A] : memref<2560x128xi32, #tpu.memory_space<hbm>> -> memref<40x128xi32, #tpu.memory_space<hbm>>
        %dma_wait3A_910 = arith.constant 0 : i32
        %dma_wait3A_911 = tpu.memref_slice %arg2[%mul3A_890, %dma_wait3A_910] : memref<2560x128xi32, #tpu.memory_space<hbm>> -> memref<40x128xi32, #tpu.memory_space<hbm>>
        tpu.wait_dma2 semaphore(%run_scoped3A : memref<!tpu.dma_semaphore, #tpu.memory_space<semaphore_mem>>) src(%dma_wait3A_911 : memref<40x128xi32, #tpu.memory_space<hbm>>) dst(%arg4 : memref<40x128xi32, #tpu.memory_space<vmem>>)
        tpu.yield
      }) : () -> ()
      %barrier3A = arith.constant 0 : index
      tpu.barrier barrier_id(%barrier3A)
      %scan3A_891 = arith.constant 0 : i32
      %scan3A_892 = arith.constant 0 : i32
      %scan3A_893 = arith.constant 40 : i32
      %scan3A_894 = arith.addi %scan3A_892, %scan3A_893 : i32
      %scan3A_895 = arith.constant 1 : i32
      %scan3A_896 = scf.for %scan3A_906 = %scan3A_892 to %scan3A_894 step %scan3A_895 iter_args(%scan3A_907 = %scan3A_891) -> (i32)  : i32 {
        "tpu.region"() ({
          %run_scoped3A = tpu.sem_alloc : memref<!tpu.dma_semaphore, #tpu.memory_space<semaphore_mem>>
          %dma_start3A = arith.constant 0 : i32
          %dma_start3A_909 = tpu.memref_slice %arg4[%scan3A_906, %dma_start3A] : memref<40x128xi32, #tpu.memory_space<vmem>> -> memref<1x128xi32, #tpu.memory_space<vmem>>
          %dma_start3A_910 = tpu.memref_squeeze %dma_start3A_909 : memref<1x128xi32, #tpu.memory_space<vmem>> -> memref<128xi32, #tpu.memory_space<vmem>>
          %dma_start3A_911 = arith.constant 0 : i32
          %dma_start3A_912 = arith.constant 0 : i32
          %dma_start3A_913 = tpu.memref_slice %arg7[%dma_start3A_911, %dma_start3A_912] : memref<10240x16xf32, #tpu.memory_space<vmem_shared>> -> memref<10240x16xf32, #tpu.memory_space<vmem_shared>>
          tpu.enqueue_indirect_dma source(%arg5 : memref<128x16xf32, #tpu.memory_space<vmem>>) target(%dma_start3A_913 : memref<10240x16xf32, #tpu.memory_space<vmem_shared>>) offsets(%dma_start3A_910 : memref<128xi32, #tpu.memory_space<vmem>>) semaphore(%run_scoped3A : memref<!tpu.dma_semaphore, #tpu.memory_space<semaphore_mem>>) {add = true}
          %dma_wait3A = arith.constant 0 : i32
          %dma_wait3A_914 = tpu.memref_slice %arg4[%scan3A_906, %dma_wait3A] : memref<40x128xi32, #tpu.memory_space<vmem>> -> memref<1x128xi32, #tpu.memory_space<vmem>>
          %dma_wait3A_915 = tpu.memref_squeeze %dma_wait3A_914 : memref<1x128xi32, #tpu.memory_space<vmem>> -> memref<128xi32, #tpu.memory_space<vmem>>
          %dma_wait3A_916 = arith.constant 0 : i32
          %dma_wait3A_917 = arith.constant 0 : i32
          %dma_wait3A_918 = tpu.memref_slice %arg7[%dma_wait3A_916, %dma_wait3A_917] : memref<10240x16xf32, #tpu.memory_space<vmem_shared>> -> memref<10240x16xf32, #tpu.memory_space<vmem_shared>>
          tpu.wait_indirect_dma semaphore(%run_scoped3A : memref<!tpu.dma_semaphore, #tpu.memory_space<semaphore_mem>>) src(%arg5 : memref<128x16xf32, #tpu.memory_space<vmem>>) dst(%dma_wait3A_918 : memref<10240x16xf32, #tpu.memory_space<vmem_shared>>)
          tpu.yield
        }) : () -> ()
        %scan3A_908 = arith.constant 0 : i32
        scf.yield %scan3A_908 : i32
      }
      %scan3A_897 = arith.constant 40 : i32
      %barrier3A_898 = arith.constant 0 : index
      tpu.barrier barrier_id(%barrier3A_898)
      %mul3A_899 = arith.constant 640 : i32
      %mul3A_900 = arith.muli %arg1, %mul3A_899 : i32
      %mul3A_901 = arith.constant 640 : i32
      %mul3A_902 = arith.muli %arg1, %mul3A_901 : i32
      %add3A_903 = arith.constant 20480 : i32
      %add3A_904 = arith.addi %add3A_903, %mul3A_902 : i32
      "tpu.region"() ({
        %run_scoped3A = tpu.sem_alloc : memref<!tpu.dma_semaphore, #tpu.memory_space<semaphore_mem>>
        %dma_start3A = arith.constant 0 : i32
        %dma_start3A_906 = tpu.memref_slice %arg3[%add3A_904, %dma_start3A] : memref<40960x16xf32, #tpu.memory_space<hbm>> -> memref<640x16xf32, #tpu.memory_space<hbm>>
        %dma_start3A_907 = arith.constant 0 : i32
        %dma_start3A_908 = tpu.memref_slice %arg7[%mul3A_900, %dma_start3A_907] : memref<10240x16xf32, #tpu.memory_space<vmem_shared>> -> memref<640x16xf32, #tpu.memory_space<vmem_shared>>
        tpu.enqueue_dma source(%dma_start3A_908 : memref<640x16xf32, #tpu.memory_space<vmem_shared>>) target(%dma_start3A_906 : memref<640x16xf32, #tpu.memory_space<hbm>>) target_semaphore(%run_scoped3A : memref<!tpu.dma_semaphore, #tpu.memory_space<semaphore_mem>>)
        %dma_wait3A = arith.constant 0 : i32
        %dma_wait3A_909 = tpu.memref_slice %arg3[%add3A_904, %dma_wait3A] : memref<40960x16xf32, #tpu.memory_space<hbm>> -> memref<640x16xf32, #tpu.memory_space<hbm>>
        %dma_wait3A_910 = arith.constant 0 : i32
        %dma_wait3A_911 = tpu.memref_slice %arg7[%mul3A_900, %dma_wait3A_910] : memref<10240x16xf32, #tpu.memory_space<vmem_shared>> -> memref<640x16xf32, #tpu.memory_space<vmem_shared>>
        tpu.wait_dma2 semaphore(%run_scoped3A : memref<!tpu.dma_semaphore, #tpu.memory_space<semaphore_mem>>) src(%dma_wait3A_911 : memref<640x16xf32, #tpu.memory_space<vmem_shared>>) dst(%dma_wait3A_909 : memref<640x16xf32, #tpu.memory_space<hbm>>)
        tpu.yield
      }) : () -> ()
      %barrier3A_905 = arith.constant 0 : index
      tpu.barrier barrier_id(%barrier3A_905)
    } else {
    }
    %eq3A_873 = arith.constant 0 : i32
    %eq3A_874 = arith.cmpi eq, %arg0, %eq3A_873 : i32
    %convert_element_type3A_875 = arith.extui %eq3A_874 : i1 to i32
    %cond3A_876 = arith.constant 0 : i32
    %cond3A_877 = arith.cmpi ne, %convert_element_type3A_875, %cond3A_876 : i32
    scf.if %cond3A_877 {
      %scan3A = arith.constant 0 : i32
      %scan3A_883 = arith.constant 0 : i32
      %scan3A_884 = arith.constant 40 : i32
      %scan3A_885 = arith.addi %scan3A_883, %scan3A_884 : i32
      %scan3A_886 = arith.constant 1 : i32
      %scan3A_887 = scf.for %scan3A_906 = %scan3A_883 to %scan3A_885 step %scan3A_886 iter_args(%scan3A_907 = %scan3A) -> (i32)  : i32 {
        %mul3A_908 = arith.constant 640 : i32
        %mul3A_909 = arith.muli %arg1, %mul3A_908 : i32
        %mul3A_910 = arith.constant 16 : i32
        %mul3A_911 = arith.muli %scan3A_906, %mul3A_910 : i32
        %add3A_912 = arith.addi %mul3A_909, %mul3A_911 : i32
        "tpu.region"() ({
          %run_scoped3A = tpu.sem_alloc : memref<!tpu.dma_semaphore, #tpu.memory_space<semaphore_mem>>
          %dma_start3A = arith.constant 0 : i32
          %dma_start3A_914 = tpu.memref_slice %arg7[%add3A_912, %dma_start3A] : memref<10240x16xf32, #tpu.memory_space<vmem_shared>> -> memref<16x16xf32, #tpu.memory_space<vmem_shared>>
          %dma_start3A_915 = arith.constant 0 : i32
          %dma_start3A_916 = tpu.memref_slice %arg7[%add3A_912, %dma_start3A_915] : memref<10240x16xf32, #tpu.memory_space<vmem_shared>> -> memref<16x16xf32, #tpu.memory_space<vmem_shared>>
          tpu.enqueue_dma source(%arg6 : memref<16x16xf32, #tpu.memory_space<vmem>>) target(%dma_start3A_916 : memref<16x16xf32, #tpu.memory_space<vmem_shared>>) target_semaphore(%run_scoped3A : memref<!tpu.dma_semaphore, #tpu.memory_space<semaphore_mem>>)
          %dma_wait3A = arith.constant 0 : i32
          %dma_wait3A_917 = tpu.memref_slice %arg7[%add3A_912, %dma_wait3A] : memref<10240x16xf32, #tpu.memory_space<vmem_shared>> -> memref<16x16xf32, #tpu.memory_space<vmem_shared>>
          %dma_wait3A_918 = arith.constant 0 : i32
          %dma_wait3A_919 = tpu.memref_slice %arg7[%add3A_912, %dma_wait3A_918] : memref<10240x16xf32, #tpu.memory_space<vmem_shared>> -> memref<16x16xf32, #tpu.memory_space<vmem_shared>>
          tpu.wait_dma2 semaphore(%run_scoped3A : memref<!tpu.dma_semaphore, #tpu.memory_space<semaphore_mem>>) src(%arg6 : memref<16x16xf32, #tpu.memory_space<vmem>>) dst(%dma_wait3A_919 : memref<16x16xf32, #tpu.memory_space<vmem_shared>>)
          tpu.yield
        }) : () -> ()
        %scan3A_913 = arith.constant 0 : i32
        scf.yield %scan3A_913 : i32
      }
      %scan3A_888 = arith.constant 40 : i32
      %add3A = arith.constant 16 : i32
      %add3A_889 = arith.addi %add3A, %arg1 : i32
      %mul3A = arith.constant 40 : i32
      %mul3A_890 = arith.muli %add3A_889, %mul3A : i32
      "tpu.region"() ({
        %run_scoped3A = tpu.sem_alloc : memref<!tpu.dma_semaphore, #tpu.memory_space<semaphore_mem>>
        %dma_start3A = arith.constant 0 : i32
        %dma_start3A_906 = tpu.memref_slice %arg2[%mul3A_890, %dma_start3A] : memref<2560x128xi32, #tpu.memory_space<hbm>> -> memref<40x128xi32, #tpu.memory_space<hbm>>
        %dma_start3A_907 = arith.constant 0 : i32
        %dma_start3A_908 = tpu.memref_slice %arg2[%mul3A_890, %dma_start3A_907] : memref<2560x128xi32, #tpu.memory_space<hbm>> -> memref<40x128xi32, #tpu.memory_space<hbm>>
        tpu.enqueue_dma source(%dma_start3A_908 : memref<40x128xi32, #tpu.memory_space<hbm>>) target(%arg4 : memref<40x128xi32, #tpu.memory_space<vmem>>) target_semaphore(%run_scoped3A : memref<!tpu.dma_semaphore, #tpu.memory_space<semaphore_mem>>)
        %dma_wait3A = arith.constant 0 : i32
        %dma_wait3A_909 = tpu.memref_slice %arg2[%mul3A_890, %dma_wait3A] : memref<2560x128xi32, #tpu.memory_space<hbm>> -> memref<40x128xi32, #tpu.memory_space<hbm>>
        %dma_wait3A_910 = arith.constant 0 : i32
        %dma_wait3A_911 = tpu.memref_slice %arg2[%mul3A_890, %dma_wait3A_910] : memref<2560x128xi32, #tpu.memory_space<hbm>> -> memref<40x128xi32, #tpu.memory_space<hbm>>
        tpu.wait_dma2 semaphore(%run_scoped3A : memref<!tpu.dma_semaphore, #tpu.memory_space<semaphore_mem>>) src(%dma_wait3A_911 : memref<40x128xi32, #tpu.memory_space<hbm>>) dst(%arg4 : memref<40x128xi32, #tpu.memory_space<vmem>>)
        tpu.yield
      }) : () -> ()
      %barrier3A = arith.constant 0 : index
      tpu.barrier barrier_id(%barrier3A)
      %scan3A_891 = arith.constant 0 : i32
      %scan3A_892 = arith.constant 0 : i32
      %scan3A_893 = arith.constant 40 : i32
      %scan3A_894 = arith.addi %scan3A_892, %scan3A_893 : i32
      %scan3A_895 = arith.constant 1 : i32
      %scan3A_896 = scf.for %scan3A_906 = %scan3A_892 to %scan3A_894 step %scan3A_895 iter_args(%scan3A_907 = %scan3A_891) -> (i32)  : i32 {
        "tpu.region"() ({
          %run_scoped3A = tpu.sem_alloc : memref<!tpu.dma_semaphore, #tpu.memory_space<semaphore_mem>>
          %dma_start3A = arith.constant 0 : i32
          %dma_start3A_909 = tpu.memref_slice %arg4[%scan3A_906, %dma_start3A] : memref<40x128xi32, #tpu.memory_space<vmem>> -> memref<1x128xi32, #tpu.memory_space<vmem>>
          %dma_start3A_910 = tpu.memref_squeeze %dma_start3A_909 : memref<1x128xi32, #tpu.memory_space<vmem>> -> memref<128xi32, #tpu.memory_space<vmem>>
          %dma_start3A_911 = arith.constant 0 : i32
          %dma_start3A_912 = arith.constant 0 : i32
          %dma_start3A_913 = tpu.memref_slice %arg7[%dma_start3A_911, %dma_start3A_912] : memref<10240x16xf32, #tpu.memory_space<vmem_shared>> -> memref<10240x16xf32, #tpu.memory_space<vmem_shared>>
          tpu.enqueue_indirect_dma source(%arg5 : memref<128x16xf32, #tpu.memory_space<vmem>>) target(%dma_start3A_913 : memref<10240x16xf32, #tpu.memory_space<vmem_shared>>) offsets(%dma_start3A_910 : memref<128xi32, #tpu.memory_space<vmem>>) semaphore(%run_scoped3A : memref<!tpu.dma_semaphore, #tpu.memory_space<semaphore_mem>>) {add = true}
          %dma_wait3A = arith.constant 0 : i32
          %dma_wait3A_914 = tpu.memref_slice %arg4[%scan3A_906, %dma_wait3A] : memref<40x128xi32, #tpu.memory_space<vmem>> -> memref<1x128xi32, #tpu.memory_space<vmem>>
          %dma_wait3A_915 = tpu.memref_squeeze %dma_wait3A_914 : memref<1x128xi32, #tpu.memory_space<vmem>> -> memref<128xi32, #tpu.memory_space<vmem>>
          %dma_wait3A_916 = arith.constant 0 : i32
          %dma_wait3A_917 = arith.constant 0 : i32
          %dma_wait3A_918 = tpu.memref_slice %arg7[%dma_wait3A_916, %dma_wait3A_917] : memref<10240x16xf32, #tpu.memory_space<vmem_shared>> -> memref<10240x16xf32, #tpu.memory_space<vmem_shared>>
          tpu.wait_indirect_dma semaphore(%run_scoped3A : memref<!tpu.dma_semaphore, #tpu.memory_space<semaphore_mem>>) src(%arg5 : memref<128x16xf32, #tpu.memory_space<vmem>>) dst(%dma_wait3A_918 : memref<10240x16xf32, #tpu.memory_space<vmem_shared>>)
          tpu.yield
        }) : () -> ()
        %scan3A_908 = arith.constant 0 : i32
        scf.yield %scan3A_908 : i32
      }
      %scan3A_897 = arith.constant 40 : i32
      %barrier3A_898 = arith.constant 0 : index
      tpu.barrier barrier_id(%barrier3A_898)
      %mul3A_899 = arith.constant 640 : i32
      %mul3A_900 = arith.muli %arg1, %mul3A_899 : i32
      %mul3A_901 = arith.constant 640 : i32
      %mul3A_902 = arith.muli %arg1, %mul3A_901 : i32
      %add3A_903 = arith.constant 10240 : i32
      %add3A_904 = arith.addi %add3A_903, %mul3A_902 : i32
      "tpu.region"() ({
        %run_scoped3A = tpu.sem_alloc : memref<!tpu.dma_semaphore, #tpu.memory_space<semaphore_mem>>
        %dma_start3A = arith.constant 0 : i32
        %dma_start3A_906 = tpu.memref_slice %arg3[%add3A_904, %dma_start3A] : memref<40960x16xf32, #tpu.memory_space<hbm>> -> memref<640x16xf32, #tpu.memory_space<hbm>>
        %dma_start3A_907 = arith.constant 0 : i32
        %dma_start3A_908 = tpu.memref_slice %arg7[%mul3A_900, %dma_start3A_907] : memref<10240x16xf32, #tpu.memory_space<vmem_shared>> -> memref<640x16xf32, #tpu.memory_space<vmem_shared>>
        tpu.enqueue_dma source(%dma_start3A_908 : memref<640x16xf32, #tpu.memory_space<vmem_shared>>) target(%dma_start3A_906 : memref<640x16xf32, #tpu.memory_space<hbm>>) target_semaphore(%run_scoped3A : memref<!tpu.dma_semaphore, #tpu.memory_space<semaphore_mem>>)
        %dma_wait3A = arith.constant 0 : i32
        %dma_wait3A_909 = tpu.memref_slice %arg3[%add3A_904, %dma_wait3A] : memref<40960x16xf32, #tpu.memory_space<hbm>> -> memref<640x16xf32, #tpu.memory_space<hbm>>
        %dma_wait3A_910 = arith.constant 0 : i32
        %dma_wait3A_911 = tpu.memref_slice %arg7[%mul3A_900, %dma_wait3A_910] : memref<10240x16xf32, #tpu.memory_space<vmem_shared>> -> memref<640x16xf32, #tpu.memory_space<vmem_shared>>
        tpu.wait_dma2 semaphore(%run_scoped3A : memref<!tpu.dma_semaphore, #tpu.memory_space<semaphore_mem>>) src(%dma_wait3A_911 : memref<640x16xf32, #tpu.memory_space<vmem_shared>>) dst(%dma_wait3A_909 : memref<640x16xf32, #tpu.memory_space<hbm>>)
        tpu.yield
      }) : () -> ()
      %barrier3A_905 = arith.constant 0 : index
      tpu.barrier barrier_id(%barrier3A_905)
    } else {
    }
    %eq3A_878 = arith.constant 1 : i32
    %eq3A_879 = arith.cmpi eq, %arg0, %eq3A_878 : i32
    %convert_element_type3A_880 = arith.extui %eq3A_879 : i1 to i32
    %cond3A_881 = arith.constant 0 : i32
    %cond3A_882 = arith.cmpi ne, %convert_element_type3A_880, %cond3A_881 : i32
    scf.if %cond3A_882 {
      %scan3A = arith.constant 0 : i32
      %scan3A_883 = arith.constant 0 : i32
      %scan3A_884 = arith.constant 40 : i32
      %scan3A_885 = arith.addi %scan3A_883, %scan3A_884 : i32
      %scan3A_886 = arith.constant 1 : i32
      %scan3A_887 = scf.for %scan3A_906 = %scan3A_883 to %scan3A_885 step %scan3A_886 iter_args(%scan3A_907 = %scan3A) -> (i32)  : i32 {
        %mul3A_908 = arith.constant 640 : i32
        %mul3A_909 = arith.muli %arg1, %mul3A_908 : i32
        %mul3A_910 = arith.constant 16 : i32
        %mul3A_911 = arith.muli %scan3A_906, %mul3A_910 : i32
        %add3A_912 = arith.addi %mul3A_909, %mul3A_911 : i32
        "tpu.region"() ({
          %run_scoped3A = tpu.sem_alloc : memref<!tpu.dma_semaphore, #tpu.memory_space<semaphore_mem>>
          %dma_start3A = arith.constant 0 : i32
          %dma_start3A_914 = tpu.memref_slice %arg7[%add3A_912, %dma_start3A] : memref<10240x16xf32, #tpu.memory_space<vmem_shared>> -> memref<16x16xf32, #tpu.memory_space<vmem_shared>>
          %dma_start3A_915 = arith.constant 0 : i32
          %dma_start3A_916 = tpu.memref_slice %arg7[%add3A_912, %dma_start3A_915] : memref<10240x16xf32, #tpu.memory_space<vmem_shared>> -> memref<16x16xf32, #tpu.memory_space<vmem_shared>>
          tpu.enqueue_dma source(%arg6 : memref<16x16xf32, #tpu.memory_space<vmem>>) target(%dma_start3A_916 : memref<16x16xf32, #tpu.memory_space<vmem_shared>>) target_semaphore(%run_scoped3A : memref<!tpu.dma_semaphore, #tpu.memory_space<semaphore_mem>>)
          %dma_wait3A = arith.constant 0 : i32
          %dma_wait3A_917 = tpu.memref_slice %arg7[%add3A_912, %dma_wait3A] : memref<10240x16xf32, #tpu.memory_space<vmem_shared>> -> memref<16x16xf32, #tpu.memory_space<vmem_shared>>
          %dma_wait3A_918 = arith.constant 0 : i32
          %dma_wait3A_919 = tpu.memref_slice %arg7[%add3A_912, %dma_wait3A_918] : memref<10240x16xf32, #tpu.memory_space<vmem_shared>> -> memref<16x16xf32, #tpu.memory_space<vmem_shared>>
          tpu.wait_dma2 semaphore(%run_scoped3A : memref<!tpu.dma_semaphore, #tpu.memory_space<semaphore_mem>>) src(%arg6 : memref<16x16xf32, #tpu.memory_space<vmem>>) dst(%dma_wait3A_919 : memref<16x16xf32, #tpu.memory_space<vmem_shared>>)
          tpu.yield
        }) : () -> ()
        %scan3A_913 = arith.constant 0 : i32
        scf.yield %scan3A_913 : i32
      }
      %scan3A_888 = arith.constant 40 : i32
      %add3A = arith.constant 48 : i32
      %add3A_889 = arith.addi %add3A, %arg1 : i32
      %mul3A = arith.constant 40 : i32
      %mul3A_890 = arith.muli %add3A_889, %mul3A : i32
      "tpu.region"() ({
        %run_scoped3A = tpu.sem_alloc : memref<!tpu.dma_semaphore, #tpu.memory_space<semaphore_mem>>
        %dma_start3A = arith.constant 0 : i32
        %dma_start3A_906 = tpu.memref_slice %arg2[%mul3A_890, %dma_start3A] : memref<2560x128xi32, #tpu.memory_space<hbm>> -> memref<40x128xi32, #tpu.memory_space<hbm>>
        %dma_start3A_907 = arith.constant 0 : i32
        %dma_start3A_908 = tpu.memref_slice %arg2[%mul3A_890, %dma_start3A_907] : memref<2560x128xi32, #tpu.memory_space<hbm>> -> memref<40x128xi32, #tpu.memory_space<hbm>>
        tpu.enqueue_dma source(%dma_start3A_908 : memref<40x128xi32, #tpu.memory_space<hbm>>) target(%arg4 : memref<40x128xi32, #tpu.memory_space<vmem>>) target_semaphore(%run_scoped3A : memref<!tpu.dma_semaphore, #tpu.memory_space<semaphore_mem>>)
        %dma_wait3A = arith.constant 0 : i32
        %dma_wait3A_909 = tpu.memref_slice %arg2[%mul3A_890, %dma_wait3A] : memref<2560x128xi32, #tpu.memory_space<hbm>> -> memref<40x128xi32, #tpu.memory_space<hbm>>
        %dma_wait3A_910 = arith.constant 0 : i32
        %dma_wait3A_911 = tpu.memref_slice %arg2[%mul3A_890, %dma_wait3A_910] : memref<2560x128xi32, #tpu.memory_space<hbm>> -> memref<40x128xi32, #tpu.memory_space<hbm>>
        tpu.wait_dma2 semaphore(%run_scoped3A : memref<!tpu.dma_semaphore, #tpu.memory_space<semaphore_mem>>) src(%dma_wait3A_911 : memref<40x128xi32, #tpu.memory_space<hbm>>) dst(%arg4 : memref<40x128xi32, #tpu.memory_space<vmem>>)
        tpu.yield
      }) : () -> ()
      %barrier3A = arith.constant 0 : index
      tpu.barrier barrier_id(%barrier3A)
      %scan3A_891 = arith.constant 0 : i32
      %scan3A_892 = arith.constant 0 : i32
      %scan3A_893 = arith.constant 40 : i32
      %scan3A_894 = arith.addi %scan3A_892, %scan3A_893 : i32
      %scan3A_895 = arith.constant 1 : i32
      %scan3A_896 = scf.for %scan3A_906 = %scan3A_892 to %scan3A_894 step %scan3A_895 iter_args(%scan3A_907 = %scan3A_891) -> (i32)  : i32 {
        "tpu.region"() ({
          %run_scoped3A = tpu.sem_alloc : memref<!tpu.dma_semaphore, #tpu.memory_space<semaphore_mem>>
          %dma_start3A = arith.constant 0 : i32
          %dma_start3A_909 = tpu.memref_slice %arg4[%scan3A_906, %dma_start3A] : memref<40x128xi32, #tpu.memory_space<vmem>> -> memref<1x128xi32, #tpu.memory_space<vmem>>
          %dma_start3A_910 = tpu.memref_squeeze %dma_start3A_909 : memref<1x128xi32, #tpu.memory_space<vmem>> -> memref<128xi32, #tpu.memory_space<vmem>>
          %dma_start3A_911 = arith.constant 0 : i32
          %dma_start3A_912 = arith.constant 0 : i32
          %dma_start3A_913 = tpu.memref_slice %arg7[%dma_start3A_911, %dma_start3A_912] : memref<10240x16xf32, #tpu.memory_space<vmem_shared>> -> memref<10240x16xf32, #tpu.memory_space<vmem_shared>>
          tpu.enqueue_indirect_dma source(%arg5 : memref<128x16xf32, #tpu.memory_space<vmem>>) target(%dma_start3A_913 : memref<10240x16xf32, #tpu.memory_space<vmem_shared>>) offsets(%dma_start3A_910 : memref<128xi32, #tpu.memory_space<vmem>>) semaphore(%run_scoped3A : memref<!tpu.dma_semaphore, #tpu.memory_space<semaphore_mem>>) {add = true}
          %dma_wait3A = arith.constant 0 : i32
          %dma_wait3A_914 = tpu.memref_slice %arg4[%scan3A_906, %dma_wait3A] : memref<40x128xi32, #tpu.memory_space<vmem>> -> memref<1x128xi32, #tpu.memory_space<vmem>>
          %dma_wait3A_915 = tpu.memref_squeeze %dma_wait3A_914 : memref<1x128xi32, #tpu.memory_space<vmem>> -> memref<128xi32, #tpu.memory_space<vmem>>
          %dma_wait3A_916 = arith.constant 0 : i32
          %dma_wait3A_917 = arith.constant 0 : i32
          %dma_wait3A_918 = tpu.memref_slice %arg7[%dma_wait3A_916, %dma_wait3A_917] : memref<10240x16xf32, #tpu.memory_space<vmem_shared>> -> memref<10240x16xf32, #tpu.memory_space<vmem_shared>>
          tpu.wait_indirect_dma semaphore(%run_scoped3A : memref<!tpu.dma_semaphore, #tpu.memory_space<semaphore_mem>>) src(%arg5 : memref<128x16xf32, #tpu.memory_space<vmem>>) dst(%dma_wait3A_918 : memref<10240x16xf32, #tpu.memory_space<vmem_shared>>)
          tpu.yield
        }) : () -> ()
        %scan3A_908 = arith.constant 0 : i32
        scf.yield %scan3A_908 : i32
      }
      %scan3A_897 = arith.constant 40 : i32
      %barrier3A_898 = arith.constant 0 : index
      tpu.barrier barrier_id(%barrier3A_898)
      %mul3A_899 = arith.constant 640 : i32
      %mul3A_900 = arith.muli %arg1, %mul3A_899 : i32
      %mul3A_901 = arith.constant 640 : i32
      %mul3A_902 = arith.muli %arg1, %mul3A_901 : i32
      %add3A_903 = arith.constant 30720 : i32
      %add3A_904 = arith.addi %add3A_903, %mul3A_902 : i32
      "tpu.region"() ({
        %run_scoped3A = tpu.sem_alloc : memref<!tpu.dma_semaphore, #tpu.memory_space<semaphore_mem>>
        %dma_start3A = arith.constant 0 : i32
        %dma_start3A_906 = tpu.memref_slice %arg3[%add3A_904, %dma_start3A] : memref<40960x16xf32, #tpu.memory_space<hbm>> -> memref<640x16xf32, #tpu.memory_space<hbm>>
        %dma_start3A_907 = arith.constant 0 : i32
        %dma_start3A_908 = tpu.memref_slice %arg7[%mul3A_900, %dma_start3A_907] : memref<10240x16xf32, #tpu.memory_space<vmem_shared>> -> memref<640x16xf32, #tpu.memory_space<vmem_shared>>
        tpu.enqueue_dma source(%dma_start3A_908 : memref<640x16xf32, #tpu.memory_space<vmem_shared>>) target(%dma_start3A_906 : memref<640x16xf32, #tpu.memory_space<hbm>>) target_semaphore(%run_scoped3A : memref<!tpu.dma_semaphore, #tpu.memory_space<semaphore_mem>>)
        %dma_wait3A = arith.constant 0 : i32
        %dma_wait3A_909 = tpu.memref_slice %arg3[%add3A_904, %dma_wait3A] : memref<40960x16xf32, #tpu.memory_space<hbm>> -> memref<640x16xf32, #tpu.memory_space<hbm>>
        %dma_wait3A_910 = arith.constant 0 : i32
        %dma_wait3A_911 = tpu.memref_slice %arg7[%mul3A_900, %dma_wait3A_910] : memref<10240x16xf32, #tpu.memory_space<vmem_shared>> -> memref<640x16xf32, #tpu.memory_space<vmem_shared>>
        tpu.wait_dma2 semaphore(%run_scoped3A : memref<!tpu.dma_semaphore, #tpu.memory_space<semaphore_mem>>) src(%dma_wait3A_911 : memref<640x16xf32, #tpu.memory_space<vmem_shared>>) dst(%dma_wait3A_909 : memref<640x16xf32, #tpu.memory_space<hbm>>)
        tpu.yield
      }) : () -> ()
      %barrier3A_905 = arith.constant 0 : index
      tpu.barrier barrier_id(%barrier3A_905)
    } else {
    }
    return
  }
}

#map = affine_map<(d0, d1) -> (0, 0)>
#map1 = affine_map<(d0, d1) -> (0, 0, 0)>
module attributes {stable_mosaic.version = 14 : i64} {
  func.func @_gs_body(%arg0: i32, %arg1: i32, %arg2: memref<40000x128xf32, #tpu.memory_space<hbm>>, %arg3: memref<64x44x128xi32, #tpu.memory_space<hbm>>, %arg4: memref<64x44x128xi32, #tpu.memory_space<hbm>>, %arg5: memref<40960x128xf32, #tpu.memory_space<hbm>>, %arg6: memref<44x128xi32, #tpu.memory_space<vmem>>, %arg7: memref<44x128xi32, #tpu.memory_space<vmem>>, %arg8: memref<128x128xf32, #tpu.memory_space<vmem>>, %arg9: memref<128x128xf32, #tpu.memory_space<vmem>>, %arg10: memref<10240x128xf32, #tpu.memory_space<vmem_shared>>, %arg11: memref<!tpu.dma_semaphore, #tpu.memory_space<semaphore_mem>>, %arg12: memref<!tpu.dma_semaphore, #tpu.memory_space<semaphore_mem>>, %arg13: memref<!tpu.dma_semaphore, #tpu.memory_space<semaphore_mem>>, %arg14: memref<!tpu.dma_semaphore, #tpu.memory_space<semaphore_mem>>) attributes {dimension_semantics = [#tpu.dimension_semantics<core_parallel>, #tpu.dimension_semantics<subcore_parallel>], iteration_bounds = array<i64: 2, 16>, scalar_prefetch = 0 : i64, scratch_operands = 9 : i64, tpu.core_type = #tpu.core_type<sc_vector_subcore>, window_params = [{transform_indices = #map}, {transform_indices = #map1}, {transform_indices = #map1}, {transform_indices = #map}]} {
    %broadcast_in_dim3A = arith.constant 0.000000e+00 : f32
    %broadcast_in_dim3A_0 = vector.broadcast %broadcast_in_dim3A : f32 to vector<16xf32>
    %eq3A = arith.constant 0 : i32
    %eq3A_1 = arith.cmpi eq, %arg0, %eq3A : i32
    %convert_element_type3A = arith.extui %eq3A_1 : i1 to i32
    %cond3A = arith.constant 0 : i32
    %cond3A_2 = arith.cmpi ne, %convert_element_type3A, %cond3A : i32
    scf.if %cond3A_2 {
      %scan3A = arith.constant 0 : i32
      %scan3A_18 = arith.constant 0 : i32
      %scan3A_19 = arith.constant 128 : i32
      %scan3A_20 = arith.addi %scan3A_18, %scan3A_19 : i32
      %scan3A_21 = arith.constant 1 : i32
      %scan3A_22 = scf.for %scan3A_48 = %scan3A_18 to %scan3A_20 step %scan3A_21 iter_args(%scan3A_49 = %scan3A) -> (i32)  : i32 {
        %swap3A = arith.index_cast %scan3A_48 : i32 to index
        %swap3A_50 = arith.constant 0 : index
        %swap3A_51 = tpu.vector_load %arg8[%swap3A, %swap3A_50] {strides = array<i32>} : memref<128x128xf32, #tpu.memory_space<vmem>>, vector<1x16xf32>,
        %swap3A_52 = vector.shape_cast %swap3A_51 : vector<1x16xf32> to vector<16xf32>
        %swap3A_53 = vector.shape_cast %broadcast_in_dim3A_0 : vector<16xf32> to vector<1x16xf32>
        tpu.vector_store %arg8[%swap3A, %swap3A_50], %swap3A_53 {strides = array<i32>} : memref<128x128xf32, #tpu.memory_space<vmem>>, vector<1x16xf32>,
        %swap3A_54 = arith.index_cast %scan3A_48 : i32 to index
        %swap3A_55 = arith.constant 16 : index
        %swap3A_56 = tpu.vector_load %arg8[%swap3A_54, %swap3A_55] {strides = array<i32>} : memref<128x128xf32, #tpu.memory_space<vmem>>, vector<1x16xf32>,
        %swap3A_57 = vector.shape_cast %swap3A_56 : vector<1x16xf32> to vector<16xf32>
        %swap3A_58 = vector.shape_cast %broadcast_in_dim3A_0 : vector<16xf32> to vector<1x16xf32>
        tpu.vector_store %arg8[%swap3A_54, %swap3A_55], %swap3A_58 {strides = array<i32>} : memref<128x128xf32, #tpu.memory_space<vmem>>, vector<1x16xf32>,
        %swap3A_59 = arith.index_cast %scan3A_48 : i32 to index
        %swap3A_60 = arith.constant 32 : index
        %swap3A_61 = tpu.vector_load %arg8[%swap3A_59, %swap3A_60] {strides = array<i32>} : memref<128x128xf32, #tpu.memory_space<vmem>>, vector<1x16xf32>,
        %swap3A_62 = vector.shape_cast %swap3A_61 : vector<1x16xf32> to vector<16xf32>
        %swap3A_63 = vector.shape_cast %broadcast_in_dim3A_0 : vector<16xf32> to vector<1x16xf32>
        tpu.vector_store %arg8[%swap3A_59, %swap3A_60], %swap3A_63 {strides = array<i32>} : memref<128x128xf32, #tpu.memory_space<vmem>>, vector<1x16xf32>,
        %swap3A_64 = arith.index_cast %scan3A_48 : i32 to index
        %swap3A_65 = arith.constant 48 : index
        %swap3A_66 = tpu.vector_load %arg8[%swap3A_64, %swap3A_65] {strides = array<i32>} : memref<128x128xf32, #tpu.memory_space<vmem>>, vector<1x16xf32>,
        %swap3A_67 = vector.shape_cast %swap3A_66 : vector<1x16xf32> to vector<16xf32>
        %swap3A_68 = vector.shape_cast %broadcast_in_dim3A_0 : vector<16xf32> to vector<1x16xf32>
        tpu.vector_store %arg8[%swap3A_64, %swap3A_65], %swap3A_68 {strides = array<i32>} : memref<128x128xf32, #tpu.memory_space<vmem>>, vector<1x16xf32>,
        %swap3A_69 = arith.index_cast %scan3A_48 : i32 to index
        %swap3A_70 = arith.constant 64 : index
        %swap3A_71 = tpu.vector_load %arg8[%swap3A_69, %swap3A_70] {strides = array<i32>} : memref<128x128xf32, #tpu.memory_space<vmem>>, vector<1x16xf32>,
        %swap3A_72 = vector.shape_cast %swap3A_71 : vector<1x16xf32> to vector<16xf32>
        %swap3A_73 = vector.shape_cast %broadcast_in_dim3A_0 : vector<16xf32> to vector<1x16xf32>
        tpu.vector_store %arg8[%swap3A_69, %swap3A_70], %swap3A_73 {strides = array<i32>} : memref<128x128xf32, #tpu.memory_space<vmem>>, vector<1x16xf32>,
        %swap3A_74 = arith.index_cast %scan3A_48 : i32 to index
        %swap3A_75 = arith.constant 80 : index
        %swap3A_76 = tpu.vector_load %arg8[%swap3A_74, %swap3A_75] {strides = array<i32>} : memref<128x128xf32, #tpu.memory_space<vmem>>, vector<1x16xf32>,
        %swap3A_77 = vector.shape_cast %swap3A_76 : vector<1x16xf32> to vector<16xf32>
        %swap3A_78 = vector.shape_cast %broadcast_in_dim3A_0 : vector<16xf32> to vector<1x16xf32>
        tpu.vector_store %arg8[%swap3A_74, %swap3A_75], %swap3A_78 {strides = array<i32>} : memref<128x128xf32, #tpu.memory_space<vmem>>, vector<1x16xf32>,
        %swap3A_79 = arith.index_cast %scan3A_48 : i32 to index
        %swap3A_80 = arith.constant 96 : index
        %swap3A_81 = tpu.vector_load %arg8[%swap3A_79, %swap3A_80] {strides = array<i32>} : memref<128x128xf32, #tpu.memory_space<vmem>>, vector<1x16xf32>,
        %swap3A_82 = vector.shape_cast %swap3A_81 : vector<1x16xf32> to vector<16xf32>
        %swap3A_83 = vector.shape_cast %broadcast_in_dim3A_0 : vector<16xf32> to vector<1x16xf32>
        tpu.vector_store %arg8[%swap3A_79, %swap3A_80], %swap3A_83 {strides = array<i32>} : memref<128x128xf32, #tpu.memory_space<vmem>>, vector<1x16xf32>,
        %swap3A_84 = arith.index_cast %scan3A_48 : i32 to index
        %swap3A_85 = arith.constant 112 : index
        %swap3A_86 = tpu.vector_load %arg8[%swap3A_84, %swap3A_85] {strides = array<i32>} : memref<128x128xf32, #tpu.memory_space<vmem>>, vector<1x16xf32>,
        %swap3A_87 = vector.shape_cast %swap3A_86 : vector<1x16xf32> to vector<16xf32>
        %swap3A_88 = vector.shape_cast %broadcast_in_dim3A_0 : vector<16xf32> to vector<1x16xf32>
        tpu.vector_store %arg8[%swap3A_84, %swap3A_85], %swap3A_88 {strides = array<i32>} : memref<128x128xf32, #tpu.memory_space<vmem>>, vector<1x16xf32>,
        %scan3A_89 = arith.constant 0 : i32
        scf.yield %scan3A_89 : i32
      }
      %scan3A_23 = arith.constant 128 : i32
      %scan3A_24 = arith.constant 0 : i32
      %scan3A_25 = arith.constant 0 : i32
      %scan3A_26 = arith.constant 5 : i32
      %scan3A_27 = arith.addi %scan3A_25, %scan3A_26 : i32
      %scan3A_28 = arith.constant 1 : i32
      %scan3A_29 = scf.for %scan3A_48 = %scan3A_25 to %scan3A_27 step %scan3A_28 iter_args(%scan3A_49 = %scan3A_24) -> (i32)  : i32 {
        %mul3A_50 = arith.constant 640 : i32
        %mul3A_51 = arith.muli %arg1, %mul3A_50 : i32
        %mul3A_52 = arith.constant 128 : i32
        %mul3A_53 = arith.muli %scan3A_48, %mul3A_52 : i32
        %add3A_54 = arith.addi %mul3A_51, %mul3A_53 : i32
        "tpu.region"() ({
          %run_scoped3A = tpu.sem_alloc : memref<!tpu.dma_semaphore, #tpu.memory_space<semaphore_mem>>
          %dma_start3A = arith.constant 0 : i32
          %dma_start3A_56 = tpu.memref_slice %arg10[%add3A_54, %dma_start3A] : memref<10240x128xf32, #tpu.memory_space<vmem_shared>> -> memref<128x128xf32, #tpu.memory_space<vmem_shared>>
          %dma_start3A_57 = arith.constant 0 : i32
          %dma_start3A_58 = tpu.memref_slice %arg10[%add3A_54, %dma_start3A_57] : memref<10240x128xf32, #tpu.memory_space<vmem_shared>> -> memref<128x128xf32, #tpu.memory_space<vmem_shared>>
          tpu.enqueue_dma source(%arg8 : memref<128x128xf32, #tpu.memory_space<vmem>>) target(%dma_start3A_58 : memref<128x128xf32, #tpu.memory_space<vmem_shared>>) target_semaphore(%run_scoped3A : memref<!tpu.dma_semaphore, #tpu.memory_space<semaphore_mem>>)
          %dma_wait3A = arith.constant 0 : i32
          %dma_wait3A_59 = tpu.memref_slice %arg10[%add3A_54, %dma_wait3A] : memref<10240x128xf32, #tpu.memory_space<vmem_shared>> -> memref<128x128xf32, #tpu.memory_space<vmem_shared>>
          %dma_wait3A_60 = arith.constant 0 : i32
          %dma_wait3A_61 = tpu.memref_slice %arg10[%add3A_54, %dma_wait3A_60] : memref<10240x128xf32, #tpu.memory_space<vmem_shared>> -> memref<128x128xf32, #tpu.memory_space<vmem_shared>>
          tpu.wait_dma2 semaphore(%run_scoped3A : memref<!tpu.dma_semaphore, #tpu.memory_space<semaphore_mem>>) src(%arg8 : memref<128x128xf32, #tpu.memory_space<vmem>>) dst(%dma_wait3A_61 : memref<128x128xf32, #tpu.memory_space<vmem_shared>>)
          tpu.yield
        }) : () -> ()
        %scan3A_55 = arith.constant 0 : i32
        scf.yield %scan3A_55 : i32
      }
      %scan3A_30 = arith.constant 5 : i32
      %add3A = arith.constant 0 : i32
      %add3A_31 = arith.addi %add3A, %arg1 : i32
      "tpu.region"() ({
        %run_scoped3A = tpu.sem_alloc : memref<!tpu.dma_semaphore, #tpu.memory_space<semaphore_mem>>
        %dma_start3A = arith.constant 0 : i32
        %dma_start3A_48 = arith.constant 0 : i32
        %dma_start3A_49 = tpu.memref_slice %arg3[%add3A_31, %dma_start3A, %dma_start3A_48] : memref<64x44x128xi32, #tpu.memory_space<hbm>> -> memref<1x44x128xi32, #tpu.memory_space<hbm>>
        %dma_start3A_50 = tpu.memref_squeeze %dma_start3A_49 : memref<1x44x128xi32, #tpu.memory_space<hbm>> -> memref<44x128xi32, #tpu.memory_space<hbm>>
        %dma_start3A_51 = arith.constant 0 : i32
        %dma_start3A_52 = arith.constant 0 : i32
        %dma_start3A_53 = tpu.memref_slice %arg3[%add3A_31, %dma_start3A_51, %dma_start3A_52] : memref<64x44x128xi32, #tpu.memory_space<hbm>> -> memref<1x44x128xi32, #tpu.memory_space<hbm>>
        %dma_start3A_54 = tpu.memref_squeeze %dma_start3A_53 : memref<1x44x128xi32, #tpu.memory_space<hbm>> -> memref<44x128xi32, #tpu.memory_space<hbm>>
        tpu.enqueue_dma source(%dma_start3A_54 : memref<44x128xi32, #tpu.memory_space<hbm>>) target(%arg6 : memref<44x128xi32, #tpu.memory_space<vmem>>) target_semaphore(%run_scoped3A : memref<!tpu.dma_semaphore, #tpu.memory_space<semaphore_mem>>)
        %dma_wait3A = arith.constant 0 : i32
        %dma_wait3A_55 = arith.constant 0 : i32
        %dma_wait3A_56 = tpu.memref_slice %arg3[%add3A_31, %dma_wait3A, %dma_wait3A_55] : memref<64x44x128xi32, #tpu.memory_space<hbm>> -> memref<1x44x128xi32, #tpu.memory_space<hbm>>
        %dma_wait3A_57 = tpu.memref_squeeze %dma_wait3A_56 : memref<1x44x128xi32, #tpu.memory_space<hbm>> -> memref<44x128xi32, #tpu.memory_space<hbm>>
        %dma_wait3A_58 = arith.constant 0 : i32
        %dma_wait3A_59 = arith.constant 0 : i32
        %dma_wait3A_60 = tpu.memref_slice %arg3[%add3A_31, %dma_wait3A_58, %dma_wait3A_59] : memref<64x44x128xi32, #tpu.memory_space<hbm>> -> memref<1x44x128xi32, #tpu.memory_space<hbm>>
        %dma_wait3A_61 = tpu.memref_squeeze %dma_wait3A_60 : memref<1x44x128xi32, #tpu.memory_space<hbm>> -> memref<44x128xi32, #tpu.memory_space<hbm>>
        tpu.wait_dma2 semaphore(%run_scoped3A : memref<!tpu.dma_semaphore, #tpu.memory_space<semaphore_mem>>) src(%dma_wait3A_61 : memref<44x128xi32, #tpu.memory_space<hbm>>) dst(%arg6 : memref<44x128xi32, #tpu.memory_space<vmem>>)
        tpu.yield
      }) : () -> ()
      %add3A_32 = arith.constant 0 : i32
      %add3A_33 = arith.addi %add3A_32, %arg1 : i32
      "tpu.region"() ({
        %run_scoped3A = tpu.sem_alloc : memref<!tpu.dma_semaphore, #tpu.memory_space<semaphore_mem>>
        %dma_start3A = arith.constant 0 : i32
        %dma_start3A_48 = arith.constant 0 : i32
        %dma_start3A_49 = tpu.memref_slice %arg4[%add3A_33, %dma_start3A, %dma_start3A_48] : memref<64x44x128xi32, #tpu.memory_space<hbm>> -> memref<1x44x128xi32, #tpu.memory_space<hbm>>
        %dma_start3A_50 = tpu.memref_squeeze %dma_start3A_49 : memref<1x44x128xi32, #tpu.memory_space<hbm>> -> memref<44x128xi32, #tpu.memory_space<hbm>>
        %dma_start3A_51 = arith.constant 0 : i32
        %dma_start3A_52 = arith.constant 0 : i32
        %dma_start3A_53 = tpu.memref_slice %arg4[%add3A_33, %dma_start3A_51, %dma_start3A_52] : memref<64x44x128xi32, #tpu.memory_space<hbm>> -> memref<1x44x128xi32, #tpu.memory_space<hbm>>
        %dma_start3A_54 = tpu.memref_squeeze %dma_start3A_53 : memref<1x44x128xi32, #tpu.memory_space<hbm>> -> memref<44x128xi32, #tpu.memory_space<hbm>>
        tpu.enqueue_dma source(%dma_start3A_54 : memref<44x128xi32, #tpu.memory_space<hbm>>) target(%arg7 : memref<44x128xi32, #tpu.memory_space<vmem>>) target_semaphore(%run_scoped3A : memref<!tpu.dma_semaphore, #tpu.memory_space<semaphore_mem>>)
        %dma_wait3A = arith.constant 0 : i32
        %dma_wait3A_55 = arith.constant 0 : i32
        %dma_wait3A_56 = tpu.memref_slice %arg4[%add3A_33, %dma_wait3A, %dma_wait3A_55] : memref<64x44x128xi32, #tpu.memory_space<hbm>> -> memref<1x44x128xi32, #tpu.memory_space<hbm>>
        %dma_wait3A_57 = tpu.memref_squeeze %dma_wait3A_56 : memref<1x44x128xi32, #tpu.memory_space<hbm>> -> memref<44x128xi32, #tpu.memory_space<hbm>>
        %dma_wait3A_58 = arith.constant 0 : i32
        %dma_wait3A_59 = arith.constant 0 : i32
        %dma_wait3A_60 = tpu.memref_slice %arg4[%add3A_33, %dma_wait3A_58, %dma_wait3A_59] : memref<64x44x128xi32, #tpu.memory_space<hbm>> -> memref<1x44x128xi32, #tpu.memory_space<hbm>>
        %dma_wait3A_61 = tpu.memref_squeeze %dma_wait3A_60 : memref<1x44x128xi32, #tpu.memory_space<hbm>> -> memref<44x128xi32, #tpu.memory_space<hbm>>
        tpu.wait_dma2 semaphore(%run_scoped3A : memref<!tpu.dma_semaphore, #tpu.memory_space<semaphore_mem>>) src(%dma_wait3A_61 : memref<44x128xi32, #tpu.memory_space<hbm>>) dst(%arg7 : memref<44x128xi32, #tpu.memory_space<vmem>>)
        tpu.yield
      }) : () -> ()
      %barrier3A = arith.constant 0 : index
      tpu.barrier barrier_id(%barrier3A)
      %scan3A_34 = arith.constant 0 : i32
      %scan3A_35 = arith.constant 0 : i32
      %scan3A_36 = arith.constant 22 : i32
      %scan3A_37 = arith.addi %scan3A_35, %scan3A_36 : i32
      %scan3A_38 = arith.constant 1 : i32
      %scan3A_39 = scf.for %scan3A_48 = %scan3A_35 to %scan3A_37 step %scan3A_38 iter_args(%scan3A_49 = %scan3A_34) -> (i32)  : i32 {
        %mul3A_50 = arith.constant 2 : i32
        %mul3A_51 = arith.muli %mul3A_50, %scan3A_48 : i32
        %mul3A_52 = arith.constant 2 : i32
        %mul3A_53 = arith.muli %mul3A_52, %scan3A_48 : i32
        %add3A_54 = arith.constant 1 : i32
        %add3A_55 = arith.addi %mul3A_53, %add3A_54 : i32
        %dma_start3A = arith.constant 0 : i32
        %dma_start3A_56 = tpu.memref_slice %arg6[%mul3A_51, %dma_start3A] : memref<44x128xi32, #tpu.memory_space<vmem>> -> memref<1x128xi32, #tpu.memory_space<vmem>>
        %dma_start3A_57 = tpu.memref_squeeze %dma_start3A_56 : memref<1x128xi32, #tpu.memory_space<vmem>> -> memref<128xi32, #tpu.memory_space<vmem>>
        %dma_start3A_58 = arith.constant 0 : i32
        %dma_start3A_59 = arith.constant 0 : i32
        %dma_start3A_60 = tpu.memref_slice %arg2[%dma_start3A_58, %dma_start3A_59] : memref<40000x128xf32, #tpu.memory_space<hbm>> -> memref<40000x128xf32, #tpu.memory_space<hbm>>
        tpu.enqueue_indirect_dma source(%dma_start3A_60 : memref<40000x128xf32, #tpu.memory_space<hbm>>) target(%arg8 : memref<128x128xf32, #tpu.memory_space<vmem>>) offsets(%dma_start3A_57 : memref<128xi32, #tpu.memory_space<vmem>>) semaphore(%arg11 : memref<!tpu.dma_semaphore, #tpu.memory_space<semaphore_mem>>)
        %dma_start3A_61 = arith.constant 0 : i32
        %dma_start3A_62 = tpu.memref_slice %arg6[%add3A_55, %dma_start3A_61] : memref<44x128xi32, #tpu.memory_space<vmem>> -> memref<1x128xi32, #tpu.memory_space<vmem>>
        %dma_start3A_63 = tpu.memref_squeeze %dma_start3A_62 : memref<1x128xi32, #tpu.memory_space<vmem>> -> memref<128xi32, #tpu.memory_space<vmem>>
        %dma_start3A_64 = arith.constant 0 : i32
        %dma_start3A_65 = arith.constant 0 : i32
        %dma_start3A_66 = tpu.memref_slice %arg2[%dma_start3A_64, %dma_start3A_65] : memref<40000x128xf32, #tpu.memory_space<hbm>> -> memref<40000x128xf32, #tpu.memory_space<hbm>>
        tpu.enqueue_indirect_dma source(%dma_start3A_66 : memref<40000x128xf32, #tpu.memory_space<hbm>>) target(%arg9 : memref<128x128xf32, #tpu.memory_space<vmem>>) offsets(%dma_start3A_63 : memref<128xi32, #tpu.memory_space<vmem>>) semaphore(%arg12 : memref<!tpu.dma_semaphore, #tpu.memory_space<semaphore_mem>>)
        %dma_wait3A = arith.constant 0 : i32
        %dma_wait3A_67 = tpu.memref_slice %arg6[%mul3A_51, %dma_wait3A] : memref<44x128xi32, #tpu.memory_space<vmem>> -> memref<1x128xi32, #tpu.memory_space<vmem>>
        %dma_wait3A_68 = tpu.memref_squeeze %dma_wait3A_67 : memref<1x128xi32, #tpu.memory_space<vmem>> -> memref<128xi32, #tpu.memory_space<vmem>>
        %dma_wait3A_69 = arith.constant 0 : i32
        %dma_wait3A_70 = arith.constant 0 : i32
        %dma_wait3A_71 = tpu.memref_slice %arg2[%dma_wait3A_69, %dma_wait3A_70] : memref<40000x128xf32, #tpu.memory_space<hbm>> -> memref<40000x128xf32, #tpu.memory_space<hbm>>
        tpu.wait_indirect_dma semaphore(%arg11 : memref<!tpu.dma_semaphore, #tpu.memory_space<semaphore_mem>>) src(%dma_wait3A_71 : memref<40000x128xf32, #tpu.memory_space<hbm>>) dst(%arg8 : memref<128x128xf32, #tpu.memory_space<vmem>>)
        %dma_start3A_72 = arith.constant 0 : i32
        %dma_start3A_73 = tpu.memref_slice %arg7[%mul3A_51, %dma_start3A_72] : memref<44x128xi32, #tpu.memory_space<vmem>> -> memref<1x128xi32, #tpu.memory_space<vmem>>
        %dma_start3A_74 = tpu.memref_squeeze %dma_start3A_73 : memref<1x128xi32, #tpu.memory_space<vmem>> -> memref<128xi32, #tpu.memory_space<vmem>>
        %dma_start3A_75 = arith.constant 0 : i32
        %dma_start3A_76 = arith.constant 0 : i32
        %dma_start3A_77 = tpu.memref_slice %arg10[%dma_start3A_75, %dma_start3A_76] : memref<10240x128xf32, #tpu.memory_space<vmem_shared>> -> memref<10240x128xf32, #tpu.memory_space<vmem_shared>>
        tpu.enqueue_indirect_dma source(%arg8 : memref<128x128xf32, #tpu.memory_space<vmem>>) target(%dma_start3A_77 : memref<10240x128xf32, #tpu.memory_space<vmem_shared>>) offsets(%dma_start3A_74 : memref<128xi32, #tpu.memory_space<vmem>>) semaphore(%arg13 : memref<!tpu.dma_semaphore, #tpu.memory_space<semaphore_mem>>) {add = true}
        %dma_wait3A_78 = arith.constant 0 : i32
        %dma_wait3A_79 = tpu.memref_slice %arg6[%add3A_55, %dma_wait3A_78] : memref<44x128xi32, #tpu.memory_space<vmem>> -> memref<1x128xi32, #tpu.memory_space<vmem>>
        %dma_wait3A_80 = tpu.memref_squeeze %dma_wait3A_79 : memref<1x128xi32, #tpu.memory_space<vmem>> -> memref<128xi32, #tpu.memory_space<vmem>>
        %dma_wait3A_81 = arith.constant 0 : i32
        %dma_wait3A_82 = arith.constant 0 : i32
        %dma_wait3A_83 = tpu.memref_slice %arg2[%dma_wait3A_81, %dma_wait3A_82] : memref<40000x128xf32, #tpu.memory_space<hbm>> -> memref<40000x128xf32, #tpu.memory_space<hbm>>
        tpu.wait_indirect_dma semaphore(%arg12 : memref<!tpu.dma_semaphore, #tpu.memory_space<semaphore_mem>>) src(%dma_wait3A_83 : memref<40000x128xf32, #tpu.memory_space<hbm>>) dst(%arg9 : memref<128x128xf32, #tpu.memory_space<vmem>>)
        %dma_start3A_84 = arith.constant 0 : i32
        %dma_start3A_85 = tpu.memref_slice %arg7[%add3A_55, %dma_start3A_84] : memref<44x128xi32, #tpu.memory_space<vmem>> -> memref<1x128xi32, #tpu.memory_space<vmem>>
        %dma_start3A_86 = tpu.memref_squeeze %dma_start3A_85 : memref<1x128xi32, #tpu.memory_space<vmem>> -> memref<128xi32, #tpu.memory_space<vmem>>
        %dma_start3A_87 = arith.constant 0 : i32
        %dma_start3A_88 = arith.constant 0 : i32
        %dma_start3A_89 = tpu.memref_slice %arg10[%dma_start3A_87, %dma_start3A_88] : memref<10240x128xf32, #tpu.memory_space<vmem_shared>> -> memref<10240x128xf32, #tpu.memory_space<vmem_shared>>
        tpu.enqueue_indirect_dma source(%arg9 : memref<128x128xf32, #tpu.memory_space<vmem>>) target(%dma_start3A_89 : memref<10240x128xf32, #tpu.memory_space<vmem_shared>>) offsets(%dma_start3A_86 : memref<128xi32, #tpu.memory_space<vmem>>) semaphore(%arg14 : memref<!tpu.dma_semaphore, #tpu.memory_space<semaphore_mem>>) {add = true}
        %dma_wait3A_90 = arith.constant 0 : i32
        %dma_wait3A_91 = tpu.memref_slice %arg7[%mul3A_51, %dma_wait3A_90] : memref<44x128xi32, #tpu.memory_space<vmem>> -> memref<1x128xi32, #tpu.memory_space<vmem>>
        %dma_wait3A_92 = tpu.memref_squeeze %dma_wait3A_91 : memref<1x128xi32, #tpu.memory_space<vmem>> -> memref<128xi32, #tpu.memory_space<vmem>>
        %dma_wait3A_93 = arith.constant 0 : i32
        %dma_wait3A_94 = arith.constant 0 : i32
        %dma_wait3A_95 = tpu.memref_slice %arg10[%dma_wait3A_93, %dma_wait3A_94] : memref<10240x128xf32, #tpu.memory_space<vmem_shared>> -> memref<10240x128xf32, #tpu.memory_space<vmem_shared>>
        tpu.wait_indirect_dma semaphore(%arg13 : memref<!tpu.dma_semaphore, #tpu.memory_space<semaphore_mem>>) src(%arg8 : memref<128x128xf32, #tpu.memory_space<vmem>>) dst(%dma_wait3A_95 : memref<10240x128xf32, #tpu.memory_space<vmem_shared>>)
        %dma_wait3A_96 = arith.constant 0 : i32
        %dma_wait3A_97 = tpu.memref_slice %arg7[%add3A_55, %dma_wait3A_96] : memref<44x128xi32, #tpu.memory_space<vmem>> -> memref<1x128xi32, #tpu.memory_space<vmem>>
        %dma_wait3A_98 = tpu.memref_squeeze %dma_wait3A_97 : memref<1x128xi32, #tpu.memory_space<vmem>> -> memref<128xi32, #tpu.memory_space<vmem>>
        %dma_wait3A_99 = arith.constant 0 : i32
        %dma_wait3A_100 = arith.constant 0 : i32
        %dma_wait3A_101 = tpu.memref_slice %arg10[%dma_wait3A_99, %dma_wait3A_100] : memref<10240x128xf32, #tpu.memory_space<vmem_shared>> -> memref<10240x128xf32, #tpu.memory_space<vmem_shared>>
        tpu.wait_indirect_dma semaphore(%arg14 : memref<!tpu.dma_semaphore, #tpu.memory_space<semaphore_mem>>) src(%arg9 : memref<128x128xf32, #tpu.memory_space<vmem>>) dst(%dma_wait3A_101 : memref<10240x128xf32, #tpu.memory_space<vmem_shared>>)
        %scan3A_102 = arith.constant 0 : i32
        scf.yield %scan3A_102 : i32
      }
      %scan3A_40 = arith.constant 22 : i32
      %barrier3A_41 = arith.constant 0 : index
      tpu.barrier barrier_id(%barrier3A_41)
      %mul3A = arith.constant 640 : i32
      %mul3A_42 = arith.muli %arg1, %mul3A : i32
      %mul3A_43 = arith.constant 640 : i32
      %mul3A_44 = arith.muli %arg1, %mul3A_43 : i32
      %add3A_45 = arith.constant 0 : i32
      %add3A_46 = arith.addi %add3A_45, %mul3A_44 : i32
      "tpu.region"() ({
        %run_scoped3A = tpu.sem_alloc : memref<!tpu.dma_semaphore, #tpu.memory_space<semaphore_mem>>
        %dma_start3A = arith.constant 0 : i32
        %dma_start3A_48 = tpu.memref_slice %arg5[%add3A_46, %dma_start3A] : memref<40960x128xf32, #tpu.memory_space<hbm>> -> memref<640x128xf32, #tpu.memory_space<hbm>>
        %dma_start3A_49 = arith.constant 0 : i32
        %dma_start3A_50 = tpu.memref_slice %arg10[%mul3A_42, %dma_start3A_49] : memref<10240x128xf32, #tpu.memory_space<vmem_shared>> -> memref<640x128xf32, #tpu.memory_space<vmem_shared>>
        tpu.enqueue_dma source(%dma_start3A_50 : memref<640x128xf32, #tpu.memory_space<vmem_shared>>) target(%dma_start3A_48 : memref<640x128xf32, #tpu.memory_space<hbm>>) target_semaphore(%run_scoped3A : memref<!tpu.dma_semaphore, #tpu.memory_space<semaphore_mem>>)
        %dma_wait3A = arith.constant 0 : i32
        %dma_wait3A_51 = tpu.memref_slice %arg5[%add3A_46, %dma_wait3A] : memref<40960x128xf32, #tpu.memory_space<hbm>> -> memref<640x128xf32, #tpu.memory_space<hbm>>
        %dma_wait3A_52 = arith.constant 0 : i32
        %dma_wait3A_53 = tpu.memref_slice %arg10[%mul3A_42, %dma_wait3A_52] : memref<10240x128xf32, #tpu.memory_space<vmem_shared>> -> memref<640x128xf32, #tpu.memory_space<vmem_shared>>
        tpu.wait_dma2 semaphore(%run_scoped3A : memref<!tpu.dma_semaphore, #tpu.memory_space<semaphore_mem>>) src(%dma_wait3A_53 : memref<640x128xf32, #tpu.memory_space<vmem_shared>>) dst(%dma_wait3A_51 : memref<640x128xf32, #tpu.memory_space<hbm>>)
        tpu.yield
      }) : () -> ()
      %barrier3A_47 = arith.constant 0 : index
      tpu.barrier barrier_id(%barrier3A_47)
    } else {
    }
    %eq3A_3 = arith.constant 1 : i32
    %eq3A_4 = arith.cmpi eq, %arg0, %eq3A_3 : i32
    %convert_element_type3A_5 = arith.extui %eq3A_4 : i1 to i32
    %cond3A_6 = arith.constant 0 : i32
    %cond3A_7 = arith.cmpi ne, %convert_element_type3A_5, %cond3A_6 : i32
    scf.if %cond3A_7 {
      %scan3A = arith.constant 0 : i32
      %scan3A_18 = arith.constant 0 : i32
      %scan3A_19 = arith.constant 128 : i32
      %scan3A_20 = arith.addi %scan3A_18, %scan3A_19 : i32
      %scan3A_21 = arith.constant 1 : i32
      %scan3A_22 = scf.for %scan3A_48 = %scan3A_18 to %scan3A_20 step %scan3A_21 iter_args(%scan3A_49 = %scan3A) -> (i32)  : i32 {
        %swap3A = arith.index_cast %scan3A_48 : i32 to index
        %swap3A_50 = arith.constant 0 : index
        %swap3A_51 = tpu.vector_load %arg8[%swap3A, %swap3A_50] {strides = array<i32>} : memref<128x128xf32, #tpu.memory_space<vmem>>, vector<1x16xf32>,
        %swap3A_52 = vector.shape_cast %swap3A_51 : vector<1x16xf32> to vector<16xf32>
        %swap3A_53 = vector.shape_cast %broadcast_in_dim3A_0 : vector<16xf32> to vector<1x16xf32>
        tpu.vector_store %arg8[%swap3A, %swap3A_50], %swap3A_53 {strides = array<i32>} : memref<128x128xf32, #tpu.memory_space<vmem>>, vector<1x16xf32>,
        %swap3A_54 = arith.index_cast %scan3A_48 : i32 to index
        %swap3A_55 = arith.constant 16 : index
        %swap3A_56 = tpu.vector_load %arg8[%swap3A_54, %swap3A_55] {strides = array<i32>} : memref<128x128xf32, #tpu.memory_space<vmem>>, vector<1x16xf32>,
        %swap3A_57 = vector.shape_cast %swap3A_56 : vector<1x16xf32> to vector<16xf32>
        %swap3A_58 = vector.shape_cast %broadcast_in_dim3A_0 : vector<16xf32> to vector<1x16xf32>
        tpu.vector_store %arg8[%swap3A_54, %swap3A_55], %swap3A_58 {strides = array<i32>} : memref<128x128xf32, #tpu.memory_space<vmem>>, vector<1x16xf32>,
        %swap3A_59 = arith.index_cast %scan3A_48 : i32 to index
        %swap3A_60 = arith.constant 32 : index
        %swap3A_61 = tpu.vector_load %arg8[%swap3A_59, %swap3A_60] {strides = array<i32>} : memref<128x128xf32, #tpu.memory_space<vmem>>, vector<1x16xf32>,
        %swap3A_62 = vector.shape_cast %swap3A_61 : vector<1x16xf32> to vector<16xf32>
        %swap3A_63 = vector.shape_cast %broadcast_in_dim3A_0 : vector<16xf32> to vector<1x16xf32>
        tpu.vector_store %arg8[%swap3A_59, %swap3A_60], %swap3A_63 {strides = array<i32>} : memref<128x128xf32, #tpu.memory_space<vmem>>, vector<1x16xf32>,
        %swap3A_64 = arith.index_cast %scan3A_48 : i32 to index
        %swap3A_65 = arith.constant 48 : index
        %swap3A_66 = tpu.vector_load %arg8[%swap3A_64, %swap3A_65] {strides = array<i32>} : memref<128x128xf32, #tpu.memory_space<vmem>>, vector<1x16xf32>,
        %swap3A_67 = vector.shape_cast %swap3A_66 : vector<1x16xf32> to vector<16xf32>
        %swap3A_68 = vector.shape_cast %broadcast_in_dim3A_0 : vector<16xf32> to vector<1x16xf32>
        tpu.vector_store %arg8[%swap3A_64, %swap3A_65], %swap3A_68 {strides = array<i32>} : memref<128x128xf32, #tpu.memory_space<vmem>>, vector<1x16xf32>,
        %swap3A_69 = arith.index_cast %scan3A_48 : i32 to index
        %swap3A_70 = arith.constant 64 : index
        %swap3A_71 = tpu.vector_load %arg8[%swap3A_69, %swap3A_70] {strides = array<i32>} : memref<128x128xf32, #tpu.memory_space<vmem>>, vector<1x16xf32>,
        %swap3A_72 = vector.shape_cast %swap3A_71 : vector<1x16xf32> to vector<16xf32>
        %swap3A_73 = vector.shape_cast %broadcast_in_dim3A_0 : vector<16xf32> to vector<1x16xf32>
        tpu.vector_store %arg8[%swap3A_69, %swap3A_70], %swap3A_73 {strides = array<i32>} : memref<128x128xf32, #tpu.memory_space<vmem>>, vector<1x16xf32>,
        %swap3A_74 = arith.index_cast %scan3A_48 : i32 to index
        %swap3A_75 = arith.constant 80 : index
        %swap3A_76 = tpu.vector_load %arg8[%swap3A_74, %swap3A_75] {strides = array<i32>} : memref<128x128xf32, #tpu.memory_space<vmem>>, vector<1x16xf32>,
        %swap3A_77 = vector.shape_cast %swap3A_76 : vector<1x16xf32> to vector<16xf32>
        %swap3A_78 = vector.shape_cast %broadcast_in_dim3A_0 : vector<16xf32> to vector<1x16xf32>
        tpu.vector_store %arg8[%swap3A_74, %swap3A_75], %swap3A_78 {strides = array<i32>} : memref<128x128xf32, #tpu.memory_space<vmem>>, vector<1x16xf32>,
        %swap3A_79 = arith.index_cast %scan3A_48 : i32 to index
        %swap3A_80 = arith.constant 96 : index
        %swap3A_81 = tpu.vector_load %arg8[%swap3A_79, %swap3A_80] {strides = array<i32>} : memref<128x128xf32, #tpu.memory_space<vmem>>, vector<1x16xf32>,
        %swap3A_82 = vector.shape_cast %swap3A_81 : vector<1x16xf32> to vector<16xf32>
        %swap3A_83 = vector.shape_cast %broadcast_in_dim3A_0 : vector<16xf32> to vector<1x16xf32>
        tpu.vector_store %arg8[%swap3A_79, %swap3A_80], %swap3A_83 {strides = array<i32>} : memref<128x128xf32, #tpu.memory_space<vmem>>, vector<1x16xf32>,
        %swap3A_84 = arith.index_cast %scan3A_48 : i32 to index
        %swap3A_85 = arith.constant 112 : index
        %swap3A_86 = tpu.vector_load %arg8[%swap3A_84, %swap3A_85] {strides = array<i32>} : memref<128x128xf32, #tpu.memory_space<vmem>>, vector<1x16xf32>,
        %swap3A_87 = vector.shape_cast %swap3A_86 : vector<1x16xf32> to vector<16xf32>
        %swap3A_88 = vector.shape_cast %broadcast_in_dim3A_0 : vector<16xf32> to vector<1x16xf32>
        tpu.vector_store %arg8[%swap3A_84, %swap3A_85], %swap3A_88 {strides = array<i32>} : memref<128x128xf32, #tpu.memory_space<vmem>>, vector<1x16xf32>,
        %scan3A_89 = arith.constant 0 : i32
        scf.yield %scan3A_89 : i32
      }
      %scan3A_23 = arith.constant 128 : i32
      %scan3A_24 = arith.constant 0 : i32
      %scan3A_25 = arith.constant 0 : i32
      %scan3A_26 = arith.constant 5 : i32
      %scan3A_27 = arith.addi %scan3A_25, %scan3A_26 : i32
      %scan3A_28 = arith.constant 1 : i32
      %scan3A_29 = scf.for %scan3A_48 = %scan3A_25 to %scan3A_27 step %scan3A_28 iter_args(%scan3A_49 = %scan3A_24) -> (i32)  : i32 {
        %mul3A_50 = arith.constant 640 : i32
        %mul3A_51 = arith.muli %arg1, %mul3A_50 : i32
        %mul3A_52 = arith.constant 128 : i32
        %mul3A_53 = arith.muli %scan3A_48, %mul3A_52 : i32
        %add3A_54 = arith.addi %mul3A_51, %mul3A_53 : i32
        "tpu.region"() ({
          %run_scoped3A = tpu.sem_alloc : memref<!tpu.dma_semaphore, #tpu.memory_space<semaphore_mem>>
          %dma_start3A = arith.constant 0 : i32
          %dma_start3A_56 = tpu.memref_slice %arg10[%add3A_54, %dma_start3A] : memref<10240x128xf32, #tpu.memory_space<vmem_shared>> -> memref<128x128xf32, #tpu.memory_space<vmem_shared>>
          %dma_start3A_57 = arith.constant 0 : i32
          %dma_start3A_58 = tpu.memref_slice %arg10[%add3A_54, %dma_start3A_57] : memref<10240x128xf32, #tpu.memory_space<vmem_shared>> -> memref<128x128xf32, #tpu.memory_space<vmem_shared>>
          tpu.enqueue_dma source(%arg8 : memref<128x128xf32, #tpu.memory_space<vmem>>) target(%dma_start3A_58 : memref<128x128xf32, #tpu.memory_space<vmem_shared>>) target_semaphore(%run_scoped3A : memref<!tpu.dma_semaphore, #tpu.memory_space<semaphore_mem>>)
          %dma_wait3A = arith.constant 0 : i32
          %dma_wait3A_59 = tpu.memref_slice %arg10[%add3A_54, %dma_wait3A] : memref<10240x128xf32, #tpu.memory_space<vmem_shared>> -> memref<128x128xf32, #tpu.memory_space<vmem_shared>>
          %dma_wait3A_60 = arith.constant 0 : i32
          %dma_wait3A_61 = tpu.memref_slice %arg10[%add3A_54, %dma_wait3A_60] : memref<10240x128xf32, #tpu.memory_space<vmem_shared>> -> memref<128x128xf32, #tpu.memory_space<vmem_shared>>
          tpu.wait_dma2 semaphore(%run_scoped3A : memref<!tpu.dma_semaphore, #tpu.memory_space<semaphore_mem>>) src(%arg8 : memref<128x128xf32, #tpu.memory_space<vmem>>) dst(%dma_wait3A_61 : memref<128x128xf32, #tpu.memory_space<vmem_shared>>)
          tpu.yield
        }) : () -> ()
        %scan3A_55 = arith.constant 0 : i32
        scf.yield %scan3A_55 : i32
      }
      %scan3A_30 = arith.constant 5 : i32
      %add3A = arith.constant 32 : i32
      %add3A_31 = arith.addi %add3A, %arg1 : i32
      "tpu.region"() ({
        %run_scoped3A = tpu.sem_alloc : memref<!tpu.dma_semaphore, #tpu.memory_space<semaphore_mem>>
        %dma_start3A = arith.constant 0 : i32
        %dma_start3A_48 = arith.constant 0 : i32
        %dma_start3A_49 = tpu.memref_slice %arg3[%add3A_31, %dma_start3A, %dma_start3A_48] : memref<64x44x128xi32, #tpu.memory_space<hbm>> -> memref<1x44x128xi32, #tpu.memory_space<hbm>>
        %dma_start3A_50 = tpu.memref_squeeze %dma_start3A_49 : memref<1x44x128xi32, #tpu.memory_space<hbm>> -> memref<44x128xi32, #tpu.memory_space<hbm>>
        %dma_start3A_51 = arith.constant 0 : i32
        %dma_start3A_52 = arith.constant 0 : i32
        %dma_start3A_53 = tpu.memref_slice %arg3[%add3A_31, %dma_start3A_51, %dma_start3A_52] : memref<64x44x128xi32, #tpu.memory_space<hbm>> -> memref<1x44x128xi32, #tpu.memory_space<hbm>>
        %dma_start3A_54 = tpu.memref_squeeze %dma_start3A_53 : memref<1x44x128xi32, #tpu.memory_space<hbm>> -> memref<44x128xi32, #tpu.memory_space<hbm>>
        tpu.enqueue_dma source(%dma_start3A_54 : memref<44x128xi32, #tpu.memory_space<hbm>>) target(%arg6 : memref<44x128xi32, #tpu.memory_space<vmem>>) target_semaphore(%run_scoped3A : memref<!tpu.dma_semaphore, #tpu.memory_space<semaphore_mem>>)
        %dma_wait3A = arith.constant 0 : i32
        %dma_wait3A_55 = arith.constant 0 : i32
        %dma_wait3A_56 = tpu.memref_slice %arg3[%add3A_31, %dma_wait3A, %dma_wait3A_55] : memref<64x44x128xi32, #tpu.memory_space<hbm>> -> memref<1x44x128xi32, #tpu.memory_space<hbm>>
        %dma_wait3A_57 = tpu.memref_squeeze %dma_wait3A_56 : memref<1x44x128xi32, #tpu.memory_space<hbm>> -> memref<44x128xi32, #tpu.memory_space<hbm>>
        %dma_wait3A_58 = arith.constant 0 : i32
        %dma_wait3A_59 = arith.constant 0 : i32
        %dma_wait3A_60 = tpu.memref_slice %arg3[%add3A_31, %dma_wait3A_58, %dma_wait3A_59] : memref<64x44x128xi32, #tpu.memory_space<hbm>> -> memref<1x44x128xi32, #tpu.memory_space<hbm>>
        %dma_wait3A_61 = tpu.memref_squeeze %dma_wait3A_60 : memref<1x44x128xi32, #tpu.memory_space<hbm>> -> memref<44x128xi32, #tpu.memory_space<hbm>>
        tpu.wait_dma2 semaphore(%run_scoped3A : memref<!tpu.dma_semaphore, #tpu.memory_space<semaphore_mem>>) src(%dma_wait3A_61 : memref<44x128xi32, #tpu.memory_space<hbm>>) dst(%arg6 : memref<44x128xi32, #tpu.memory_space<vmem>>)
        tpu.yield
      }) : () -> ()
      %add3A_32 = arith.constant 32 : i32
      %add3A_33 = arith.addi %add3A_32, %arg1 : i32
      "tpu.region"() ({
        %run_scoped3A = tpu.sem_alloc : memref<!tpu.dma_semaphore, #tpu.memory_space<semaphore_mem>>
        %dma_start3A = arith.constant 0 : i32
        %dma_start3A_48 = arith.constant 0 : i32
        %dma_start3A_49 = tpu.memref_slice %arg4[%add3A_33, %dma_start3A, %dma_start3A_48] : memref<64x44x128xi32, #tpu.memory_space<hbm>> -> memref<1x44x128xi32, #tpu.memory_space<hbm>>
        %dma_start3A_50 = tpu.memref_squeeze %dma_start3A_49 : memref<1x44x128xi32, #tpu.memory_space<hbm>> -> memref<44x128xi32, #tpu.memory_space<hbm>>
        %dma_start3A_51 = arith.constant 0 : i32
        %dma_start3A_52 = arith.constant 0 : i32
        %dma_start3A_53 = tpu.memref_slice %arg4[%add3A_33, %dma_start3A_51, %dma_start3A_52] : memref<64x44x128xi32, #tpu.memory_space<hbm>> -> memref<1x44x128xi32, #tpu.memory_space<hbm>>
        %dma_start3A_54 = tpu.memref_squeeze %dma_start3A_53 : memref<1x44x128xi32, #tpu.memory_space<hbm>> -> memref<44x128xi32, #tpu.memory_space<hbm>>
        tpu.enqueue_dma source(%dma_start3A_54 : memref<44x128xi32, #tpu.memory_space<hbm>>) target(%arg7 : memref<44x128xi32, #tpu.memory_space<vmem>>) target_semaphore(%run_scoped3A : memref<!tpu.dma_semaphore, #tpu.memory_space<semaphore_mem>>)
        %dma_wait3A = arith.constant 0 : i32
        %dma_wait3A_55 = arith.constant 0 : i32
        %dma_wait3A_56 = tpu.memref_slice %arg4[%add3A_33, %dma_wait3A, %dma_wait3A_55] : memref<64x44x128xi32, #tpu.memory_space<hbm>> -> memref<1x44x128xi32, #tpu.memory_space<hbm>>
        %dma_wait3A_57 = tpu.memref_squeeze %dma_wait3A_56 : memref<1x44x128xi32, #tpu.memory_space<hbm>> -> memref<44x128xi32, #tpu.memory_space<hbm>>
        %dma_wait3A_58 = arith.constant 0 : i32
        %dma_wait3A_59 = arith.constant 0 : i32
        %dma_wait3A_60 = tpu.memref_slice %arg4[%add3A_33, %dma_wait3A_58, %dma_wait3A_59] : memref<64x44x128xi32, #tpu.memory_space<hbm>> -> memref<1x44x128xi32, #tpu.memory_space<hbm>>
        %dma_wait3A_61 = tpu.memref_squeeze %dma_wait3A_60 : memref<1x44x128xi32, #tpu.memory_space<hbm>> -> memref<44x128xi32, #tpu.memory_space<hbm>>
        tpu.wait_dma2 semaphore(%run_scoped3A : memref<!tpu.dma_semaphore, #tpu.memory_space<semaphore_mem>>) src(%dma_wait3A_61 : memref<44x128xi32, #tpu.memory_space<hbm>>) dst(%arg7 : memref<44x128xi32, #tpu.memory_space<vmem>>)
        tpu.yield
      }) : () -> ()
      %barrier3A = arith.constant 0 : index
      tpu.barrier barrier_id(%barrier3A)
      %scan3A_34 = arith.constant 0 : i32
      %scan3A_35 = arith.constant 0 : i32
      %scan3A_36 = arith.constant 22 : i32
      %scan3A_37 = arith.addi %scan3A_35, %scan3A_36 : i32
      %scan3A_38 = arith.constant 1 : i32
      %scan3A_39 = scf.for %scan3A_48 = %scan3A_35 to %scan3A_37 step %scan3A_38 iter_args(%scan3A_49 = %scan3A_34) -> (i32)  : i32 {
        %mul3A_50 = arith.constant 2 : i32
        %mul3A_51 = arith.muli %mul3A_50, %scan3A_48 : i32
        %mul3A_52 = arith.constant 2 : i32
        %mul3A_53 = arith.muli %mul3A_52, %scan3A_48 : i32
        %add3A_54 = arith.constant 1 : i32
        %add3A_55 = arith.addi %mul3A_53, %add3A_54 : i32
        %dma_start3A = arith.constant 0 : i32
        %dma_start3A_56 = tpu.memref_slice %arg6[%mul3A_51, %dma_start3A] : memref<44x128xi32, #tpu.memory_space<vmem>> -> memref<1x128xi32, #tpu.memory_space<vmem>>
        %dma_start3A_57 = tpu.memref_squeeze %dma_start3A_56 : memref<1x128xi32, #tpu.memory_space<vmem>> -> memref<128xi32, #tpu.memory_space<vmem>>
        %dma_start3A_58 = arith.constant 0 : i32
        %dma_start3A_59 = arith.constant 0 : i32
        %dma_start3A_60 = tpu.memref_slice %arg2[%dma_start3A_58, %dma_start3A_59] : memref<40000x128xf32, #tpu.memory_space<hbm>> -> memref<40000x128xf32, #tpu.memory_space<hbm>>
        tpu.enqueue_indirect_dma source(%dma_start3A_60 : memref<40000x128xf32, #tpu.memory_space<hbm>>) target(%arg8 : memref<128x128xf32, #tpu.memory_space<vmem>>) offsets(%dma_start3A_57 : memref<128xi32, #tpu.memory_space<vmem>>) semaphore(%arg11 : memref<!tpu.dma_semaphore, #tpu.memory_space<semaphore_mem>>)
        %dma_start3A_61 = arith.constant 0 : i32
        %dma_start3A_62 = tpu.memref_slice %arg6[%add3A_55, %dma_start3A_61] : memref<44x128xi32, #tpu.memory_space<vmem>> -> memref<1x128xi32, #tpu.memory_space<vmem>>
        %dma_start3A_63 = tpu.memref_squeeze %dma_start3A_62 : memref<1x128xi32, #tpu.memory_space<vmem>> -> memref<128xi32, #tpu.memory_space<vmem>>
        %dma_start3A_64 = arith.constant 0 : i32
        %dma_start3A_65 = arith.constant 0 : i32
        %dma_start3A_66 = tpu.memref_slice %arg2[%dma_start3A_64, %dma_start3A_65] : memref<40000x128xf32, #tpu.memory_space<hbm>> -> memref<40000x128xf32, #tpu.memory_space<hbm>>
        tpu.enqueue_indirect_dma source(%dma_start3A_66 : memref<40000x128xf32, #tpu.memory_space<hbm>>) target(%arg9 : memref<128x128xf32, #tpu.memory_space<vmem>>) offsets(%dma_start3A_63 : memref<128xi32, #tpu.memory_space<vmem>>) semaphore(%arg12 : memref<!tpu.dma_semaphore, #tpu.memory_space<semaphore_mem>>)
        %dma_wait3A = arith.constant 0 : i32
        %dma_wait3A_67 = tpu.memref_slice %arg6[%mul3A_51, %dma_wait3A] : memref<44x128xi32, #tpu.memory_space<vmem>> -> memref<1x128xi32, #tpu.memory_space<vmem>>
        %dma_wait3A_68 = tpu.memref_squeeze %dma_wait3A_67 : memref<1x128xi32, #tpu.memory_space<vmem>> -> memref<128xi32, #tpu.memory_space<vmem>>
        %dma_wait3A_69 = arith.constant 0 : i32
        %dma_wait3A_70 = arith.constant 0 : i32
        %dma_wait3A_71 = tpu.memref_slice %arg2[%dma_wait3A_69, %dma_wait3A_70] : memref<40000x128xf32, #tpu.memory_space<hbm>> -> memref<40000x128xf32, #tpu.memory_space<hbm>>
        tpu.wait_indirect_dma semaphore(%arg11 : memref<!tpu.dma_semaphore, #tpu.memory_space<semaphore_mem>>) src(%dma_wait3A_71 : memref<40000x128xf32, #tpu.memory_space<hbm>>) dst(%arg8 : memref<128x128xf32, #tpu.memory_space<vmem>>)
        %dma_start3A_72 = arith.constant 0 : i32
        %dma_start3A_73 = tpu.memref_slice %arg7[%mul3A_51, %dma_start3A_72] : memref<44x128xi32, #tpu.memory_space<vmem>> -> memref<1x128xi32, #tpu.memory_space<vmem>>
        %dma_start3A_74 = tpu.memref_squeeze %dma_start3A_73 : memref<1x128xi32, #tpu.memory_space<vmem>> -> memref<128xi32, #tpu.memory_space<vmem>>
        %dma_start3A_75 = arith.constant 0 : i32
        %dma_start3A_76 = arith.constant 0 : i32
        %dma_start3A_77 = tpu.memref_slice %arg10[%dma_start3A_75, %dma_start3A_76] : memref<10240x128xf32, #tpu.memory_space<vmem_shared>> -> memref<10240x128xf32, #tpu.memory_space<vmem_shared>>
        tpu.enqueue_indirect_dma source(%arg8 : memref<128x128xf32, #tpu.memory_space<vmem>>) target(%dma_start3A_77 : memref<10240x128xf32, #tpu.memory_space<vmem_shared>>) offsets(%dma_start3A_74 : memref<128xi32, #tpu.memory_space<vmem>>) semaphore(%arg13 : memref<!tpu.dma_semaphore, #tpu.memory_space<semaphore_mem>>) {add = true}
        %dma_wait3A_78 = arith.constant 0 : i32
        %dma_wait3A_79 = tpu.memref_slice %arg6[%add3A_55, %dma_wait3A_78] : memref<44x128xi32, #tpu.memory_space<vmem>> -> memref<1x128xi32, #tpu.memory_space<vmem>>
        %dma_wait3A_80 = tpu.memref_squeeze %dma_wait3A_79 : memref<1x128xi32, #tpu.memory_space<vmem>> -> memref<128xi32, #tpu.memory_space<vmem>>
        %dma_wait3A_81 = arith.constant 0 : i32
        %dma_wait3A_82 = arith.constant 0 : i32
        %dma_wait3A_83 = tpu.memref_slice %arg2[%dma_wait3A_81, %dma_wait3A_82] : memref<40000x128xf32, #tpu.memory_space<hbm>> -> memref<40000x128xf32, #tpu.memory_space<hbm>>
        tpu.wait_indirect_dma semaphore(%arg12 : memref<!tpu.dma_semaphore, #tpu.memory_space<semaphore_mem>>) src(%dma_wait3A_83 : memref<40000x128xf32, #tpu.memory_space<hbm>>) dst(%arg9 : memref<128x128xf32, #tpu.memory_space<vmem>>)
        %dma_start3A_84 = arith.constant 0 : i32
        %dma_start3A_85 = tpu.memref_slice %arg7[%add3A_55, %dma_start3A_84] : memref<44x128xi32, #tpu.memory_space<vmem>> -> memref<1x128xi32, #tpu.memory_space<vmem>>
        %dma_start3A_86 = tpu.memref_squeeze %dma_start3A_85 : memref<1x128xi32, #tpu.memory_space<vmem>> -> memref<128xi32, #tpu.memory_space<vmem>>
        %dma_start3A_87 = arith.constant 0 : i32
        %dma_start3A_88 = arith.constant 0 : i32
        %dma_start3A_89 = tpu.memref_slice %arg10[%dma_start3A_87, %dma_start3A_88] : memref<10240x128xf32, #tpu.memory_space<vmem_shared>> -> memref<10240x128xf32, #tpu.memory_space<vmem_shared>>
        tpu.enqueue_indirect_dma source(%arg9 : memref<128x128xf32, #tpu.memory_space<vmem>>) target(%dma_start3A_89 : memref<10240x128xf32, #tpu.memory_space<vmem_shared>>) offsets(%dma_start3A_86 : memref<128xi32, #tpu.memory_space<vmem>>) semaphore(%arg14 : memref<!tpu.dma_semaphore, #tpu.memory_space<semaphore_mem>>) {add = true}
        %dma_wait3A_90 = arith.constant 0 : i32
        %dma_wait3A_91 = tpu.memref_slice %arg7[%mul3A_51, %dma_wait3A_90] : memref<44x128xi32, #tpu.memory_space<vmem>> -> memref<1x128xi32, #tpu.memory_space<vmem>>
        %dma_wait3A_92 = tpu.memref_squeeze %dma_wait3A_91 : memref<1x128xi32, #tpu.memory_space<vmem>> -> memref<128xi32, #tpu.memory_space<vmem>>
        %dma_wait3A_93 = arith.constant 0 : i32
        %dma_wait3A_94 = arith.constant 0 : i32
        %dma_wait3A_95 = tpu.memref_slice %arg10[%dma_wait3A_93, %dma_wait3A_94] : memref<10240x128xf32, #tpu.memory_space<vmem_shared>> -> memref<10240x128xf32, #tpu.memory_space<vmem_shared>>
        tpu.wait_indirect_dma semaphore(%arg13 : memref<!tpu.dma_semaphore, #tpu.memory_space<semaphore_mem>>) src(%arg8 : memref<128x128xf32, #tpu.memory_space<vmem>>) dst(%dma_wait3A_95 : memref<10240x128xf32, #tpu.memory_space<vmem_shared>>)
        %dma_wait3A_96 = arith.constant 0 : i32
        %dma_wait3A_97 = tpu.memref_slice %arg7[%add3A_55, %dma_wait3A_96] : memref<44x128xi32, #tpu.memory_space<vmem>> -> memref<1x128xi32, #tpu.memory_space<vmem>>
        %dma_wait3A_98 = tpu.memref_squeeze %dma_wait3A_97 : memref<1x128xi32, #tpu.memory_space<vmem>> -> memref<128xi32, #tpu.memory_space<vmem>>
        %dma_wait3A_99 = arith.constant 0 : i32
        %dma_wait3A_100 = arith.constant 0 : i32
        %dma_wait3A_101 = tpu.memref_slice %arg10[%dma_wait3A_99, %dma_wait3A_100] : memref<10240x128xf32, #tpu.memory_space<vmem_shared>> -> memref<10240x128xf32, #tpu.memory_space<vmem_shared>>
        tpu.wait_indirect_dma semaphore(%arg14 : memref<!tpu.dma_semaphore, #tpu.memory_space<semaphore_mem>>) src(%arg9 : memref<128x128xf32, #tpu.memory_space<vmem>>) dst(%dma_wait3A_101 : memref<10240x128xf32, #tpu.memory_space<vmem_shared>>)
        %scan3A_102 = arith.constant 0 : i32
        scf.yield %scan3A_102 : i32
      }
      %scan3A_40 = arith.constant 22 : i32
      %barrier3A_41 = arith.constant 0 : index
      tpu.barrier barrier_id(%barrier3A_41)
      %mul3A = arith.constant 640 : i32
      %mul3A_42 = arith.muli %arg1, %mul3A : i32
      %mul3A_43 = arith.constant 640 : i32
      %mul3A_44 = arith.muli %arg1, %mul3A_43 : i32
      %add3A_45 = arith.constant 20480 : i32
      %add3A_46 = arith.addi %add3A_45, %mul3A_44 : i32
      "tpu.region"() ({
        %run_scoped3A = tpu.sem_alloc : memref<!tpu.dma_semaphore, #tpu.memory_space<semaphore_mem>>
        %dma_start3A = arith.constant 0 : i32
        %dma_start3A_48 = tpu.memref_slice %arg5[%add3A_46, %dma_start3A] : memref<40960x128xf32, #tpu.memory_space<hbm>> -> memref<640x128xf32, #tpu.memory_space<hbm>>
        %dma_start3A_49 = arith.constant 0 : i32
        %dma_start3A_50 = tpu.memref_slice %arg10[%mul3A_42, %dma_start3A_49] : memref<10240x128xf32, #tpu.memory_space<vmem_shared>> -> memref<640x128xf32, #tpu.memory_space<vmem_shared>>
        tpu.enqueue_dma source(%dma_start3A_50 : memref<640x128xf32, #tpu.memory_space<vmem_shared>>) target(%dma_start3A_48 : memref<640x128xf32, #tpu.memory_space<hbm>>) target_semaphore(%run_scoped3A : memref<!tpu.dma_semaphore, #tpu.memory_space<semaphore_mem>>)
        %dma_wait3A = arith.constant 0 : i32
        %dma_wait3A_51 = tpu.memref_slice %arg5[%add3A_46, %dma_wait3A] : memref<40960x128xf32, #tpu.memory_space<hbm>> -> memref<640x128xf32, #tpu.memory_space<hbm>>
        %dma_wait3A_52 = arith.constant 0 : i32
        %dma_wait3A_53 = tpu.memref_slice %arg10[%mul3A_42, %dma_wait3A_52] : memref<10240x128xf32, #tpu.memory_space<vmem_shared>> -> memref<640x128xf32, #tpu.memory_space<vmem_shared>>
        tpu.wait_dma2 semaphore(%run_scoped3A : memref<!tpu.dma_semaphore, #tpu.memory_space<semaphore_mem>>) src(%dma_wait3A_53 : memref<640x128xf32, #tpu.memory_space<vmem_shared>>) dst(%dma_wait3A_51 : memref<640x128xf32, #tpu.memory_space<hbm>>)
        tpu.yield
      }) : () -> ()
      %barrier3A_47 = arith.constant 0 : index
      tpu.barrier barrier_id(%barrier3A_47)
    } else {
    }
    %eq3A_8 = arith.constant 0 : i32
    %eq3A_9 = arith.cmpi eq, %arg0, %eq3A_8 : i32
    %convert_element_type3A_10 = arith.extui %eq3A_9 : i1 to i32
    %cond3A_11 = arith.constant 0 : i32
    %cond3A_12 = arith.cmpi ne, %convert_element_type3A_10, %cond3A_11 : i32
    scf.if %cond3A_12 {
      %scan3A = arith.constant 0 : i32
      %scan3A_18 = arith.constant 0 : i32
      %scan3A_19 = arith.constant 128 : i32
      %scan3A_20 = arith.addi %scan3A_18, %scan3A_19 : i32
      %scan3A_21 = arith.constant 1 : i32
      %scan3A_22 = scf.for %scan3A_48 = %scan3A_18 to %scan3A_20 step %scan3A_21 iter_args(%scan3A_49 = %scan3A) -> (i32)  : i32 {
        %swap3A = arith.index_cast %scan3A_48 : i32 to index
        %swap3A_50 = arith.constant 0 : index
        %swap3A_51 = tpu.vector_load %arg8[%swap3A, %swap3A_50] {strides = array<i32>} : memref<128x128xf32, #tpu.memory_space<vmem>>, vector<1x16xf32>,
        %swap3A_52 = vector.shape_cast %swap3A_51 : vector<1x16xf32> to vector<16xf32>
        %swap3A_53 = vector.shape_cast %broadcast_in_dim3A_0 : vector<16xf32> to vector<1x16xf32>
        tpu.vector_store %arg8[%swap3A, %swap3A_50], %swap3A_53 {strides = array<i32>} : memref<128x128xf32, #tpu.memory_space<vmem>>, vector<1x16xf32>,
        %swap3A_54 = arith.index_cast %scan3A_48 : i32 to index
        %swap3A_55 = arith.constant 16 : index
        %swap3A_56 = tpu.vector_load %arg8[%swap3A_54, %swap3A_55] {strides = array<i32>} : memref<128x128xf32, #tpu.memory_space<vmem>>, vector<1x16xf32>,
        %swap3A_57 = vector.shape_cast %swap3A_56 : vector<1x16xf32> to vector<16xf32>
        %swap3A_58 = vector.shape_cast %broadcast_in_dim3A_0 : vector<16xf32> to vector<1x16xf32>
        tpu.vector_store %arg8[%swap3A_54, %swap3A_55], %swap3A_58 {strides = array<i32>} : memref<128x128xf32, #tpu.memory_space<vmem>>, vector<1x16xf32>,
        %swap3A_59 = arith.index_cast %scan3A_48 : i32 to index
        %swap3A_60 = arith.constant 32 : index
        %swap3A_61 = tpu.vector_load %arg8[%swap3A_59, %swap3A_60] {strides = array<i32>} : memref<128x128xf32, #tpu.memory_space<vmem>>, vector<1x16xf32>,
        %swap3A_62 = vector.shape_cast %swap3A_61 : vector<1x16xf32> to vector<16xf32>
        %swap3A_63 = vector.shape_cast %broadcast_in_dim3A_0 : vector<16xf32> to vector<1x16xf32>
        tpu.vector_store %arg8[%swap3A_59, %swap3A_60], %swap3A_63 {strides = array<i32>} : memref<128x128xf32, #tpu.memory_space<vmem>>, vector<1x16xf32>,
        %swap3A_64 = arith.index_cast %scan3A_48 : i32 to index
        %swap3A_65 = arith.constant 48 : index
        %swap3A_66 = tpu.vector_load %arg8[%swap3A_64, %swap3A_65] {strides = array<i32>} : memref<128x128xf32, #tpu.memory_space<vmem>>, vector<1x16xf32>,
        %swap3A_67 = vector.shape_cast %swap3A_66 : vector<1x16xf32> to vector<16xf32>
        %swap3A_68 = vector.shape_cast %broadcast_in_dim3A_0 : vector<16xf32> to vector<1x16xf32>
        tpu.vector_store %arg8[%swap3A_64, %swap3A_65], %swap3A_68 {strides = array<i32>} : memref<128x128xf32, #tpu.memory_space<vmem>>, vector<1x16xf32>,
        %swap3A_69 = arith.index_cast %scan3A_48 : i32 to index
        %swap3A_70 = arith.constant 64 : index
        %swap3A_71 = tpu.vector_load %arg8[%swap3A_69, %swap3A_70] {strides = array<i32>} : memref<128x128xf32, #tpu.memory_space<vmem>>, vector<1x16xf32>,
        %swap3A_72 = vector.shape_cast %swap3A_71 : vector<1x16xf32> to vector<16xf32>
        %swap3A_73 = vector.shape_cast %broadcast_in_dim3A_0 : vector<16xf32> to vector<1x16xf32>
        tpu.vector_store %arg8[%swap3A_69, %swap3A_70], %swap3A_73 {strides = array<i32>} : memref<128x128xf32, #tpu.memory_space<vmem>>, vector<1x16xf32>,
        %swap3A_74 = arith.index_cast %scan3A_48 : i32 to index
        %swap3A_75 = arith.constant 80 : index
        %swap3A_76 = tpu.vector_load %arg8[%swap3A_74, %swap3A_75] {strides = array<i32>} : memref<128x128xf32, #tpu.memory_space<vmem>>, vector<1x16xf32>,
        %swap3A_77 = vector.shape_cast %swap3A_76 : vector<1x16xf32> to vector<16xf32>
        %swap3A_78 = vector.shape_cast %broadcast_in_dim3A_0 : vector<16xf32> to vector<1x16xf32>
        tpu.vector_store %arg8[%swap3A_74, %swap3A_75], %swap3A_78 {strides = array<i32>} : memref<128x128xf32, #tpu.memory_space<vmem>>, vector<1x16xf32>,
        %swap3A_79 = arith.index_cast %scan3A_48 : i32 to index
        %swap3A_80 = arith.constant 96 : index
        %swap3A_81 = tpu.vector_load %arg8[%swap3A_79, %swap3A_80] {strides = array<i32>} : memref<128x128xf32, #tpu.memory_space<vmem>>, vector<1x16xf32>,
        %swap3A_82 = vector.shape_cast %swap3A_81 : vector<1x16xf32> to vector<16xf32>
        %swap3A_83 = vector.shape_cast %broadcast_in_dim3A_0 : vector<16xf32> to vector<1x16xf32>
        tpu.vector_store %arg8[%swap3A_79, %swap3A_80], %swap3A_83 {strides = array<i32>} : memref<128x128xf32, #tpu.memory_space<vmem>>, vector<1x16xf32>,
        %swap3A_84 = arith.index_cast %scan3A_48 : i32 to index
        %swap3A_85 = arith.constant 112 : index
        %swap3A_86 = tpu.vector_load %arg8[%swap3A_84, %swap3A_85] {strides = array<i32>} : memref<128x128xf32, #tpu.memory_space<vmem>>, vector<1x16xf32>,
        %swap3A_87 = vector.shape_cast %swap3A_86 : vector<1x16xf32> to vector<16xf32>
        %swap3A_88 = vector.shape_cast %broadcast_in_dim3A_0 : vector<16xf32> to vector<1x16xf32>
        tpu.vector_store %arg8[%swap3A_84, %swap3A_85], %swap3A_88 {strides = array<i32>} : memref<128x128xf32, #tpu.memory_space<vmem>>, vector<1x16xf32>,
        %scan3A_89 = arith.constant 0 : i32
        scf.yield %scan3A_89 : i32
      }
      %scan3A_23 = arith.constant 128 : i32
      %scan3A_24 = arith.constant 0 : i32
      %scan3A_25 = arith.constant 0 : i32
      %scan3A_26 = arith.constant 5 : i32
      %scan3A_27 = arith.addi %scan3A_25, %scan3A_26 : i32
      %scan3A_28 = arith.constant 1 : i32
      %scan3A_29 = scf.for %scan3A_48 = %scan3A_25 to %scan3A_27 step %scan3A_28 iter_args(%scan3A_49 = %scan3A_24) -> (i32)  : i32 {
        %mul3A_50 = arith.constant 640 : i32
        %mul3A_51 = arith.muli %arg1, %mul3A_50 : i32
        %mul3A_52 = arith.constant 128 : i32
        %mul3A_53 = arith.muli %scan3A_48, %mul3A_52 : i32
        %add3A_54 = arith.addi %mul3A_51, %mul3A_53 : i32
        "tpu.region"() ({
          %run_scoped3A = tpu.sem_alloc : memref<!tpu.dma_semaphore, #tpu.memory_space<semaphore_mem>>
          %dma_start3A = arith.constant 0 : i32
          %dma_start3A_56 = tpu.memref_slice %arg10[%add3A_54, %dma_start3A] : memref<10240x128xf32, #tpu.memory_space<vmem_shared>> -> memref<128x128xf32, #tpu.memory_space<vmem_shared>>
          %dma_start3A_57 = arith.constant 0 : i32
          %dma_start3A_58 = tpu.memref_slice %arg10[%add3A_54, %dma_start3A_57] : memref<10240x128xf32, #tpu.memory_space<vmem_shared>> -> memref<128x128xf32, #tpu.memory_space<vmem_shared>>
          tpu.enqueue_dma source(%arg8 : memref<128x128xf32, #tpu.memory_space<vmem>>) target(%dma_start3A_58 : memref<128x128xf32, #tpu.memory_space<vmem_shared>>) target_semaphore(%run_scoped3A : memref<!tpu.dma_semaphore, #tpu.memory_space<semaphore_mem>>)
          %dma_wait3A = arith.constant 0 : i32
          %dma_wait3A_59 = tpu.memref_slice %arg10[%add3A_54, %dma_wait3A] : memref<10240x128xf32, #tpu.memory_space<vmem_shared>> -> memref<128x128xf32, #tpu.memory_space<vmem_shared>>
          %dma_wait3A_60 = arith.constant 0 : i32
          %dma_wait3A_61 = tpu.memref_slice %arg10[%add3A_54, %dma_wait3A_60] : memref<10240x128xf32, #tpu.memory_space<vmem_shared>> -> memref<128x128xf32, #tpu.memory_space<vmem_shared>>
          tpu.wait_dma2 semaphore(%run_scoped3A : memref<!tpu.dma_semaphore, #tpu.memory_space<semaphore_mem>>) src(%arg8 : memref<128x128xf32, #tpu.memory_space<vmem>>) dst(%dma_wait3A_61 : memref<128x128xf32, #tpu.memory_space<vmem_shared>>)
          tpu.yield
        }) : () -> ()
        %scan3A_55 = arith.constant 0 : i32
        scf.yield %scan3A_55 : i32
      }
      %scan3A_30 = arith.constant 5 : i32
      %add3A = arith.constant 16 : i32
      %add3A_31 = arith.addi %add3A, %arg1 : i32
      "tpu.region"() ({
        %run_scoped3A = tpu.sem_alloc : memref<!tpu.dma_semaphore, #tpu.memory_space<semaphore_mem>>
        %dma_start3A = arith.constant 0 : i32
        %dma_start3A_48 = arith.constant 0 : i32
        %dma_start3A_49 = tpu.memref_slice %arg3[%add3A_31, %dma_start3A, %dma_start3A_48] : memref<64x44x128xi32, #tpu.memory_space<hbm>> -> memref<1x44x128xi32, #tpu.memory_space<hbm>>
        %dma_start3A_50 = tpu.memref_squeeze %dma_start3A_49 : memref<1x44x128xi32, #tpu.memory_space<hbm>> -> memref<44x128xi32, #tpu.memory_space<hbm>>
        %dma_start3A_51 = arith.constant 0 : i32
        %dma_start3A_52 = arith.constant 0 : i32
        %dma_start3A_53 = tpu.memref_slice %arg3[%add3A_31, %dma_start3A_51, %dma_start3A_52] : memref<64x44x128xi32, #tpu.memory_space<hbm>> -> memref<1x44x128xi32, #tpu.memory_space<hbm>>
        %dma_start3A_54 = tpu.memref_squeeze %dma_start3A_53 : memref<1x44x128xi32, #tpu.memory_space<hbm>> -> memref<44x128xi32, #tpu.memory_space<hbm>>
        tpu.enqueue_dma source(%dma_start3A_54 : memref<44x128xi32, #tpu.memory_space<hbm>>) target(%arg6 : memref<44x128xi32, #tpu.memory_space<vmem>>) target_semaphore(%run_scoped3A : memref<!tpu.dma_semaphore, #tpu.memory_space<semaphore_mem>>)
        %dma_wait3A = arith.constant 0 : i32
        %dma_wait3A_55 = arith.constant 0 : i32
        %dma_wait3A_56 = tpu.memref_slice %arg3[%add3A_31, %dma_wait3A, %dma_wait3A_55] : memref<64x44x128xi32, #tpu.memory_space<hbm>> -> memref<1x44x128xi32, #tpu.memory_space<hbm>>
        %dma_wait3A_57 = tpu.memref_squeeze %dma_wait3A_56 : memref<1x44x128xi32, #tpu.memory_space<hbm>> -> memref<44x128xi32, #tpu.memory_space<hbm>>
        %dma_wait3A_58 = arith.constant 0 : i32
        %dma_wait3A_59 = arith.constant 0 : i32
        %dma_wait3A_60 = tpu.memref_slice %arg3[%add3A_31, %dma_wait3A_58, %dma_wait3A_59] : memref<64x44x128xi32, #tpu.memory_space<hbm>> -> memref<1x44x128xi32, #tpu.memory_space<hbm>>
        %dma_wait3A_61 = tpu.memref_squeeze %dma_wait3A_60 : memref<1x44x128xi32, #tpu.memory_space<hbm>> -> memref<44x128xi32, #tpu.memory_space<hbm>>
        tpu.wait_dma2 semaphore(%run_scoped3A : memref<!tpu.dma_semaphore, #tpu.memory_space<semaphore_mem>>) src(%dma_wait3A_61 : memref<44x128xi32, #tpu.memory_space<hbm>>) dst(%arg6 : memref<44x128xi32, #tpu.memory_space<vmem>>)
        tpu.yield
      }) : () -> ()
      %add3A_32 = arith.constant 16 : i32
      %add3A_33 = arith.addi %add3A_32, %arg1 : i32
      "tpu.region"() ({
        %run_scoped3A = tpu.sem_alloc : memref<!tpu.dma_semaphore, #tpu.memory_space<semaphore_mem>>
        %dma_start3A = arith.constant 0 : i32
        %dma_start3A_48 = arith.constant 0 : i32
        %dma_start3A_49 = tpu.memref_slice %arg4[%add3A_33, %dma_start3A, %dma_start3A_48] : memref<64x44x128xi32, #tpu.memory_space<hbm>> -> memref<1x44x128xi32, #tpu.memory_space<hbm>>
        %dma_start3A_50 = tpu.memref_squeeze %dma_start3A_49 : memref<1x44x128xi32, #tpu.memory_space<hbm>> -> memref<44x128xi32, #tpu.memory_space<hbm>>
        %dma_start3A_51 = arith.constant 0 : i32
        %dma_start3A_52 = arith.constant 0 : i32
        %dma_start3A_53 = tpu.memref_slice %arg4[%add3A_33, %dma_start3A_51, %dma_start3A_52] : memref<64x44x128xi32, #tpu.memory_space<hbm>> -> memref<1x44x128xi32, #tpu.memory_space<hbm>>
        %dma_start3A_54 = tpu.memref_squeeze %dma_start3A_53 : memref<1x44x128xi32, #tpu.memory_space<hbm>> -> memref<44x128xi32, #tpu.memory_space<hbm>>
        tpu.enqueue_dma source(%dma_start3A_54 : memref<44x128xi32, #tpu.memory_space<hbm>>) target(%arg7 : memref<44x128xi32, #tpu.memory_space<vmem>>) target_semaphore(%run_scoped3A : memref<!tpu.dma_semaphore, #tpu.memory_space<semaphore_mem>>)
        %dma_wait3A = arith.constant 0 : i32
        %dma_wait3A_55 = arith.constant 0 : i32
        %dma_wait3A_56 = tpu.memref_slice %arg4[%add3A_33, %dma_wait3A, %dma_wait3A_55] : memref<64x44x128xi32, #tpu.memory_space<hbm>> -> memref<1x44x128xi32, #tpu.memory_space<hbm>>
        %dma_wait3A_57 = tpu.memref_squeeze %dma_wait3A_56 : memref<1x44x128xi32, #tpu.memory_space<hbm>> -> memref<44x128xi32, #tpu.memory_space<hbm>>
        %dma_wait3A_58 = arith.constant 0 : i32
        %dma_wait3A_59 = arith.constant 0 : i32
        %dma_wait3A_60 = tpu.memref_slice %arg4[%add3A_33, %dma_wait3A_58, %dma_wait3A_59] : memref<64x44x128xi32, #tpu.memory_space<hbm>> -> memref<1x44x128xi32, #tpu.memory_space<hbm>>
        %dma_wait3A_61 = tpu.memref_squeeze %dma_wait3A_60 : memref<1x44x128xi32, #tpu.memory_space<hbm>> -> memref<44x128xi32, #tpu.memory_space<hbm>>
        tpu.wait_dma2 semaphore(%run_scoped3A : memref<!tpu.dma_semaphore, #tpu.memory_space<semaphore_mem>>) src(%dma_wait3A_61 : memref<44x128xi32, #tpu.memory_space<hbm>>) dst(%arg7 : memref<44x128xi32, #tpu.memory_space<vmem>>)
        tpu.yield
      }) : () -> ()
      %barrier3A = arith.constant 0 : index
      tpu.barrier barrier_id(%barrier3A)
      %scan3A_34 = arith.constant 0 : i32
      %scan3A_35 = arith.constant 0 : i32
      %scan3A_36 = arith.constant 22 : i32
      %scan3A_37 = arith.addi %scan3A_35, %scan3A_36 : i32
      %scan3A_38 = arith.constant 1 : i32
      %scan3A_39 = scf.for %scan3A_48 = %scan3A_35 to %scan3A_37 step %scan3A_38 iter_args(%scan3A_49 = %scan3A_34) -> (i32)  : i32 {
        %mul3A_50 = arith.constant 2 : i32
        %mul3A_51 = arith.muli %mul3A_50, %scan3A_48 : i32
        %mul3A_52 = arith.constant 2 : i32
        %mul3A_53 = arith.muli %mul3A_52, %scan3A_48 : i32
        %add3A_54 = arith.constant 1 : i32
        %add3A_55 = arith.addi %mul3A_53, %add3A_54 : i32
        %dma_start3A = arith.constant 0 : i32
        %dma_start3A_56 = tpu.memref_slice %arg6[%mul3A_51, %dma_start3A] : memref<44x128xi32, #tpu.memory_space<vmem>> -> memref<1x128xi32, #tpu.memory_space<vmem>>
        %dma_start3A_57 = tpu.memref_squeeze %dma_start3A_56 : memref<1x128xi32, #tpu.memory_space<vmem>> -> memref<128xi32, #tpu.memory_space<vmem>>
        %dma_start3A_58 = arith.constant 0 : i32
        %dma_start3A_59 = arith.constant 0 : i32
        %dma_start3A_60 = tpu.memref_slice %arg2[%dma_start3A_58, %dma_start3A_59] : memref<40000x128xf32, #tpu.memory_space<hbm>> -> memref<40000x128xf32, #tpu.memory_space<hbm>>
        tpu.enqueue_indirect_dma source(%dma_start3A_60 : memref<40000x128xf32, #tpu.memory_space<hbm>>) target(%arg8 : memref<128x128xf32, #tpu.memory_space<vmem>>) offsets(%dma_start3A_57 : memref<128xi32, #tpu.memory_space<vmem>>) semaphore(%arg11 : memref<!tpu.dma_semaphore, #tpu.memory_space<semaphore_mem>>)
        %dma_start3A_61 = arith.constant 0 : i32
        %dma_start3A_62 = tpu.memref_slice %arg6[%add3A_55, %dma_start3A_61] : memref<44x128xi32, #tpu.memory_space<vmem>> -> memref<1x128xi32, #tpu.memory_space<vmem>>
        %dma_start3A_63 = tpu.memref_squeeze %dma_start3A_62 : memref<1x128xi32, #tpu.memory_space<vmem>> -> memref<128xi32, #tpu.memory_space<vmem>>
        %dma_start3A_64 = arith.constant 0 : i32
        %dma_start3A_65 = arith.constant 0 : i32
        %dma_start3A_66 = tpu.memref_slice %arg2[%dma_start3A_64, %dma_start3A_65] : memref<40000x128xf32, #tpu.memory_space<hbm>> -> memref<40000x128xf32, #tpu.memory_space<hbm>>
        tpu.enqueue_indirect_dma source(%dma_start3A_66 : memref<40000x128xf32, #tpu.memory_space<hbm>>) target(%arg9 : memref<128x128xf32, #tpu.memory_space<vmem>>) offsets(%dma_start3A_63 : memref<128xi32, #tpu.memory_space<vmem>>) semaphore(%arg12 : memref<!tpu.dma_semaphore, #tpu.memory_space<semaphore_mem>>)
        %dma_wait3A = arith.constant 0 : i32
        %dma_wait3A_67 = tpu.memref_slice %arg6[%mul3A_51, %dma_wait3A] : memref<44x128xi32, #tpu.memory_space<vmem>> -> memref<1x128xi32, #tpu.memory_space<vmem>>
        %dma_wait3A_68 = tpu.memref_squeeze %dma_wait3A_67 : memref<1x128xi32, #tpu.memory_space<vmem>> -> memref<128xi32, #tpu.memory_space<vmem>>
        %dma_wait3A_69 = arith.constant 0 : i32
        %dma_wait3A_70 = arith.constant 0 : i32
        %dma_wait3A_71 = tpu.memref_slice %arg2[%dma_wait3A_69, %dma_wait3A_70] : memref<40000x128xf32, #tpu.memory_space<hbm>> -> memref<40000x128xf32, #tpu.memory_space<hbm>>
        tpu.wait_indirect_dma semaphore(%arg11 : memref<!tpu.dma_semaphore, #tpu.memory_space<semaphore_mem>>) src(%dma_wait3A_71 : memref<40000x128xf32, #tpu.memory_space<hbm>>) dst(%arg8 : memref<128x128xf32, #tpu.memory_space<vmem>>)
        %dma_start3A_72 = arith.constant 0 : i32
        %dma_start3A_73 = tpu.memref_slice %arg7[%mul3A_51, %dma_start3A_72] : memref<44x128xi32, #tpu.memory_space<vmem>> -> memref<1x128xi32, #tpu.memory_space<vmem>>
        %dma_start3A_74 = tpu.memref_squeeze %dma_start3A_73 : memref<1x128xi32, #tpu.memory_space<vmem>> -> memref<128xi32, #tpu.memory_space<vmem>>
        %dma_start3A_75 = arith.constant 0 : i32
        %dma_start3A_76 = arith.constant 0 : i32
        %dma_start3A_77 = tpu.memref_slice %arg10[%dma_start3A_75, %dma_start3A_76] : memref<10240x128xf32, #tpu.memory_space<vmem_shared>> -> memref<10240x128xf32, #tpu.memory_space<vmem_shared>>
        tpu.enqueue_indirect_dma source(%arg8 : memref<128x128xf32, #tpu.memory_space<vmem>>) target(%dma_start3A_77 : memref<10240x128xf32, #tpu.memory_space<vmem_shared>>) offsets(%dma_start3A_74 : memref<128xi32, #tpu.memory_space<vmem>>) semaphore(%arg13 : memref<!tpu.dma_semaphore, #tpu.memory_space<semaphore_mem>>) {add = true}
        %dma_wait3A_78 = arith.constant 0 : i32
        %dma_wait3A_79 = tpu.memref_slice %arg6[%add3A_55, %dma_wait3A_78] : memref<44x128xi32, #tpu.memory_space<vmem>> -> memref<1x128xi32, #tpu.memory_space<vmem>>
        %dma_wait3A_80 = tpu.memref_squeeze %dma_wait3A_79 : memref<1x128xi32, #tpu.memory_space<vmem>> -> memref<128xi32, #tpu.memory_space<vmem>>
        %dma_wait3A_81 = arith.constant 0 : i32
        %dma_wait3A_82 = arith.constant 0 : i32
        %dma_wait3A_83 = tpu.memref_slice %arg2[%dma_wait3A_81, %dma_wait3A_82] : memref<40000x128xf32, #tpu.memory_space<hbm>> -> memref<40000x128xf32, #tpu.memory_space<hbm>>
        tpu.wait_indirect_dma semaphore(%arg12 : memref<!tpu.dma_semaphore, #tpu.memory_space<semaphore_mem>>) src(%dma_wait3A_83 : memref<40000x128xf32, #tpu.memory_space<hbm>>) dst(%arg9 : memref<128x128xf32, #tpu.memory_space<vmem>>)
        %dma_start3A_84 = arith.constant 0 : i32
        %dma_start3A_85 = tpu.memref_slice %arg7[%add3A_55, %dma_start3A_84] : memref<44x128xi32, #tpu.memory_space<vmem>> -> memref<1x128xi32, #tpu.memory_space<vmem>>
        %dma_start3A_86 = tpu.memref_squeeze %dma_start3A_85 : memref<1x128xi32, #tpu.memory_space<vmem>> -> memref<128xi32, #tpu.memory_space<vmem>>
        %dma_start3A_87 = arith.constant 0 : i32
        %dma_start3A_88 = arith.constant 0 : i32
        %dma_start3A_89 = tpu.memref_slice %arg10[%dma_start3A_87, %dma_start3A_88] : memref<10240x128xf32, #tpu.memory_space<vmem_shared>> -> memref<10240x128xf32, #tpu.memory_space<vmem_shared>>
        tpu.enqueue_indirect_dma source(%arg9 : memref<128x128xf32, #tpu.memory_space<vmem>>) target(%dma_start3A_89 : memref<10240x128xf32, #tpu.memory_space<vmem_shared>>) offsets(%dma_start3A_86 : memref<128xi32, #tpu.memory_space<vmem>>) semaphore(%arg14 : memref<!tpu.dma_semaphore, #tpu.memory_space<semaphore_mem>>) {add = true}
        %dma_wait3A_90 = arith.constant 0 : i32
        %dma_wait3A_91 = tpu.memref_slice %arg7[%mul3A_51, %dma_wait3A_90] : memref<44x128xi32, #tpu.memory_space<vmem>> -> memref<1x128xi32, #tpu.memory_space<vmem>>
        %dma_wait3A_92 = tpu.memref_squeeze %dma_wait3A_91 : memref<1x128xi32, #tpu.memory_space<vmem>> -> memref<128xi32, #tpu.memory_space<vmem>>
        %dma_wait3A_93 = arith.constant 0 : i32
        %dma_wait3A_94 = arith.constant 0 : i32
        %dma_wait3A_95 = tpu.memref_slice %arg10[%dma_wait3A_93, %dma_wait3A_94] : memref<10240x128xf32, #tpu.memory_space<vmem_shared>> -> memref<10240x128xf32, #tpu.memory_space<vmem_shared>>
        tpu.wait_indirect_dma semaphore(%arg13 : memref<!tpu.dma_semaphore, #tpu.memory_space<semaphore_mem>>) src(%arg8 : memref<128x128xf32, #tpu.memory_space<vmem>>) dst(%dma_wait3A_95 : memref<10240x128xf32, #tpu.memory_space<vmem_shared>>)
        %dma_wait3A_96 = arith.constant 0 : i32
        %dma_wait3A_97 = tpu.memref_slice %arg7[%add3A_55, %dma_wait3A_96] : memref<44x128xi32, #tpu.memory_space<vmem>> -> memref<1x128xi32, #tpu.memory_space<vmem>>
        %dma_wait3A_98 = tpu.memref_squeeze %dma_wait3A_97 : memref<1x128xi32, #tpu.memory_space<vmem>> -> memref<128xi32, #tpu.memory_space<vmem>>
        %dma_wait3A_99 = arith.constant 0 : i32
        %dma_wait3A_100 = arith.constant 0 : i32
        %dma_wait3A_101 = tpu.memref_slice %arg10[%dma_wait3A_99, %dma_wait3A_100] : memref<10240x128xf32, #tpu.memory_space<vmem_shared>> -> memref<10240x128xf32, #tpu.memory_space<vmem_shared>>
        tpu.wait_indirect_dma semaphore(%arg14 : memref<!tpu.dma_semaphore, #tpu.memory_space<semaphore_mem>>) src(%arg9 : memref<128x128xf32, #tpu.memory_space<vmem>>) dst(%dma_wait3A_101 : memref<10240x128xf32, #tpu.memory_space<vmem_shared>>)
        %scan3A_102 = arith.constant 0 : i32
        scf.yield %scan3A_102 : i32
      }
      %scan3A_40 = arith.constant 22 : i32
      %barrier3A_41 = arith.constant 0 : index
      tpu.barrier barrier_id(%barrier3A_41)
      %mul3A = arith.constant 640 : i32
      %mul3A_42 = arith.muli %arg1, %mul3A : i32
      %mul3A_43 = arith.constant 640 : i32
      %mul3A_44 = arith.muli %arg1, %mul3A_43 : i32
      %add3A_45 = arith.constant 10240 : i32
      %add3A_46 = arith.addi %add3A_45, %mul3A_44 : i32
      "tpu.region"() ({
        %run_scoped3A = tpu.sem_alloc : memref<!tpu.dma_semaphore, #tpu.memory_space<semaphore_mem>>
        %dma_start3A = arith.constant 0 : i32
        %dma_start3A_48 = tpu.memref_slice %arg5[%add3A_46, %dma_start3A] : memref<40960x128xf32, #tpu.memory_space<hbm>> -> memref<640x128xf32, #tpu.memory_space<hbm>>
        %dma_start3A_49 = arith.constant 0 : i32
        %dma_start3A_50 = tpu.memref_slice %arg10[%mul3A_42, %dma_start3A_49] : memref<10240x128xf32, #tpu.memory_space<vmem_shared>> -> memref<640x128xf32, #tpu.memory_space<vmem_shared>>
        tpu.enqueue_dma source(%dma_start3A_50 : memref<640x128xf32, #tpu.memory_space<vmem_shared>>) target(%dma_start3A_48 : memref<640x128xf32, #tpu.memory_space<hbm>>) target_semaphore(%run_scoped3A : memref<!tpu.dma_semaphore, #tpu.memory_space<semaphore_mem>>)
        %dma_wait3A = arith.constant 0 : i32
        %dma_wait3A_51 = tpu.memref_slice %arg5[%add3A_46, %dma_wait3A] : memref<40960x128xf32, #tpu.memory_space<hbm>> -> memref<640x128xf32, #tpu.memory_space<hbm>>
        %dma_wait3A_52 = arith.constant 0 : i32
        %dma_wait3A_53 = tpu.memref_slice %arg10[%mul3A_42, %dma_wait3A_52] : memref<10240x128xf32, #tpu.memory_space<vmem_shared>> -> memref<640x128xf32, #tpu.memory_space<vmem_shared>>
        tpu.wait_dma2 semaphore(%run_scoped3A : memref<!tpu.dma_semaphore, #tpu.memory_space<semaphore_mem>>) src(%dma_wait3A_53 : memref<640x128xf32, #tpu.memory_space<vmem_shared>>) dst(%dma_wait3A_51 : memref<640x128xf32, #tpu.memory_space<hbm>>)
        tpu.yield
      }) : () -> ()
      %barrier3A_47 = arith.constant 0 : index
      tpu.barrier barrier_id(%barrier3A_47)
    } else {
    }
    %eq3A_13 = arith.constant 1 : i32
    %eq3A_14 = arith.cmpi eq, %arg0, %eq3A_13 : i32
    %convert_element_type3A_15 = arith.extui %eq3A_14 : i1 to i32
    %cond3A_16 = arith.constant 0 : i32
    %cond3A_17 = arith.cmpi ne, %convert_element_type3A_15, %cond3A_16 : i32
    scf.if %cond3A_17 {
      %scan3A = arith.constant 0 : i32
      %scan3A_18 = arith.constant 0 : i32
      %scan3A_19 = arith.constant 128 : i32
      %scan3A_20 = arith.addi %scan3A_18, %scan3A_19 : i32
      %scan3A_21 = arith.constant 1 : i32
      %scan3A_22 = scf.for %scan3A_48 = %scan3A_18 to %scan3A_20 step %scan3A_21 iter_args(%scan3A_49 = %scan3A) -> (i32)  : i32 {
        %swap3A = arith.index_cast %scan3A_48 : i32 to index
        %swap3A_50 = arith.constant 0 : index
        %swap3A_51 = tpu.vector_load %arg8[%swap3A, %swap3A_50] {strides = array<i32>} : memref<128x128xf32, #tpu.memory_space<vmem>>, vector<1x16xf32>,
        %swap3A_52 = vector.shape_cast %swap3A_51 : vector<1x16xf32> to vector<16xf32>
        %swap3A_53 = vector.shape_cast %broadcast_in_dim3A_0 : vector<16xf32> to vector<1x16xf32>
        tpu.vector_store %arg8[%swap3A, %swap3A_50], %swap3A_53 {strides = array<i32>} : memref<128x128xf32, #tpu.memory_space<vmem>>, vector<1x16xf32>,
        %swap3A_54 = arith.index_cast %scan3A_48 : i32 to index
        %swap3A_55 = arith.constant 16 : index
        %swap3A_56 = tpu.vector_load %arg8[%swap3A_54, %swap3A_55] {strides = array<i32>} : memref<128x128xf32, #tpu.memory_space<vmem>>, vector<1x16xf32>,
        %swap3A_57 = vector.shape_cast %swap3A_56 : vector<1x16xf32> to vector<16xf32>
        %swap3A_58 = vector.shape_cast %broadcast_in_dim3A_0 : vector<16xf32> to vector<1x16xf32>
        tpu.vector_store %arg8[%swap3A_54, %swap3A_55], %swap3A_58 {strides = array<i32>} : memref<128x128xf32, #tpu.memory_space<vmem>>, vector<1x16xf32>,
        %swap3A_59 = arith.index_cast %scan3A_48 : i32 to index
        %swap3A_60 = arith.constant 32 : index
        %swap3A_61 = tpu.vector_load %arg8[%swap3A_59, %swap3A_60] {strides = array<i32>} : memref<128x128xf32, #tpu.memory_space<vmem>>, vector<1x16xf32>,
        %swap3A_62 = vector.shape_cast %swap3A_61 : vector<1x16xf32> to vector<16xf32>
        %swap3A_63 = vector.shape_cast %broadcast_in_dim3A_0 : vector<16xf32> to vector<1x16xf32>
        tpu.vector_store %arg8[%swap3A_59, %swap3A_60], %swap3A_63 {strides = array<i32>} : memref<128x128xf32, #tpu.memory_space<vmem>>, vector<1x16xf32>,
        %swap3A_64 = arith.index_cast %scan3A_48 : i32 to index
        %swap3A_65 = arith.constant 48 : index
        %swap3A_66 = tpu.vector_load %arg8[%swap3A_64, %swap3A_65] {strides = array<i32>} : memref<128x128xf32, #tpu.memory_space<vmem>>, vector<1x16xf32>,
        %swap3A_67 = vector.shape_cast %swap3A_66 : vector<1x16xf32> to vector<16xf32>
        %swap3A_68 = vector.shape_cast %broadcast_in_dim3A_0 : vector<16xf32> to vector<1x16xf32>
        tpu.vector_store %arg8[%swap3A_64, %swap3A_65], %swap3A_68 {strides = array<i32>} : memref<128x128xf32, #tpu.memory_space<vmem>>, vector<1x16xf32>,
        %swap3A_69 = arith.index_cast %scan3A_48 : i32 to index
        %swap3A_70 = arith.constant 64 : index
        %swap3A_71 = tpu.vector_load %arg8[%swap3A_69, %swap3A_70] {strides = array<i32>} : memref<128x128xf32, #tpu.memory_space<vmem>>, vector<1x16xf32>,
        %swap3A_72 = vector.shape_cast %swap3A_71 : vector<1x16xf32> to vector<16xf32>
        %swap3A_73 = vector.shape_cast %broadcast_in_dim3A_0 : vector<16xf32> to vector<1x16xf32>
        tpu.vector_store %arg8[%swap3A_69, %swap3A_70], %swap3A_73 {strides = array<i32>} : memref<128x128xf32, #tpu.memory_space<vmem>>, vector<1x16xf32>,
        %swap3A_74 = arith.index_cast %scan3A_48 : i32 to index
        %swap3A_75 = arith.constant 80 : index
        %swap3A_76 = tpu.vector_load %arg8[%swap3A_74, %swap3A_75] {strides = array<i32>} : memref<128x128xf32, #tpu.memory_space<vmem>>, vector<1x16xf32>,
        %swap3A_77 = vector.shape_cast %swap3A_76 : vector<1x16xf32> to vector<16xf32>
        %swap3A_78 = vector.shape_cast %broadcast_in_dim3A_0 : vector<16xf32> to vector<1x16xf32>
        tpu.vector_store %arg8[%swap3A_74, %swap3A_75], %swap3A_78 {strides = array<i32>} : memref<128x128xf32, #tpu.memory_space<vmem>>, vector<1x16xf32>,
        %swap3A_79 = arith.index_cast %scan3A_48 : i32 to index
        %swap3A_80 = arith.constant 96 : index
        %swap3A_81 = tpu.vector_load %arg8[%swap3A_79, %swap3A_80] {strides = array<i32>} : memref<128x128xf32, #tpu.memory_space<vmem>>, vector<1x16xf32>,
        %swap3A_82 = vector.shape_cast %swap3A_81 : vector<1x16xf32> to vector<16xf32>
        %swap3A_83 = vector.shape_cast %broadcast_in_dim3A_0 : vector<16xf32> to vector<1x16xf32>
        tpu.vector_store %arg8[%swap3A_79, %swap3A_80], %swap3A_83 {strides = array<i32>} : memref<128x128xf32, #tpu.memory_space<vmem>>, vector<1x16xf32>,
        %swap3A_84 = arith.index_cast %scan3A_48 : i32 to index
        %swap3A_85 = arith.constant 112 : index
        %swap3A_86 = tpu.vector_load %arg8[%swap3A_84, %swap3A_85] {strides = array<i32>} : memref<128x128xf32, #tpu.memory_space<vmem>>, vector<1x16xf32>,
        %swap3A_87 = vector.shape_cast %swap3A_86 : vector<1x16xf32> to vector<16xf32>
        %swap3A_88 = vector.shape_cast %broadcast_in_dim3A_0 : vector<16xf32> to vector<1x16xf32>
        tpu.vector_store %arg8[%swap3A_84, %swap3A_85], %swap3A_88 {strides = array<i32>} : memref<128x128xf32, #tpu.memory_space<vmem>>, vector<1x16xf32>,
        %scan3A_89 = arith.constant 0 : i32
        scf.yield %scan3A_89 : i32
      }
      %scan3A_23 = arith.constant 128 : i32
      %scan3A_24 = arith.constant 0 : i32
      %scan3A_25 = arith.constant 0 : i32
      %scan3A_26 = arith.constant 5 : i32
      %scan3A_27 = arith.addi %scan3A_25, %scan3A_26 : i32
      %scan3A_28 = arith.constant 1 : i32
      %scan3A_29 = scf.for %scan3A_48 = %scan3A_25 to %scan3A_27 step %scan3A_28 iter_args(%scan3A_49 = %scan3A_24) -> (i32)  : i32 {
        %mul3A_50 = arith.constant 640 : i32
        %mul3A_51 = arith.muli %arg1, %mul3A_50 : i32
        %mul3A_52 = arith.constant 128 : i32
        %mul3A_53 = arith.muli %scan3A_48, %mul3A_52 : i32
        %add3A_54 = arith.addi %mul3A_51, %mul3A_53 : i32
        "tpu.region"() ({
          %run_scoped3A = tpu.sem_alloc : memref<!tpu.dma_semaphore, #tpu.memory_space<semaphore_mem>>
          %dma_start3A = arith.constant 0 : i32
          %dma_start3A_56 = tpu.memref_slice %arg10[%add3A_54, %dma_start3A] : memref<10240x128xf32, #tpu.memory_space<vmem_shared>> -> memref<128x128xf32, #tpu.memory_space<vmem_shared>>
          %dma_start3A_57 = arith.constant 0 : i32
          %dma_start3A_58 = tpu.memref_slice %arg10[%add3A_54, %dma_start3A_57] : memref<10240x128xf32, #tpu.memory_space<vmem_shared>> -> memref<128x128xf32, #tpu.memory_space<vmem_shared>>
          tpu.enqueue_dma source(%arg8 : memref<128x128xf32, #tpu.memory_space<vmem>>) target(%dma_start3A_58 : memref<128x128xf32, #tpu.memory_space<vmem_shared>>) target_semaphore(%run_scoped3A : memref<!tpu.dma_semaphore, #tpu.memory_space<semaphore_mem>>)
          %dma_wait3A = arith.constant 0 : i32
          %dma_wait3A_59 = tpu.memref_slice %arg10[%add3A_54, %dma_wait3A] : memref<10240x128xf32, #tpu.memory_space<vmem_shared>> -> memref<128x128xf32, #tpu.memory_space<vmem_shared>>
          %dma_wait3A_60 = arith.constant 0 : i32
          %dma_wait3A_61 = tpu.memref_slice %arg10[%add3A_54, %dma_wait3A_60] : memref<10240x128xf32, #tpu.memory_space<vmem_shared>> -> memref<128x128xf32, #tpu.memory_space<vmem_shared>>
          tpu.wait_dma2 semaphore(%run_scoped3A : memref<!tpu.dma_semaphore, #tpu.memory_space<semaphore_mem>>) src(%arg8 : memref<128x128xf32, #tpu.memory_space<vmem>>) dst(%dma_wait3A_61 : memref<128x128xf32, #tpu.memory_space<vmem_shared>>)
          tpu.yield
        }) : () -> ()
        %scan3A_55 = arith.constant 0 : i32
        scf.yield %scan3A_55 : i32
      }
      %scan3A_30 = arith.constant 5 : i32
      %add3A = arith.constant 48 : i32
      %add3A_31 = arith.addi %add3A, %arg1 : i32
      "tpu.region"() ({
        %run_scoped3A = tpu.sem_alloc : memref<!tpu.dma_semaphore, #tpu.memory_space<semaphore_mem>>
        %dma_start3A = arith.constant 0 : i32
        %dma_start3A_48 = arith.constant 0 : i32
        %dma_start3A_49 = tpu.memref_slice %arg3[%add3A_31, %dma_start3A, %dma_start3A_48] : memref<64x44x128xi32, #tpu.memory_space<hbm>> -> memref<1x44x128xi32, #tpu.memory_space<hbm>>
        %dma_start3A_50 = tpu.memref_squeeze %dma_start3A_49 : memref<1x44x128xi32, #tpu.memory_space<hbm>> -> memref<44x128xi32, #tpu.memory_space<hbm>>
        %dma_start3A_51 = arith.constant 0 : i32
        %dma_start3A_52 = arith.constant 0 : i32
        %dma_start3A_53 = tpu.memref_slice %arg3[%add3A_31, %dma_start3A_51, %dma_start3A_52] : memref<64x44x128xi32, #tpu.memory_space<hbm>> -> memref<1x44x128xi32, #tpu.memory_space<hbm>>
        %dma_start3A_54 = tpu.memref_squeeze %dma_start3A_53 : memref<1x44x128xi32, #tpu.memory_space<hbm>> -> memref<44x128xi32, #tpu.memory_space<hbm>>
        tpu.enqueue_dma source(%dma_start3A_54 : memref<44x128xi32, #tpu.memory_space<hbm>>) target(%arg6 : memref<44x128xi32, #tpu.memory_space<vmem>>) target_semaphore(%run_scoped3A : memref<!tpu.dma_semaphore, #tpu.memory_space<semaphore_mem>>)
        %dma_wait3A = arith.constant 0 : i32
        %dma_wait3A_55 = arith.constant 0 : i32
        %dma_wait3A_56 = tpu.memref_slice %arg3[%add3A_31, %dma_wait3A, %dma_wait3A_55] : memref<64x44x128xi32, #tpu.memory_space<hbm>> -> memref<1x44x128xi32, #tpu.memory_space<hbm>>
        %dma_wait3A_57 = tpu.memref_squeeze %dma_wait3A_56 : memref<1x44x128xi32, #tpu.memory_space<hbm>> -> memref<44x128xi32, #tpu.memory_space<hbm>>
        %dma_wait3A_58 = arith.constant 0 : i32
        %dma_wait3A_59 = arith.constant 0 : i32
        %dma_wait3A_60 = tpu.memref_slice %arg3[%add3A_31, %dma_wait3A_58, %dma_wait3A_59] : memref<64x44x128xi32, #tpu.memory_space<hbm>> -> memref<1x44x128xi32, #tpu.memory_space<hbm>>
        %dma_wait3A_61 = tpu.memref_squeeze %dma_wait3A_60 : memref<1x44x128xi32, #tpu.memory_space<hbm>> -> memref<44x128xi32, #tpu.memory_space<hbm>>
        tpu.wait_dma2 semaphore(%run_scoped3A : memref<!tpu.dma_semaphore, #tpu.memory_space<semaphore_mem>>) src(%dma_wait3A_61 : memref<44x128xi32, #tpu.memory_space<hbm>>) dst(%arg6 : memref<44x128xi32, #tpu.memory_space<vmem>>)
        tpu.yield
      }) : () -> ()
      %add3A_32 = arith.constant 48 : i32
      %add3A_33 = arith.addi %add3A_32, %arg1 : i32
      "tpu.region"() ({
        %run_scoped3A = tpu.sem_alloc : memref<!tpu.dma_semaphore, #tpu.memory_space<semaphore_mem>>
        %dma_start3A = arith.constant 0 : i32
        %dma_start3A_48 = arith.constant 0 : i32
        %dma_start3A_49 = tpu.memref_slice %arg4[%add3A_33, %dma_start3A, %dma_start3A_48] : memref<64x44x128xi32, #tpu.memory_space<hbm>> -> memref<1x44x128xi32, #tpu.memory_space<hbm>>
        %dma_start3A_50 = tpu.memref_squeeze %dma_start3A_49 : memref<1x44x128xi32, #tpu.memory_space<hbm>> -> memref<44x128xi32, #tpu.memory_space<hbm>>
        %dma_start3A_51 = arith.constant 0 : i32
        %dma_start3A_52 = arith.constant 0 : i32
        %dma_start3A_53 = tpu.memref_slice %arg4[%add3A_33, %dma_start3A_51, %dma_start3A_52] : memref<64x44x128xi32, #tpu.memory_space<hbm>> -> memref<1x44x128xi32, #tpu.memory_space<hbm>>
        %dma_start3A_54 = tpu.memref_squeeze %dma_start3A_53 : memref<1x44x128xi32, #tpu.memory_space<hbm>> -> memref<44x128xi32, #tpu.memory_space<hbm>>
        tpu.enqueue_dma source(%dma_start3A_54 : memref<44x128xi32, #tpu.memory_space<hbm>>) target(%arg7 : memref<44x128xi32, #tpu.memory_space<vmem>>) target_semaphore(%run_scoped3A : memref<!tpu.dma_semaphore, #tpu.memory_space<semaphore_mem>>)
        %dma_wait3A = arith.constant 0 : i32
        %dma_wait3A_55 = arith.constant 0 : i32
        %dma_wait3A_56 = tpu.memref_slice %arg4[%add3A_33, %dma_wait3A, %dma_wait3A_55] : memref<64x44x128xi32, #tpu.memory_space<hbm>> -> memref<1x44x128xi32, #tpu.memory_space<hbm>>
        %dma_wait3A_57 = tpu.memref_squeeze %dma_wait3A_56 : memref<1x44x128xi32, #tpu.memory_space<hbm>> -> memref<44x128xi32, #tpu.memory_space<hbm>>
        %dma_wait3A_58 = arith.constant 0 : i32
        %dma_wait3A_59 = arith.constant 0 : i32
        %dma_wait3A_60 = tpu.memref_slice %arg4[%add3A_33, %dma_wait3A_58, %dma_wait3A_59] : memref<64x44x128xi32, #tpu.memory_space<hbm>> -> memref<1x44x128xi32, #tpu.memory_space<hbm>>
        %dma_wait3A_61 = tpu.memref_squeeze %dma_wait3A_60 : memref<1x44x128xi32, #tpu.memory_space<hbm>> -> memref<44x128xi32, #tpu.memory_space<hbm>>
        tpu.wait_dma2 semaphore(%run_scoped3A : memref<!tpu.dma_semaphore, #tpu.memory_space<semaphore_mem>>) src(%dma_wait3A_61 : memref<44x128xi32, #tpu.memory_space<hbm>>) dst(%arg7 : memref<44x128xi32, #tpu.memory_space<vmem>>)
        tpu.yield
      }) : () -> ()
      %barrier3A = arith.constant 0 : index
      tpu.barrier barrier_id(%barrier3A)
      %scan3A_34 = arith.constant 0 : i32
      %scan3A_35 = arith.constant 0 : i32
      %scan3A_36 = arith.constant 22 : i32
      %scan3A_37 = arith.addi %scan3A_35, %scan3A_36 : i32
      %scan3A_38 = arith.constant 1 : i32
      %scan3A_39 = scf.for %scan3A_48 = %scan3A_35 to %scan3A_37 step %scan3A_38 iter_args(%scan3A_49 = %scan3A_34) -> (i32)  : i32 {
        %mul3A_50 = arith.constant 2 : i32
        %mul3A_51 = arith.muli %mul3A_50, %scan3A_48 : i32
        %mul3A_52 = arith.constant 2 : i32
        %mul3A_53 = arith.muli %mul3A_52, %scan3A_48 : i32
        %add3A_54 = arith.constant 1 : i32
        %add3A_55 = arith.addi %mul3A_53, %add3A_54 : i32
        %dma_start3A = arith.constant 0 : i32
        %dma_start3A_56 = tpu.memref_slice %arg6[%mul3A_51, %dma_start3A] : memref<44x128xi32, #tpu.memory_space<vmem>> -> memref<1x128xi32, #tpu.memory_space<vmem>>
        %dma_start3A_57 = tpu.memref_squeeze %dma_start3A_56 : memref<1x128xi32, #tpu.memory_space<vmem>> -> memref<128xi32, #tpu.memory_space<vmem>>
        %dma_start3A_58 = arith.constant 0 : i32
        %dma_start3A_59 = arith.constant 0 : i32
        %dma_start3A_60 = tpu.memref_slice %arg2[%dma_start3A_58, %dma_start3A_59] : memref<40000x128xf32, #tpu.memory_space<hbm>> -> memref<40000x128xf32, #tpu.memory_space<hbm>>
        tpu.enqueue_indirect_dma source(%dma_start3A_60 : memref<40000x128xf32, #tpu.memory_space<hbm>>) target(%arg8 : memref<128x128xf32, #tpu.memory_space<vmem>>) offsets(%dma_start3A_57 : memref<128xi32, #tpu.memory_space<vmem>>) semaphore(%arg11 : memref<!tpu.dma_semaphore, #tpu.memory_space<semaphore_mem>>)
        %dma_start3A_61 = arith.constant 0 : i32
        %dma_start3A_62 = tpu.memref_slice %arg6[%add3A_55, %dma_start3A_61] : memref<44x128xi32, #tpu.memory_space<vmem>> -> memref<1x128xi32, #tpu.memory_space<vmem>>
        %dma_start3A_63 = tpu.memref_squeeze %dma_start3A_62 : memref<1x128xi32, #tpu.memory_space<vmem>> -> memref<128xi32, #tpu.memory_space<vmem>>
        %dma_start3A_64 = arith.constant 0 : i32
        %dma_start3A_65 = arith.constant 0 : i32
        %dma_start3A_66 = tpu.memref_slice %arg2[%dma_start3A_64, %dma_start3A_65] : memref<40000x128xf32, #tpu.memory_space<hbm>> -> memref<40000x128xf32, #tpu.memory_space<hbm>>
        tpu.enqueue_indirect_dma source(%dma_start3A_66 : memref<40000x128xf32, #tpu.memory_space<hbm>>) target(%arg9 : memref<128x128xf32, #tpu.memory_space<vmem>>) offsets(%dma_start3A_63 : memref<128xi32, #tpu.memory_space<vmem>>) semaphore(%arg12 : memref<!tpu.dma_semaphore, #tpu.memory_space<semaphore_mem>>)
        %dma_wait3A = arith.constant 0 : i32
        %dma_wait3A_67 = tpu.memref_slice %arg6[%mul3A_51, %dma_wait3A] : memref<44x128xi32, #tpu.memory_space<vmem>> -> memref<1x128xi32, #tpu.memory_space<vmem>>
        %dma_wait3A_68 = tpu.memref_squeeze %dma_wait3A_67 : memref<1x128xi32, #tpu.memory_space<vmem>> -> memref<128xi32, #tpu.memory_space<vmem>>
        %dma_wait3A_69 = arith.constant 0 : i32
        %dma_wait3A_70 = arith.constant 0 : i32
        %dma_wait3A_71 = tpu.memref_slice %arg2[%dma_wait3A_69, %dma_wait3A_70] : memref<40000x128xf32, #tpu.memory_space<hbm>> -> memref<40000x128xf32, #tpu.memory_space<hbm>>
        tpu.wait_indirect_dma semaphore(%arg11 : memref<!tpu.dma_semaphore, #tpu.memory_space<semaphore_mem>>) src(%dma_wait3A_71 : memref<40000x128xf32, #tpu.memory_space<hbm>>) dst(%arg8 : memref<128x128xf32, #tpu.memory_space<vmem>>)
        %dma_start3A_72 = arith.constant 0 : i32
        %dma_start3A_73 = tpu.memref_slice %arg7[%mul3A_51, %dma_start3A_72] : memref<44x128xi32, #tpu.memory_space<vmem>> -> memref<1x128xi32, #tpu.memory_space<vmem>>
        %dma_start3A_74 = tpu.memref_squeeze %dma_start3A_73 : memref<1x128xi32, #tpu.memory_space<vmem>> -> memref<128xi32, #tpu.memory_space<vmem>>
        %dma_start3A_75 = arith.constant 0 : i32
        %dma_start3A_76 = arith.constant 0 : i32
        %dma_start3A_77 = tpu.memref_slice %arg10[%dma_start3A_75, %dma_start3A_76] : memref<10240x128xf32, #tpu.memory_space<vmem_shared>> -> memref<10240x128xf32, #tpu.memory_space<vmem_shared>>
        tpu.enqueue_indirect_dma source(%arg8 : memref<128x128xf32, #tpu.memory_space<vmem>>) target(%dma_start3A_77 : memref<10240x128xf32, #tpu.memory_space<vmem_shared>>) offsets(%dma_start3A_74 : memref<128xi32, #tpu.memory_space<vmem>>) semaphore(%arg13 : memref<!tpu.dma_semaphore, #tpu.memory_space<semaphore_mem>>) {add = true}
        %dma_wait3A_78 = arith.constant 0 : i32
        %dma_wait3A_79 = tpu.memref_slice %arg6[%add3A_55, %dma_wait3A_78] : memref<44x128xi32, #tpu.memory_space<vmem>> -> memref<1x128xi32, #tpu.memory_space<vmem>>
        %dma_wait3A_80 = tpu.memref_squeeze %dma_wait3A_79 : memref<1x128xi32, #tpu.memory_space<vmem>> -> memref<128xi32, #tpu.memory_space<vmem>>
        %dma_wait3A_81 = arith.constant 0 : i32
        %dma_wait3A_82 = arith.constant 0 : i32
        %dma_wait3A_83 = tpu.memref_slice %arg2[%dma_wait3A_81, %dma_wait3A_82] : memref<40000x128xf32, #tpu.memory_space<hbm>> -> memref<40000x128xf32, #tpu.memory_space<hbm>>
        tpu.wait_indirect_dma semaphore(%arg12 : memref<!tpu.dma_semaphore, #tpu.memory_space<semaphore_mem>>) src(%dma_wait3A_83 : memref<40000x128xf32, #tpu.memory_space<hbm>>) dst(%arg9 : memref<128x128xf32, #tpu.memory_space<vmem>>)
        %dma_start3A_84 = arith.constant 0 : i32
        %dma_start3A_85 = tpu.memref_slice %arg7[%add3A_55, %dma_start3A_84] : memref<44x128xi32, #tpu.memory_space<vmem>> -> memref<1x128xi32, #tpu.memory_space<vmem>>
        %dma_start3A_86 = tpu.memref_squeeze %dma_start3A_85 : memref<1x128xi32, #tpu.memory_space<vmem>> -> memref<128xi32, #tpu.memory_space<vmem>>
        %dma_start3A_87 = arith.constant 0 : i32
        %dma_start3A_88 = arith.constant 0 : i32
        %dma_start3A_89 = tpu.memref_slice %arg10[%dma_start3A_87, %dma_start3A_88] : memref<10240x128xf32, #tpu.memory_space<vmem_shared>> -> memref<10240x128xf32, #tpu.memory_space<vmem_shared>>
        tpu.enqueue_indirect_dma source(%arg9 : memref<128x128xf32, #tpu.memory_space<vmem>>) target(%dma_start3A_89 : memref<10240x128xf32, #tpu.memory_space<vmem_shared>>) offsets(%dma_start3A_86 : memref<128xi32, #tpu.memory_space<vmem>>) semaphore(%arg14 : memref<!tpu.dma_semaphore, #tpu.memory_space<semaphore_mem>>) {add = true}
        %dma_wait3A_90 = arith.constant 0 : i32
        %dma_wait3A_91 = tpu.memref_slice %arg7[%mul3A_51, %dma_wait3A_90] : memref<44x128xi32, #tpu.memory_space<vmem>> -> memref<1x128xi32, #tpu.memory_space<vmem>>
        %dma_wait3A_92 = tpu.memref_squeeze %dma_wait3A_91 : memref<1x128xi32, #tpu.memory_space<vmem>> -> memref<128xi32, #tpu.memory_space<vmem>>
        %dma_wait3A_93 = arith.constant 0 : i32
        %dma_wait3A_94 = arith.constant 0 : i32
        %dma_wait3A_95 = tpu.memref_slice %arg10[%dma_wait3A_93, %dma_wait3A_94] : memref<10240x128xf32, #tpu.memory_space<vmem_shared>> -> memref<10240x128xf32, #tpu.memory_space<vmem_shared>>
        tpu.wait_indirect_dma semaphore(%arg13 : memref<!tpu.dma_semaphore, #tpu.memory_space<semaphore_mem>>) src(%arg8 : memref<128x128xf32, #tpu.memory_space<vmem>>) dst(%dma_wait3A_95 : memref<10240x128xf32, #tpu.memory_space<vmem_shared>>)
        %dma_wait3A_96 = arith.constant 0 : i32
        %dma_wait3A_97 = tpu.memref_slice %arg7[%add3A_55, %dma_wait3A_96] : memref<44x128xi32, #tpu.memory_space<vmem>> -> memref<1x128xi32, #tpu.memory_space<vmem>>
        %dma_wait3A_98 = tpu.memref_squeeze %dma_wait3A_97 : memref<1x128xi32, #tpu.memory_space<vmem>> -> memref<128xi32, #tpu.memory_space<vmem>>
        %dma_wait3A_99 = arith.constant 0 : i32
        %dma_wait3A_100 = arith.constant 0 : i32
        %dma_wait3A_101 = tpu.memref_slice %arg10[%dma_wait3A_99, %dma_wait3A_100] : memref<10240x128xf32, #tpu.memory_space<vmem_shared>> -> memref<10240x128xf32, #tpu.memory_space<vmem_shared>>
        tpu.wait_indirect_dma semaphore(%arg14 : memref<!tpu.dma_semaphore, #tpu.memory_space<semaphore_mem>>) src(%arg9 : memref<128x128xf32, #tpu.memory_space<vmem>>) dst(%dma_wait3A_101 : memref<10240x128xf32, #tpu.memory_space<vmem_shared>>)
        %scan3A_102 = arith.constant 0 : i32
        scf.yield %scan3A_102 : i32
      }
      %scan3A_40 = arith.constant 22 : i32
      %barrier3A_41 = arith.constant 0 : index
      tpu.barrier barrier_id(%barrier3A_41)
      %mul3A = arith.constant 640 : i32
      %mul3A_42 = arith.muli %arg1, %mul3A : i32
      %mul3A_43 = arith.constant 640 : i32
      %mul3A_44 = arith.muli %arg1, %mul3A_43 : i32
      %add3A_45 = arith.constant 30720 : i32
      %add3A_46 = arith.addi %add3A_45, %mul3A_44 : i32
      "tpu.region"() ({
        %run_scoped3A = tpu.sem_alloc : memref<!tpu.dma_semaphore, #tpu.memory_space<semaphore_mem>>
        %dma_start3A = arith.constant 0 : i32
        %dma_start3A_48 = tpu.memref_slice %arg5[%add3A_46, %dma_start3A] : memref<40960x128xf32, #tpu.memory_space<hbm>> -> memref<640x128xf32, #tpu.memory_space<hbm>>
        %dma_start3A_49 = arith.constant 0 : i32
        %dma_start3A_50 = tpu.memref_slice %arg10[%mul3A_42, %dma_start3A_49] : memref<10240x128xf32, #tpu.memory_space<vmem_shared>> -> memref<640x128xf32, #tpu.memory_space<vmem_shared>>
        tpu.enqueue_dma source(%dma_start3A_50 : memref<640x128xf32, #tpu.memory_space<vmem_shared>>) target(%dma_start3A_48 : memref<640x128xf32, #tpu.memory_space<hbm>>) target_semaphore(%run_scoped3A : memref<!tpu.dma_semaphore, #tpu.memory_space<semaphore_mem>>)
        %dma_wait3A = arith.constant 0 : i32
        %dma_wait3A_51 = tpu.memref_slice %arg5[%add3A_46, %dma_wait3A] : memref<40960x128xf32, #tpu.memory_space<hbm>> -> memref<640x128xf32, #tpu.memory_space<hbm>>
        %dma_wait3A_52 = arith.constant 0 : i32
        %dma_wait3A_53 = tpu.memref_slice %arg10[%mul3A_42, %dma_wait3A_52] : memref<10240x128xf32, #tpu.memory_space<vmem_shared>> -> memref<640x128xf32, #tpu.memory_space<vmem_shared>>
        tpu.wait_dma2 semaphore(%run_scoped3A : memref<!tpu.dma_semaphore, #tpu.memory_space<semaphore_mem>>) src(%dma_wait3A_53 : memref<640x128xf32, #tpu.memory_space<vmem_shared>>) dst(%dma_wait3A_51 : memref<640x128xf32, #tpu.memory_space<hbm>>)
        tpu.yield
      }) : () -> ()
      %barrier3A_47 = arith.constant 0 : index
      tpu.barrier barrier_id(%barrier3A_47)
    } else {
    }
    return
  }
}

#map = affine_map<(d0, d1) -> (0, 0)>
#map1 = affine_map<(d0, d1) -> (0, 0, 0)>
module attributes {stable_mosaic.version = 14 : i64} {
  func.func @_gs_body(%arg0: i32, %arg1: i32, %arg2: memref<40000x128xf32, #tpu.memory_space<hbm>>, %arg3: memref<64x44x128xi32, #tpu.memory_space<hbm>>, %arg4: memref<64x44x128xi32, #tpu.memory_space<hbm>>, %arg5: memref<40960x128xf32, #tpu.memory_space<hbm>>, %arg6: memref<44x128xi32, #tpu.memory_space<vmem>>, %arg7: memref<44x128xi32, #tpu.memory_space<vmem>>, %arg8: memref<128x128xf32, #tpu.memory_space<vmem>>, %arg9: memref<128x128xf32, #tpu.memory_space<vmem>>, %arg10: memref<10240x128xf32, #tpu.memory_space<vmem_shared>>, %arg11: memref<!tpu.dma_semaphore, #tpu.memory_space<semaphore_mem>>, %arg12: memref<!tpu.dma_semaphore, #tpu.memory_space<semaphore_mem>>, %arg13: memref<!tpu.dma_semaphore, #tpu.memory_space<semaphore_mem>>, %arg14: memref<!tpu.dma_semaphore, #tpu.memory_space<semaphore_mem>>) attributes {dimension_semantics = [#tpu.dimension_semantics<core_parallel>, #tpu.dimension_semantics<subcore_parallel>], iteration_bounds = array<i64: 2, 16>, scalar_prefetch = 0 : i64, scratch_operands = 9 : i64, tpu.core_type = #tpu.core_type<sc_vector_subcore>, window_params = [{transform_indices = #map}, {transform_indices = #map1}, {transform_indices = #map1}, {transform_indices = #map}]} {
    %broadcast_in_dim3A = arith.constant 0.000000e+00 : f32
    %broadcast_in_dim3A_0 = vector.broadcast %broadcast_in_dim3A : f32 to vector<16xf32>
    %eq3A = arith.constant 0 : i32
    %eq3A_1 = arith.cmpi eq, %arg0, %eq3A : i32
    %convert_element_type3A = arith.extui %eq3A_1 : i1 to i32
    %cond3A = arith.constant 0 : i32
    %cond3A_2 = arith.cmpi ne, %convert_element_type3A, %cond3A : i32
    scf.if %cond3A_2 {
      %scan3A = arith.constant 0 : i32
      %scan3A_18 = arith.constant 0 : i32
      %scan3A_19 = arith.constant 128 : i32
      %scan3A_20 = arith.addi %scan3A_18, %scan3A_19 : i32
      %scan3A_21 = arith.constant 1 : i32
      %scan3A_22 = scf.for %scan3A_48 = %scan3A_18 to %scan3A_20 step %scan3A_21 iter_args(%scan3A_49 = %scan3A) -> (i32)  : i32 {
        %swap3A = arith.index_cast %scan3A_48 : i32 to index
        %swap3A_50 = arith.constant 0 : index
        %swap3A_51 = tpu.vector_load %arg8[%swap3A, %swap3A_50] {strides = array<i32>} : memref<128x128xf32, #tpu.memory_space<vmem>>, vector<1x16xf32>,
        %swap3A_52 = vector.shape_cast %swap3A_51 : vector<1x16xf32> to vector<16xf32>
        %swap3A_53 = vector.shape_cast %broadcast_in_dim3A_0 : vector<16xf32> to vector<1x16xf32>
        tpu.vector_store %arg8[%swap3A, %swap3A_50], %swap3A_53 {strides = array<i32>} : memref<128x128xf32, #tpu.memory_space<vmem>>, vector<1x16xf32>,
        %swap3A_54 = arith.index_cast %scan3A_48 : i32 to index
        %swap3A_55 = arith.constant 16 : index
        %swap3A_56 = tpu.vector_load %arg8[%swap3A_54, %swap3A_55] {strides = array<i32>} : memref<128x128xf32, #tpu.memory_space<vmem>>, vector<1x16xf32>,
        %swap3A_57 = vector.shape_cast %swap3A_56 : vector<1x16xf32> to vector<16xf32>
        %swap3A_58 = vector.shape_cast %broadcast_in_dim3A_0 : vector<16xf32> to vector<1x16xf32>
        tpu.vector_store %arg8[%swap3A_54, %swap3A_55], %swap3A_58 {strides = array<i32>} : memref<128x128xf32, #tpu.memory_space<vmem>>, vector<1x16xf32>,
        %swap3A_59 = arith.index_cast %scan3A_48 : i32 to index
        %swap3A_60 = arith.constant 32 : index
        %swap3A_61 = tpu.vector_load %arg8[%swap3A_59, %swap3A_60] {strides = array<i32>} : memref<128x128xf32, #tpu.memory_space<vmem>>, vector<1x16xf32>,
        %swap3A_62 = vector.shape_cast %swap3A_61 : vector<1x16xf32> to vector<16xf32>
        %swap3A_63 = vector.shape_cast %broadcast_in_dim3A_0 : vector<16xf32> to vector<1x16xf32>
        tpu.vector_store %arg8[%swap3A_59, %swap3A_60], %swap3A_63 {strides = array<i32>} : memref<128x128xf32, #tpu.memory_space<vmem>>, vector<1x16xf32>,
        %swap3A_64 = arith.index_cast %scan3A_48 : i32 to index
        %swap3A_65 = arith.constant 48 : index
        %swap3A_66 = tpu.vector_load %arg8[%swap3A_64, %swap3A_65] {strides = array<i32>} : memref<128x128xf32, #tpu.memory_space<vmem>>, vector<1x16xf32>,
        %swap3A_67 = vector.shape_cast %swap3A_66 : vector<1x16xf32> to vector<16xf32>
        %swap3A_68 = vector.shape_cast %broadcast_in_dim3A_0 : vector<16xf32> to vector<1x16xf32>
        tpu.vector_store %arg8[%swap3A_64, %swap3A_65], %swap3A_68 {strides = array<i32>} : memref<128x128xf32, #tpu.memory_space<vmem>>, vector<1x16xf32>,
        %swap3A_69 = arith.index_cast %scan3A_48 : i32 to index
        %swap3A_70 = arith.constant 64 : index
        %swap3A_71 = tpu.vector_load %arg8[%swap3A_69, %swap3A_70] {strides = array<i32>} : memref<128x128xf32, #tpu.memory_space<vmem>>, vector<1x16xf32>,
        %swap3A_72 = vector.shape_cast %swap3A_71 : vector<1x16xf32> to vector<16xf32>
        %swap3A_73 = vector.shape_cast %broadcast_in_dim3A_0 : vector<16xf32> to vector<1x16xf32>
        tpu.vector_store %arg8[%swap3A_69, %swap3A_70], %swap3A_73 {strides = array<i32>} : memref<128x128xf32, #tpu.memory_space<vmem>>, vector<1x16xf32>,
        %swap3A_74 = arith.index_cast %scan3A_48 : i32 to index
        %swap3A_75 = arith.constant 80 : index
        %swap3A_76 = tpu.vector_load %arg8[%swap3A_74, %swap3A_75] {strides = array<i32>} : memref<128x128xf32, #tpu.memory_space<vmem>>, vector<1x16xf32>,
        %swap3A_77 = vector.shape_cast %swap3A_76 : vector<1x16xf32> to vector<16xf32>
        %swap3A_78 = vector.shape_cast %broadcast_in_dim3A_0 : vector<16xf32> to vector<1x16xf32>
        tpu.vector_store %arg8[%swap3A_74, %swap3A_75], %swap3A_78 {strides = array<i32>} : memref<128x128xf32, #tpu.memory_space<vmem>>, vector<1x16xf32>,
        %swap3A_79 = arith.index_cast %scan3A_48 : i32 to index
        %swap3A_80 = arith.constant 96 : index
        %swap3A_81 = tpu.vector_load %arg8[%swap3A_79, %swap3A_80] {strides = array<i32>} : memref<128x128xf32, #tpu.memory_space<vmem>>, vector<1x16xf32>,
        %swap3A_82 = vector.shape_cast %swap3A_81 : vector<1x16xf32> to vector<16xf32>
        %swap3A_83 = vector.shape_cast %broadcast_in_dim3A_0 : vector<16xf32> to vector<1x16xf32>
        tpu.vector_store %arg8[%swap3A_79, %swap3A_80], %swap3A_83 {strides = array<i32>} : memref<128x128xf32, #tpu.memory_space<vmem>>, vector<1x16xf32>,
        %swap3A_84 = arith.index_cast %scan3A_48 : i32 to index
        %swap3A_85 = arith.constant 112 : index
        %swap3A_86 = tpu.vector_load %arg8[%swap3A_84, %swap3A_85] {strides = array<i32>} : memref<128x128xf32, #tpu.memory_space<vmem>>, vector<1x16xf32>,
        %swap3A_87 = vector.shape_cast %swap3A_86 : vector<1x16xf32> to vector<16xf32>
        %swap3A_88 = vector.shape_cast %broadcast_in_dim3A_0 : vector<16xf32> to vector<1x16xf32>
        tpu.vector_store %arg8[%swap3A_84, %swap3A_85], %swap3A_88 {strides = array<i32>} : memref<128x128xf32, #tpu.memory_space<vmem>>, vector<1x16xf32>,
        %scan3A_89 = arith.constant 0 : i32
        scf.yield %scan3A_89 : i32
      }
      %scan3A_23 = arith.constant 128 : i32
      %scan3A_24 = arith.constant 0 : i32
      %scan3A_25 = arith.constant 0 : i32
      %scan3A_26 = arith.constant 5 : i32
      %scan3A_27 = arith.addi %scan3A_25, %scan3A_26 : i32
      %scan3A_28 = arith.constant 1 : i32
      %scan3A_29 = scf.for %scan3A_48 = %scan3A_25 to %scan3A_27 step %scan3A_28 iter_args(%scan3A_49 = %scan3A_24) -> (i32)  : i32 {
        %mul3A_50 = arith.constant 640 : i32
        %mul3A_51 = arith.muli %arg1, %mul3A_50 : i32
        %mul3A_52 = arith.constant 128 : i32
        %mul3A_53 = arith.muli %scan3A_48, %mul3A_52 : i32
        %add3A_54 = arith.addi %mul3A_51, %mul3A_53 : i32
        "tpu.region"() ({
          %run_scoped3A = tpu.sem_alloc : memref<!tpu.dma_semaphore, #tpu.memory_space<semaphore_mem>>
          %dma_start3A = arith.constant 0 : i32
          %dma_start3A_56 = tpu.memref_slice %arg10[%add3A_54, %dma_start3A] : memref<10240x128xf32, #tpu.memory_space<vmem_shared>> -> memref<128x128xf32, #tpu.memory_space<vmem_shared>>
          %dma_start3A_57 = arith.constant 0 : i32
          %dma_start3A_58 = tpu.memref_slice %arg10[%add3A_54, %dma_start3A_57] : memref<10240x128xf32, #tpu.memory_space<vmem_shared>> -> memref<128x128xf32, #tpu.memory_space<vmem_shared>>
          tpu.enqueue_dma source(%arg8 : memref<128x128xf32, #tpu.memory_space<vmem>>) target(%dma_start3A_58 : memref<128x128xf32, #tpu.memory_space<vmem_shared>>) target_semaphore(%run_scoped3A : memref<!tpu.dma_semaphore, #tpu.memory_space<semaphore_mem>>)
          %dma_wait3A = arith.constant 0 : i32
          %dma_wait3A_59 = tpu.memref_slice %arg10[%add3A_54, %dma_wait3A] : memref<10240x128xf32, #tpu.memory_space<vmem_shared>> -> memref<128x128xf32, #tpu.memory_space<vmem_shared>>
          %dma_wait3A_60 = arith.constant 0 : i32
          %dma_wait3A_61 = tpu.memref_slice %arg10[%add3A_54, %dma_wait3A_60] : memref<10240x128xf32, #tpu.memory_space<vmem_shared>> -> memref<128x128xf32, #tpu.memory_space<vmem_shared>>
          tpu.wait_dma2 semaphore(%run_scoped3A : memref<!tpu.dma_semaphore, #tpu.memory_space<semaphore_mem>>) src(%arg8 : memref<128x128xf32, #tpu.memory_space<vmem>>) dst(%dma_wait3A_61 : memref<128x128xf32, #tpu.memory_space<vmem_shared>>)
          tpu.yield
        }) : () -> ()
        %scan3A_55 = arith.constant 0 : i32
        scf.yield %scan3A_55 : i32
      }
      %scan3A_30 = arith.constant 5 : i32
      %add3A = arith.constant 0 : i32
      %add3A_31 = arith.addi %add3A, %arg1 : i32
      "tpu.region"() ({
        %run_scoped3A = tpu.sem_alloc : memref<!tpu.dma_semaphore, #tpu.memory_space<semaphore_mem>>
        %dma_start3A = arith.constant 0 : i32
        %dma_start3A_48 = arith.constant 0 : i32
        %dma_start3A_49 = tpu.memref_slice %arg3[%add3A_31, %dma_start3A, %dma_start3A_48] : memref<64x44x128xi32, #tpu.memory_space<hbm>> -> memref<1x44x128xi32, #tpu.memory_space<hbm>>
        %dma_start3A_50 = tpu.memref_squeeze %dma_start3A_49 : memref<1x44x128xi32, #tpu.memory_space<hbm>> -> memref<44x128xi32, #tpu.memory_space<hbm>>
        %dma_start3A_51 = arith.constant 0 : i32
        %dma_start3A_52 = arith.constant 0 : i32
        %dma_start3A_53 = tpu.memref_slice %arg3[%add3A_31, %dma_start3A_51, %dma_start3A_52] : memref<64x44x128xi32, #tpu.memory_space<hbm>> -> memref<1x44x128xi32, #tpu.memory_space<hbm>>
        %dma_start3A_54 = tpu.memref_squeeze %dma_start3A_53 : memref<1x44x128xi32, #tpu.memory_space<hbm>> -> memref<44x128xi32, #tpu.memory_space<hbm>>
        tpu.enqueue_dma source(%dma_start3A_54 : memref<44x128xi32, #tpu.memory_space<hbm>>) target(%arg6 : memref<44x128xi32, #tpu.memory_space<vmem>>) target_semaphore(%run_scoped3A : memref<!tpu.dma_semaphore, #tpu.memory_space<semaphore_mem>>)
        %dma_wait3A = arith.constant 0 : i32
        %dma_wait3A_55 = arith.constant 0 : i32
        %dma_wait3A_56 = tpu.memref_slice %arg3[%add3A_31, %dma_wait3A, %dma_wait3A_55] : memref<64x44x128xi32, #tpu.memory_space<hbm>> -> memref<1x44x128xi32, #tpu.memory_space<hbm>>
        %dma_wait3A_57 = tpu.memref_squeeze %dma_wait3A_56 : memref<1x44x128xi32, #tpu.memory_space<hbm>> -> memref<44x128xi32, #tpu.memory_space<hbm>>
        %dma_wait3A_58 = arith.constant 0 : i32
        %dma_wait3A_59 = arith.constant 0 : i32
        %dma_wait3A_60 = tpu.memref_slice %arg3[%add3A_31, %dma_wait3A_58, %dma_wait3A_59] : memref<64x44x128xi32, #tpu.memory_space<hbm>> -> memref<1x44x128xi32, #tpu.memory_space<hbm>>
        %dma_wait3A_61 = tpu.memref_squeeze %dma_wait3A_60 : memref<1x44x128xi32, #tpu.memory_space<hbm>> -> memref<44x128xi32, #tpu.memory_space<hbm>>
        tpu.wait_dma2 semaphore(%run_scoped3A : memref<!tpu.dma_semaphore, #tpu.memory_space<semaphore_mem>>) src(%dma_wait3A_61 : memref<44x128xi32, #tpu.memory_space<hbm>>) dst(%arg6 : memref<44x128xi32, #tpu.memory_space<vmem>>)
        tpu.yield
      }) : () -> ()
      %add3A_32 = arith.constant 0 : i32
      %add3A_33 = arith.addi %add3A_32, %arg1 : i32
      "tpu.region"() ({
        %run_scoped3A = tpu.sem_alloc : memref<!tpu.dma_semaphore, #tpu.memory_space<semaphore_mem>>
        %dma_start3A = arith.constant 0 : i32
        %dma_start3A_48 = arith.constant 0 : i32
        %dma_start3A_49 = tpu.memref_slice %arg4[%add3A_33, %dma_start3A, %dma_start3A_48] : memref<64x44x128xi32, #tpu.memory_space<hbm>> -> memref<1x44x128xi32, #tpu.memory_space<hbm>>
        %dma_start3A_50 = tpu.memref_squeeze %dma_start3A_49 : memref<1x44x128xi32, #tpu.memory_space<hbm>> -> memref<44x128xi32, #tpu.memory_space<hbm>>
        %dma_start3A_51 = arith.constant 0 : i32
        %dma_start3A_52 = arith.constant 0 : i32
        %dma_start3A_53 = tpu.memref_slice %arg4[%add3A_33, %dma_start3A_51, %dma_start3A_52] : memref<64x44x128xi32, #tpu.memory_space<hbm>> -> memref<1x44x128xi32, #tpu.memory_space<hbm>>
        %dma_start3A_54 = tpu.memref_squeeze %dma_start3A_53 : memref<1x44x128xi32, #tpu.memory_space<hbm>> -> memref<44x128xi32, #tpu.memory_space<hbm>>
        tpu.enqueue_dma source(%dma_start3A_54 : memref<44x128xi32, #tpu.memory_space<hbm>>) target(%arg7 : memref<44x128xi32, #tpu.memory_space<vmem>>) target_semaphore(%run_scoped3A : memref<!tpu.dma_semaphore, #tpu.memory_space<semaphore_mem>>)
        %dma_wait3A = arith.constant 0 : i32
        %dma_wait3A_55 = arith.constant 0 : i32
        %dma_wait3A_56 = tpu.memref_slice %arg4[%add3A_33, %dma_wait3A, %dma_wait3A_55] : memref<64x44x128xi32, #tpu.memory_space<hbm>> -> memref<1x44x128xi32, #tpu.memory_space<hbm>>
        %dma_wait3A_57 = tpu.memref_squeeze %dma_wait3A_56 : memref<1x44x128xi32, #tpu.memory_space<hbm>> -> memref<44x128xi32, #tpu.memory_space<hbm>>
        %dma_wait3A_58 = arith.constant 0 : i32
        %dma_wait3A_59 = arith.constant 0 : i32
        %dma_wait3A_60 = tpu.memref_slice %arg4[%add3A_33, %dma_wait3A_58, %dma_wait3A_59] : memref<64x44x128xi32, #tpu.memory_space<hbm>> -> memref<1x44x128xi32, #tpu.memory_space<hbm>>
        %dma_wait3A_61 = tpu.memref_squeeze %dma_wait3A_60 : memref<1x44x128xi32, #tpu.memory_space<hbm>> -> memref<44x128xi32, #tpu.memory_space<hbm>>
        tpu.wait_dma2 semaphore(%run_scoped3A : memref<!tpu.dma_semaphore, #tpu.memory_space<semaphore_mem>>) src(%dma_wait3A_61 : memref<44x128xi32, #tpu.memory_space<hbm>>) dst(%arg7 : memref<44x128xi32, #tpu.memory_space<vmem>>)
        tpu.yield
      }) : () -> ()
      %barrier3A = arith.constant 0 : index
      tpu.barrier barrier_id(%barrier3A)
      %scan3A_34 = arith.constant 0 : i32
      %scan3A_35 = arith.constant 0 : i32
      %scan3A_36 = arith.constant 22 : i32
      %scan3A_37 = arith.addi %scan3A_35, %scan3A_36 : i32
      %scan3A_38 = arith.constant 1 : i32
      %scan3A_39 = scf.for %scan3A_48 = %scan3A_35 to %scan3A_37 step %scan3A_38 iter_args(%scan3A_49 = %scan3A_34) -> (i32)  : i32 {
        %mul3A_50 = arith.constant 2 : i32
        %mul3A_51 = arith.muli %mul3A_50, %scan3A_48 : i32
        %mul3A_52 = arith.constant 2 : i32
        %mul3A_53 = arith.muli %mul3A_52, %scan3A_48 : i32
        %add3A_54 = arith.constant 1 : i32
        %add3A_55 = arith.addi %mul3A_53, %add3A_54 : i32
        %dma_start3A = arith.constant 0 : i32
        %dma_start3A_56 = tpu.memref_slice %arg6[%mul3A_51, %dma_start3A] : memref<44x128xi32, #tpu.memory_space<vmem>> -> memref<1x128xi32, #tpu.memory_space<vmem>>
        %dma_start3A_57 = tpu.memref_squeeze %dma_start3A_56 : memref<1x128xi32, #tpu.memory_space<vmem>> -> memref<128xi32, #tpu.memory_space<vmem>>
        %dma_start3A_58 = arith.constant 0 : i32
        %dma_start3A_59 = arith.constant 0 : i32
        %dma_start3A_60 = tpu.memref_slice %arg2[%dma_start3A_58, %dma_start3A_59] : memref<40000x128xf32, #tpu.memory_space<hbm>> -> memref<40000x128xf32, #tpu.memory_space<hbm>>
        tpu.enqueue_indirect_dma source(%dma_start3A_60 : memref<40000x128xf32, #tpu.memory_space<hbm>>) target(%arg8 : memref<128x128xf32, #tpu.memory_space<vmem>>) offsets(%dma_start3A_57 : memref<128xi32, #tpu.memory_space<vmem>>) semaphore(%arg11 : memref<!tpu.dma_semaphore, #tpu.memory_space<semaphore_mem>>)
        %dma_start3A_61 = arith.constant 0 : i32
        %dma_start3A_62 = tpu.memref_slice %arg6[%add3A_55, %dma_start3A_61] : memref<44x128xi32, #tpu.memory_space<vmem>> -> memref<1x128xi32, #tpu.memory_space<vmem>>
        %dma_start3A_63 = tpu.memref_squeeze %dma_start3A_62 : memref<1x128xi32, #tpu.memory_space<vmem>> -> memref<128xi32, #tpu.memory_space<vmem>>
        %dma_start3A_64 = arith.constant 0 : i32
        %dma_start3A_65 = arith.constant 0 : i32
        %dma_start3A_66 = tpu.memref_slice %arg2[%dma_start3A_64, %dma_start3A_65] : memref<40000x128xf32, #tpu.memory_space<hbm>> -> memref<40000x128xf32, #tpu.memory_space<hbm>>
        tpu.enqueue_indirect_dma source(%dma_start3A_66 : memref<40000x128xf32, #tpu.memory_space<hbm>>) target(%arg9 : memref<128x128xf32, #tpu.memory_space<vmem>>) offsets(%dma_start3A_63 : memref<128xi32, #tpu.memory_space<vmem>>) semaphore(%arg12 : memref<!tpu.dma_semaphore, #tpu.memory_space<semaphore_mem>>)
        %dma_wait3A = arith.constant 0 : i32
        %dma_wait3A_67 = tpu.memref_slice %arg6[%mul3A_51, %dma_wait3A] : memref<44x128xi32, #tpu.memory_space<vmem>> -> memref<1x128xi32, #tpu.memory_space<vmem>>
        %dma_wait3A_68 = tpu.memref_squeeze %dma_wait3A_67 : memref<1x128xi32, #tpu.memory_space<vmem>> -> memref<128xi32, #tpu.memory_space<vmem>>
        %dma_wait3A_69 = arith.constant 0 : i32
        %dma_wait3A_70 = arith.constant 0 : i32
        %dma_wait3A_71 = tpu.memref_slice %arg2[%dma_wait3A_69, %dma_wait3A_70] : memref<40000x128xf32, #tpu.memory_space<hbm>> -> memref<40000x128xf32, #tpu.memory_space<hbm>>
        tpu.wait_indirect_dma semaphore(%arg11 : memref<!tpu.dma_semaphore, #tpu.memory_space<semaphore_mem>>) src(%dma_wait3A_71 : memref<40000x128xf32, #tpu.memory_space<hbm>>) dst(%arg8 : memref<128x128xf32, #tpu.memory_space<vmem>>)
        %dma_start3A_72 = arith.constant 0 : i32
        %dma_start3A_73 = tpu.memref_slice %arg7[%mul3A_51, %dma_start3A_72] : memref<44x128xi32, #tpu.memory_space<vmem>> -> memref<1x128xi32, #tpu.memory_space<vmem>>
        %dma_start3A_74 = tpu.memref_squeeze %dma_start3A_73 : memref<1x128xi32, #tpu.memory_space<vmem>> -> memref<128xi32, #tpu.memory_space<vmem>>
        %dma_start3A_75 = arith.constant 0 : i32
        %dma_start3A_76 = arith.constant 0 : i32
        %dma_start3A_77 = tpu.memref_slice %arg10[%dma_start3A_75, %dma_start3A_76] : memref<10240x128xf32, #tpu.memory_space<vmem_shared>> -> memref<10240x128xf32, #tpu.memory_space<vmem_shared>>
        tpu.enqueue_indirect_dma source(%arg8 : memref<128x128xf32, #tpu.memory_space<vmem>>) target(%dma_start3A_77 : memref<10240x128xf32, #tpu.memory_space<vmem_shared>>) offsets(%dma_start3A_74 : memref<128xi32, #tpu.memory_space<vmem>>) semaphore(%arg13 : memref<!tpu.dma_semaphore, #tpu.memory_space<semaphore_mem>>) {add = true}
        %dma_wait3A_78 = arith.constant 0 : i32
        %dma_wait3A_79 = tpu.memref_slice %arg6[%add3A_55, %dma_wait3A_78] : memref<44x128xi32, #tpu.memory_space<vmem>> -> memref<1x128xi32, #tpu.memory_space<vmem>>
        %dma_wait3A_80 = tpu.memref_squeeze %dma_wait3A_79 : memref<1x128xi32, #tpu.memory_space<vmem>> -> memref<128xi32, #tpu.memory_space<vmem>>
        %dma_wait3A_81 = arith.constant 0 : i32
        %dma_wait3A_82 = arith.constant 0 : i32
        %dma_wait3A_83 = tpu.memref_slice %arg2[%dma_wait3A_81, %dma_wait3A_82] : memref<40000x128xf32, #tpu.memory_space<hbm>> -> memref<40000x128xf32, #tpu.memory_space<hbm>>
        tpu.wait_indirect_dma semaphore(%arg12 : memref<!tpu.dma_semaphore, #tpu.memory_space<semaphore_mem>>) src(%dma_wait3A_83 : memref<40000x128xf32, #tpu.memory_space<hbm>>) dst(%arg9 : memref<128x128xf32, #tpu.memory_space<vmem>>)
        %dma_start3A_84 = arith.constant 0 : i32
        %dma_start3A_85 = tpu.memref_slice %arg7[%add3A_55, %dma_start3A_84] : memref<44x128xi32, #tpu.memory_space<vmem>> -> memref<1x128xi32, #tpu.memory_space<vmem>>
        %dma_start3A_86 = tpu.memref_squeeze %dma_start3A_85 : memref<1x128xi32, #tpu.memory_space<vmem>> -> memref<128xi32, #tpu.memory_space<vmem>>
        %dma_start3A_87 = arith.constant 0 : i32
        %dma_start3A_88 = arith.constant 0 : i32
        %dma_start3A_89 = tpu.memref_slice %arg10[%dma_start3A_87, %dma_start3A_88] : memref<10240x128xf32, #tpu.memory_space<vmem_shared>> -> memref<10240x128xf32, #tpu.memory_space<vmem_shared>>
        tpu.enqueue_indirect_dma source(%arg9 : memref<128x128xf32, #tpu.memory_space<vmem>>) target(%dma_start3A_89 : memref<10240x128xf32, #tpu.memory_space<vmem_shared>>) offsets(%dma_start3A_86 : memref<128xi32, #tpu.memory_space<vmem>>) semaphore(%arg14 : memref<!tpu.dma_semaphore, #tpu.memory_space<semaphore_mem>>) {add = true}
        %dma_wait3A_90 = arith.constant 0 : i32
        %dma_wait3A_91 = tpu.memref_slice %arg7[%mul3A_51, %dma_wait3A_90] : memref<44x128xi32, #tpu.memory_space<vmem>> -> memref<1x128xi32, #tpu.memory_space<vmem>>
        %dma_wait3A_92 = tpu.memref_squeeze %dma_wait3A_91 : memref<1x128xi32, #tpu.memory_space<vmem>> -> memref<128xi32, #tpu.memory_space<vmem>>
        %dma_wait3A_93 = arith.constant 0 : i32
        %dma_wait3A_94 = arith.constant 0 : i32
        %dma_wait3A_95 = tpu.memref_slice %arg10[%dma_wait3A_93, %dma_wait3A_94] : memref<10240x128xf32, #tpu.memory_space<vmem_shared>> -> memref<10240x128xf32, #tpu.memory_space<vmem_shared>>
        tpu.wait_indirect_dma semaphore(%arg13 : memref<!tpu.dma_semaphore, #tpu.memory_space<semaphore_mem>>) src(%arg8 : memref<128x128xf32, #tpu.memory_space<vmem>>) dst(%dma_wait3A_95 : memref<10240x128xf32, #tpu.memory_space<vmem_shared>>)
        %dma_wait3A_96 = arith.constant 0 : i32
        %dma_wait3A_97 = tpu.memref_slice %arg7[%add3A_55, %dma_wait3A_96] : memref<44x128xi32, #tpu.memory_space<vmem>> -> memref<1x128xi32, #tpu.memory_space<vmem>>
        %dma_wait3A_98 = tpu.memref_squeeze %dma_wait3A_97 : memref<1x128xi32, #tpu.memory_space<vmem>> -> memref<128xi32, #tpu.memory_space<vmem>>
        %dma_wait3A_99 = arith.constant 0 : i32
        %dma_wait3A_100 = arith.constant 0 : i32
        %dma_wait3A_101 = tpu.memref_slice %arg10[%dma_wait3A_99, %dma_wait3A_100] : memref<10240x128xf32, #tpu.memory_space<vmem_shared>> -> memref<10240x128xf32, #tpu.memory_space<vmem_shared>>
        tpu.wait_indirect_dma semaphore(%arg14 : memref<!tpu.dma_semaphore, #tpu.memory_space<semaphore_mem>>) src(%arg9 : memref<128x128xf32, #tpu.memory_space<vmem>>) dst(%dma_wait3A_101 : memref<10240x128xf32, #tpu.memory_space<vmem_shared>>)
        %scan3A_102 = arith.constant 0 : i32
        scf.yield %scan3A_102 : i32
      }
      %scan3A_40 = arith.constant 22 : i32
      %barrier3A_41 = arith.constant 0 : index
      tpu.barrier barrier_id(%barrier3A_41)
      %mul3A = arith.constant 640 : i32
      %mul3A_42 = arith.muli %arg1, %mul3A : i32
      %mul3A_43 = arith.constant 640 : i32
      %mul3A_44 = arith.muli %arg1, %mul3A_43 : i32
      %add3A_45 = arith.constant 0 : i32
      %add3A_46 = arith.addi %add3A_45, %mul3A_44 : i32
      "tpu.region"() ({
        %run_scoped3A = tpu.sem_alloc : memref<!tpu.dma_semaphore, #tpu.memory_space<semaphore_mem>>
        %dma_start3A = arith.constant 0 : i32
        %dma_start3A_48 = tpu.memref_slice %arg5[%add3A_46, %dma_start3A] : memref<40960x128xf32, #tpu.memory_space<hbm>> -> memref<640x128xf32, #tpu.memory_space<hbm>>
        %dma_start3A_49 = arith.constant 0 : i32
        %dma_start3A_50 = tpu.memref_slice %arg10[%mul3A_42, %dma_start3A_49] : memref<10240x128xf32, #tpu.memory_space<vmem_shared>> -> memref<640x128xf32, #tpu.memory_space<vmem_shared>>
        tpu.enqueue_dma source(%dma_start3A_50 : memref<640x128xf32, #tpu.memory_space<vmem_shared>>) target(%dma_start3A_48 : memref<640x128xf32, #tpu.memory_space<hbm>>) target_semaphore(%run_scoped3A : memref<!tpu.dma_semaphore, #tpu.memory_space<semaphore_mem>>)
        %dma_wait3A = arith.constant 0 : i32
        %dma_wait3A_51 = tpu.memref_slice %arg5[%add3A_46, %dma_wait3A] : memref<40960x128xf32, #tpu.memory_space<hbm>> -> memref<640x128xf32, #tpu.memory_space<hbm>>
        %dma_wait3A_52 = arith.constant 0 : i32
        %dma_wait3A_53 = tpu.memref_slice %arg10[%mul3A_42, %dma_wait3A_52] : memref<10240x128xf32, #tpu.memory_space<vmem_shared>> -> memref<640x128xf32, #tpu.memory_space<vmem_shared>>
        tpu.wait_dma2 semaphore(%run_scoped3A : memref<!tpu.dma_semaphore, #tpu.memory_space<semaphore_mem>>) src(%dma_wait3A_53 : memref<640x128xf32, #tpu.memory_space<vmem_shared>>) dst(%dma_wait3A_51 : memref<640x128xf32, #tpu.memory_space<hbm>>)
        tpu.yield
      }) : () -> ()
      %barrier3A_47 = arith.constant 0 : index
      tpu.barrier barrier_id(%barrier3A_47)
    } else {
    }
    %eq3A_3 = arith.constant 1 : i32
    %eq3A_4 = arith.cmpi eq, %arg0, %eq3A_3 : i32
    %convert_element_type3A_5 = arith.extui %eq3A_4 : i1 to i32
    %cond3A_6 = arith.constant 0 : i32
    %cond3A_7 = arith.cmpi ne, %convert_element_type3A_5, %cond3A_6 : i32
    scf.if %cond3A_7 {
      %scan3A = arith.constant 0 : i32
      %scan3A_18 = arith.constant 0 : i32
      %scan3A_19 = arith.constant 128 : i32
      %scan3A_20 = arith.addi %scan3A_18, %scan3A_19 : i32
      %scan3A_21 = arith.constant 1 : i32
      %scan3A_22 = scf.for %scan3A_48 = %scan3A_18 to %scan3A_20 step %scan3A_21 iter_args(%scan3A_49 = %scan3A) -> (i32)  : i32 {
        %swap3A = arith.index_cast %scan3A_48 : i32 to index
        %swap3A_50 = arith.constant 0 : index
        %swap3A_51 = tpu.vector_load %arg8[%swap3A, %swap3A_50] {strides = array<i32>} : memref<128x128xf32, #tpu.memory_space<vmem>>, vector<1x16xf32>,
        %swap3A_52 = vector.shape_cast %swap3A_51 : vector<1x16xf32> to vector<16xf32>
        %swap3A_53 = vector.shape_cast %broadcast_in_dim3A_0 : vector<16xf32> to vector<1x16xf32>
        tpu.vector_store %arg8[%swap3A, %swap3A_50], %swap3A_53 {strides = array<i32>} : memref<128x128xf32, #tpu.memory_space<vmem>>, vector<1x16xf32>,
        %swap3A_54 = arith.index_cast %scan3A_48 : i32 to index
        %swap3A_55 = arith.constant 16 : index
        %swap3A_56 = tpu.vector_load %arg8[%swap3A_54, %swap3A_55] {strides = array<i32>} : memref<128x128xf32, #tpu.memory_space<vmem>>, vector<1x16xf32>,
        %swap3A_57 = vector.shape_cast %swap3A_56 : vector<1x16xf32> to vector<16xf32>
        %swap3A_58 = vector.shape_cast %broadcast_in_dim3A_0 : vector<16xf32> to vector<1x16xf32>
        tpu.vector_store %arg8[%swap3A_54, %swap3A_55], %swap3A_58 {strides = array<i32>} : memref<128x128xf32, #tpu.memory_space<vmem>>, vector<1x16xf32>,
        %swap3A_59 = arith.index_cast %scan3A_48 : i32 to index
        %swap3A_60 = arith.constant 32 : index
        %swap3A_61 = tpu.vector_load %arg8[%swap3A_59, %swap3A_60] {strides = array<i32>} : memref<128x128xf32, #tpu.memory_space<vmem>>, vector<1x16xf32>,
        %swap3A_62 = vector.shape_cast %swap3A_61 : vector<1x16xf32> to vector<16xf32>
        %swap3A_63 = vector.shape_cast %broadcast_in_dim3A_0 : vector<16xf32> to vector<1x16xf32>
        tpu.vector_store %arg8[%swap3A_59, %swap3A_60], %swap3A_63 {strides = array<i32>} : memref<128x128xf32, #tpu.memory_space<vmem>>, vector<1x16xf32>,
        %swap3A_64 = arith.index_cast %scan3A_48 : i32 to index
        %swap3A_65 = arith.constant 48 : index
        %swap3A_66 = tpu.vector_load %arg8[%swap3A_64, %swap3A_65] {strides = array<i32>} : memref<128x128xf32, #tpu.memory_space<vmem>>, vector<1x16xf32>,
        %swap3A_67 = vector.shape_cast %swap3A_66 : vector<1x16xf32> to vector<16xf32>
        %swap3A_68 = vector.shape_cast %broadcast_in_dim3A_0 : vector<16xf32> to vector<1x16xf32>
        tpu.vector_store %arg8[%swap3A_64, %swap3A_65], %swap3A_68 {strides = array<i32>} : memref<128x128xf32, #tpu.memory_space<vmem>>, vector<1x16xf32>,
        %swap3A_69 = arith.index_cast %scan3A_48 : i32 to index
        %swap3A_70 = arith.constant 64 : index
        %swap3A_71 = tpu.vector_load %arg8[%swap3A_69, %swap3A_70] {strides = array<i32>} : memref<128x128xf32, #tpu.memory_space<vmem>>, vector<1x16xf32>,
        %swap3A_72 = vector.shape_cast %swap3A_71 : vector<1x16xf32> to vector<16xf32>
        %swap3A_73 = vector.shape_cast %broadcast_in_dim3A_0 : vector<16xf32> to vector<1x16xf32>
        tpu.vector_store %arg8[%swap3A_69, %swap3A_70], %swap3A_73 {strides = array<i32>} : memref<128x128xf32, #tpu.memory_space<vmem>>, vector<1x16xf32>,
        %swap3A_74 = arith.index_cast %scan3A_48 : i32 to index
        %swap3A_75 = arith.constant 80 : index
        %swap3A_76 = tpu.vector_load %arg8[%swap3A_74, %swap3A_75] {strides = array<i32>} : memref<128x128xf32, #tpu.memory_space<vmem>>, vector<1x16xf32>,
        %swap3A_77 = vector.shape_cast %swap3A_76 : vector<1x16xf32> to vector<16xf32>
        %swap3A_78 = vector.shape_cast %broadcast_in_dim3A_0 : vector<16xf32> to vector<1x16xf32>
        tpu.vector_store %arg8[%swap3A_74, %swap3A_75], %swap3A_78 {strides = array<i32>} : memref<128x128xf32, #tpu.memory_space<vmem>>, vector<1x16xf32>,
        %swap3A_79 = arith.index_cast %scan3A_48 : i32 to index
        %swap3A_80 = arith.constant 96 : index
        %swap3A_81 = tpu.vector_load %arg8[%swap3A_79, %swap3A_80] {strides = array<i32>} : memref<128x128xf32, #tpu.memory_space<vmem>>, vector<1x16xf32>,
        %swap3A_82 = vector.shape_cast %swap3A_81 : vector<1x16xf32> to vector<16xf32>
        %swap3A_83 = vector.shape_cast %broadcast_in_dim3A_0 : vector<16xf32> to vector<1x16xf32>
        tpu.vector_store %arg8[%swap3A_79, %swap3A_80], %swap3A_83 {strides = array<i32>} : memref<128x128xf32, #tpu.memory_space<vmem>>, vector<1x16xf32>,
        %swap3A_84 = arith.index_cast %scan3A_48 : i32 to index
        %swap3A_85 = arith.constant 112 : index
        %swap3A_86 = tpu.vector_load %arg8[%swap3A_84, %swap3A_85] {strides = array<i32>} : memref<128x128xf32, #tpu.memory_space<vmem>>, vector<1x16xf32>,
        %swap3A_87 = vector.shape_cast %swap3A_86 : vector<1x16xf32> to vector<16xf32>
        %swap3A_88 = vector.shape_cast %broadcast_in_dim3A_0 : vector<16xf32> to vector<1x16xf32>
        tpu.vector_store %arg8[%swap3A_84, %swap3A_85], %swap3A_88 {strides = array<i32>} : memref<128x128xf32, #tpu.memory_space<vmem>>, vector<1x16xf32>,
        %scan3A_89 = arith.constant 0 : i32
        scf.yield %scan3A_89 : i32
      }
      %scan3A_23 = arith.constant 128 : i32
      %scan3A_24 = arith.constant 0 : i32
      %scan3A_25 = arith.constant 0 : i32
      %scan3A_26 = arith.constant 5 : i32
      %scan3A_27 = arith.addi %scan3A_25, %scan3A_26 : i32
      %scan3A_28 = arith.constant 1 : i32
      %scan3A_29 = scf.for %scan3A_48 = %scan3A_25 to %scan3A_27 step %scan3A_28 iter_args(%scan3A_49 = %scan3A_24) -> (i32)  : i32 {
        %mul3A_50 = arith.constant 640 : i32
        %mul3A_51 = arith.muli %arg1, %mul3A_50 : i32
        %mul3A_52 = arith.constant 128 : i32
        %mul3A_53 = arith.muli %scan3A_48, %mul3A_52 : i32
        %add3A_54 = arith.addi %mul3A_51, %mul3A_53 : i32
        "tpu.region"() ({
          %run_scoped3A = tpu.sem_alloc : memref<!tpu.dma_semaphore, #tpu.memory_space<semaphore_mem>>
          %dma_start3A = arith.constant 0 : i32
          %dma_start3A_56 = tpu.memref_slice %arg10[%add3A_54, %dma_start3A] : memref<10240x128xf32, #tpu.memory_space<vmem_shared>> -> memref<128x128xf32, #tpu.memory_space<vmem_shared>>
          %dma_start3A_57 = arith.constant 0 : i32
          %dma_start3A_58 = tpu.memref_slice %arg10[%add3A_54, %dma_start3A_57] : memref<10240x128xf32, #tpu.memory_space<vmem_shared>> -> memref<128x128xf32, #tpu.memory_space<vmem_shared>>
          tpu.enqueue_dma source(%arg8 : memref<128x128xf32, #tpu.memory_space<vmem>>) target(%dma_start3A_58 : memref<128x128xf32, #tpu.memory_space<vmem_shared>>) target_semaphore(%run_scoped3A : memref<!tpu.dma_semaphore, #tpu.memory_space<semaphore_mem>>)
          %dma_wait3A = arith.constant 0 : i32
          %dma_wait3A_59 = tpu.memref_slice %arg10[%add3A_54, %dma_wait3A] : memref<10240x128xf32, #tpu.memory_space<vmem_shared>> -> memref<128x128xf32, #tpu.memory_space<vmem_shared>>
          %dma_wait3A_60 = arith.constant 0 : i32
          %dma_wait3A_61 = tpu.memref_slice %arg10[%add3A_54, %dma_wait3A_60] : memref<10240x128xf32, #tpu.memory_space<vmem_shared>> -> memref<128x128xf32, #tpu.memory_space<vmem_shared>>
          tpu.wait_dma2 semaphore(%run_scoped3A : memref<!tpu.dma_semaphore, #tpu.memory_space<semaphore_mem>>) src(%arg8 : memref<128x128xf32, #tpu.memory_space<vmem>>) dst(%dma_wait3A_61 : memref<128x128xf32, #tpu.memory_space<vmem_shared>>)
          tpu.yield
        }) : () -> ()
        %scan3A_55 = arith.constant 0 : i32
        scf.yield %scan3A_55 : i32
      }
      %scan3A_30 = arith.constant 5 : i32
      %add3A = arith.constant 32 : i32
      %add3A_31 = arith.addi %add3A, %arg1 : i32
      "tpu.region"() ({
        %run_scoped3A = tpu.sem_alloc : memref<!tpu.dma_semaphore, #tpu.memory_space<semaphore_mem>>
        %dma_start3A = arith.constant 0 : i32
        %dma_start3A_48 = arith.constant 0 : i32
        %dma_start3A_49 = tpu.memref_slice %arg3[%add3A_31, %dma_start3A, %dma_start3A_48] : memref<64x44x128xi32, #tpu.memory_space<hbm>> -> memref<1x44x128xi32, #tpu.memory_space<hbm>>
        %dma_start3A_50 = tpu.memref_squeeze %dma_start3A_49 : memref<1x44x128xi32, #tpu.memory_space<hbm>> -> memref<44x128xi32, #tpu.memory_space<hbm>>
        %dma_start3A_51 = arith.constant 0 : i32
        %dma_start3A_52 = arith.constant 0 : i32
        %dma_start3A_53 = tpu.memref_slice %arg3[%add3A_31, %dma_start3A_51, %dma_start3A_52] : memref<64x44x128xi32, #tpu.memory_space<hbm>> -> memref<1x44x128xi32, #tpu.memory_space<hbm>>
        %dma_start3A_54 = tpu.memref_squeeze %dma_start3A_53 : memref<1x44x128xi32, #tpu.memory_space<hbm>> -> memref<44x128xi32, #tpu.memory_space<hbm>>
        tpu.enqueue_dma source(%dma_start3A_54 : memref<44x128xi32, #tpu.memory_space<hbm>>) target(%arg6 : memref<44x128xi32, #tpu.memory_space<vmem>>) target_semaphore(%run_scoped3A : memref<!tpu.dma_semaphore, #tpu.memory_space<semaphore_mem>>)
        %dma_wait3A = arith.constant 0 : i32
        %dma_wait3A_55 = arith.constant 0 : i32
        %dma_wait3A_56 = tpu.memref_slice %arg3[%add3A_31, %dma_wait3A, %dma_wait3A_55] : memref<64x44x128xi32, #tpu.memory_space<hbm>> -> memref<1x44x128xi32, #tpu.memory_space<hbm>>
        %dma_wait3A_57 = tpu.memref_squeeze %dma_wait3A_56 : memref<1x44x128xi32, #tpu.memory_space<hbm>> -> memref<44x128xi32, #tpu.memory_space<hbm>>
        %dma_wait3A_58 = arith.constant 0 : i32
        %dma_wait3A_59 = arith.constant 0 : i32
        %dma_wait3A_60 = tpu.memref_slice %arg3[%add3A_31, %dma_wait3A_58, %dma_wait3A_59] : memref<64x44x128xi32, #tpu.memory_space<hbm>> -> memref<1x44x128xi32, #tpu.memory_space<hbm>>
        %dma_wait3A_61 = tpu.memref_squeeze %dma_wait3A_60 : memref<1x44x128xi32, #tpu.memory_space<hbm>> -> memref<44x128xi32, #tpu.memory_space<hbm>>
        tpu.wait_dma2 semaphore(%run_scoped3A : memref<!tpu.dma_semaphore, #tpu.memory_space<semaphore_mem>>) src(%dma_wait3A_61 : memref<44x128xi32, #tpu.memory_space<hbm>>) dst(%arg6 : memref<44x128xi32, #tpu.memory_space<vmem>>)
        tpu.yield
      }) : () -> ()
      %add3A_32 = arith.constant 32 : i32
      %add3A_33 = arith.addi %add3A_32, %arg1 : i32
      "tpu.region"() ({
        %run_scoped3A = tpu.sem_alloc : memref<!tpu.dma_semaphore, #tpu.memory_space<semaphore_mem>>
        %dma_start3A = arith.constant 0 : i32
        %dma_start3A_48 = arith.constant 0 : i32
        %dma_start3A_49 = tpu.memref_slice %arg4[%add3A_33, %dma_start3A, %dma_start3A_48] : memref<64x44x128xi32, #tpu.memory_space<hbm>> -> memref<1x44x128xi32, #tpu.memory_space<hbm>>
        %dma_start3A_50 = tpu.memref_squeeze %dma_start3A_49 : memref<1x44x128xi32, #tpu.memory_space<hbm>> -> memref<44x128xi32, #tpu.memory_space<hbm>>
        %dma_start3A_51 = arith.constant 0 : i32
        %dma_start3A_52 = arith.constant 0 : i32
        %dma_start3A_53 = tpu.memref_slice %arg4[%add3A_33, %dma_start3A_51, %dma_start3A_52] : memref<64x44x128xi32, #tpu.memory_space<hbm>> -> memref<1x44x128xi32, #tpu.memory_space<hbm>>
        %dma_start3A_54 = tpu.memref_squeeze %dma_start3A_53 : memref<1x44x128xi32, #tpu.memory_space<hbm>> -> memref<44x128xi32, #tpu.memory_space<hbm>>
        tpu.enqueue_dma source(%dma_start3A_54 : memref<44x128xi32, #tpu.memory_space<hbm>>) target(%arg7 : memref<44x128xi32, #tpu.memory_space<vmem>>) target_semaphore(%run_scoped3A : memref<!tpu.dma_semaphore, #tpu.memory_space<semaphore_mem>>)
        %dma_wait3A = arith.constant 0 : i32
        %dma_wait3A_55 = arith.constant 0 : i32
        %dma_wait3A_56 = tpu.memref_slice %arg4[%add3A_33, %dma_wait3A, %dma_wait3A_55] : memref<64x44x128xi32, #tpu.memory_space<hbm>> -> memref<1x44x128xi32, #tpu.memory_space<hbm>>
        %dma_wait3A_57 = tpu.memref_squeeze %dma_wait3A_56 : memref<1x44x128xi32, #tpu.memory_space<hbm>> -> memref<44x128xi32, #tpu.memory_space<hbm>>
        %dma_wait3A_58 = arith.constant 0 : i32
        %dma_wait3A_59 = arith.constant 0 : i32
        %dma_wait3A_60 = tpu.memref_slice %arg4[%add3A_33, %dma_wait3A_58, %dma_wait3A_59] : memref<64x44x128xi32, #tpu.memory_space<hbm>> -> memref<1x44x128xi32, #tpu.memory_space<hbm>>
        %dma_wait3A_61 = tpu.memref_squeeze %dma_wait3A_60 : memref<1x44x128xi32, #tpu.memory_space<hbm>> -> memref<44x128xi32, #tpu.memory_space<hbm>>
        tpu.wait_dma2 semaphore(%run_scoped3A : memref<!tpu.dma_semaphore, #tpu.memory_space<semaphore_mem>>) src(%dma_wait3A_61 : memref<44x128xi32, #tpu.memory_space<hbm>>) dst(%arg7 : memref<44x128xi32, #tpu.memory_space<vmem>>)
        tpu.yield
      }) : () -> ()
      %barrier3A = arith.constant 0 : index
      tpu.barrier barrier_id(%barrier3A)
      %scan3A_34 = arith.constant 0 : i32
      %scan3A_35 = arith.constant 0 : i32
      %scan3A_36 = arith.constant 22 : i32
      %scan3A_37 = arith.addi %scan3A_35, %scan3A_36 : i32
      %scan3A_38 = arith.constant 1 : i32
      %scan3A_39 = scf.for %scan3A_48 = %scan3A_35 to %scan3A_37 step %scan3A_38 iter_args(%scan3A_49 = %scan3A_34) -> (i32)  : i32 {
        %mul3A_50 = arith.constant 2 : i32
        %mul3A_51 = arith.muli %mul3A_50, %scan3A_48 : i32
        %mul3A_52 = arith.constant 2 : i32
        %mul3A_53 = arith.muli %mul3A_52, %scan3A_48 : i32
        %add3A_54 = arith.constant 1 : i32
        %add3A_55 = arith.addi %mul3A_53, %add3A_54 : i32
        %dma_start3A = arith.constant 0 : i32
        %dma_start3A_56 = tpu.memref_slice %arg6[%mul3A_51, %dma_start3A] : memref<44x128xi32, #tpu.memory_space<vmem>> -> memref<1x128xi32, #tpu.memory_space<vmem>>
        %dma_start3A_57 = tpu.memref_squeeze %dma_start3A_56 : memref<1x128xi32, #tpu.memory_space<vmem>> -> memref<128xi32, #tpu.memory_space<vmem>>
        %dma_start3A_58 = arith.constant 0 : i32
        %dma_start3A_59 = arith.constant 0 : i32
        %dma_start3A_60 = tpu.memref_slice %arg2[%dma_start3A_58, %dma_start3A_59] : memref<40000x128xf32, #tpu.memory_space<hbm>> -> memref<40000x128xf32, #tpu.memory_space<hbm>>
        tpu.enqueue_indirect_dma source(%dma_start3A_60 : memref<40000x128xf32, #tpu.memory_space<hbm>>) target(%arg8 : memref<128x128xf32, #tpu.memory_space<vmem>>) offsets(%dma_start3A_57 : memref<128xi32, #tpu.memory_space<vmem>>) semaphore(%arg11 : memref<!tpu.dma_semaphore, #tpu.memory_space<semaphore_mem>>)
        %dma_start3A_61 = arith.constant 0 : i32
        %dma_start3A_62 = tpu.memref_slice %arg6[%add3A_55, %dma_start3A_61] : memref<44x128xi32, #tpu.memory_space<vmem>> -> memref<1x128xi32, #tpu.memory_space<vmem>>
        %dma_start3A_63 = tpu.memref_squeeze %dma_start3A_62 : memref<1x128xi32, #tpu.memory_space<vmem>> -> memref<128xi32, #tpu.memory_space<vmem>>
        %dma_start3A_64 = arith.constant 0 : i32
        %dma_start3A_65 = arith.constant 0 : i32
        %dma_start3A_66 = tpu.memref_slice %arg2[%dma_start3A_64, %dma_start3A_65] : memref<40000x128xf32, #tpu.memory_space<hbm>> -> memref<40000x128xf32, #tpu.memory_space<hbm>>
        tpu.enqueue_indirect_dma source(%dma_start3A_66 : memref<40000x128xf32, #tpu.memory_space<hbm>>) target(%arg9 : memref<128x128xf32, #tpu.memory_space<vmem>>) offsets(%dma_start3A_63 : memref<128xi32, #tpu.memory_space<vmem>>) semaphore(%arg12 : memref<!tpu.dma_semaphore, #tpu.memory_space<semaphore_mem>>)
        %dma_wait3A = arith.constant 0 : i32
        %dma_wait3A_67 = tpu.memref_slice %arg6[%mul3A_51, %dma_wait3A] : memref<44x128xi32, #tpu.memory_space<vmem>> -> memref<1x128xi32, #tpu.memory_space<vmem>>
        %dma_wait3A_68 = tpu.memref_squeeze %dma_wait3A_67 : memref<1x128xi32, #tpu.memory_space<vmem>> -> memref<128xi32, #tpu.memory_space<vmem>>
        %dma_wait3A_69 = arith.constant 0 : i32
        %dma_wait3A_70 = arith.constant 0 : i32
        %dma_wait3A_71 = tpu.memref_slice %arg2[%dma_wait3A_69, %dma_wait3A_70] : memref<40000x128xf32, #tpu.memory_space<hbm>> -> memref<40000x128xf32, #tpu.memory_space<hbm>>
        tpu.wait_indirect_dma semaphore(%arg11 : memref<!tpu.dma_semaphore, #tpu.memory_space<semaphore_mem>>) src(%dma_wait3A_71 : memref<40000x128xf32, #tpu.memory_space<hbm>>) dst(%arg8 : memref<128x128xf32, #tpu.memory_space<vmem>>)
        %dma_start3A_72 = arith.constant 0 : i32
        %dma_start3A_73 = tpu.memref_slice %arg7[%mul3A_51, %dma_start3A_72] : memref<44x128xi32, #tpu.memory_space<vmem>> -> memref<1x128xi32, #tpu.memory_space<vmem>>
        %dma_start3A_74 = tpu.memref_squeeze %dma_start3A_73 : memref<1x128xi32, #tpu.memory_space<vmem>> -> memref<128xi32, #tpu.memory_space<vmem>>
        %dma_start3A_75 = arith.constant 0 : i32
        %dma_start3A_76 = arith.constant 0 : i32
        %dma_start3A_77 = tpu.memref_slice %arg10[%dma_start3A_75, %dma_start3A_76] : memref<10240x128xf32, #tpu.memory_space<vmem_shared>> -> memref<10240x128xf32, #tpu.memory_space<vmem_shared>>
        tpu.enqueue_indirect_dma source(%arg8 : memref<128x128xf32, #tpu.memory_space<vmem>>) target(%dma_start3A_77 : memref<10240x128xf32, #tpu.memory_space<vmem_shared>>) offsets(%dma_start3A_74 : memref<128xi32, #tpu.memory_space<vmem>>) semaphore(%arg13 : memref<!tpu.dma_semaphore, #tpu.memory_space<semaphore_mem>>) {add = true}
        %dma_wait3A_78 = arith.constant 0 : i32
        %dma_wait3A_79 = tpu.memref_slice %arg6[%add3A_55, %dma_wait3A_78] : memref<44x128xi32, #tpu.memory_space<vmem>> -> memref<1x128xi32, #tpu.memory_space<vmem>>
        %dma_wait3A_80 = tpu.memref_squeeze %dma_wait3A_79 : memref<1x128xi32, #tpu.memory_space<vmem>> -> memref<128xi32, #tpu.memory_space<vmem>>
        %dma_wait3A_81 = arith.constant 0 : i32
        %dma_wait3A_82 = arith.constant 0 : i32
        %dma_wait3A_83 = tpu.memref_slice %arg2[%dma_wait3A_81, %dma_wait3A_82] : memref<40000x128xf32, #tpu.memory_space<hbm>> -> memref<40000x128xf32, #tpu.memory_space<hbm>>
        tpu.wait_indirect_dma semaphore(%arg12 : memref<!tpu.dma_semaphore, #tpu.memory_space<semaphore_mem>>) src(%dma_wait3A_83 : memref<40000x128xf32, #tpu.memory_space<hbm>>) dst(%arg9 : memref<128x128xf32, #tpu.memory_space<vmem>>)
        %dma_start3A_84 = arith.constant 0 : i32
        %dma_start3A_85 = tpu.memref_slice %arg7[%add3A_55, %dma_start3A_84] : memref<44x128xi32, #tpu.memory_space<vmem>> -> memref<1x128xi32, #tpu.memory_space<vmem>>
        %dma_start3A_86 = tpu.memref_squeeze %dma_start3A_85 : memref<1x128xi32, #tpu.memory_space<vmem>> -> memref<128xi32, #tpu.memory_space<vmem>>
        %dma_start3A_87 = arith.constant 0 : i32
        %dma_start3A_88 = arith.constant 0 : i32
        %dma_start3A_89 = tpu.memref_slice %arg10[%dma_start3A_87, %dma_start3A_88] : memref<10240x128xf32, #tpu.memory_space<vmem_shared>> -> memref<10240x128xf32, #tpu.memory_space<vmem_shared>>
        tpu.enqueue_indirect_dma source(%arg9 : memref<128x128xf32, #tpu.memory_space<vmem>>) target(%dma_start3A_89 : memref<10240x128xf32, #tpu.memory_space<vmem_shared>>) offsets(%dma_start3A_86 : memref<128xi32, #tpu.memory_space<vmem>>) semaphore(%arg14 : memref<!tpu.dma_semaphore, #tpu.memory_space<semaphore_mem>>) {add = true}
        %dma_wait3A_90 = arith.constant 0 : i32
        %dma_wait3A_91 = tpu.memref_slice %arg7[%mul3A_51, %dma_wait3A_90] : memref<44x128xi32, #tpu.memory_space<vmem>> -> memref<1x128xi32, #tpu.memory_space<vmem>>
        %dma_wait3A_92 = tpu.memref_squeeze %dma_wait3A_91 : memref<1x128xi32, #tpu.memory_space<vmem>> -> memref<128xi32, #tpu.memory_space<vmem>>
        %dma_wait3A_93 = arith.constant 0 : i32
        %dma_wait3A_94 = arith.constant 0 : i32
        %dma_wait3A_95 = tpu.memref_slice %arg10[%dma_wait3A_93, %dma_wait3A_94] : memref<10240x128xf32, #tpu.memory_space<vmem_shared>> -> memref<10240x128xf32, #tpu.memory_space<vmem_shared>>
        tpu.wait_indirect_dma semaphore(%arg13 : memref<!tpu.dma_semaphore, #tpu.memory_space<semaphore_mem>>) src(%arg8 : memref<128x128xf32, #tpu.memory_space<vmem>>) dst(%dma_wait3A_95 : memref<10240x128xf32, #tpu.memory_space<vmem_shared>>)
        %dma_wait3A_96 = arith.constant 0 : i32
        %dma_wait3A_97 = tpu.memref_slice %arg7[%add3A_55, %dma_wait3A_96] : memref<44x128xi32, #tpu.memory_space<vmem>> -> memref<1x128xi32, #tpu.memory_space<vmem>>
        %dma_wait3A_98 = tpu.memref_squeeze %dma_wait3A_97 : memref<1x128xi32, #tpu.memory_space<vmem>> -> memref<128xi32, #tpu.memory_space<vmem>>
        %dma_wait3A_99 = arith.constant 0 : i32
        %dma_wait3A_100 = arith.constant 0 : i32
        %dma_wait3A_101 = tpu.memref_slice %arg10[%dma_wait3A_99, %dma_wait3A_100] : memref<10240x128xf32, #tpu.memory_space<vmem_shared>> -> memref<10240x128xf32, #tpu.memory_space<vmem_shared>>
        tpu.wait_indirect_dma semaphore(%arg14 : memref<!tpu.dma_semaphore, #tpu.memory_space<semaphore_mem>>) src(%arg9 : memref<128x128xf32, #tpu.memory_space<vmem>>) dst(%dma_wait3A_101 : memref<10240x128xf32, #tpu.memory_space<vmem_shared>>)
        %scan3A_102 = arith.constant 0 : i32
        scf.yield %scan3A_102 : i32
      }
      %scan3A_40 = arith.constant 22 : i32
      %barrier3A_41 = arith.constant 0 : index
      tpu.barrier barrier_id(%barrier3A_41)
      %mul3A = arith.constant 640 : i32
      %mul3A_42 = arith.muli %arg1, %mul3A : i32
      %mul3A_43 = arith.constant 640 : i32
      %mul3A_44 = arith.muli %arg1, %mul3A_43 : i32
      %add3A_45 = arith.constant 20480 : i32
      %add3A_46 = arith.addi %add3A_45, %mul3A_44 : i32
      "tpu.region"() ({
        %run_scoped3A = tpu.sem_alloc : memref<!tpu.dma_semaphore, #tpu.memory_space<semaphore_mem>>
        %dma_start3A = arith.constant 0 : i32
        %dma_start3A_48 = tpu.memref_slice %arg5[%add3A_46, %dma_start3A] : memref<40960x128xf32, #tpu.memory_space<hbm>> -> memref<640x128xf32, #tpu.memory_space<hbm>>
        %dma_start3A_49 = arith.constant 0 : i32
        %dma_start3A_50 = tpu.memref_slice %arg10[%mul3A_42, %dma_start3A_49] : memref<10240x128xf32, #tpu.memory_space<vmem_shared>> -> memref<640x128xf32, #tpu.memory_space<vmem_shared>>
        tpu.enqueue_dma source(%dma_start3A_50 : memref<640x128xf32, #tpu.memory_space<vmem_shared>>) target(%dma_start3A_48 : memref<640x128xf32, #tpu.memory_space<hbm>>) target_semaphore(%run_scoped3A : memref<!tpu.dma_semaphore, #tpu.memory_space<semaphore_mem>>)
        %dma_wait3A = arith.constant 0 : i32
        %dma_wait3A_51 = tpu.memref_slice %arg5[%add3A_46, %dma_wait3A] : memref<40960x128xf32, #tpu.memory_space<hbm>> -> memref<640x128xf32, #tpu.memory_space<hbm>>
        %dma_wait3A_52 = arith.constant 0 : i32
        %dma_wait3A_53 = tpu.memref_slice %arg10[%mul3A_42, %dma_wait3A_52] : memref<10240x128xf32, #tpu.memory_space<vmem_shared>> -> memref<640x128xf32, #tpu.memory_space<vmem_shared>>
        tpu.wait_dma2 semaphore(%run_scoped3A : memref<!tpu.dma_semaphore, #tpu.memory_space<semaphore_mem>>) src(%dma_wait3A_53 : memref<640x128xf32, #tpu.memory_space<vmem_shared>>) dst(%dma_wait3A_51 : memref<640x128xf32, #tpu.memory_space<hbm>>)
        tpu.yield
      }) : () -> ()
      %barrier3A_47 = arith.constant 0 : index
      tpu.barrier barrier_id(%barrier3A_47)
    } else {
    }
    %eq3A_8 = arith.constant 0 : i32
    %eq3A_9 = arith.cmpi eq, %arg0, %eq3A_8 : i32
    %convert_element_type3A_10 = arith.extui %eq3A_9 : i1 to i32
    %cond3A_11 = arith.constant 0 : i32
    %cond3A_12 = arith.cmpi ne, %convert_element_type3A_10, %cond3A_11 : i32
    scf.if %cond3A_12 {
      %scan3A = arith.constant 0 : i32
      %scan3A_18 = arith.constant 0 : i32
      %scan3A_19 = arith.constant 128 : i32
      %scan3A_20 = arith.addi %scan3A_18, %scan3A_19 : i32
      %scan3A_21 = arith.constant 1 : i32
      %scan3A_22 = scf.for %scan3A_48 = %scan3A_18 to %scan3A_20 step %scan3A_21 iter_args(%scan3A_49 = %scan3A) -> (i32)  : i32 {
        %swap3A = arith.index_cast %scan3A_48 : i32 to index
        %swap3A_50 = arith.constant 0 : index
        %swap3A_51 = tpu.vector_load %arg8[%swap3A, %swap3A_50] {strides = array<i32>} : memref<128x128xf32, #tpu.memory_space<vmem>>, vector<1x16xf32>,
        %swap3A_52 = vector.shape_cast %swap3A_51 : vector<1x16xf32> to vector<16xf32>
        %swap3A_53 = vector.shape_cast %broadcast_in_dim3A_0 : vector<16xf32> to vector<1x16xf32>
        tpu.vector_store %arg8[%swap3A, %swap3A_50], %swap3A_53 {strides = array<i32>} : memref<128x128xf32, #tpu.memory_space<vmem>>, vector<1x16xf32>,
        %swap3A_54 = arith.index_cast %scan3A_48 : i32 to index
        %swap3A_55 = arith.constant 16 : index
        %swap3A_56 = tpu.vector_load %arg8[%swap3A_54, %swap3A_55] {strides = array<i32>} : memref<128x128xf32, #tpu.memory_space<vmem>>, vector<1x16xf32>,
        %swap3A_57 = vector.shape_cast %swap3A_56 : vector<1x16xf32> to vector<16xf32>
        %swap3A_58 = vector.shape_cast %broadcast_in_dim3A_0 : vector<16xf32> to vector<1x16xf32>
        tpu.vector_store %arg8[%swap3A_54, %swap3A_55], %swap3A_58 {strides = array<i32>} : memref<128x128xf32, #tpu.memory_space<vmem>>, vector<1x16xf32>,
        %swap3A_59 = arith.index_cast %scan3A_48 : i32 to index
        %swap3A_60 = arith.constant 32 : index
        %swap3A_61 = tpu.vector_load %arg8[%swap3A_59, %swap3A_60] {strides = array<i32>} : memref<128x128xf32, #tpu.memory_space<vmem>>, vector<1x16xf32>,
        %swap3A_62 = vector.shape_cast %swap3A_61 : vector<1x16xf32> to vector<16xf32>
        %swap3A_63 = vector.shape_cast %broadcast_in_dim3A_0 : vector<16xf32> to vector<1x16xf32>
        tpu.vector_store %arg8[%swap3A_59, %swap3A_60], %swap3A_63 {strides = array<i32>} : memref<128x128xf32, #tpu.memory_space<vmem>>, vector<1x16xf32>,
        %swap3A_64 = arith.index_cast %scan3A_48 : i32 to index
        %swap3A_65 = arith.constant 48 : index
        %swap3A_66 = tpu.vector_load %arg8[%swap3A_64, %swap3A_65] {strides = array<i32>} : memref<128x128xf32, #tpu.memory_space<vmem>>, vector<1x16xf32>,
        %swap3A_67 = vector.shape_cast %swap3A_66 : vector<1x16xf32> to vector<16xf32>
        %swap3A_68 = vector.shape_cast %broadcast_in_dim3A_0 : vector<16xf32> to vector<1x16xf32>
        tpu.vector_store %arg8[%swap3A_64, %swap3A_65], %swap3A_68 {strides = array<i32>} : memref<128x128xf32, #tpu.memory_space<vmem>>, vector<1x16xf32>,
        %swap3A_69 = arith.index_cast %scan3A_48 : i32 to index
        %swap3A_70 = arith.constant 64 : index
        %swap3A_71 = tpu.vector_load %arg8[%swap3A_69, %swap3A_70] {strides = array<i32>} : memref<128x128xf32, #tpu.memory_space<vmem>>, vector<1x16xf32>,
        %swap3A_72 = vector.shape_cast %swap3A_71 : vector<1x16xf32> to vector<16xf32>
        %swap3A_73 = vector.shape_cast %broadcast_in_dim3A_0 : vector<16xf32> to vector<1x16xf32>
        tpu.vector_store %arg8[%swap3A_69, %swap3A_70], %swap3A_73 {strides = array<i32>} : memref<128x128xf32, #tpu.memory_space<vmem>>, vector<1x16xf32>,
        %swap3A_74 = arith.index_cast %scan3A_48 : i32 to index
        %swap3A_75 = arith.constant 80 : index
        %swap3A_76 = tpu.vector_load %arg8[%swap3A_74, %swap3A_75] {strides = array<i32>} : memref<128x128xf32, #tpu.memory_space<vmem>>, vector<1x16xf32>,
        %swap3A_77 = vector.shape_cast %swap3A_76 : vector<1x16xf32> to vector<16xf32>
        %swap3A_78 = vector.shape_cast %broadcast_in_dim3A_0 : vector<16xf32> to vector<1x16xf32>
        tpu.vector_store %arg8[%swap3A_74, %swap3A_75], %swap3A_78 {strides = array<i32>} : memref<128x128xf32, #tpu.memory_space<vmem>>, vector<1x16xf32>,
        %swap3A_79 = arith.index_cast %scan3A_48 : i32 to index
        %swap3A_80 = arith.constant 96 : index
        %swap3A_81 = tpu.vector_load %arg8[%swap3A_79, %swap3A_80] {strides = array<i32>} : memref<128x128xf32, #tpu.memory_space<vmem>>, vector<1x16xf32>,
        %swap3A_82 = vector.shape_cast %swap3A_81 : vector<1x16xf32> to vector<16xf32>
        %swap3A_83 = vector.shape_cast %broadcast_in_dim3A_0 : vector<16xf32> to vector<1x16xf32>
        tpu.vector_store %arg8[%swap3A_79, %swap3A_80], %swap3A_83 {strides = array<i32>} : memref<128x128xf32, #tpu.memory_space<vmem>>, vector<1x16xf32>,
        %swap3A_84 = arith.index_cast %scan3A_48 : i32 to index
        %swap3A_85 = arith.constant 112 : index
        %swap3A_86 = tpu.vector_load %arg8[%swap3A_84, %swap3A_85] {strides = array<i32>} : memref<128x128xf32, #tpu.memory_space<vmem>>, vector<1x16xf32>,
        %swap3A_87 = vector.shape_cast %swap3A_86 : vector<1x16xf32> to vector<16xf32>
        %swap3A_88 = vector.shape_cast %broadcast_in_dim3A_0 : vector<16xf32> to vector<1x16xf32>
        tpu.vector_store %arg8[%swap3A_84, %swap3A_85], %swap3A_88 {strides = array<i32>} : memref<128x128xf32, #tpu.memory_space<vmem>>, vector<1x16xf32>,
        %scan3A_89 = arith.constant 0 : i32
        scf.yield %scan3A_89 : i32
      }
      %scan3A_23 = arith.constant 128 : i32
      %scan3A_24 = arith.constant 0 : i32
      %scan3A_25 = arith.constant 0 : i32
      %scan3A_26 = arith.constant 5 : i32
      %scan3A_27 = arith.addi %scan3A_25, %scan3A_26 : i32
      %scan3A_28 = arith.constant 1 : i32
      %scan3A_29 = scf.for %scan3A_48 = %scan3A_25 to %scan3A_27 step %scan3A_28 iter_args(%scan3A_49 = %scan3A_24) -> (i32)  : i32 {
        %mul3A_50 = arith.constant 640 : i32
        %mul3A_51 = arith.muli %arg1, %mul3A_50 : i32
        %mul3A_52 = arith.constant 128 : i32
        %mul3A_53 = arith.muli %scan3A_48, %mul3A_52 : i32
        %add3A_54 = arith.addi %mul3A_51, %mul3A_53 : i32
        "tpu.region"() ({
          %run_scoped3A = tpu.sem_alloc : memref<!tpu.dma_semaphore, #tpu.memory_space<semaphore_mem>>
          %dma_start3A = arith.constant 0 : i32
          %dma_start3A_56 = tpu.memref_slice %arg10[%add3A_54, %dma_start3A] : memref<10240x128xf32, #tpu.memory_space<vmem_shared>> -> memref<128x128xf32, #tpu.memory_space<vmem_shared>>
          %dma_start3A_57 = arith.constant 0 : i32
          %dma_start3A_58 = tpu.memref_slice %arg10[%add3A_54, %dma_start3A_57] : memref<10240x128xf32, #tpu.memory_space<vmem_shared>> -> memref<128x128xf32, #tpu.memory_space<vmem_shared>>
          tpu.enqueue_dma source(%arg8 : memref<128x128xf32, #tpu.memory_space<vmem>>) target(%dma_start3A_58 : memref<128x128xf32, #tpu.memory_space<vmem_shared>>) target_semaphore(%run_scoped3A : memref<!tpu.dma_semaphore, #tpu.memory_space<semaphore_mem>>)
          %dma_wait3A = arith.constant 0 : i32
          %dma_wait3A_59 = tpu.memref_slice %arg10[%add3A_54, %dma_wait3A] : memref<10240x128xf32, #tpu.memory_space<vmem_shared>> -> memref<128x128xf32, #tpu.memory_space<vmem_shared>>
          %dma_wait3A_60 = arith.constant 0 : i32
          %dma_wait3A_61 = tpu.memref_slice %arg10[%add3A_54, %dma_wait3A_60] : memref<10240x128xf32, #tpu.memory_space<vmem_shared>> -> memref<128x128xf32, #tpu.memory_space<vmem_shared>>
          tpu.wait_dma2 semaphore(%run_scoped3A : memref<!tpu.dma_semaphore, #tpu.memory_space<semaphore_mem>>) src(%arg8 : memref<128x128xf32, #tpu.memory_space<vmem>>) dst(%dma_wait3A_61 : memref<128x128xf32, #tpu.memory_space<vmem_shared>>)
          tpu.yield
        }) : () -> ()
        %scan3A_55 = arith.constant 0 : i32
        scf.yield %scan3A_55 : i32
      }
      %scan3A_30 = arith.constant 5 : i32
      %add3A = arith.constant 16 : i32
      %add3A_31 = arith.addi %add3A, %arg1 : i32
      "tpu.region"() ({
        %run_scoped3A = tpu.sem_alloc : memref<!tpu.dma_semaphore, #tpu.memory_space<semaphore_mem>>
        %dma_start3A = arith.constant 0 : i32
        %dma_start3A_48 = arith.constant 0 : i32
        %dma_start3A_49 = tpu.memref_slice %arg3[%add3A_31, %dma_start3A, %dma_start3A_48] : memref<64x44x128xi32, #tpu.memory_space<hbm>> -> memref<1x44x128xi32, #tpu.memory_space<hbm>>
        %dma_start3A_50 = tpu.memref_squeeze %dma_start3A_49 : memref<1x44x128xi32, #tpu.memory_space<hbm>> -> memref<44x128xi32, #tpu.memory_space<hbm>>
        %dma_start3A_51 = arith.constant 0 : i32
        %dma_start3A_52 = arith.constant 0 : i32
        %dma_start3A_53 = tpu.memref_slice %arg3[%add3A_31, %dma_start3A_51, %dma_start3A_52] : memref<64x44x128xi32, #tpu.memory_space<hbm>> -> memref<1x44x128xi32, #tpu.memory_space<hbm>>
        %dma_start3A_54 = tpu.memref_squeeze %dma_start3A_53 : memref<1x44x128xi32, #tpu.memory_space<hbm>> -> memref<44x128xi32, #tpu.memory_space<hbm>>
        tpu.enqueue_dma source(%dma_start3A_54 : memref<44x128xi32, #tpu.memory_space<hbm>>) target(%arg6 : memref<44x128xi32, #tpu.memory_space<vmem>>) target_semaphore(%run_scoped3A : memref<!tpu.dma_semaphore, #tpu.memory_space<semaphore_mem>>)
        %dma_wait3A = arith.constant 0 : i32
        %dma_wait3A_55 = arith.constant 0 : i32
        %dma_wait3A_56 = tpu.memref_slice %arg3[%add3A_31, %dma_wait3A, %dma_wait3A_55] : memref<64x44x128xi32, #tpu.memory_space<hbm>> -> memref<1x44x128xi32, #tpu.memory_space<hbm>>
        %dma_wait3A_57 = tpu.memref_squeeze %dma_wait3A_56 : memref<1x44x128xi32, #tpu.memory_space<hbm>> -> memref<44x128xi32, #tpu.memory_space<hbm>>
        %dma_wait3A_58 = arith.constant 0 : i32
        %dma_wait3A_59 = arith.constant 0 : i32
        %dma_wait3A_60 = tpu.memref_slice %arg3[%add3A_31, %dma_wait3A_58, %dma_wait3A_59] : memref<64x44x128xi32, #tpu.memory_space<hbm>> -> memref<1x44x128xi32, #tpu.memory_space<hbm>>
        %dma_wait3A_61 = tpu.memref_squeeze %dma_wait3A_60 : memref<1x44x128xi32, #tpu.memory_space<hbm>> -> memref<44x128xi32, #tpu.memory_space<hbm>>
        tpu.wait_dma2 semaphore(%run_scoped3A : memref<!tpu.dma_semaphore, #tpu.memory_space<semaphore_mem>>) src(%dma_wait3A_61 : memref<44x128xi32, #tpu.memory_space<hbm>>) dst(%arg6 : memref<44x128xi32, #tpu.memory_space<vmem>>)
        tpu.yield
      }) : () -> ()
      %add3A_32 = arith.constant 16 : i32
      %add3A_33 = arith.addi %add3A_32, %arg1 : i32
      "tpu.region"() ({
        %run_scoped3A = tpu.sem_alloc : memref<!tpu.dma_semaphore, #tpu.memory_space<semaphore_mem>>
        %dma_start3A = arith.constant 0 : i32
        %dma_start3A_48 = arith.constant 0 : i32
        %dma_start3A_49 = tpu.memref_slice %arg4[%add3A_33, %dma_start3A, %dma_start3A_48] : memref<64x44x128xi32, #tpu.memory_space<hbm>> -> memref<1x44x128xi32, #tpu.memory_space<hbm>>
        %dma_start3A_50 = tpu.memref_squeeze %dma_start3A_49 : memref<1x44x128xi32, #tpu.memory_space<hbm>> -> memref<44x128xi32, #tpu.memory_space<hbm>>
        %dma_start3A_51 = arith.constant 0 : i32
        %dma_start3A_52 = arith.constant 0 : i32
        %dma_start3A_53 = tpu.memref_slice %arg4[%add3A_33, %dma_start3A_51, %dma_start3A_52] : memref<64x44x128xi32, #tpu.memory_space<hbm>> -> memref<1x44x128xi32, #tpu.memory_space<hbm>>
        %dma_start3A_54 = tpu.memref_squeeze %dma_start3A_53 : memref<1x44x128xi32, #tpu.memory_space<hbm>> -> memref<44x128xi32, #tpu.memory_space<hbm>>
        tpu.enqueue_dma source(%dma_start3A_54 : memref<44x128xi32, #tpu.memory_space<hbm>>) target(%arg7 : memref<44x128xi32, #tpu.memory_space<vmem>>) target_semaphore(%run_scoped3A : memref<!tpu.dma_semaphore, #tpu.memory_space<semaphore_mem>>)
        %dma_wait3A = arith.constant 0 : i32
        %dma_wait3A_55 = arith.constant 0 : i32
        %dma_wait3A_56 = tpu.memref_slice %arg4[%add3A_33, %dma_wait3A, %dma_wait3A_55] : memref<64x44x128xi32, #tpu.memory_space<hbm>> -> memref<1x44x128xi32, #tpu.memory_space<hbm>>
        %dma_wait3A_57 = tpu.memref_squeeze %dma_wait3A_56 : memref<1x44x128xi32, #tpu.memory_space<hbm>> -> memref<44x128xi32, #tpu.memory_space<hbm>>
        %dma_wait3A_58 = arith.constant 0 : i32
        %dma_wait3A_59 = arith.constant 0 : i32
        %dma_wait3A_60 = tpu.memref_slice %arg4[%add3A_33, %dma_wait3A_58, %dma_wait3A_59] : memref<64x44x128xi32, #tpu.memory_space<hbm>> -> memref<1x44x128xi32, #tpu.memory_space<hbm>>
        %dma_wait3A_61 = tpu.memref_squeeze %dma_wait3A_60 : memref<1x44x128xi32, #tpu.memory_space<hbm>> -> memref<44x128xi32, #tpu.memory_space<hbm>>
        tpu.wait_dma2 semaphore(%run_scoped3A : memref<!tpu.dma_semaphore, #tpu.memory_space<semaphore_mem>>) src(%dma_wait3A_61 : memref<44x128xi32, #tpu.memory_space<hbm>>) dst(%arg7 : memref<44x128xi32, #tpu.memory_space<vmem>>)
        tpu.yield
      }) : () -> ()
      %barrier3A = arith.constant 0 : index
      tpu.barrier barrier_id(%barrier3A)
      %scan3A_34 = arith.constant 0 : i32
      %scan3A_35 = arith.constant 0 : i32
      %scan3A_36 = arith.constant 22 : i32
      %scan3A_37 = arith.addi %scan3A_35, %scan3A_36 : i32
      %scan3A_38 = arith.constant 1 : i32
      %scan3A_39 = scf.for %scan3A_48 = %scan3A_35 to %scan3A_37 step %scan3A_38 iter_args(%scan3A_49 = %scan3A_34) -> (i32)  : i32 {
        %mul3A_50 = arith.constant 2 : i32
        %mul3A_51 = arith.muli %mul3A_50, %scan3A_48 : i32
        %mul3A_52 = arith.constant 2 : i32
        %mul3A_53 = arith.muli %mul3A_52, %scan3A_48 : i32
        %add3A_54 = arith.constant 1 : i32
        %add3A_55 = arith.addi %mul3A_53, %add3A_54 : i32
        %dma_start3A = arith.constant 0 : i32
        %dma_start3A_56 = tpu.memref_slice %arg6[%mul3A_51, %dma_start3A] : memref<44x128xi32, #tpu.memory_space<vmem>> -> memref<1x128xi32, #tpu.memory_space<vmem>>
        %dma_start3A_57 = tpu.memref_squeeze %dma_start3A_56 : memref<1x128xi32, #tpu.memory_space<vmem>> -> memref<128xi32, #tpu.memory_space<vmem>>
        %dma_start3A_58 = arith.constant 0 : i32
        %dma_start3A_59 = arith.constant 0 : i32
        %dma_start3A_60 = tpu.memref_slice %arg2[%dma_start3A_58, %dma_start3A_59] : memref<40000x128xf32, #tpu.memory_space<hbm>> -> memref<40000x128xf32, #tpu.memory_space<hbm>>
        tpu.enqueue_indirect_dma source(%dma_start3A_60 : memref<40000x128xf32, #tpu.memory_space<hbm>>) target(%arg8 : memref<128x128xf32, #tpu.memory_space<vmem>>) offsets(%dma_start3A_57 : memref<128xi32, #tpu.memory_space<vmem>>) semaphore(%arg11 : memref<!tpu.dma_semaphore, #tpu.memory_space<semaphore_mem>>)
        %dma_start3A_61 = arith.constant 0 : i32
        %dma_start3A_62 = tpu.memref_slice %arg6[%add3A_55, %dma_start3A_61] : memref<44x128xi32, #tpu.memory_space<vmem>> -> memref<1x128xi32, #tpu.memory_space<vmem>>
        %dma_start3A_63 = tpu.memref_squeeze %dma_start3A_62 : memref<1x128xi32, #tpu.memory_space<vmem>> -> memref<128xi32, #tpu.memory_space<vmem>>
        %dma_start3A_64 = arith.constant 0 : i32
        %dma_start3A_65 = arith.constant 0 : i32
        %dma_start3A_66 = tpu.memref_slice %arg2[%dma_start3A_64, %dma_start3A_65] : memref<40000x128xf32, #tpu.memory_space<hbm>> -> memref<40000x128xf32, #tpu.memory_space<hbm>>
        tpu.enqueue_indirect_dma source(%dma_start3A_66 : memref<40000x128xf32, #tpu.memory_space<hbm>>) target(%arg9 : memref<128x128xf32, #tpu.memory_space<vmem>>) offsets(%dma_start3A_63 : memref<128xi32, #tpu.memory_space<vmem>>) semaphore(%arg12 : memref<!tpu.dma_semaphore, #tpu.memory_space<semaphore_mem>>)
        %dma_wait3A = arith.constant 0 : i32
        %dma_wait3A_67 = tpu.memref_slice %arg6[%mul3A_51, %dma_wait3A] : memref<44x128xi32, #tpu.memory_space<vmem>> -> memref<1x128xi32, #tpu.memory_space<vmem>>
        %dma_wait3A_68 = tpu.memref_squeeze %dma_wait3A_67 : memref<1x128xi32, #tpu.memory_space<vmem>> -> memref<128xi32, #tpu.memory_space<vmem>>
        %dma_wait3A_69 = arith.constant 0 : i32
        %dma_wait3A_70 = arith.constant 0 : i32
        %dma_wait3A_71 = tpu.memref_slice %arg2[%dma_wait3A_69, %dma_wait3A_70] : memref<40000x128xf32, #tpu.memory_space<hbm>> -> memref<40000x128xf32, #tpu.memory_space<hbm>>
        tpu.wait_indirect_dma semaphore(%arg11 : memref<!tpu.dma_semaphore, #tpu.memory_space<semaphore_mem>>) src(%dma_wait3A_71 : memref<40000x128xf32, #tpu.memory_space<hbm>>) dst(%arg8 : memref<128x128xf32, #tpu.memory_space<vmem>>)
        %dma_start3A_72 = arith.constant 0 : i32
        %dma_start3A_73 = tpu.memref_slice %arg7[%mul3A_51, %dma_start3A_72] : memref<44x128xi32, #tpu.memory_space<vmem>> -> memref<1x128xi32, #tpu.memory_space<vmem>>
        %dma_start3A_74 = tpu.memref_squeeze %dma_start3A_73 : memref<1x128xi32, #tpu.memory_space<vmem>> -> memref<128xi32, #tpu.memory_space<vmem>>
        %dma_start3A_75 = arith.constant 0 : i32
        %dma_start3A_76 = arith.constant 0 : i32
        %dma_start3A_77 = tpu.memref_slice %arg10[%dma_start3A_75, %dma_start3A_76] : memref<10240x128xf32, #tpu.memory_space<vmem_shared>> -> memref<10240x128xf32, #tpu.memory_space<vmem_shared>>
        tpu.enqueue_indirect_dma source(%arg8 : memref<128x128xf32, #tpu.memory_space<vmem>>) target(%dma_start3A_77 : memref<10240x128xf32, #tpu.memory_space<vmem_shared>>) offsets(%dma_start3A_74 : memref<128xi32, #tpu.memory_space<vmem>>) semaphore(%arg13 : memref<!tpu.dma_semaphore, #tpu.memory_space<semaphore_mem>>) {add = true}
        %dma_wait3A_78 = arith.constant 0 : i32
        %dma_wait3A_79 = tpu.memref_slice %arg6[%add3A_55, %dma_wait3A_78] : memref<44x128xi32, #tpu.memory_space<vmem>> -> memref<1x128xi32, #tpu.memory_space<vmem>>
        %dma_wait3A_80 = tpu.memref_squeeze %dma_wait3A_79 : memref<1x128xi32, #tpu.memory_space<vmem>> -> memref<128xi32, #tpu.memory_space<vmem>>
        %dma_wait3A_81 = arith.constant 0 : i32
        %dma_wait3A_82 = arith.constant 0 : i32
        %dma_wait3A_83 = tpu.memref_slice %arg2[%dma_wait3A_81, %dma_wait3A_82] : memref<40000x128xf32, #tpu.memory_space<hbm>> -> memref<40000x128xf32, #tpu.memory_space<hbm>>
        tpu.wait_indirect_dma semaphore(%arg12 : memref<!tpu.dma_semaphore, #tpu.memory_space<semaphore_mem>>) src(%dma_wait3A_83 : memref<40000x128xf32, #tpu.memory_space<hbm>>) dst(%arg9 : memref<128x128xf32, #tpu.memory_space<vmem>>)
        %dma_start3A_84 = arith.constant 0 : i32
        %dma_start3A_85 = tpu.memref_slice %arg7[%add3A_55, %dma_start3A_84] : memref<44x128xi32, #tpu.memory_space<vmem>> -> memref<1x128xi32, #tpu.memory_space<vmem>>
        %dma_start3A_86 = tpu.memref_squeeze %dma_start3A_85 : memref<1x128xi32, #tpu.memory_space<vmem>> -> memref<128xi32, #tpu.memory_space<vmem>>
        %dma_start3A_87 = arith.constant 0 : i32
        %dma_start3A_88 = arith.constant 0 : i32
        %dma_start3A_89 = tpu.memref_slice %arg10[%dma_start3A_87, %dma_start3A_88] : memref<10240x128xf32, #tpu.memory_space<vmem_shared>> -> memref<10240x128xf32, #tpu.memory_space<vmem_shared>>
        tpu.enqueue_indirect_dma source(%arg9 : memref<128x128xf32, #tpu.memory_space<vmem>>) target(%dma_start3A_89 : memref<10240x128xf32, #tpu.memory_space<vmem_shared>>) offsets(%dma_start3A_86 : memref<128xi32, #tpu.memory_space<vmem>>) semaphore(%arg14 : memref<!tpu.dma_semaphore, #tpu.memory_space<semaphore_mem>>) {add = true}
        %dma_wait3A_90 = arith.constant 0 : i32
        %dma_wait3A_91 = tpu.memref_slice %arg7[%mul3A_51, %dma_wait3A_90] : memref<44x128xi32, #tpu.memory_space<vmem>> -> memref<1x128xi32, #tpu.memory_space<vmem>>
        %dma_wait3A_92 = tpu.memref_squeeze %dma_wait3A_91 : memref<1x128xi32, #tpu.memory_space<vmem>> -> memref<128xi32, #tpu.memory_space<vmem>>
        %dma_wait3A_93 = arith.constant 0 : i32
        %dma_wait3A_94 = arith.constant 0 : i32
        %dma_wait3A_95 = tpu.memref_slice %arg10[%dma_wait3A_93, %dma_wait3A_94] : memref<10240x128xf32, #tpu.memory_space<vmem_shared>> -> memref<10240x128xf32, #tpu.memory_space<vmem_shared>>
        tpu.wait_indirect_dma semaphore(%arg13 : memref<!tpu.dma_semaphore, #tpu.memory_space<semaphore_mem>>) src(%arg8 : memref<128x128xf32, #tpu.memory_space<vmem>>) dst(%dma_wait3A_95 : memref<10240x128xf32, #tpu.memory_space<vmem_shared>>)
        %dma_wait3A_96 = arith.constant 0 : i32
        %dma_wait3A_97 = tpu.memref_slice %arg7[%add3A_55, %dma_wait3A_96] : memref<44x128xi32, #tpu.memory_space<vmem>> -> memref<1x128xi32, #tpu.memory_space<vmem>>
        %dma_wait3A_98 = tpu.memref_squeeze %dma_wait3A_97 : memref<1x128xi32, #tpu.memory_space<vmem>> -> memref<128xi32, #tpu.memory_space<vmem>>
        %dma_wait3A_99 = arith.constant 0 : i32
        %dma_wait3A_100 = arith.constant 0 : i32
        %dma_wait3A_101 = tpu.memref_slice %arg10[%dma_wait3A_99, %dma_wait3A_100] : memref<10240x128xf32, #tpu.memory_space<vmem_shared>> -> memref<10240x128xf32, #tpu.memory_space<vmem_shared>>
        tpu.wait_indirect_dma semaphore(%arg14 : memref<!tpu.dma_semaphore, #tpu.memory_space<semaphore_mem>>) src(%arg9 : memref<128x128xf32, #tpu.memory_space<vmem>>) dst(%dma_wait3A_101 : memref<10240x128xf32, #tpu.memory_space<vmem_shared>>)
        %scan3A_102 = arith.constant 0 : i32
        scf.yield %scan3A_102 : i32
      }
      %scan3A_40 = arith.constant 22 : i32
      %barrier3A_41 = arith.constant 0 : index
      tpu.barrier barrier_id(%barrier3A_41)
      %mul3A = arith.constant 640 : i32
      %mul3A_42 = arith.muli %arg1, %mul3A : i32
      %mul3A_43 = arith.constant 640 : i32
      %mul3A_44 = arith.muli %arg1, %mul3A_43 : i32
      %add3A_45 = arith.constant 10240 : i32
      %add3A_46 = arith.addi %add3A_45, %mul3A_44 : i32
      "tpu.region"() ({
        %run_scoped3A = tpu.sem_alloc : memref<!tpu.dma_semaphore, #tpu.memory_space<semaphore_mem>>
        %dma_start3A = arith.constant 0 : i32
        %dma_start3A_48 = tpu.memref_slice %arg5[%add3A_46, %dma_start3A] : memref<40960x128xf32, #tpu.memory_space<hbm>> -> memref<640x128xf32, #tpu.memory_space<hbm>>
        %dma_start3A_49 = arith.constant 0 : i32
        %dma_start3A_50 = tpu.memref_slice %arg10[%mul3A_42, %dma_start3A_49] : memref<10240x128xf32, #tpu.memory_space<vmem_shared>> -> memref<640x128xf32, #tpu.memory_space<vmem_shared>>
        tpu.enqueue_dma source(%dma_start3A_50 : memref<640x128xf32, #tpu.memory_space<vmem_shared>>) target(%dma_start3A_48 : memref<640x128xf32, #tpu.memory_space<hbm>>) target_semaphore(%run_scoped3A : memref<!tpu.dma_semaphore, #tpu.memory_space<semaphore_mem>>)
        %dma_wait3A = arith.constant 0 : i32
        %dma_wait3A_51 = tpu.memref_slice %arg5[%add3A_46, %dma_wait3A] : memref<40960x128xf32, #tpu.memory_space<hbm>> -> memref<640x128xf32, #tpu.memory_space<hbm>>
        %dma_wait3A_52 = arith.constant 0 : i32
        %dma_wait3A_53 = tpu.memref_slice %arg10[%mul3A_42, %dma_wait3A_52] : memref<10240x128xf32, #tpu.memory_space<vmem_shared>> -> memref<640x128xf32, #tpu.memory_space<vmem_shared>>
        tpu.wait_dma2 semaphore(%run_scoped3A : memref<!tpu.dma_semaphore, #tpu.memory_space<semaphore_mem>>) src(%dma_wait3A_53 : memref<640x128xf32, #tpu.memory_space<vmem_shared>>) dst(%dma_wait3A_51 : memref<640x128xf32, #tpu.memory_space<hbm>>)
        tpu.yield
      }) : () -> ()
      %barrier3A_47 = arith.constant 0 : index
      tpu.barrier barrier_id(%barrier3A_47)
    } else {
    }
    %eq3A_13 = arith.constant 1 : i32
    %eq3A_14 = arith.cmpi eq, %arg0, %eq3A_13 : i32
    %convert_element_type3A_15 = arith.extui %eq3A_14 : i1 to i32
    %cond3A_16 = arith.constant 0 : i32
    %cond3A_17 = arith.cmpi ne, %convert_element_type3A_15, %cond3A_16 : i32
    scf.if %cond3A_17 {
      %scan3A = arith.constant 0 : i32
      %scan3A_18 = arith.constant 0 : i32
      %scan3A_19 = arith.constant 128 : i32
      %scan3A_20 = arith.addi %scan3A_18, %scan3A_19 : i32
      %scan3A_21 = arith.constant 1 : i32
      %scan3A_22 = scf.for %scan3A_48 = %scan3A_18 to %scan3A_20 step %scan3A_21 iter_args(%scan3A_49 = %scan3A) -> (i32)  : i32 {
        %swap3A = arith.index_cast %scan3A_48 : i32 to index
        %swap3A_50 = arith.constant 0 : index
        %swap3A_51 = tpu.vector_load %arg8[%swap3A, %swap3A_50] {strides = array<i32>} : memref<128x128xf32, #tpu.memory_space<vmem>>, vector<1x16xf32>,
        %swap3A_52 = vector.shape_cast %swap3A_51 : vector<1x16xf32> to vector<16xf32>
        %swap3A_53 = vector.shape_cast %broadcast_in_dim3A_0 : vector<16xf32> to vector<1x16xf32>
        tpu.vector_store %arg8[%swap3A, %swap3A_50], %swap3A_53 {strides = array<i32>} : memref<128x128xf32, #tpu.memory_space<vmem>>, vector<1x16xf32>,
        %swap3A_54 = arith.index_cast %scan3A_48 : i32 to index
        %swap3A_55 = arith.constant 16 : index
        %swap3A_56 = tpu.vector_load %arg8[%swap3A_54, %swap3A_55] {strides = array<i32>} : memref<128x128xf32, #tpu.memory_space<vmem>>, vector<1x16xf32>,
        %swap3A_57 = vector.shape_cast %swap3A_56 : vector<1x16xf32> to vector<16xf32>
        %swap3A_58 = vector.shape_cast %broadcast_in_dim3A_0 : vector<16xf32> to vector<1x16xf32>
        tpu.vector_store %arg8[%swap3A_54, %swap3A_55], %swap3A_58 {strides = array<i32>} : memref<128x128xf32, #tpu.memory_space<vmem>>, vector<1x16xf32>,
        %swap3A_59 = arith.index_cast %scan3A_48 : i32 to index
        %swap3A_60 = arith.constant 32 : index
        %swap3A_61 = tpu.vector_load %arg8[%swap3A_59, %swap3A_60] {strides = array<i32>} : memref<128x128xf32, #tpu.memory_space<vmem>>, vector<1x16xf32>,
        %swap3A_62 = vector.shape_cast %swap3A_61 : vector<1x16xf32> to vector<16xf32>
        %swap3A_63 = vector.shape_cast %broadcast_in_dim3A_0 : vector<16xf32> to vector<1x16xf32>
        tpu.vector_store %arg8[%swap3A_59, %swap3A_60], %swap3A_63 {strides = array<i32>} : memref<128x128xf32, #tpu.memory_space<vmem>>, vector<1x16xf32>,
        %swap3A_64 = arith.index_cast %scan3A_48 : i32 to index
        %swap3A_65 = arith.constant 48 : index
        %swap3A_66 = tpu.vector_load %arg8[%swap3A_64, %swap3A_65] {strides = array<i32>} : memref<128x128xf32, #tpu.memory_space<vmem>>, vector<1x16xf32>,
        %swap3A_67 = vector.shape_cast %swap3A_66 : vector<1x16xf32> to vector<16xf32>
        %swap3A_68 = vector.shape_cast %broadcast_in_dim3A_0 : vector<16xf32> to vector<1x16xf32>
        tpu.vector_store %arg8[%swap3A_64, %swap3A_65], %swap3A_68 {strides = array<i32>} : memref<128x128xf32, #tpu.memory_space<vmem>>, vector<1x16xf32>,
        %swap3A_69 = arith.index_cast %scan3A_48 : i32 to index
        %swap3A_70 = arith.constant 64 : index
        %swap3A_71 = tpu.vector_load %arg8[%swap3A_69, %swap3A_70] {strides = array<i32>} : memref<128x128xf32, #tpu.memory_space<vmem>>, vector<1x16xf32>,
        %swap3A_72 = vector.shape_cast %swap3A_71 : vector<1x16xf32> to vector<16xf32>
        %swap3A_73 = vector.shape_cast %broadcast_in_dim3A_0 : vector<16xf32> to vector<1x16xf32>
        tpu.vector_store %arg8[%swap3A_69, %swap3A_70], %swap3A_73 {strides = array<i32>} : memref<128x128xf32, #tpu.memory_space<vmem>>, vector<1x16xf32>,
        %swap3A_74 = arith.index_cast %scan3A_48 : i32 to index
        %swap3A_75 = arith.constant 80 : index
        %swap3A_76 = tpu.vector_load %arg8[%swap3A_74, %swap3A_75] {strides = array<i32>} : memref<128x128xf32, #tpu.memory_space<vmem>>, vector<1x16xf32>,
        %swap3A_77 = vector.shape_cast %swap3A_76 : vector<1x16xf32> to vector<16xf32>
        %swap3A_78 = vector.shape_cast %broadcast_in_dim3A_0 : vector<16xf32> to vector<1x16xf32>
        tpu.vector_store %arg8[%swap3A_74, %swap3A_75], %swap3A_78 {strides = array<i32>} : memref<128x128xf32, #tpu.memory_space<vmem>>, vector<1x16xf32>,
        %swap3A_79 = arith.index_cast %scan3A_48 : i32 to index
        %swap3A_80 = arith.constant 96 : index
        %swap3A_81 = tpu.vector_load %arg8[%swap3A_79, %swap3A_80] {strides = array<i32>} : memref<128x128xf32, #tpu.memory_space<vmem>>, vector<1x16xf32>,
        %swap3A_82 = vector.shape_cast %swap3A_81 : vector<1x16xf32> to vector<16xf32>
        %swap3A_83 = vector.shape_cast %broadcast_in_dim3A_0 : vector<16xf32> to vector<1x16xf32>
        tpu.vector_store %arg8[%swap3A_79, %swap3A_80], %swap3A_83 {strides = array<i32>} : memref<128x128xf32, #tpu.memory_space<vmem>>, vector<1x16xf32>,
        %swap3A_84 = arith.index_cast %scan3A_48 : i32 to index
        %swap3A_85 = arith.constant 112 : index
        %swap3A_86 = tpu.vector_load %arg8[%swap3A_84, %swap3A_85] {strides = array<i32>} : memref<128x128xf32, #tpu.memory_space<vmem>>, vector<1x16xf32>,
        %swap3A_87 = vector.shape_cast %swap3A_86 : vector<1x16xf32> to vector<16xf32>
        %swap3A_88 = vector.shape_cast %broadcast_in_dim3A_0 : vector<16xf32> to vector<1x16xf32>
        tpu.vector_store %arg8[%swap3A_84, %swap3A_85], %swap3A_88 {strides = array<i32>} : memref<128x128xf32, #tpu.memory_space<vmem>>, vector<1x16xf32>,
        %scan3A_89 = arith.constant 0 : i32
        scf.yield %scan3A_89 : i32
      }
      %scan3A_23 = arith.constant 128 : i32
      %scan3A_24 = arith.constant 0 : i32
      %scan3A_25 = arith.constant 0 : i32
      %scan3A_26 = arith.constant 5 : i32
      %scan3A_27 = arith.addi %scan3A_25, %scan3A_26 : i32
      %scan3A_28 = arith.constant 1 : i32
      %scan3A_29 = scf.for %scan3A_48 = %scan3A_25 to %scan3A_27 step %scan3A_28 iter_args(%scan3A_49 = %scan3A_24) -> (i32)  : i32 {
        %mul3A_50 = arith.constant 640 : i32
        %mul3A_51 = arith.muli %arg1, %mul3A_50 : i32
        %mul3A_52 = arith.constant 128 : i32
        %mul3A_53 = arith.muli %scan3A_48, %mul3A_52 : i32
        %add3A_54 = arith.addi %mul3A_51, %mul3A_53 : i32
        "tpu.region"() ({
          %run_scoped3A = tpu.sem_alloc : memref<!tpu.dma_semaphore, #tpu.memory_space<semaphore_mem>>
          %dma_start3A = arith.constant 0 : i32
          %dma_start3A_56 = tpu.memref_slice %arg10[%add3A_54, %dma_start3A] : memref<10240x128xf32, #tpu.memory_space<vmem_shared>> -> memref<128x128xf32, #tpu.memory_space<vmem_shared>>
          %dma_start3A_57 = arith.constant 0 : i32
          %dma_start3A_58 = tpu.memref_slice %arg10[%add3A_54, %dma_start3A_57] : memref<10240x128xf32, #tpu.memory_space<vmem_shared>> -> memref<128x128xf32, #tpu.memory_space<vmem_shared>>
          tpu.enqueue_dma source(%arg8 : memref<128x128xf32, #tpu.memory_space<vmem>>) target(%dma_start3A_58 : memref<128x128xf32, #tpu.memory_space<vmem_shared>>) target_semaphore(%run_scoped3A : memref<!tpu.dma_semaphore, #tpu.memory_space<semaphore_mem>>)
          %dma_wait3A = arith.constant 0 : i32
          %dma_wait3A_59 = tpu.memref_slice %arg10[%add3A_54, %dma_wait3A] : memref<10240x128xf32, #tpu.memory_space<vmem_shared>> -> memref<128x128xf32, #tpu.memory_space<vmem_shared>>
          %dma_wait3A_60 = arith.constant 0 : i32
          %dma_wait3A_61 = tpu.memref_slice %arg10[%add3A_54, %dma_wait3A_60] : memref<10240x128xf32, #tpu.memory_space<vmem_shared>> -> memref<128x128xf32, #tpu.memory_space<vmem_shared>>
          tpu.wait_dma2 semaphore(%run_scoped3A : memref<!tpu.dma_semaphore, #tpu.memory_space<semaphore_mem>>) src(%arg8 : memref<128x128xf32, #tpu.memory_space<vmem>>) dst(%dma_wait3A_61 : memref<128x128xf32, #tpu.memory_space<vmem_shared>>)
          tpu.yield
        }) : () -> ()
        %scan3A_55 = arith.constant 0 : i32
        scf.yield %scan3A_55 : i32
      }
      %scan3A_30 = arith.constant 5 : i32
      %add3A = arith.constant 48 : i32
      %add3A_31 = arith.addi %add3A, %arg1 : i32
      "tpu.region"() ({
        %run_scoped3A = tpu.sem_alloc : memref<!tpu.dma_semaphore, #tpu.memory_space<semaphore_mem>>
        %dma_start3A = arith.constant 0 : i32
        %dma_start3A_48 = arith.constant 0 : i32
        %dma_start3A_49 = tpu.memref_slice %arg3[%add3A_31, %dma_start3A, %dma_start3A_48] : memref<64x44x128xi32, #tpu.memory_space<hbm>> -> memref<1x44x128xi32, #tpu.memory_space<hbm>>
        %dma_start3A_50 = tpu.memref_squeeze %dma_start3A_49 : memref<1x44x128xi32, #tpu.memory_space<hbm>> -> memref<44x128xi32, #tpu.memory_space<hbm>>
        %dma_start3A_51 = arith.constant 0 : i32
        %dma_start3A_52 = arith.constant 0 : i32
        %dma_start3A_53 = tpu.memref_slice %arg3[%add3A_31, %dma_start3A_51, %dma_start3A_52] : memref<64x44x128xi32, #tpu.memory_space<hbm>> -> memref<1x44x128xi32, #tpu.memory_space<hbm>>
        %dma_start3A_54 = tpu.memref_squeeze %dma_start3A_53 : memref<1x44x128xi32, #tpu.memory_space<hbm>> -> memref<44x128xi32, #tpu.memory_space<hbm>>
        tpu.enqueue_dma source(%dma_start3A_54 : memref<44x128xi32, #tpu.memory_space<hbm>>) target(%arg6 : memref<44x128xi32, #tpu.memory_space<vmem>>) target_semaphore(%run_scoped3A : memref<!tpu.dma_semaphore, #tpu.memory_space<semaphore_mem>>)
        %dma_wait3A = arith.constant 0 : i32
        %dma_wait3A_55 = arith.constant 0 : i32
        %dma_wait3A_56 = tpu.memref_slice %arg3[%add3A_31, %dma_wait3A, %dma_wait3A_55] : memref<64x44x128xi32, #tpu.memory_space<hbm>> -> memref<1x44x128xi32, #tpu.memory_space<hbm>>
        %dma_wait3A_57 = tpu.memref_squeeze %dma_wait3A_56 : memref<1x44x128xi32, #tpu.memory_space<hbm>> -> memref<44x128xi32, #tpu.memory_space<hbm>>
        %dma_wait3A_58 = arith.constant 0 : i32
        %dma_wait3A_59 = arith.constant 0 : i32
        %dma_wait3A_60 = tpu.memref_slice %arg3[%add3A_31, %dma_wait3A_58, %dma_wait3A_59] : memref<64x44x128xi32, #tpu.memory_space<hbm>> -> memref<1x44x128xi32, #tpu.memory_space<hbm>>
        %dma_wait3A_61 = tpu.memref_squeeze %dma_wait3A_60 : memref<1x44x128xi32, #tpu.memory_space<hbm>> -> memref<44x128xi32, #tpu.memory_space<hbm>>
        tpu.wait_dma2 semaphore(%run_scoped3A : memref<!tpu.dma_semaphore, #tpu.memory_space<semaphore_mem>>) src(%dma_wait3A_61 : memref<44x128xi32, #tpu.memory_space<hbm>>) dst(%arg6 : memref<44x128xi32, #tpu.memory_space<vmem>>)
        tpu.yield
      }) : () -> ()
      %add3A_32 = arith.constant 48 : i32
      %add3A_33 = arith.addi %add3A_32, %arg1 : i32
      "tpu.region"() ({
        %run_scoped3A = tpu.sem_alloc : memref<!tpu.dma_semaphore, #tpu.memory_space<semaphore_mem>>
        %dma_start3A = arith.constant 0 : i32
        %dma_start3A_48 = arith.constant 0 : i32
        %dma_start3A_49 = tpu.memref_slice %arg4[%add3A_33, %dma_start3A, %dma_start3A_48] : memref<64x44x128xi32, #tpu.memory_space<hbm>> -> memref<1x44x128xi32, #tpu.memory_space<hbm>>
        %dma_start3A_50 = tpu.memref_squeeze %dma_start3A_49 : memref<1x44x128xi32, #tpu.memory_space<hbm>> -> memref<44x128xi32, #tpu.memory_space<hbm>>
        %dma_start3A_51 = arith.constant 0 : i32
        %dma_start3A_52 = arith.constant 0 : i32
        %dma_start3A_53 = tpu.memref_slice %arg4[%add3A_33, %dma_start3A_51, %dma_start3A_52] : memref<64x44x128xi32, #tpu.memory_space<hbm>> -> memref<1x44x128xi32, #tpu.memory_space<hbm>>
        %dma_start3A_54 = tpu.memref_squeeze %dma_start3A_53 : memref<1x44x128xi32, #tpu.memory_space<hbm>> -> memref<44x128xi32, #tpu.memory_space<hbm>>
        tpu.enqueue_dma source(%dma_start3A_54 : memref<44x128xi32, #tpu.memory_space<hbm>>) target(%arg7 : memref<44x128xi32, #tpu.memory_space<vmem>>) target_semaphore(%run_scoped3A : memref<!tpu.dma_semaphore, #tpu.memory_space<semaphore_mem>>)
        %dma_wait3A = arith.constant 0 : i32
        %dma_wait3A_55 = arith.constant 0 : i32
        %dma_wait3A_56 = tpu.memref_slice %arg4[%add3A_33, %dma_wait3A, %dma_wait3A_55] : memref<64x44x128xi32, #tpu.memory_space<hbm>> -> memref<1x44x128xi32, #tpu.memory_space<hbm>>
        %dma_wait3A_57 = tpu.memref_squeeze %dma_wait3A_56 : memref<1x44x128xi32, #tpu.memory_space<hbm>> -> memref<44x128xi32, #tpu.memory_space<hbm>>
        %dma_wait3A_58 = arith.constant 0 : i32
        %dma_wait3A_59 = arith.constant 0 : i32
        %dma_wait3A_60 = tpu.memref_slice %arg4[%add3A_33, %dma_wait3A_58, %dma_wait3A_59] : memref<64x44x128xi32, #tpu.memory_space<hbm>> -> memref<1x44x128xi32, #tpu.memory_space<hbm>>
        %dma_wait3A_61 = tpu.memref_squeeze %dma_wait3A_60 : memref<1x44x128xi32, #tpu.memory_space<hbm>> -> memref<44x128xi32, #tpu.memory_space<hbm>>
        tpu.wait_dma2 semaphore(%run_scoped3A : memref<!tpu.dma_semaphore, #tpu.memory_space<semaphore_mem>>) src(%dma_wait3A_61 : memref<44x128xi32, #tpu.memory_space<hbm>>) dst(%arg7 : memref<44x128xi32, #tpu.memory_space<vmem>>)
        tpu.yield
      }) : () -> ()
      %barrier3A = arith.constant 0 : index
      tpu.barrier barrier_id(%barrier3A)
      %scan3A_34 = arith.constant 0 : i32
      %scan3A_35 = arith.constant 0 : i32
      %scan3A_36 = arith.constant 22 : i32
      %scan3A_37 = arith.addi %scan3A_35, %scan3A_36 : i32
      %scan3A_38 = arith.constant 1 : i32
      %scan3A_39 = scf.for %scan3A_48 = %scan3A_35 to %scan3A_37 step %scan3A_38 iter_args(%scan3A_49 = %scan3A_34) -> (i32)  : i32 {
        %mul3A_50 = arith.constant 2 : i32
        %mul3A_51 = arith.muli %mul3A_50, %scan3A_48 : i32
        %mul3A_52 = arith.constant 2 : i32
        %mul3A_53 = arith.muli %mul3A_52, %scan3A_48 : i32
        %add3A_54 = arith.constant 1 : i32
        %add3A_55 = arith.addi %mul3A_53, %add3A_54 : i32
        %dma_start3A = arith.constant 0 : i32
        %dma_start3A_56 = tpu.memref_slice %arg6[%mul3A_51, %dma_start3A] : memref<44x128xi32, #tpu.memory_space<vmem>> -> memref<1x128xi32, #tpu.memory_space<vmem>>
        %dma_start3A_57 = tpu.memref_squeeze %dma_start3A_56 : memref<1x128xi32, #tpu.memory_space<vmem>> -> memref<128xi32, #tpu.memory_space<vmem>>
        %dma_start3A_58 = arith.constant 0 : i32
        %dma_start3A_59 = arith.constant 0 : i32
        %dma_start3A_60 = tpu.memref_slice %arg2[%dma_start3A_58, %dma_start3A_59] : memref<40000x128xf32, #tpu.memory_space<hbm>> -> memref<40000x128xf32, #tpu.memory_space<hbm>>
        tpu.enqueue_indirect_dma source(%dma_start3A_60 : memref<40000x128xf32, #tpu.memory_space<hbm>>) target(%arg8 : memref<128x128xf32, #tpu.memory_space<vmem>>) offsets(%dma_start3A_57 : memref<128xi32, #tpu.memory_space<vmem>>) semaphore(%arg11 : memref<!tpu.dma_semaphore, #tpu.memory_space<semaphore_mem>>)
        %dma_start3A_61 = arith.constant 0 : i32
        %dma_start3A_62 = tpu.memref_slice %arg6[%add3A_55, %dma_start3A_61] : memref<44x128xi32, #tpu.memory_space<vmem>> -> memref<1x128xi32, #tpu.memory_space<vmem>>
        %dma_start3A_63 = tpu.memref_squeeze %dma_start3A_62 : memref<1x128xi32, #tpu.memory_space<vmem>> -> memref<128xi32, #tpu.memory_space<vmem>>
        %dma_start3A_64 = arith.constant 0 : i32
        %dma_start3A_65 = arith.constant 0 : i32
        %dma_start3A_66 = tpu.memref_slice %arg2[%dma_start3A_64, %dma_start3A_65] : memref<40000x128xf32, #tpu.memory_space<hbm>> -> memref<40000x128xf32, #tpu.memory_space<hbm>>
        tpu.enqueue_indirect_dma source(%dma_start3A_66 : memref<40000x128xf32, #tpu.memory_space<hbm>>) target(%arg9 : memref<128x128xf32, #tpu.memory_space<vmem>>) offsets(%dma_start3A_63 : memref<128xi32, #tpu.memory_space<vmem>>) semaphore(%arg12 : memref<!tpu.dma_semaphore, #tpu.memory_space<semaphore_mem>>)
        %dma_wait3A = arith.constant 0 : i32
        %dma_wait3A_67 = tpu.memref_slice %arg6[%mul3A_51, %dma_wait3A] : memref<44x128xi32, #tpu.memory_space<vmem>> -> memref<1x128xi32, #tpu.memory_space<vmem>>
        %dma_wait3A_68 = tpu.memref_squeeze %dma_wait3A_67 : memref<1x128xi32, #tpu.memory_space<vmem>> -> memref<128xi32, #tpu.memory_space<vmem>>
        %dma_wait3A_69 = arith.constant 0 : i32
        %dma_wait3A_70 = arith.constant 0 : i32
        %dma_wait3A_71 = tpu.memref_slice %arg2[%dma_wait3A_69, %dma_wait3A_70] : memref<40000x128xf32, #tpu.memory_space<hbm>> -> memref<40000x128xf32, #tpu.memory_space<hbm>>
        tpu.wait_indirect_dma semaphore(%arg11 : memref<!tpu.dma_semaphore, #tpu.memory_space<semaphore_mem>>) src(%dma_wait3A_71 : memref<40000x128xf32, #tpu.memory_space<hbm>>) dst(%arg8 : memref<128x128xf32, #tpu.memory_space<vmem>>)
        %dma_start3A_72 = arith.constant 0 : i32
        %dma_start3A_73 = tpu.memref_slice %arg7[%mul3A_51, %dma_start3A_72] : memref<44x128xi32, #tpu.memory_space<vmem>> -> memref<1x128xi32, #tpu.memory_space<vmem>>
        %dma_start3A_74 = tpu.memref_squeeze %dma_start3A_73 : memref<1x128xi32, #tpu.memory_space<vmem>> -> memref<128xi32, #tpu.memory_space<vmem>>
        %dma_start3A_75 = arith.constant 0 : i32
        %dma_start3A_76 = arith.constant 0 : i32
        %dma_start3A_77 = tpu.memref_slice %arg10[%dma_start3A_75, %dma_start3A_76] : memref<10240x128xf32, #tpu.memory_space<vmem_shared>> -> memref<10240x128xf32, #tpu.memory_space<vmem_shared>>
        tpu.enqueue_indirect_dma source(%arg8 : memref<128x128xf32, #tpu.memory_space<vmem>>) target(%dma_start3A_77 : memref<10240x128xf32, #tpu.memory_space<vmem_shared>>) offsets(%dma_start3A_74 : memref<128xi32, #tpu.memory_space<vmem>>) semaphore(%arg13 : memref<!tpu.dma_semaphore, #tpu.memory_space<semaphore_mem>>) {add = true}
        %dma_wait3A_78 = arith.constant 0 : i32
        %dma_wait3A_79 = tpu.memref_slice %arg6[%add3A_55, %dma_wait3A_78] : memref<44x128xi32, #tpu.memory_space<vmem>> -> memref<1x128xi32, #tpu.memory_space<vmem>>
        %dma_wait3A_80 = tpu.memref_squeeze %dma_wait3A_79 : memref<1x128xi32, #tpu.memory_space<vmem>> -> memref<128xi32, #tpu.memory_space<vmem>>
        %dma_wait3A_81 = arith.constant 0 : i32
        %dma_wait3A_82 = arith.constant 0 : i32
        %dma_wait3A_83 = tpu.memref_slice %arg2[%dma_wait3A_81, %dma_wait3A_82] : memref<40000x128xf32, #tpu.memory_space<hbm>> -> memref<40000x128xf32, #tpu.memory_space<hbm>>
        tpu.wait_indirect_dma semaphore(%arg12 : memref<!tpu.dma_semaphore, #tpu.memory_space<semaphore_mem>>) src(%dma_wait3A_83 : memref<40000x128xf32, #tpu.memory_space<hbm>>) dst(%arg9 : memref<128x128xf32, #tpu.memory_space<vmem>>)
        %dma_start3A_84 = arith.constant 0 : i32
        %dma_start3A_85 = tpu.memref_slice %arg7[%add3A_55, %dma_start3A_84] : memref<44x128xi32, #tpu.memory_space<vmem>> -> memref<1x128xi32, #tpu.memory_space<vmem>>
        %dma_start3A_86 = tpu.memref_squeeze %dma_start3A_85 : memref<1x128xi32, #tpu.memory_space<vmem>> -> memref<128xi32, #tpu.memory_space<vmem>>
        %dma_start3A_87 = arith.constant 0 : i32
        %dma_start3A_88 = arith.constant 0 : i32
        %dma_start3A_89 = tpu.memref_slice %arg10[%dma_start3A_87, %dma_start3A_88] : memref<10240x128xf32, #tpu.memory_space<vmem_shared>> -> memref<10240x128xf32, #tpu.memory_space<vmem_shared>>
        tpu.enqueue_indirect_dma source(%arg9 : memref<128x128xf32, #tpu.memory_space<vmem>>) target(%dma_start3A_89 : memref<10240x128xf32, #tpu.memory_space<vmem_shared>>) offsets(%dma_start3A_86 : memref<128xi32, #tpu.memory_space<vmem>>) semaphore(%arg14 : memref<!tpu.dma_semaphore, #tpu.memory_space<semaphore_mem>>) {add = true}
        %dma_wait3A_90 = arith.constant 0 : i32
        %dma_wait3A_91 = tpu.memref_slice %arg7[%mul3A_51, %dma_wait3A_90] : memref<44x128xi32, #tpu.memory_space<vmem>> -> memref<1x128xi32, #tpu.memory_space<vmem>>
        %dma_wait3A_92 = tpu.memref_squeeze %dma_wait3A_91 : memref<1x128xi32, #tpu.memory_space<vmem>> -> memref<128xi32, #tpu.memory_space<vmem>>
        %dma_wait3A_93 = arith.constant 0 : i32
        %dma_wait3A_94 = arith.constant 0 : i32
        %dma_wait3A_95 = tpu.memref_slice %arg10[%dma_wait3A_93, %dma_wait3A_94] : memref<10240x128xf32, #tpu.memory_space<vmem_shared>> -> memref<10240x128xf32, #tpu.memory_space<vmem_shared>>
        tpu.wait_indirect_dma semaphore(%arg13 : memref<!tpu.dma_semaphore, #tpu.memory_space<semaphore_mem>>) src(%arg8 : memref<128x128xf32, #tpu.memory_space<vmem>>) dst(%dma_wait3A_95 : memref<10240x128xf32, #tpu.memory_space<vmem_shared>>)
        %dma_wait3A_96 = arith.constant 0 : i32
        %dma_wait3A_97 = tpu.memref_slice %arg7[%add3A_55, %dma_wait3A_96] : memref<44x128xi32, #tpu.memory_space<vmem>> -> memref<1x128xi32, #tpu.memory_space<vmem>>
        %dma_wait3A_98 = tpu.memref_squeeze %dma_wait3A_97 : memref<1x128xi32, #tpu.memory_space<vmem>> -> memref<128xi32, #tpu.memory_space<vmem>>
        %dma_wait3A_99 = arith.constant 0 : i32
        %dma_wait3A_100 = arith.constant 0 : i32
        %dma_wait3A_101 = tpu.memref_slice %arg10[%dma_wait3A_99, %dma_wait3A_100] : memref<10240x128xf32, #tpu.memory_space<vmem_shared>> -> memref<10240x128xf32, #tpu.memory_space<vmem_shared>>
        tpu.wait_indirect_dma semaphore(%arg14 : memref<!tpu.dma_semaphore, #tpu.memory_space<semaphore_mem>>) src(%arg9 : memref<128x128xf32, #tpu.memory_space<vmem>>) dst(%dma_wait3A_101 : memref<10240x128xf32, #tpu.memory_space<vmem_shared>>)
        %scan3A_102 = arith.constant 0 : i32
        scf.yield %scan3A_102 : i32
      }
      %scan3A_40 = arith.constant 22 : i32
      %barrier3A_41 = arith.constant 0 : index
      tpu.barrier barrier_id(%barrier3A_41)
      %mul3A = arith.constant 640 : i32
      %mul3A_42 = arith.muli %arg1, %mul3A : i32
      %mul3A_43 = arith.constant 640 : i32
      %mul3A_44 = arith.muli %arg1, %mul3A_43 : i32
      %add3A_45 = arith.constant 30720 : i32
      %add3A_46 = arith.addi %add3A_45, %mul3A_44 : i32
      "tpu.region"() ({
        %run_scoped3A = tpu.sem_alloc : memref<!tpu.dma_semaphore, #tpu.memory_space<semaphore_mem>>
        %dma_start3A = arith.constant 0 : i32
        %dma_start3A_48 = tpu.memref_slice %arg5[%add3A_46, %dma_start3A] : memref<40960x128xf32, #tpu.memory_space<hbm>> -> memref<640x128xf32, #tpu.memory_space<hbm>>
        %dma_start3A_49 = arith.constant 0 : i32
        %dma_start3A_50 = tpu.memref_slice %arg10[%mul3A_42, %dma_start3A_49] : memref<10240x128xf32, #tpu.memory_space<vmem_shared>> -> memref<640x128xf32, #tpu.memory_space<vmem_shared>>
        tpu.enqueue_dma source(%dma_start3A_50 : memref<640x128xf32, #tpu.memory_space<vmem_shared>>) target(%dma_start3A_48 : memref<640x128xf32, #tpu.memory_space<hbm>>) target_semaphore(%run_scoped3A : memref<!tpu.dma_semaphore, #tpu.memory_space<semaphore_mem>>)
        %dma_wait3A = arith.constant 0 : i32
        %dma_wait3A_51 = tpu.memref_slice %arg5[%add3A_46, %dma_wait3A] : memref<40960x128xf32, #tpu.memory_space<hbm>> -> memref<640x128xf32, #tpu.memory_space<hbm>>
        %dma_wait3A_52 = arith.constant 0 : i32
        %dma_wait3A_53 = tpu.memref_slice %arg10[%mul3A_42, %dma_wait3A_52] : memref<10240x128xf32, #tpu.memory_space<vmem_shared>> -> memref<640x128xf32, #tpu.memory_space<vmem_shared>>
        tpu.wait_dma2 semaphore(%run_scoped3A : memref<!tpu.dma_semaphore, #tpu.memory_space<semaphore_mem>>) src(%dma_wait3A_53 : memref<640x128xf32, #tpu.memory_space<vmem_shared>>) dst(%dma_wait3A_51 : memref<640x128xf32, #tpu.memory_space<hbm>>)
        tpu.yield
      }) : () -> ()
      %barrier3A_47 = arith.constant 0 : index
      tpu.barrier barrier_id(%barrier3A_47)
    } else {
    }
    return
  }
}

module attributes {stable_mosaic.version = 14 : i64} {
  func.func @_tc1_body(%arg0: i32, %arg1: memref<1000x128xf32, #tpu.memory_space<vmem>>, %arg2: memref<128x128xf32, #tpu.memory_space<vmem>>, %arg3: memref<1x128xf32, #tpu.memory_space<vmem>>, %arg4: memref<4x128x128xf32, #tpu.memory_space<vmem>>, %arg5: memref<1000x4x16xf32, #tpu.memory_space<vmem>>, %arg6: memref<1000x128xf32, #tpu.memory_space<vmem>>, %arg7: memref<1000x4xf32, #tpu.memory_space<vmem>>, %arg8: memref<4x1000x128xf32, #tpu.memory_space<vmem>>) attributes {dimension_semantics = [#tpu.dimension_semantics<arbitrary>], iteration_bounds = array<i64: 10>, scalar_prefetch = 0 : i64, scratch_operands = 0 : i64, tpu.core_type = #tpu.core_type<tc>, window_params = [{transform_indices = @transform_0, window_bounds = array<i64: 1000, 128>}, {pipeline_mode = #tpu.pipeline_mode<synchronous>, transform_indices = @transform_1, window_bounds = array<i64: 128, 128>}, {pipeline_mode = #tpu.pipeline_mode<synchronous>, transform_indices = @transform_2, window_bounds = array<i64: 1, 128>}, {pipeline_mode = #tpu.pipeline_mode<synchronous>, transform_indices = @transform_3, window_bounds = array<i64: 4, 128, 128>}, {transform_indices = @transform_4, window_bounds = array<i64: 1000, 4, 16>}, {transform_indices = @transform_5, window_bounds = array<i64: 1000, 128>}, {transform_indices = @transform_6, window_bounds = array<i64: 1000, 4>}, {transform_indices = @transform_7, window_bounds = array<i64: 4, 1000, 128>}]} {
    %get3A = arith.constant 0 : index
    %get3A_0 = arith.constant 0 : index
    %get3A_1 = vector.load %arg1[%get3A, %get3A_0] : memref<1000x128xf32, #tpu.memory_space<vmem>>, vector<1000x128xf32>
    %get3A_2 = arith.constant 0 : index
    %get3A_3 = arith.constant 0 : index
    %get3A_4 = vector.load %arg2[%get3A_2, %get3A_3] : memref<128x128xf32, #tpu.memory_space<vmem>>, vector<128x128xf32>
    %dot_general3A = arith.constant dense<0.000000e+00> : vector<1000x128xf32>
    %dot_general3A_5 = tpu.matmul %get3A_1, %get3A_4, %dot_general3A {dimension_numbers = #tpu.dot_dimension_numbers<[1], [0], [0], [1], [0, 0, 1, 1], [], []>, transpose_lhs_hint = false} : vector<1000x128xf32>, vector<128x128xf32>, vector<1000x128xf32> -> vector<1000x128xf32>
    %get3A_6 = arith.constant 0 : index
    %get3A_7 = arith.constant 0 : index
    %get3A_8 = vector.load %arg3[%get3A_6, %get3A_7] : memref<1x128xf32, #tpu.memory_space<vmem>>, vector<1x128xf32>
    %add3A = vector.broadcast %get3A_8 : vector<1x128xf32> to vector<1000x128xf32>
    %add3A_9 = arith.addf %dot_general3A_5, %add3A : vector<1000x128xf32>
    %max3A = arith.constant 0.000000e+00 : f32
    %max3A_10 = vector.broadcast %max3A : f32 to vector<1000x128xf32>
    %max3A_11 = arith.maximumf %add3A_9, %max3A_10 : vector<1000x128xf32>
    %swap3A = arith.constant 0 : index
    %swap3A_12 = arith.constant 0 : index
    %swap3A_13 = vector.load %arg6[%swap3A, %swap3A_12] : memref<1000x128xf32, #tpu.memory_space<vmem>>, vector<1000x128xf32>
    tpu.vector_store %arg6[%swap3A, %swap3A_12], %max3A_11 {strides = array<i32>} : memref<1000x128xf32, #tpu.memory_space<vmem>>, vector<1000x128xf32>,
    %get3A_14 = arith.constant 0 : index
    %get3A_15 = arith.constant 0 : index
    %get3A_16 = arith.constant 0 : index
    %get3A_17 = vector.load %arg5[%get3A_14, %get3A_15, %get3A_16] : memref<1000x4x16xf32, #tpu.memory_space<vmem>>, vector<1000x4x16xf32>
    %slice3A = vector.extract_strided_slice %get3A_17 {offsets = [0, 0, 0], sizes = [1000, 4, 1], strides = [1, 1, 1]} : vector<1000x4x16xf32> to vector<1000x4x1xf32>
    %squeeze3A = vector.shape_cast %slice3A : vector<1000x4x1xf32> to vector<1000x4xf32>
    %add3A_18 = arith.constant 1.000000e+00 : f32
    %add3A_19 = vector.broadcast %add3A_18 : f32 to vector<1000x4xf32>
    %add3A_20 = arith.addf %squeeze3A, %add3A_19 : vector<1000x4xf32>
    %rsqrt3A = math.rsqrt %add3A_20 : vector<1000x4xf32>
    %swap3A_21 = arith.constant 0 : index
    %swap3A_22 = arith.constant 0 : index
    %swap3A_23 = vector.load %arg7[%swap3A_21, %swap3A_22] : memref<1000x4xf32, #tpu.memory_space<vmem>>, vector<1000x4xf32>
    tpu.vector_store %arg7[%swap3A_21, %swap3A_22], %rsqrt3A {strides = array<i32>} : memref<1000x4xf32, #tpu.memory_space<vmem>>, vector<1000x4xf32>,
    %get3A_24 = arith.constant 0 : index
    %get3A_25 = arith.constant 0 : index
    %get3A_26 = arith.constant 0 : index
    %get3A_27 = vector.load %arg4[%get3A_24, %get3A_25, %get3A_26] : memref<4x128x128xf32, #tpu.memory_space<vmem>>, vector<1x128x128xf32>
    %get3A_28 = vector.shape_cast %get3A_27 : vector<1x128x128xf32> to vector<128x128xf32>
    %dot_general3A_29 = arith.constant dense<0.000000e+00> : vector<1000x128xf32>
    %dot_general3A_30 = tpu.matmul %max3A_11, %get3A_28, %dot_general3A_29 {dimension_numbers = #tpu.dot_dimension_numbers<[1], [0], [0], [1], [0, 0, 1, 1], [], []>, transpose_lhs_hint = false} : vector<1000x128xf32>, vector<128x128xf32>, vector<1000x128xf32> -> vector<1000x128xf32>
    %slice3A_31 = vector.extract_strided_slice %rsqrt3A {offsets = [0, 0], sizes = [1000, 1], strides = [1, 1]} : vector<1000x4xf32> to vector<1000x1xf32>
    %mul3A = vector.broadcast %slice3A_31 : vector<1000x1xf32> to vector<1000x128xf32>
    %mul3A_32 = arith.mulf %dot_general3A_30, %mul3A : vector<1000x128xf32>
    %swap3A_33 = arith.constant 0 : index
    %swap3A_34 = arith.constant 0 : index
    %swap3A_35 = arith.constant 0 : index
    %swap3A_36 = vector.load %arg8[%swap3A_33, %swap3A_34, %swap3A_35] : memref<4x1000x128xf32, #tpu.memory_space<vmem>>, vector<1x1000x128xf32>
    %swap3A_37 = vector.shape_cast %swap3A_36 : vector<1x1000x128xf32> to vector<1000x128xf32>
    %swap3A_38 = vector.shape_cast %mul3A_32 : vector<1000x128xf32> to vector<1x1000x128xf32>
    tpu.vector_store %arg8[%swap3A_33, %swap3A_34, %swap3A_35], %swap3A_38 {strides = array<i32>} : memref<4x1000x128xf32, #tpu.memory_space<vmem>>, vector<1x1000x128xf32>,
    %get3A_39 = arith.constant 1 : index
    %get3A_40 = arith.constant 0 : index
    %get3A_41 = arith.constant 0 : index
    %get3A_42 = vector.load %arg4[%get3A_39, %get3A_40, %get3A_41] : memref<4x128x128xf32, #tpu.memory_space<vmem>>, vector<1x128x128xf32>
    %get3A_43 = vector.shape_cast %get3A_42 : vector<1x128x128xf32> to vector<128x128xf32>
    %dot_general3A_44 = arith.constant dense<0.000000e+00> : vector<1000x128xf32>
    %dot_general3A_45 = tpu.matmul %max3A_11, %get3A_43, %dot_general3A_44 {dimension_numbers = #tpu.dot_dimension_numbers<[1], [0], [0], [1], [0, 0, 1, 1], [], []>, transpose_lhs_hint = false} : vector<1000x128xf32>, vector<128x128xf32>, vector<1000x128xf32> -> vector<1000x128xf32>
    %slice3A_46 = vector.extract_strided_slice %rsqrt3A {offsets = [0, 1], sizes = [1000, 1], strides = [1, 1]} : vector<1000x4xf32> to vector<1000x1xf32>
    %mul3A_47 = vector.broadcast %slice3A_46 : vector<1000x1xf32> to vector<1000x128xf32>
    %mul3A_48 = arith.mulf %dot_general3A_45, %mul3A_47 : vector<1000x128xf32>
    %swap3A_49 = arith.constant 1 : index
    %swap3A_50 = arith.constant 0 : index
    %swap3A_51 = arith.constant 0 : index
    %swap3A_52 = vector.load %arg8[%swap3A_49, %swap3A_50, %swap3A_51] : memref<4x1000x128xf32, #tpu.memory_space<vmem>>, vector<1x1000x128xf32>
    %swap3A_53 = vector.shape_cast %swap3A_52 : vector<1x1000x128xf32> to vector<1000x128xf32>
    %swap3A_54 = vector.shape_cast %mul3A_48 : vector<1000x128xf32> to vector<1x1000x128xf32>
    tpu.vector_store %arg8[%swap3A_49, %swap3A_50, %swap3A_51], %swap3A_54 {strides = array<i32>} : memref<4x1000x128xf32, #tpu.memory_space<vmem>>, vector<1x1000x128xf32>,
    %get3A_55 = arith.constant 2 : index
    %get3A_56 = arith.constant 0 : index
    %get3A_57 = arith.constant 0 : index
    %get3A_58 = vector.load %arg4[%get3A_55, %get3A_56, %get3A_57] : memref<4x128x128xf32, #tpu.memory_space<vmem>>, vector<1x128x128xf32>
    %get3A_59 = vector.shape_cast %get3A_58 : vector<1x128x128xf32> to vector<128x128xf32>
    %dot_general3A_60 = arith.constant dense<0.000000e+00> : vector<1000x128xf32>
    %dot_general3A_61 = tpu.matmul %max3A_11, %get3A_59, %dot_general3A_60 {dimension_numbers = #tpu.dot_dimension_numbers<[1], [0], [0], [1], [0, 0, 1, 1], [], []>, transpose_lhs_hint = false} : vector<1000x128xf32>, vector<128x128xf32>, vector<1000x128xf32> -> vector<1000x128xf32>
    %slice3A_62 = vector.extract_strided_slice %rsqrt3A {offsets = [0, 2], sizes = [1000, 1], strides = [1, 1]} : vector<1000x4xf32> to vector<1000x1xf32>
    %mul3A_63 = vector.broadcast %slice3A_62 : vector<1000x1xf32> to vector<1000x128xf32>
    %mul3A_64 = arith.mulf %dot_general3A_61, %mul3A_63 : vector<1000x128xf32>
    %swap3A_65 = arith.constant 2 : index
    %swap3A_66 = arith.constant 0 : index
    %swap3A_67 = arith.constant 0 : index
    %swap3A_68 = vector.load %arg8[%swap3A_65, %swap3A_66, %swap3A_67] : memref<4x1000x128xf32, #tpu.memory_space<vmem>>, vector<1x1000x128xf32>
    %swap3A_69 = vector.shape_cast %swap3A_68 : vector<1x1000x128xf32> to vector<1000x128xf32>
    %swap3A_70 = vector.shape_cast %mul3A_64 : vector<1000x128xf32> to vector<1x1000x128xf32>
    tpu.vector_store %arg8[%swap3A_65, %swap3A_66, %swap3A_67], %swap3A_70 {strides = array<i32>} : memref<4x1000x128xf32, #tpu.memory_space<vmem>>, vector<1x1000x128xf32>,
    %get3A_71 = arith.constant 3 : index
    %get3A_72 = arith.constant 0 : index
    %get3A_73 = arith.constant 0 : index
    %get3A_74 = vector.load %arg4[%get3A_71, %get3A_72, %get3A_73] : memref<4x128x128xf32, #tpu.memory_space<vmem>>, vector<1x128x128xf32>
    %get3A_75 = vector.shape_cast %get3A_74 : vector<1x128x128xf32> to vector<128x128xf32>
    %dot_general3A_76 = arith.constant dense<0.000000e+00> : vector<1000x128xf32>
    %dot_general3A_77 = tpu.matmul %max3A_11, %get3A_75, %dot_general3A_76 {dimension_numbers = #tpu.dot_dimension_numbers<[1], [0], [0], [1], [0, 0, 1, 1], [], []>, transpose_lhs_hint = false} : vector<1000x128xf32>, vector<128x128xf32>, vector<1000x128xf32> -> vector<1000x128xf32>
    %slice3A_78 = vector.extract_strided_slice %rsqrt3A {offsets = [0, 3], sizes = [1000, 1], strides = [1, 1]} : vector<1000x4xf32> to vector<1000x1xf32>
    %mul3A_79 = vector.broadcast %slice3A_78 : vector<1000x1xf32> to vector<1000x128xf32>
    %mul3A_80 = arith.mulf %dot_general3A_77, %mul3A_79 : vector<1000x128xf32>
    %swap3A_81 = arith.constant 3 : index
    %swap3A_82 = arith.constant 0 : index
    %swap3A_83 = arith.constant 0 : index
    %swap3A_84 = vector.load %arg8[%swap3A_81, %swap3A_82, %swap3A_83] : memref<4x1000x128xf32, #tpu.memory_space<vmem>>, vector<1x1000x128xf32>
    %swap3A_85 = vector.shape_cast %swap3A_84 : vector<1x1000x128xf32> to vector<1000x128xf32>
    %swap3A_86 = vector.shape_cast %mul3A_80 : vector<1000x128xf32> to vector<1x1000x128xf32>
    tpu.vector_store %arg8[%swap3A_81, %swap3A_82, %swap3A_83], %swap3A_86 {strides = array<i32>} : memref<4x1000x128xf32, #tpu.memory_space<vmem>>, vector<1x1000x128xf32>,
    return
  }
  func.func @transform_0(%arg0: i32) -> (i32, i32) {
    %c0_i32 = arith.constant 0 : i32
    %c0_i32_0 = arith.constant 0 : i32
    return %arg0, %c0_i32 : i32, i32
  }
  func.func @transform_1(%arg0: i32) -> (i32, i32) {
    %c0_i32 = arith.constant 0 : i32
    %c0_i32_0 = arith.constant 0 : i32
    %c0_i32_1 = arith.constant 0 : i32
    return %c0_i32, %c0_i32_0 : i32, i32
  }
  func.func @transform_2(%arg0: i32) -> (i32, i32) {
    %c0_i32 = arith.constant 0 : i32
    %c0_i32_0 = arith.constant 0 : i32
    %c0_i32_1 = arith.constant 0 : i32
    return %c0_i32, %c0_i32_0 : i32, i32
  }
  func.func @transform_3(%arg0: i32) -> (i32, i32, i32) {
    %c0_i32 = arith.constant 0 : i32
    %c0_i32_0 = arith.constant 0 : i32
    %c0_i32_1 = arith.constant 0 : i32
    %c0_i32_2 = arith.constant 0 : i32
    return %c0_i32, %c0_i32_0, %c0_i32_1 : i32, i32, i32
  }
  func.func @transform_4(%arg0: i32) -> (i32, i32, i32) {
    %c0_i32 = arith.constant 0 : i32
    %c0_i32_0 = arith.constant 0 : i32
    %c0_i32_1 = arith.constant 0 : i32
    return %arg0, %c0_i32, %c0_i32_0 : i32, i32, i32
  }
  func.func @transform_5(%arg0: i32) -> (i32, i32) {
    %c0_i32 = arith.constant 0 : i32
    %c0_i32_0 = arith.constant 0 : i32
    return %arg0, %c0_i32 : i32, i32
  }
  func.func @transform_6(%arg0: i32) -> (i32, i32) {
    %c0_i32 = arith.constant 0 : i32
    %c0_i32_0 = arith.constant 0 : i32
    return %arg0, %c0_i32 : i32, i32
  }
  func.func @transform_7(%arg0: i32) -> (i32, i32, i32) {
    %c0_i32 = arith.constant 0 : i32
    %c0_i32_0 = arith.constant 0 : i32
    %c0_i32_1 = arith.constant 0 : i32
    return %c0_i32, %arg0, %c0_i32_0 : i32, i32, i32
  }
}

module attributes {stable_mosaic.version = 14 : i64} {
  func.func @_post_body(%arg0: i32, %arg1: memref<4x1000x128xf32, #tpu.memory_space<vmem>>, %arg2: memref<1000x4xf32, #tpu.memory_space<vmem>>, %arg3: memref<4x1x128xf32, #tpu.memory_space<vmem>>, %arg4: memref<1000x128xf32, #tpu.memory_space<vmem>>, %arg5: memref<2x128xf32, #tpu.memory_space<vmem>>) attributes {dimension_semantics = [#tpu.dimension_semantics<arbitrary>], iteration_bounds = array<i64: 10>, scalar_prefetch = 0 : i64, scratch_operands = 0 : i64, tpu.core_type = #tpu.core_type<tc>, window_params = [{transform_indices = @transform_0, window_bounds = array<i64: 4, 1000, 128>}, {transform_indices = @transform_1, window_bounds = array<i64: 1000, 4>}, {pipeline_mode = #tpu.pipeline_mode<synchronous>, transform_indices = @transform_2, window_bounds = array<i64: 4, 1, 128>}, {transform_indices = @transform_3, window_bounds = array<i64: 1000, 128>}, {pipeline_mode = #tpu.pipeline_mode<synchronous>, transform_indices = @transform_4, window_bounds = array<i64: 2, 128>}]} {
    %get3A = arith.constant 0 : index
    %get3A_0 = arith.constant 0 : index
    %get3A_1 = arith.constant 0 : index
    %get3A_2 = vector.load %arg1[%get3A, %get3A_0, %get3A_1] : memref<4x1000x128xf32, #tpu.memory_space<vmem>>, vector<4x1000x128xf32>
    %get3A_3 = arith.constant 0 : index
    %get3A_4 = arith.constant 0 : index
    %get3A_5 = vector.load %arg2[%get3A_3, %get3A_4] : memref<1000x4xf32, #tpu.memory_space<vmem>>, vector<1000x4xf32>
    %broadcast_in_dim3A = arith.constant 0.000000e+00 : f32
    %broadcast_in_dim3A_6 = vector.broadcast %broadcast_in_dim3A : f32 to vector<1000x128xf32>
    %slice3A = vector.extract_strided_slice %get3A_2 {offsets = [0, 0, 0], sizes = [1, 1000, 128], strides = [1, 1, 1]} : vector<4x1000x128xf32> to vector<1x1000x128xf32>
    %squeeze3A = vector.shape_cast %slice3A : vector<1x1000x128xf32> to vector<1000x128xf32>
    %slice3A_7 = vector.extract_strided_slice %get3A_5 {offsets = [0, 0], sizes = [1000, 1], strides = [1, 1]} : vector<1000x4xf32> to vector<1000x1xf32>
    %mul3A = vector.broadcast %slice3A_7 : vector<1000x1xf32> to vector<1000x128xf32>
    %mul3A_8 = arith.mulf %squeeze3A, %mul3A : vector<1000x128xf32>
    %add3A = arith.addf %broadcast_in_dim3A_6, %mul3A_8 : vector<1000x128xf32>
    %get3A_9 = arith.constant 0 : index
    %get3A_10 = arith.constant 0 : index
    %get3A_11 = arith.constant 0 : index
    %get3A_12 = vector.load %arg3[%get3A_9, %get3A_10, %get3A_11] : memref<4x1x128xf32, #tpu.memory_space<vmem>>, vector<1x1x128xf32>
    %get3A_13 = vector.shape_cast %get3A_12 : vector<1x1x128xf32> to vector<1x128xf32>
    %add3A_14 = vector.broadcast %get3A_13 : vector<1x128xf32> to vector<1000x128xf32>
    %add3A_15 = arith.addf %add3A, %add3A_14 : vector<1000x128xf32>
    %slice3A_16 = vector.extract_strided_slice %get3A_2 {offsets = [1, 0, 0], sizes = [1, 1000, 128], strides = [1, 1, 1]} : vector<4x1000x128xf32> to vector<1x1000x128xf32>
    %squeeze3A_17 = vector.shape_cast %slice3A_16 : vector<1x1000x128xf32> to vector<1000x128xf32>
    %slice3A_18 = vector.extract_strided_slice %get3A_5 {offsets = [0, 1], sizes = [1000, 1], strides = [1, 1]} : vector<1000x4xf32> to vector<1000x1xf32>
    %mul3A_19 = vector.broadcast %slice3A_18 : vector<1000x1xf32> to vector<1000x128xf32>
    %mul3A_20 = arith.mulf %squeeze3A_17, %mul3A_19 : vector<1000x128xf32>
    %add3A_21 = arith.addf %add3A_15, %mul3A_20 : vector<1000x128xf32>
    %get3A_22 = arith.constant 1 : index
    %get3A_23 = arith.constant 0 : index
    %get3A_24 = arith.constant 0 : index
    %get3A_25 = vector.load %arg3[%get3A_22, %get3A_23, %get3A_24] : memref<4x1x128xf32, #tpu.memory_space<vmem>>, vector<1x1x128xf32>
    %get3A_26 = vector.shape_cast %get3A_25 : vector<1x1x128xf32> to vector<1x128xf32>
    %add3A_27 = vector.broadcast %get3A_26 : vector<1x128xf32> to vector<1000x128xf32>
    %add3A_28 = arith.addf %add3A_21, %add3A_27 : vector<1000x128xf32>
    %slice3A_29 = vector.extract_strided_slice %get3A_2 {offsets = [2, 0, 0], sizes = [1, 1000, 128], strides = [1, 1, 1]} : vector<4x1000x128xf32> to vector<1x1000x128xf32>
    %squeeze3A_30 = vector.shape_cast %slice3A_29 : vector<1x1000x128xf32> to vector<1000x128xf32>
    %slice3A_31 = vector.extract_strided_slice %get3A_5 {offsets = [0, 2], sizes = [1000, 1], strides = [1, 1]} : vector<1000x4xf32> to vector<1000x1xf32>
    %mul3A_32 = vector.broadcast %slice3A_31 : vector<1000x1xf32> to vector<1000x128xf32>
    %mul3A_33 = arith.mulf %squeeze3A_30, %mul3A_32 : vector<1000x128xf32>
    %add3A_34 = arith.addf %add3A_28, %mul3A_33 : vector<1000x128xf32>
    %get3A_35 = arith.constant 2 : index
    %get3A_36 = arith.constant 0 : index
    %get3A_37 = arith.constant 0 : index
    %get3A_38 = vector.load %arg3[%get3A_35, %get3A_36, %get3A_37] : memref<4x1x128xf32, #tpu.memory_space<vmem>>, vector<1x1x128xf32>
    %get3A_39 = vector.shape_cast %get3A_38 : vector<1x1x128xf32> to vector<1x128xf32>
    %add3A_40 = vector.broadcast %get3A_39 : vector<1x128xf32> to vector<1000x128xf32>
    %add3A_41 = arith.addf %add3A_34, %add3A_40 : vector<1000x128xf32>
    %slice3A_42 = vector.extract_strided_slice %get3A_2 {offsets = [3, 0, 0], sizes = [1, 1000, 128], strides = [1, 1, 1]} : vector<4x1000x128xf32> to vector<1x1000x128xf32>
    %squeeze3A_43 = vector.shape_cast %slice3A_42 : vector<1x1000x128xf32> to vector<1000x128xf32>
    %slice3A_44 = vector.extract_strided_slice %get3A_5 {offsets = [0, 3], sizes = [1000, 1], strides = [1, 1]} : vector<1000x4xf32> to vector<1000x1xf32>
    %mul3A_45 = vector.broadcast %slice3A_44 : vector<1000x1xf32> to vector<1000x128xf32>
    %mul3A_46 = arith.mulf %squeeze3A_43, %mul3A_45 : vector<1000x128xf32>
    %add3A_47 = arith.addf %add3A_41, %mul3A_46 : vector<1000x128xf32>
    %get3A_48 = arith.constant 3 : index
    %get3A_49 = arith.constant 0 : index
    %get3A_50 = arith.constant 0 : index
    %get3A_51 = vector.load %arg3[%get3A_48, %get3A_49, %get3A_50] : memref<4x1x128xf32, #tpu.memory_space<vmem>>, vector<1x1x128xf32>
    %get3A_52 = vector.shape_cast %get3A_51 : vector<1x1x128xf32> to vector<1x128xf32>
    %add3A_53 = vector.broadcast %get3A_52 : vector<1x128xf32> to vector<1000x128xf32>
    %add3A_54 = arith.addf %add3A_47, %add3A_53 : vector<1000x128xf32>
    %mul3A_55 = arith.constant 2.500000e-01 : f32
    %mul3A_56 = vector.broadcast %mul3A_55 : f32 to vector<1000x128xf32>
    %mul3A_57 = arith.mulf %add3A_54, %mul3A_56 : vector<1000x128xf32>
    %swap3A = arith.constant 0 : index
    %swap3A_58 = arith.constant 0 : index
    %swap3A_59 = vector.load %arg4[%swap3A, %swap3A_58] : memref<1000x128xf32, #tpu.memory_space<vmem>>, vector<1000x128xf32>
    tpu.vector_store %arg4[%swap3A, %swap3A_58], %mul3A_57 {strides = array<i32>} : memref<1000x128xf32, #tpu.memory_space<vmem>>, vector<1000x128xf32>,
    %reduce_sum3A = arith.constant dense<0.000000e+00> : vector<128xf32>
    %reduce_sum3A_60 = vector.multi_reduction <add>, %mul3A_57, %reduce_sum3A [0] : vector<1000x128xf32> to vector<128xf32>
    %broadcast_in_dim3A_61 = vector.shape_cast %reduce_sum3A_60 : vector<128xf32> to vector<1x128xf32>
    %mul3A_62 = arith.mulf %mul3A_57, %mul3A_57 : vector<1000x128xf32>
    %reduce_sum3A_63 = arith.constant dense<0.000000e+00> : vector<128xf32>
    %reduce_sum3A_64 = vector.multi_reduction <add>, %mul3A_62, %reduce_sum3A_63 [0] : vector<1000x128xf32> to vector<128xf32>
    %broadcast_in_dim3A_65 = vector.shape_cast %reduce_sum3A_64 : vector<128xf32> to vector<1x128xf32>
    %concatenate3A = tpu.concatenate %broadcast_in_dim3A_61, %broadcast_in_dim3A_65 in 0 : vector<1x128xf32>, vector<1x128xf32> -> vector<2x128xf32>
    %eq3A = arith.constant 0 : i32
    %eq3A_66 = arith.cmpi eq, %arg0, %eq3A : i32
    %convert_element_type3A = arith.extui %eq3A_66 : i1 to i32
    %cond3A = arith.constant 0 : i32
    %cond3A_67 = arith.cmpi ne, %convert_element_type3A, %cond3A : i32
    scf.if %cond3A_67 {
      %swap3A_72 = arith.constant 0 : index
      %swap3A_73 = arith.constant 0 : index
      %swap3A_74 = vector.load %arg5[%swap3A_72, %swap3A_73] : memref<2x128xf32, #tpu.memory_space<vmem>>, vector<2x128xf32>
      tpu.vector_store %arg5[%swap3A_72, %swap3A_73], %concatenate3A {strides = array<i32>} : memref<2x128xf32, #tpu.memory_space<vmem>>, vector<2x128xf32>,
    } else {
    }
    %gt3A = arith.constant 0 : i32
    %gt3A_68 = arith.cmpi sgt, %arg0, %gt3A : i32
    %convert_element_type3A_69 = arith.extui %gt3A_68 : i1 to i32
    %cond3A_70 = arith.constant 0 : i32
    %cond3A_71 = arith.cmpi ne, %convert_element_type3A_69, %cond3A_70 : i32
    scf.if %cond3A_71 {
      %get3A_72 = arith.constant 0 : index
      %get3A_73 = arith.constant 0 : index
      %get3A_74 = vector.load %arg5[%get3A_72, %get3A_73] : memref<2x128xf32, #tpu.memory_space<vmem>>, vector<2x128xf32>
      %add3A_75 = arith.addf %get3A_74, %concatenate3A : vector<2x128xf32>
      %swap3A_76 = arith.constant 0 : index
      %swap3A_77 = arith.constant 0 : index
      %swap3A_78 = vector.load %arg5[%swap3A_76, %swap3A_77] : memref<2x128xf32, #tpu.memory_space<vmem>>, vector<2x128xf32>
      tpu.vector_store %arg5[%swap3A_76, %swap3A_77], %add3A_75 {strides = array<i32>} : memref<2x128xf32, #tpu.memory_space<vmem>>, vector<2x128xf32>,
    } else {
    }
    return
  }
  func.func @transform_0(%arg0: i32) -> (i32, i32, i32) {
    %c0_i32 = arith.constant 0 : i32
    %c0_i32_0 = arith.constant 0 : i32
    %c0_i32_1 = arith.constant 0 : i32
    return %c0_i32, %arg0, %c0_i32_0 : i32, i32, i32
  }
  func.func @transform_1(%arg0: i32) -> (i32, i32) {
    %c0_i32 = arith.constant 0 : i32
    %c0_i32_0 = arith.constant 0 : i32
    return %arg0, %c0_i32 : i32, i32
  }
  func.func @transform_2(%arg0: i32) -> (i32, i32, i32) {
    %c0_i32 = arith.constant 0 : i32
    %c0_i32_0 = arith.constant 0 : i32
    %c0_i32_1 = arith.constant 0 : i32
    %c0_i32_2 = arith.constant 0 : i32
    return %c0_i32, %c0_i32_0, %c0_i32_1 : i32, i32, i32
  }
  func.func @transform_3(%arg0: i32) -> (i32, i32) {
    %c0_i32 = arith.constant 0 : i32
    %c0_i32_0 = arith.constant 0 : i32
    return %arg0, %c0_i32 : i32, i32
  }
  func.func @transform_4(%arg0: i32) -> (i32, i32) {
    %c0_i32 = arith.constant 0 : i32
    %c0_i32_0 = arith.constant 0 : i32
    %c0_i32_1 = arith.constant 0 : i32
    return %c0_i32, %c0_i32_0 : i32, i32
  }
}

module attributes {stable_mosaic.version = 14 : i64} {
  func.func @_bn_next_body(%arg0: i32, %arg1: memref<1000x128xf32, #tpu.memory_space<vmem>>, %arg2: memref<2x128xf32, #tpu.memory_space<vmem>>, %arg3: memref<1x128xf32, #tpu.memory_space<vmem>>, %arg4: memref<1x128xf32, #tpu.memory_space<vmem>>, %arg5: memref<4x128x128xf32, #tpu.memory_space<vmem>>, %arg6: memref<1000x4xf32, #tpu.memory_space<vmem>>, %arg7: memref<4x1000x128xf32, #tpu.memory_space<vmem>>) attributes {dimension_semantics = [#tpu.dimension_semantics<arbitrary>], iteration_bounds = array<i64: 10>, scalar_prefetch = 0 : i64, scratch_operands = 0 : i64, tpu.core_type = #tpu.core_type<tc>, window_params = [{transform_indices = @transform_0, window_bounds = array<i64: 1000, 128>}, {pipeline_mode = #tpu.pipeline_mode<synchronous>, transform_indices = @transform_1, window_bounds = array<i64: 2, 128>}, {pipeline_mode = #tpu.pipeline_mode<synchronous>, transform_indices = @transform_2, window_bounds = array<i64: 1, 128>}, {pipeline_mode = #tpu.pipeline_mode<synchronous>, transform_indices = @transform_3, window_bounds = array<i64: 1, 128>}, {pipeline_mode = #tpu.pipeline_mode<synchronous>, transform_indices = @transform_4, window_bounds = array<i64: 4, 128, 128>}, {transform_indices = @transform_5, window_bounds = array<i64: 1000, 4>}, {transform_indices = @transform_6, window_bounds = array<i64: 4, 1000, 128>}]} {
    %get3A = arith.constant 0 : index
    %get3A_0 = arith.constant 0 : index
    %get3A_1 = vector.load %arg2[%get3A, %get3A_0] : memref<2x128xf32, #tpu.memory_space<vmem>>, vector<1x128xf32>
    %mul3A = arith.constant 9.99999974E-5 : f32
    %mul3A_2 = vector.broadcast %mul3A : f32 to vector<1x128xf32>
    %mul3A_3 = arith.mulf %get3A_1, %mul3A_2 : vector<1x128xf32>
    %get3A_4 = arith.constant 1 : index
    %get3A_5 = arith.constant 0 : index
    %get3A_6 = vector.load %arg2[%get3A_4, %get3A_5] : memref<2x128xf32, #tpu.memory_space<vmem>>, vector<1x128xf32>
    %mul3A_7 = arith.constant 9.99999974E-5 : f32
    %mul3A_8 = vector.broadcast %mul3A_7 : f32 to vector<1x128xf32>
    %mul3A_9 = arith.mulf %get3A_6, %mul3A_8 : vector<1x128xf32>
    %mul3A_10 = arith.mulf %mul3A_3, %mul3A_3 : vector<1x128xf32>
    %sub3A = arith.subf %mul3A_9, %mul3A_10 : vector<1x128xf32>
    %get3A_11 = arith.constant 0 : index
    %get3A_12 = arith.constant 0 : index
    %get3A_13 = vector.load %arg3[%get3A_11, %get3A_12] : memref<1x128xf32, #tpu.memory_space<vmem>>, vector<1x128xf32>
    %add3A = arith.constant 9.99999974E-6 : f32
    %add3A_14 = vector.broadcast %add3A : f32 to vector<1x128xf32>
    %add3A_15 = arith.addf %sub3A, %add3A_14 : vector<1x128xf32>
    %rsqrt3A = math.rsqrt %add3A_15 : vector<1x128xf32>
    %mul3A_16 = arith.mulf %get3A_13, %rsqrt3A : vector<1x128xf32>
    %get3A_17 = arith.constant 0 : index
    %get3A_18 = arith.constant 0 : index
    %get3A_19 = vector.load %arg1[%get3A_17, %get3A_18] : memref<1000x128xf32, #tpu.memory_space<vmem>>, vector<1000x128xf32>
    %sub3A_20 = vector.broadcast %mul3A_3 : vector<1x128xf32> to vector<1000x128xf32>
    %sub3A_21 = arith.subf %get3A_19, %sub3A_20 : vector<1000x128xf32>
    %mul3A_22 = vector.broadcast %mul3A_16 : vector<1x128xf32> to vector<1000x128xf32>
    %mul3A_23 = arith.mulf %sub3A_21, %mul3A_22 : vector<1000x128xf32>
    %get3A_24 = arith.constant 0 : index
    %get3A_25 = arith.constant 0 : index
    %get3A_26 = vector.load %arg4[%get3A_24, %get3A_25] : memref<1x128xf32, #tpu.memory_space<vmem>>, vector<1x128xf32>
    %add3A_27 = vector.broadcast %get3A_26 : vector<1x128xf32> to vector<1000x128xf32>
    %add3A_28 = arith.addf %mul3A_23, %add3A_27 : vector<1000x128xf32>
    %max3A = arith.constant 0.000000e+00 : f32
    %max3A_29 = vector.broadcast %max3A : f32 to vector<1000x128xf32>
    %max3A_30 = arith.maximumf %add3A_28, %max3A_29 : vector<1000x128xf32>
    %get3A_31 = arith.constant 0 : index
    %get3A_32 = arith.constant 0 : index
    %get3A_33 = vector.load %arg6[%get3A_31, %get3A_32] : memref<1000x4xf32, #tpu.memory_space<vmem>>, vector<1000x4xf32>
    %get3A_34 = arith.constant 0 : index
    %get3A_35 = arith.constant 0 : index
    %get3A_36 = arith.constant 0 : index
    %get3A_37 = vector.load %arg5[%get3A_34, %get3A_35, %get3A_36] : memref<4x128x128xf32, #tpu.memory_space<vmem>>, vector<1x128x128xf32>
    %get3A_38 = vector.shape_cast %get3A_37 : vector<1x128x128xf32> to vector<128x128xf32>
    %dot_general3A = arith.constant dense<0.000000e+00> : vector<1000x128xf32>
    %dot_general3A_39 = tpu.matmul %max3A_30, %get3A_38, %dot_general3A {dimension_numbers = #tpu.dot_dimension_numbers<[1], [0], [0], [1], [0, 0, 1, 1], [], []>, transpose_lhs_hint = false} : vector<1000x128xf32>, vector<128x128xf32>, vector<1000x128xf32> -> vector<1000x128xf32>
    %slice3A = vector.extract_strided_slice %get3A_33 {offsets = [0, 0], sizes = [1000, 1], strides = [1, 1]} : vector<1000x4xf32> to vector<1000x1xf32>
    %mul3A_40 = vector.broadcast %slice3A : vector<1000x1xf32> to vector<1000x128xf32>
    %mul3A_41 = arith.mulf %dot_general3A_39, %mul3A_40 : vector<1000x128xf32>
    %swap3A = arith.constant 0 : index
    %swap3A_42 = arith.constant 0 : index
    %swap3A_43 = arith.constant 0 : index
    %swap3A_44 = vector.load %arg7[%swap3A, %swap3A_42, %swap3A_43] : memref<4x1000x128xf32, #tpu.memory_space<vmem>>, vector<1x1000x128xf32>
    %swap3A_45 = vector.shape_cast %swap3A_44 : vector<1x1000x128xf32> to vector<1000x128xf32>
    %swap3A_46 = vector.shape_cast %mul3A_41 : vector<1000x128xf32> to vector<1x1000x128xf32>
    tpu.vector_store %arg7[%swap3A, %swap3A_42, %swap3A_43], %swap3A_46 {strides = array<i32>} : memref<4x1000x128xf32, #tpu.memory_space<vmem>>, vector<1x1000x128xf32>,
    %get3A_47 = arith.constant 1 : index
    %get3A_48 = arith.constant 0 : index
    %get3A_49 = arith.constant 0 : index
    %get3A_50 = vector.load %arg5[%get3A_47, %get3A_48, %get3A_49] : memref<4x128x128xf32, #tpu.memory_space<vmem>>, vector<1x128x128xf32>
    %get3A_51 = vector.shape_cast %get3A_50 : vector<1x128x128xf32> to vector<128x128xf32>
    %dot_general3A_52 = arith.constant dense<0.000000e+00> : vector<1000x128xf32>
    %dot_general3A_53 = tpu.matmul %max3A_30, %get3A_51, %dot_general3A_52 {dimension_numbers = #tpu.dot_dimension_numbers<[1], [0], [0], [1], [0, 0, 1, 1], [], []>, transpose_lhs_hint = false} : vector<1000x128xf32>, vector<128x128xf32>, vector<1000x128xf32> -> vector<1000x128xf32>
    %slice3A_54 = vector.extract_strided_slice %get3A_33 {offsets = [0, 1], sizes = [1000, 1], strides = [1, 1]} : vector<1000x4xf32> to vector<1000x1xf32>
    %mul3A_55 = vector.broadcast %slice3A_54 : vector<1000x1xf32> to vector<1000x128xf32>
    %mul3A_56 = arith.mulf %dot_general3A_53, %mul3A_55 : vector<1000x128xf32>
    %swap3A_57 = arith.constant 1 : index
    %swap3A_58 = arith.constant 0 : index
    %swap3A_59 = arith.constant 0 : index
    %swap3A_60 = vector.load %arg7[%swap3A_57, %swap3A_58, %swap3A_59] : memref<4x1000x128xf32, #tpu.memory_space<vmem>>, vector<1x1000x128xf32>
    %swap3A_61 = vector.shape_cast %swap3A_60 : vector<1x1000x128xf32> to vector<1000x128xf32>
    %swap3A_62 = vector.shape_cast %mul3A_56 : vector<1000x128xf32> to vector<1x1000x128xf32>
    tpu.vector_store %arg7[%swap3A_57, %swap3A_58, %swap3A_59], %swap3A_62 {strides = array<i32>} : memref<4x1000x128xf32, #tpu.memory_space<vmem>>, vector<1x1000x128xf32>,
    %get3A_63 = arith.constant 2 : index
    %get3A_64 = arith.constant 0 : index
    %get3A_65 = arith.constant 0 : index
    %get3A_66 = vector.load %arg5[%get3A_63, %get3A_64, %get3A_65] : memref<4x128x128xf32, #tpu.memory_space<vmem>>, vector<1x128x128xf32>
    %get3A_67 = vector.shape_cast %get3A_66 : vector<1x128x128xf32> to vector<128x128xf32>
    %dot_general3A_68 = arith.constant dense<0.000000e+00> : vector<1000x128xf32>
    %dot_general3A_69 = tpu.matmul %max3A_30, %get3A_67, %dot_general3A_68 {dimension_numbers = #tpu.dot_dimension_numbers<[1], [0], [0], [1], [0, 0, 1, 1], [], []>, transpose_lhs_hint = false} : vector<1000x128xf32>, vector<128x128xf32>, vector<1000x128xf32> -> vector<1000x128xf32>
    %slice3A_70 = vector.extract_strided_slice %get3A_33 {offsets = [0, 2], sizes = [1000, 1], strides = [1, 1]} : vector<1000x4xf32> to vector<1000x1xf32>
    %mul3A_71 = vector.broadcast %slice3A_70 : vector<1000x1xf32> to vector<1000x128xf32>
    %mul3A_72 = arith.mulf %dot_general3A_69, %mul3A_71 : vector<1000x128xf32>
    %swap3A_73 = arith.constant 2 : index
    %swap3A_74 = arith.constant 0 : index
    %swap3A_75 = arith.constant 0 : index
    %swap3A_76 = vector.load %arg7[%swap3A_73, %swap3A_74, %swap3A_75] : memref<4x1000x128xf32, #tpu.memory_space<vmem>>, vector<1x1000x128xf32>
    %swap3A_77 = vector.shape_cast %swap3A_76 : vector<1x1000x128xf32> to vector<1000x128xf32>
    %swap3A_78 = vector.shape_cast %mul3A_72 : vector<1000x128xf32> to vector<1x1000x128xf32>
    tpu.vector_store %arg7[%swap3A_73, %swap3A_74, %swap3A_75], %swap3A_78 {strides = array<i32>} : memref<4x1000x128xf32, #tpu.memory_space<vmem>>, vector<1x1000x128xf32>,
    %get3A_79 = arith.constant 3 : index
    %get3A_80 = arith.constant 0 : index
    %get3A_81 = arith.constant 0 : index
    %get3A_82 = vector.load %arg5[%get3A_79, %get3A_80, %get3A_81] : memref<4x128x128xf32, #tpu.memory_space<vmem>>, vector<1x128x128xf32>
    %get3A_83 = vector.shape_cast %get3A_82 : vector<1x128x128xf32> to vector<128x128xf32>
    %dot_general3A_84 = arith.constant dense<0.000000e+00> : vector<1000x128xf32>
    %dot_general3A_85 = tpu.matmul %max3A_30, %get3A_83, %dot_general3A_84 {dimension_numbers = #tpu.dot_dimension_numbers<[1], [0], [0], [1], [0, 0, 1, 1], [], []>, transpose_lhs_hint = false} : vector<1000x128xf32>, vector<128x128xf32>, vector<1000x128xf32> -> vector<1000x128xf32>
    %slice3A_86 = vector.extract_strided_slice %get3A_33 {offsets = [0, 3], sizes = [1000, 1], strides = [1, 1]} : vector<1000x4xf32> to vector<1000x1xf32>
    %mul3A_87 = vector.broadcast %slice3A_86 : vector<1000x1xf32> to vector<1000x128xf32>
    %mul3A_88 = arith.mulf %dot_general3A_85, %mul3A_87 : vector<1000x128xf32>
    %swap3A_89 = arith.constant 3 : index
    %swap3A_90 = arith.constant 0 : index
    %swap3A_91 = arith.constant 0 : index
    %swap3A_92 = vector.load %arg7[%swap3A_89, %swap3A_90, %swap3A_91] : memref<4x1000x128xf32, #tpu.memory_space<vmem>>, vector<1x1000x128xf32>
    %swap3A_93 = vector.shape_cast %swap3A_92 : vector<1x1000x128xf32> to vector<1000x128xf32>
    %swap3A_94 = vector.shape_cast %mul3A_88 : vector<1000x128xf32> to vector<1x1000x128xf32>
    tpu.vector_store %arg7[%swap3A_89, %swap3A_90, %swap3A_91], %swap3A_94 {strides = array<i32>} : memref<4x1000x128xf32, #tpu.memory_space<vmem>>, vector<1x1000x128xf32>,
    return
  }
  func.func @transform_0(%arg0: i32) -> (i32, i32) {
    %c0_i32 = arith.constant 0 : i32
    %c0_i32_0 = arith.constant 0 : i32
    return %arg0, %c0_i32 : i32, i32
  }
  func.func @transform_1(%arg0: i32) -> (i32, i32) {
    %c0_i32 = arith.constant 0 : i32
    %c0_i32_0 = arith.constant 0 : i32
    %c0_i32_1 = arith.constant 0 : i32
    return %c0_i32, %c0_i32_0 : i32, i32
  }
  func.func @transform_2(%arg0: i32) -> (i32, i32) {
    %c0_i32 = arith.constant 0 : i32
    %c0_i32_0 = arith.constant 0 : i32
    %c0_i32_1 = arith.constant 0 : i32
    return %c0_i32, %c0_i32_0 : i32, i32
  }
  func.func @transform_3(%arg0: i32) -> (i32, i32) {
    %c0_i32 = arith.constant 0 : i32
    %c0_i32_0 = arith.constant 0 : i32
    %c0_i32_1 = arith.constant 0 : i32
    return %c0_i32, %c0_i32_0 : i32, i32
  }
  func.func @transform_4(%arg0: i32) -> (i32, i32, i32) {
    %c0_i32 = arith.constant 0 : i32
    %c0_i32_0 = arith.constant 0 : i32
    %c0_i32_1 = arith.constant 0 : i32
    %c0_i32_2 = arith.constant 0 : i32
    return %c0_i32, %c0_i32_0, %c0_i32_1 : i32, i32, i32
  }
  func.func @transform_5(%arg0: i32) -> (i32, i32) {
    %c0_i32 = arith.constant 0 : i32
    %c0_i32_0 = arith.constant 0 : i32
    return %arg0, %c0_i32 : i32, i32
  }
  func.func @transform_6(%arg0: i32) -> (i32, i32, i32) {
    %c0_i32 = arith.constant 0 : i32
    %c0_i32_0 = arith.constant 0 : i32
    %c0_i32_1 = arith.constant 0 : i32
    return %c0_i32, %arg0, %c0_i32_0 : i32, i32, i32
  }
}

module attributes {stable_mosaic.version = 14 : i64} {
  func.func @_final_body(%arg0: i32, %arg1: memref<1000x128xf32, #tpu.memory_space<vmem>>, %arg2: memref<2x128xf32, #tpu.memory_space<vmem>>, %arg3: memref<1x128xf32, #tpu.memory_space<vmem>>, %arg4: memref<1x128xf32, #tpu.memory_space<vmem>>, %arg5: memref<1000x128xf32, #tpu.memory_space<vmem>>, %arg6: memref<128x64xf32, #tpu.memory_space<vmem>>, %arg7: memref<1x64xf32, #tpu.memory_space<vmem>>, %arg8: memref<1000x64xf32, #tpu.memory_space<vmem>>) attributes {dimension_semantics = [#tpu.dimension_semantics<arbitrary>], iteration_bounds = array<i64: 10>, scalar_prefetch = 0 : i64, scratch_operands = 0 : i64, tpu.core_type = #tpu.core_type<tc>, window_params = [{transform_indices = @transform_0, window_bounds = array<i64: 1000, 128>}, {pipeline_mode = #tpu.pipeline_mode<synchronous>, transform_indices = @transform_1, window_bounds = array<i64: 2, 128>}, {pipeline_mode = #tpu.pipeline_mode<synchronous>, transform_indices = @transform_2, window_bounds = array<i64: 1, 128>}, {pipeline_mode = #tpu.pipeline_mode<synchronous>, transform_indices = @transform_3, window_bounds = array<i64: 1, 128>}, {transform_indices = @transform_4, window_bounds = array<i64: 1000, 128>}, {pipeline_mode = #tpu.pipeline_mode<synchronous>, transform_indices = @transform_5, window_bounds = array<i64: 128, 64>}, {pipeline_mode = #tpu.pipeline_mode<synchronous>, transform_indices = @transform_6, window_bounds = array<i64: 1, 64>}, {transform_indices = @transform_7, window_bounds = array<i64: 1000, 64>}]} {
    %get3A = arith.constant 0 : index
    %get3A_0 = arith.constant 0 : index
    %get3A_1 = vector.load %arg2[%get3A, %get3A_0] : memref<2x128xf32, #tpu.memory_space<vmem>>, vector<1x128xf32>
    %mul3A = arith.constant 9.99999974E-5 : f32
    %mul3A_2 = vector.broadcast %mul3A : f32 to vector<1x128xf32>
    %mul3A_3 = arith.mulf %get3A_1, %mul3A_2 : vector<1x128xf32>
    %get3A_4 = arith.constant 1 : index
    %get3A_5 = arith.constant 0 : index
    %get3A_6 = vector.load %arg2[%get3A_4, %get3A_5] : memref<2x128xf32, #tpu.memory_space<vmem>>, vector<1x128xf32>
    %mul3A_7 = arith.constant 9.99999974E-5 : f32
    %mul3A_8 = vector.broadcast %mul3A_7 : f32 to vector<1x128xf32>
    %mul3A_9 = arith.mulf %get3A_6, %mul3A_8 : vector<1x128xf32>
    %mul3A_10 = arith.mulf %mul3A_3, %mul3A_3 : vector<1x128xf32>
    %sub3A = arith.subf %mul3A_9, %mul3A_10 : vector<1x128xf32>
    %get3A_11 = arith.constant 0 : index
    %get3A_12 = arith.constant 0 : index
    %get3A_13 = vector.load %arg3[%get3A_11, %get3A_12] : memref<1x128xf32, #tpu.memory_space<vmem>>, vector<1x128xf32>
    %add3A = arith.constant 9.99999974E-6 : f32
    %add3A_14 = vector.broadcast %add3A : f32 to vector<1x128xf32>
    %add3A_15 = arith.addf %sub3A, %add3A_14 : vector<1x128xf32>
    %rsqrt3A = math.rsqrt %add3A_15 : vector<1x128xf32>
    %mul3A_16 = arith.mulf %get3A_13, %rsqrt3A : vector<1x128xf32>
    %get3A_17 = arith.constant 0 : index
    %get3A_18 = arith.constant 0 : index
    %get3A_19 = vector.load %arg1[%get3A_17, %get3A_18] : memref<1000x128xf32, #tpu.memory_space<vmem>>, vector<1000x128xf32>
    %sub3A_20 = vector.broadcast %mul3A_3 : vector<1x128xf32> to vector<1000x128xf32>
    %sub3A_21 = arith.subf %get3A_19, %sub3A_20 : vector<1000x128xf32>
    %mul3A_22 = vector.broadcast %mul3A_16 : vector<1x128xf32> to vector<1000x128xf32>
    %mul3A_23 = arith.mulf %sub3A_21, %mul3A_22 : vector<1000x128xf32>
    %get3A_24 = arith.constant 0 : index
    %get3A_25 = arith.constant 0 : index
    %get3A_26 = vector.load %arg4[%get3A_24, %get3A_25] : memref<1x128xf32, #tpu.memory_space<vmem>>, vector<1x128xf32>
    %add3A_27 = vector.broadcast %get3A_26 : vector<1x128xf32> to vector<1000x128xf32>
    %add3A_28 = arith.addf %mul3A_23, %add3A_27 : vector<1000x128xf32>
    %max3A = arith.constant 0.000000e+00 : f32
    %max3A_29 = vector.broadcast %max3A : f32 to vector<1000x128xf32>
    %max3A_30 = arith.maximumf %add3A_28, %max3A_29 : vector<1000x128xf32>
    %get3A_31 = arith.constant 0 : index
    %get3A_32 = arith.constant 0 : index
    %get3A_33 = vector.load %arg5[%get3A_31, %get3A_32] : memref<1000x128xf32, #tpu.memory_space<vmem>>, vector<1000x128xf32>
    %add3A_34 = arith.addf %max3A_30, %get3A_33 : vector<1000x128xf32>
    %get3A_35 = arith.constant 0 : index
    %get3A_36 = arith.constant 0 : index
    %get3A_37 = vector.load %arg6[%get3A_35, %get3A_36] : memref<128x64xf32, #tpu.memory_space<vmem>>, vector<128x64xf32>
    %dot_general3A = arith.constant dense<0.000000e+00> : vector<1000x64xf32>
    %dot_general3A_38 = tpu.matmul %add3A_34, %get3A_37, %dot_general3A {dimension_numbers = #tpu.dot_dimension_numbers<[1], [0], [0], [1], [0, 0, 1, 1], [], []>, transpose_lhs_hint = false} : vector<1000x128xf32>, vector<128x64xf32>, vector<1000x64xf32> -> vector<1000x64xf32>
    %get3A_39 = arith.constant 0 : index
    %get3A_40 = arith.constant 0 : index
    %get3A_41 = vector.load %arg7[%get3A_39, %get3A_40] : memref<1x64xf32, #tpu.memory_space<vmem>>, vector<1x64xf32>
    %add3A_42 = vector.broadcast %get3A_41 : vector<1x64xf32> to vector<1000x64xf32>
    %add3A_43 = arith.addf %dot_general3A_38, %add3A_42 : vector<1000x64xf32>
    %swap3A = arith.constant 0 : index
    %swap3A_44 = arith.constant 0 : index
    %swap3A_45 = vector.load %arg8[%swap3A, %swap3A_44] : memref<1000x64xf32, #tpu.memory_space<vmem>>, vector<1000x64xf32>
    tpu.vector_store %arg8[%swap3A, %swap3A_44], %add3A_43 {strides = array<i32>} : memref<1000x64xf32, #tpu.memory_space<vmem>>, vector<1000x64xf32>,
    return
  }
  func.func @transform_0(%arg0: i32) -> (i32, i32) {
    %c0_i32 = arith.constant 0 : i32
    %c0_i32_0 = arith.constant 0 : i32
    return %arg0, %c0_i32 : i32, i32
  }
  func.func @transform_1(%arg0: i32) -> (i32, i32) {
    %c0_i32 = arith.constant 0 : i32
    %c0_i32_0 = arith.constant 0 : i32
    %c0_i32_1 = arith.constant 0 : i32
    return %c0_i32, %c0_i32_0 : i32, i32
  }
  func.func @transform_2(%arg0: i32) -> (i32, i32) {
    %c0_i32 = arith.constant 0 : i32
    %c0_i32_0 = arith.constant 0 : i32
    %c0_i32_1 = arith.constant 0 : i32
    return %c0_i32, %c0_i32_0 : i32, i32
  }
  func.func @transform_3(%arg0: i32) -> (i32, i32) {
    %c0_i32 = arith.constant 0 : i32
    %c0_i32_0 = arith.constant 0 : i32
    %c0_i32_1 = arith.constant 0 : i32
    return %c0_i32, %c0_i32_0 : i32, i32
  }
  func.func @transform_4(%arg0: i32) -> (i32, i32) {
    %c0_i32 = arith.constant 0 : i32
    %c0_i32_0 = arith.constant 0 : i32
    return %arg0, %c0_i32 : i32, i32
  }
  func.func @transform_5(%arg0: i32) -> (i32, i32) {
    %c0_i32 = arith.constant 0 : i32
    %c0_i32_0 = arith.constant 0 : i32
    %c0_i32_1 = arith.constant 0 : i32
    return %c0_i32, %c0_i32_0 : i32, i32
  }
  func.func @transform_6(%arg0: i32) -> (i32, i32) {
    %c0_i32 = arith.constant 0 : i32
    %c0_i32_0 = arith.constant 0 : i32
    %c0_i32_1 = arith.constant 0 : i32
    return %c0_i32, %c0_i32_0 : i32, i32
  }
  func.func @transform_7(%arg0: i32) -> (i32, i32) {
    %c0_i32 = arith.constant 0 : i32
    %c0_i32_0 = arith.constant 0 : i32
    return %arg0, %c0_i32 : i32, i32
  }
}

</mosaic_0001>

<sc_bundles>
// kernel: kernel.10.cloned.1.call-start
scs
__scs_entry_jumppad:
0x0: {  	(pc) =	sbr.rel $0x88, $3  }
0x1: {  	(tag) =	ssettag $0x0;
	lr =	simm.s32 $0x1  }
0x2: {  	[smem:$0x3F97] =	sst lr;
	_ =	strace $0xD0000000  }
0x3: {  	_ = 	snop  }
0x4: {  	_ = 	snop  }
0x5: {  	_ = 	snop  }
0x6: {  	_ = 	snop  }
0x7: {  	_ = 	snop  }
__scs_overlays_trampoline_lowered:
0x8: {  	[smem:$0x3FA6] =	sst s0  }
0x9: {  	[smem:$0x3FA7] =	sst s1  }
0xa: {  	[smem:$0x3FA8] =	sst s2  }
0xb: {  	[smem:$0x3FA9] =	sst s3  }
0xc: {  	[smem:$0x3FAA] =	sst s4  }
0xd: {  	[smem:$0x3FAB] =	sst s5  }
0xe: {  	[smem:$0x3FAC] =	sst s6  }
0xf: {  	[smem:$0x3FAD] =	sst s7  }
0x10: {  	[smem:$0x3FAE] =	sst s8  }
0x11: {  	[smem:$0x3FAF] =	sst s9;
	s0 =	simm.s32 @!p0 $0x0  }
0x12: {  	s1 =	sld [smem:$0x3F95];
	s0 =	simm.s32 @p0 $0x1  }
0x13: {  	[smem:$0x3FB0] =	sst s0;
	s0 =	simm.s32 @!p1 $0x0  }
0x14: {  	s2 =	sld [smem:$0x3F94];
	s0 =	simm.s32 @p1 $0x1  }
0x15: {  	[smem:$0x3FB1] =	sst s0;
	s0 =	simm.s32 @!p2 $0x0  }
0x16: {  	s3 =	sld [smem:$0x3FDB];
	s0 =	simm.s32 @p2 $0x1  }
0x17: {  	s4 =	simm.s32 $0x1BF5;
	[smem:$0x3FB3] =	sst s0  }
0x18: {  	s0 =	sld [smem:$0x3F96];
	_ =	swait.ge [sflag:s4], $0x0  }
0x19: {  	s7 =	sld [smem:$0x3F97]  }
0x1a: {  	s8 =	sadd.s32 $0xFFFFE003, lr  }
0x1b: {  	s9 =	sadd.s32 $0xFFFFFEF7, lr;
	s5 =	simm.s32 $0xFFFFFFFF;
	p2 =	slt.u32 s8, $0xFFFFF086  }
0x1c: {  	p1 =	slt.u32 s9, $0xF7A;
	s5 =	simm.s32 @!p2 $0x0  }
0x1d: {  	s5 =	simm.s32 @p1 $0x1;
	p0 =	seq.s32 s7, s2  }
0x1e: {  	s7 =	smul.u32 @!p0 $0xF7A, s2;
	p2 =	seq.s32 @!p0 s5, $0x0  }
0x1f: {  	s9 =	smul.u32 $0xF7A, s1;
	s8 =	simm.s32 @!p0 $0x1BF5;
	p2 =	por !p2, p0  }
0x20: {  	[sflag:s8] =	ssyncset.s32 @!p0 $0xFFFFF086;
	s6 =	sadd.s32 @!p0 s3, s7;
	s7 =	simm.s32 @!p0 $0x108  }
0x21: {  	s3 =	sadd.s32 s3, s9;
	s6 =	sadd.s32 @!p0 $0x88, s6;
	s7 =	simm.s32 @p2 $0x1082  }
0x22: {  	[simem:s7], [sflag:s8] =	dma.local @!p0 [hbm:s6], $0xF7A  }
0x23: {  	s9 =	sor.u32 $0xD0000000, s2;
	s6 =	simm.s32 $0x108;
	_ =	swait.ge @!p0 [sflag:s8], $0x0  }
0x24: {  	s3 =	sadd.s32 $0x88, s3;
	s6 =	simm.s32 @!p1 $0x1082;
	[sflag:s4] =	ssyncset.s32 $0xFFFFF086  }
0x25: {  	[simem:s6], [sflag:s4] =	dma.local [hbm:s3], $0xF7A  }
0x26: {  	[smem:$0x3F97] =	sst s1;
	(tag) =	ssettag s2;
	_ =	strace s9  }
0x27: {  	s1 =	sld [smem:$0x3FA7]  }
0x28: {  	s2 =	sld [smem:$0x3FA8]  }
0x29: {  	s4 =	sld [smem:$0x3FAA]  }
0x2a: {  	p0 =	seq.s32 s5, $0x0;
	s5 =	sld [smem:$0x3FAB]  }
0x2b: {  	s6 =	sld [smem:$0x3FAC]  }
0x2c: {  	s7 =	sld [smem:$0x3FAD]  }
0x2d: {  	s3 =	simm.s32 $0x108;
	s8 =	sld [smem:$0x3FAE]  }
0x2e: {  	s3 =	simm.s32 @!p0 $0x1082;
	s9 =	sld [smem:$0x3FAF]  }
0x2f: {  	lr =	sadd.s32 s0, s3;
	s0 =	sld [smem:$0x3FA6]  }
0x30: {  	s3 =	sld [smem:$0x3FA9]  }
0x31: {  	[smem:$0x3FB2] =	sst s10  }
0x32: {  	s10 =	sld [smem:$0x3FB0];
	_ =	sdelay $0x3  }
0x33: {  	p0 =	seq.s32 s10, $0x1;
	s10 =	sld [smem:$0x3FB2];
	_ =	sdelay $0x3  }
0x34: {  	[smem:$0x3FB2] =	sst s10  }
0x35: {  	s10 =	sld [smem:$0x3FB1];
	_ =	sdelay $0x3  }
0x36: {  	p1 =	seq.s32 s10, $0x1;
	s10 =	sld [smem:$0x3FB2];
	_ =	sdelay $0x3  }
0x37: {  	[smem:$0x3FB2] =	sst s10  }
0x38: {  	s10 =	sld [smem:$0x3FB3]  }
0x39: {  	_ = 	snop;
	(pc) =	sbr.ind lr, $3  }
0x3a: {  	_ = 	snop  }
0x3b: {  	_ = 	snop  }
0x3c: {  	p2 =	seq.s32 s10, $0x1;
	s10 =	sld [smem:$0x3FB2]  }
0x3d: {  	_ =	shalt  }
0x3e: {  	_ =	shalt  }
0x3f: {  	_ =	shalt  }
0x40: {  	_ =	shalt  }
0x41: {  	_ =	shalt  }
0x42: {  	_ =	shalt  }
0x43: {  	_ =	shalt  }
0x44: {  	_ =	shalt  }
0x45: {  	_ =	shalt  }
0x46: {  	_ =	shalt  }
0x47: {  	_ =	shalt  }
0x48: {  	_ =	shalt  }
0x49: {  	_ =	shalt  }
0x4a: {  	_ =	shalt  }
0x4b: {  	_ =	shalt  }
0x4c: {  	_ =	shalt  }
0x4d: {  	_ =	shalt  }
0x4e: {  	_ =	shalt  }
0x4f: {  	_ =	shalt  }
0x50: {  	_ =	shalt  }
0x51: {  	_ =	shalt  }
0x52: {  	_ =	shalt  }
0x53: {  	_ =	shalt  }
0x54: {  	_ =	shalt  }
0x55: {  	_ =	shalt  }
0x56: {  	_ =	shalt  }
0x57: {  	_ =	shalt  }
0x58: {  	_ =	shalt  }
0x59: {  	_ =	shalt  }
0x5a: {  	_ =	shalt  }
0x5b: {  	_ =	shalt  }
0x5c: {  	_ =	shalt  }
0x5d: {  	_ =	shalt  }
0x5e: {  	_ =	shalt  }
0x5f: {  	_ =	shalt  }
0x60: {  	_ =	shalt  }
0x61: {  	_ =	shalt  }
0x62: {  	_ =	shalt  }
0x63: {  	_ =	shalt  }
0x64: {  	_ =	shalt  }
0x65: {  	_ =	shalt  }
0x66: {  	_ =	shalt  }
0x67: {  	_ =	shalt  }
0x68: {  	_ =	shalt  }
0x69: {  	_ =	shalt  }
0x6a: {  	_ =	shalt  }
0x6b: {  	_ =	shalt  }
0x6c: {  	_ =	shalt  }
0x6d: {  	_ =	shalt  }
0x6e: {  	_ =	shalt  }
0x6f: {  	_ =	shalt  }
0x70: {  	_ =	shalt  }
0x71: {  	_ =	shalt  }
0x72: {  	_ =	shalt  }
0x73: {  	_ =	shalt  }
0x74: {  	_ =	shalt  }
0x75: {  	_ =	shalt  }
0x76: {  	_ =	shalt  }
0x77: {  	_ =	shalt  }
0x78: {  	_ =	shalt  }
0x79: {  	_ =	shalt  }
0x7a: {  	_ =	shalt  }
0x7b: {  	_ =	shalt  }
0x7c: {  	_ =	shalt  }
0x7d: {  	_ =	shalt  }
0x7e: {  	_ =	shalt  }
0x7f: {  	_ =	shalt  }
0x80: {  	_ =	shalt  }
0x81: {  	_ =	shalt  }
0x82: {  	_ =	shalt  }
0x83: {  	_ =	shalt  }
0x84: {  	_ =	shalt  }
0x85: {  	_ =	shalt  }
0x86: {  	_ =	shalt  }
0x87: {  	_ =	shalt  }
.Lfunc_end0:
.L_simem_size_0:
called_computation_lowered:
.L_overlay_start_0:
0x88: {  	s2 =	sld [smem:$0x3FD9]  }
0x89: {  	s3 =	sld [smem:$0x3FFE];
	_ =	sdelay $0x1  }
0x8a: {  	s1 =	srdreg.scid  }
0x8b: {  	s0 =	sand.u32 $0x1, s1  }
0x8c: {  	s16 =	sshll.u32 s0, $0xA;
	s2 =	sadd.s32 s3, s2  }
0x8d: {  	s2 =	sadd.s32 s2, s16  }
0x8e: {  	[smem:$0x3FBE] =	sst s2  }
0x8f: {  	_ = 	snop  }
0x90: {  	(tm) =	ssettm $0x1  }
0x91: {  	s17 =	sld [smem:$0x3FFB];
	_ =	sdelay $0x3  }
0x92: {  	_ =	strace s17  }
0x93: {  	s2 =	sld [smem:$0x3FFC];
	_ =	sdelay $0x3  }
0x94: {  	_ =	strace s2  }
0x95: {  	s2 =	sld [smem:$0x3FFD];
	_ =	sdelay $0x3  }
0x96: {  	_ =	strace s2  }
0x97: {  	_ =	strace $0x8FFFFFFF  }
0x98: {  	s18 =	sld [smem:$0x3FDB];
	_ =	sdelay $0x1  }
0x99: {  	s19 =	simm.s32 $_scs_section_size  }
0x9a: {  	s4 =	simm.s32 $_size__tile_overlayer_lowered;
	s5 =	simm.s32 $_tile_overlayer_lowered  }
0x9b: {  	s22 =	simm.s32 $0x1BFF;
	s21 =	sshll.u32 s5, $0x1;
	s2 =	sadd.s32 s19, s18  }
0x9c: {  	s6 =	simm.s32 $0x0;
	s20 =	sshll.u32 s4, $0x1;
	s4 =	sadd.s32 s21, s2  }
0x9d: {  	[timem:s6], [sflag:s22] =	dma.local [hbm:s4], s20  }
0x9e: {  	_ =	swait.ge [sflag:s22], s20  }
0x9f: {  	s3 =	ssub.s32 $0x0, s20;
	[sflag:s22] =	ssyncset.done $0x0  }
0xa0: {  	[sflag:s22] =	ssyncadd.s32 s3;
	_ =	sdelay $0x1  }
0xa1: {  	s23 =	simm.s32 $0x1B8B  }
0xa2: {  	_ =	swait.ge [sflag:s23], $0x1  }
0xa3: {  	[sflag:s23] =	ssyncset.done $0x0  }
0xa4: {  	s25 =	simm.s32 $0x1B8E;
	s24 =	sld [smem:$0x3FFE];
	[sflag:s23] =	ssyncadd.s32 $0xFFFFFFFF  }
0xa5: {  	s26 =	simm.s32 $execute0_lowered;
	[smem:$0x3FD2] =	sst s25  }
0xa6: {  	s4 =	sshll.u32 s26, $0x1;
	_ =	strace $0x80000046;
	[dreg:$0x1] =	wrdreg $0xFFFFFFFF  }
0xa7: {  	s28 =	simm.s32 $_size_execute0_lowered;
	s2 =	sadd.s32 s2, s4;
	[dreg:$0x0] =	wrdreg $0x0  }
0xa8: {  	s4 =	sshll.u32 s28, $0x1;
	[dreg:$0x2] =	wrdreg s2  }
0xa9: {  	[dreg:$0x3] =	wrdreg s4  }
0xaa: {  	[dreg:$0x4] =	wrdreg $0xC0  }
0xab: {  	_ =	task [dreg:s6], $0x5FFFF  }
0xac: {  	[dreg:$0x1] =	wrdreg $0xFFFFFFFF  }
0xad: {  	[dreg:$0x0] =	wrdreg $0x60  }
0xae: {  	[dreg:$0x2] =	wrdreg s24  }
0xaf: {  	[dreg:$0x3] =	wrdreg $0x5C000  }
0xb0: {  	[dreg:$0x4] =	wrdreg $0x9  }
0xb1: {  	_ =	task.clear_ibuf [dreg:s6], $0x5FFFF;
	_ =	strace $0x90000046  }
0xb2: {  	s29 =	simm.s32 $0x9;
	_ =	strace $0x80000048  }
0xb3: {  	_ =	swait.ge [sflag:s29], $0x1  }
0xb4: {  	[sflag:s29] =	ssyncadd.s32 $0xFFFFFFFF  }
0xb5: {  	_ =	strace $0x90000048  }
0xb6: {  	_ =	sfence  }
0xb7: {  	s30 =	sld [smem:$0x0];
	_ =	sdelay $0x2  }
0xb8: {  	s31 =	sshll.u32 s1, $0xD;
	s1 =	sshrl.u32 s1, $0x2  }
0xb9: {  	s3 =	sand.u32 $0x4000, s31;
	s1 =	sadd.s32 s1, s30  }
0xba: {  	s0 =	sor.u32 s3, s0;
	s1 =	sshll.u32 s1, $0x11  }
0xbb: {  	s0 =	sor.u32 s1, s0  }
0xbc: {  	s0 =	sadd.s32 $0x8F2B, s0  }
0xbd: {  	[sflag:s0] =	ssyncadd.remote.s32 $0x1  }
0xbe: {  	_ =	sfence.sel $0xFFFF  }
0xbf: {  	[dreg:$0x0] =	wrdreg $0xFFFFFFFF;
	(pc) =	sbr.abs _section_cstart, $3  }
0xc0: {  	[dreg:$0x1] =	wrdreg $0xFFFFFFFF  }
0xc1: {  	_ =	task.clear_ibuf [dreg:s6], $0x2FFFF;
	_ =	strace $0x9FFFFFFF  }
0xc2: {  	(tm) =	ssettm $0x7FFFFFFF  }
0xc3: {  	_ =	shalt  }
tec
execute0_lowered:
.L_overlay_start_1:
0x0: {  	(tag) =	ssettag $0x1  }
0x1: {  	s4 =	rddreg [dreg:$0x0]  }
0x2: {  	s1 =	rddreg [dreg:$0x1]  }
0x3: {  	s0 =	rddreg [dreg:$0x2];
	s3 =	simm.s32 $0x0;
	s2 =	stileid.u32  }
0x4: {  	s5 =	srdreg.scid;
	s16 =	simm.s32 $0x80;
	s26 =	smul.u32 $0x50000, s2  }
0x5: {  	s17 =	simm.s32 $0x1400;
	s20 =	simm.s32 $0x0;
	s8 =	smul.u32 $0x1400, s2  }
0x6: {  	[smem:$0x7FF] =	sst s3;
	s14 =	sand.u32 $0x1, s5;
	s10 =	smul.u32 $0x14000, s2  }
0x7: {  	s7 =	sadd.s32 $0x2800, s4;
	s11 =	sadd.s32 $0xC800, s4;
	s30 =	smul.u32 $0x280, s2  }
0x8: {  	s31 =	smul.u32 $0x2800, s2;
	s18 =	sshll.u32 s2, $0x6;
	_ =	strace $0x80000047  }
0x9: {  	s6 =	ssub.s32 $0x2, s14;
	p0 =	sne.s32 s14, $0x0;
	s14 =	simm.s32 $0x5400  }
0xa: {  	s18 =	sor.u32 $0x1C01, s18;
	s9 =	sshrl.u32 s6, $0x1;
	s5 =	sshrl.u32 s26, $0x2  }
0xb: {  	s28 =	sshrl.u32 s8, $0x3;
	s29 =	sshrl.u32 s10, $0x3;
	s8 =	sadd.s32 s11, s31  }
.Ltmp0:
0xc: {  	s13 =	ssub.s32 s6, s9;
	s4 =	sadd.s32 s5, s1;
	(pc) =	sbr.rel .LBB2_1-.Ltmp0, $4  }
0xd: {  	s12 =	sadd.s32 s7, s28;
	s15 =	sadd.s32 s11, s29;
	s7 =	sadd.s32 s7, s30  }
0xe: {  	s5 =	sadd.s32 $0x5000, s12;
	s6 =	sadd.s32 $0x50000, s15;
	s9 =	sadd.s32 $0x2800, s12  }
0xf: {  	s10 =	sadd.s32 $0x28000, s15;
	s11 =	sadd.s32 $0x7800, s12;
	s12 =	sadd.s32 $0x78000, s15  }
0x10: {  	v0 =	vimm.f32 $1.000000000e+00;
	v1 =	vimm.f32 $0.0e+00;
	s13 =	smax.u32 s13, $0x1;
	s15 =	simm.s32 $0x1;
	s19 =	sshrl.u32 s4, $0x3  }
.LBB2_19:
0x11: {  	[sflag:s15] =	ssyncadd.s32 $0xFFFFF800  }
0x12: {  	[bflag:$0x0] =	sbarrier.arrive $0xFFFF  }
0x13: {  	[hbm:s12], [sflag:s18] =	dma.local [spmem:s19], $0x2800  }
.LBB2_20:
0x14: {  	s20 =	sadd.s32 $0x1, s20  }
0x15: {  	p1 =	sne.s32 s20, s13  }
.Ltmp1:
0x16: {  	_ =	swait.ge [sflag:s15], $0x2800;
	(pc) =	sbr.rel @!p1 .LBB2_21-.Ltmp1, $3  }
0x17: {  	[sflag:s15] =	ssyncset.done $0x0  }
0x18: {  	[sflag:s15] =	ssyncadd.s32 $0xFFFFD800  }
0x19: {  	[bflag:$0x0] =	sbarrier.arrive $0xFFFF;
	_ =	sdelay $0x1  }
.LBB2_1:
0x1a: {  	[tilespmem:$0x1400] =	vst v0  }
0x1b: {  	[tilespmem:$0x1480] =	vst v0  }
0x1c: {  	[tilespmem:$0x1500] =	vst v0  }
0x1d: {  	[tilespmem:$0x1580] =	vst v0  }
0x1e: {  	[tilespmem:$0x1600] =	vst v0  }
0x1f: {  	[tilespmem:$0x1680] =	vst v0  }
0x20: {  	[tilespmem:$0x1700] =	vst v0  }
0x21: {  	[tilespmem:$0x1780] =	vst v0  }
0x22: {  	[tilespmem:$0x1800] =	vst v0  }
0x23: {  	[tilespmem:$0x1880] =	vst v0  }
0x24: {  	[tilespmem:$0x1900] =	vst v0  }
0x25: {  	[tilespmem:$0x1980] =	vst v0  }
0x26: {  	[tilespmem:$0x1A00] =	vst v0  }
0x27: {  	[tilespmem:$0x1A80] =	vst v0  }
0x28: {  	[tilespmem:$0x1B00] =	vst v0  }
0x29: {  	[tilespmem:$0x1B80] =	vst v0  }
0x2a: {  	[tilespmem:$0x1C00] =	vst v0  }
0x2b: {  	[tilespmem:$0x1C80] =	vst v0  }
0x2c: {  	[tilespmem:$0x1D00] =	vst v0  }
0x2d: {  	[tilespmem:$0x1D80] =	vst v0  }
0x2e: {  	[tilespmem:$0x1E00] =	vst v0  }
0x2f: {  	[tilespmem:$0x1E80] =	vst v0  }
0x30: {  	[tilespmem:$0x1F00] =	vst v0  }
0x31: {  	[tilespmem:$0x1F80] =	vst v0  }
0x32: {  	[tilespmem:$0x2000] =	vst v0  }
0x33: {  	[tilespmem:$0x2080] =	vst v0  }
0x34: {  	[tilespmem:$0x2100] =	vst v0  }
0x35: {  	[tilespmem:$0x2180] =	vst v0  }
0x36: {  	[tilespmem:$0x2200] =	vst v0  }
0x37: {  	[tilespmem:$0x2280] =	vst v0  }
0x38: {  	[tilespmem:$0x2300] =	vst v0  }
0x39: {  	[tilespmem:$0x2380] =	vst v0  }
0x3a: {  	[tilespmem:$0x2400] =	vst v0  }
0x3b: {  	[tilespmem:$0x2480] =	vst v0  }
0x3c: {  	[tilespmem:$0x2500] =	vst v0  }
0x3d: {  	[tilespmem:$0x2580] =	vst v0  }
0x3e: {  	[tilespmem:$0x2600] =	vst v0  }
0x3f: {  	[tilespmem:$0x2680] =	vst v0  }
0x40: {  	[tilespmem:$0x2700] =	vst v0  }
0x41: {  	[tilespmem:$0x2780] =	vst v0  }
0x42: {  	[tilespmem:$0x2800] =	vst v0  }
0x43: {  	[tilespmem:$0x2880] =	vst v0  }
0x44: {  	[tilespmem:$0x2900] =	vst v0  }
0x45: {  	[tilespmem:$0x2980] =	vst v0  }
0x46: {  	[tilespmem:$0x2A00] =	vst v0  }
0x47: {  	[tilespmem:$0x2A80] =	vst v0  }
0x48: {  	[tilespmem:$0x2B00] =	vst v0  }
0x49: {  	[tilespmem:$0x2B80] =	vst v0  }
0x4a: {  	[tilespmem:$0x2C00] =	vst v0  }
0x4b: {  	[tilespmem:$0x2C80] =	vst v0  }
0x4c: {  	[tilespmem:$0x2D00] =	vst v0  }
0x4d: {  	[tilespmem:$0x2D80] =	vst v0  }
0x4e: {  	[tilespmem:$0x2E00] =	vst v0  }
0x4f: {  	[tilespmem:$0x2E80] =	vst v0  }
0x50: {  	[tilespmem:$0x2F00] =	vst v0  }
0x51: {  	[tilespmem:$0x2F80] =	vst v0  }
0x52: {  	[tilespmem:$0x3000] =	vst v0  }
0x53: {  	[tilespmem:$0x3080] =	vst v0  }
0x54: {  	[tilespmem:$0x3100] =	vst v0  }
0x55: {  	[tilespmem:$0x3180] =	vst v0  }
0x56: {  	[tilespmem:$0x3200] =	vst v0  }
0x57: {  	[tilespmem:$0x3280] =	vst v0  }
0x58: {  	[tilespmem:$0x3300] =	vst v0  }
0x59: {  	[tilespmem:$0x3380] =	vst v0  }
0x5a: {  	[tilespmem:$0x3400] =	vst v0  }
0x5b: {  	[tilespmem:$0x3480] =	vst v0  }
0x5c: {  	[tilespmem:$0x3500] =	vst v0  }
0x5d: {  	[tilespmem:$0x3580] =	vst v0  }
0x5e: {  	[tilespmem:$0x3600] =	vst v0  }
0x5f: {  	[tilespmem:$0x3680] =	vst v0  }
0x60: {  	[tilespmem:$0x3700] =	vst v0  }
0x61: {  	[tilespmem:$0x3780] =	vst v0  }
0x62: {  	[tilespmem:$0x3800] =	vst v0  }
0x63: {  	[tilespmem:$0x3880] =	vst v0  }
0x64: {  	[tilespmem:$0x3900] =	vst v0  }
0x65: {  	[tilespmem:$0x3980] =	vst v0  }
0x66: {  	[tilespmem:$0x3A00] =	vst v0  }
0x67: {  	[tilespmem:$0x3A80] =	vst v0  }
0x68: {  	[tilespmem:$0x3B00] =	vst v0  }
0x69: {  	[tilespmem:$0x3B80] =	vst v0  }
0x6a: {  	[tilespmem:$0x3C00] =	vst v0  }
0x6b: {  	[tilespmem:$0x3C80] =	vst v0  }
0x6c: {  	[tilespmem:$0x3D00] =	vst v0  }
0x6d: {  	[tilespmem:$0x3D80] =	vst v0  }
0x6e: {  	[tilespmem:$0x3E00] =	vst v0  }
0x6f: {  	[tilespmem:$0x3E80] =	vst v0  }
0x70: {  	[tilespmem:$0x3F00] =	vst v0  }
0x71: {  	[tilespmem:$0x3F80] =	vst v0  }
0x72: {  	[tilespmem:$0x4000] =	vst v0  }
0x73: {  	[tilespmem:$0x4080] =	vst v0  }
0x74: {  	[tilespmem:$0x4100] =	vst v0  }
0x75: {  	[tilespmem:$0x4180] =	vst v0  }
0x76: {  	[tilespmem:$0x4200] =	vst v0  }
0x77: {  	[tilespmem:$0x4280] =	vst v0  }
0x78: {  	[tilespmem:$0x4300] =	vst v0  }
0x79: {  	[tilespmem:$0x4380] =	vst v0  }
0x7a: {  	[tilespmem:$0x4400] =	vst v0  }
0x7b: {  	[tilespmem:$0x4480] =	vst v0  }
0x7c: {  	[tilespmem:$0x4500] =	vst v0  }
0x7d: {  	[tilespmem:$0x4580] =	vst v0  }
0x7e: {  	[tilespmem:$0x4600] =	vst v0  }
0x7f: {  	[tilespmem:$0x4680] =	vst v0  }
0x80: {  	[tilespmem:$0x4700] =	vst v0  }
0x81: {  	[tilespmem:$0x4780] =	vst v0  }
0x82: {  	[tilespmem:$0x4800] =	vst v0  }
0x83: {  	[tilespmem:$0x4880] =	vst v0  }
0x84: {  	[tilespmem:$0x4900] =	vst v0  }
0x85: {  	[tilespmem:$0x4980] =	vst v0  }
0x86: {  	[tilespmem:$0x4A00] =	vst v0  }
0x87: {  	[tilespmem:$0x4A80] =	vst v0  }
0x88: {  	[tilespmem:$0x4B00] =	vst v0  }
0x89: {  	[tilespmem:$0x4B80] =	vst v0  }
0x8a: {  	[tilespmem:$0x4C00] =	vst v0  }
0x8b: {  	[tilespmem:$0x4C80] =	vst v0  }
0x8c: {  	[tilespmem:$0x4D00] =	vst v0  }
0x8d: {  	[tilespmem:$0x4D80] =	vst v0  }
0x8e: {  	[tilespmem:$0x4E00] =	vst v0  }
0x8f: {  	[tilespmem:$0x4E80] =	vst v0  }
0x90: {  	[tilespmem:$0x4F00] =	vst v0  }
0x91: {  	[tilespmem:$0x4F80] =	vst v0  }
0x92: {  	[tilespmem:$0x5000] =	vst v0  }
0x93: {  	[tilespmem:$0x5080] =	vst v0  }
0x94: {  	[tilespmem:$0x5100] =	vst v0  }
0x95: {  	[tilespmem:$0x5180] =	vst v0  }
0x96: {  	[tilespmem:$0x5200] =	vst v0  }
0x97: {  	[tilespmem:$0x5280] =	vst v0  }
0x98: {  	[tilespmem:$0x5300] =	vst v0  }
0x99: {  	[tilespmem:$0x5380] =	vst v0  }
0x9a: {  	[tilespmem:$0x5400] =	vst v1  }
0x9b: {  	[tilespmem:$0x5480] =	vst v1  }
0x9c: {  	[tilespmem:$0x5500] =	vst v1  }
0x9d: {  	[tilespmem:$0x5580] =	vst v1  }
0x9e: {  	[tilespmem:$0x5600] =	vst v1  }
0x9f: {  	[tilespmem:$0x5680] =	vst v1  }
0xa0: {  	[tilespmem:$0x5700] =	vst v1  }
0xa1: {  	[tilespmem:$0x5780] =	vst v1  }
0xa2: {  	[tilespmem:$0x5800] =	vst v1  }
0xa3: {  	[tilespmem:$0x5880] =	vst v1  }
0xa4: {  	[tilespmem:$0x5900] =	vst v1  }
.Ltmp2:
0xa5: {  	[tilespmem:$0x5980] =	vst v1;
	(pc) =	sbr.rel @p0 .LBB2_11-.Ltmp2, $4  }
0xa6: {  	[tilespmem:$0x5A00] =	vst v1  }
0xa7: {  	[tilespmem:$0x5A80] =	vst v1  }
0xa8: {  	[tilespmem:$0x5B00] =	vst v1;
	s21 =	sshra.s32 s3, $0x2  }
0xa9: {  	[tilespmem:$0x5B80] =	vst v1;
	s21 =	sadd.s32 s21, s4  }
0xaa: {  	[spmem:s21] =	stream.linear.scatter [tilespmem:s14], [sflag:$0x1], $0x800, $0x38;
	[tilespmem:$0x8400] =	vst v63  }
0xab: {  	s21 =	sadd.s32 $0x2000, s3;
	_ =	swait.ge [sflag:s15], $0x800  }
.LBB2_3:
0xac: {  	s22 =	sshra.s32 s21, $0x2;
	[sflag:s15] =	ssyncset.done $0x0;
	p1 =	sne.s32 s21, $0x4E000  }
.Ltmp3:
0xad: {  	s22 =	sadd.s32 s22, s4;
	[sflag:s15] =	ssyncadd.s32 $0xFFFFF800;
	(pc) =	sbr.rel @p1 .LBB2_3-.Ltmp3, $3  }
0xae: {  	[spmem:s22] =	stream.linear.scatter [tilespmem:s14], [sflag:$0x1], $0x800, $0x38;
	[tilespmem:$0x8400] =	vst v63  }
0xaf: {  	s21 =	sadd.s32 $0x2000, s21;
	_ =	sdelay $0x1  }
0xb0: {  	_ =	swait.ge [sflag:s15], $0x800  }
0xb1: {  	[sflag:s15] =	ssyncset.done $0x0  }
0xb2: {  	s21 =	simm.s32 $0x0;
	[sflag:s15] =	ssyncadd.s32 $0xFFFFF800  }
0xb3: {  	[tilespmem:s21], [sflag:$0x1] =	stream.linear.gather [hbm4b:s7+s21], $0x1400, $0x38;
	[tilespmem:$0x8400] =	vst v63  }
0xb4: {  	_ =	swait.ge [sflag:s15], $0x1400  }
0xb5: {  	[sflag:s15] =	ssyncset.done $0x0  }
0xb6: {  	[sflag:s15] =	ssyncadd.s32 $0xFFFFEC00  }
0xb7: {  	s31 =	simm.s32 $0x0;
	[bflag:$0x0] =	sbarrier.arrive $0xFFFF  }
0xb8: {  	[spmem:s1] =	stream.indirect.scatter.add.f32 [tilespmem:s17], [sflag:$0x1], $0x10, s31, s16, $0xb8;
	[tilespmem:$0x8400] =	vst v63  }
0xb9: {  	_ =	swait.ge [sflag:s15], $0x800  }
0xba: {  	s21 =	simm.s32 $0x200;
	[sflag:s15] =	ssyncset.done $0x0  }
.LBB2_5:
0xbb: {  	s22 =	sshra.s32 s21, $0x2;
	[sflag:s15] =	ssyncadd.s32 $0xFFFFF800;
	p1 =	sne.s32 s21, $0x4E00  }
0xbc: {  	[spmem:s1] =	stream.indirect.scatter.add.f32 [tilespmem:s17], [sflag:$0x1], $0x10, s22, s16, $0xb8;
	[tilespmem:$0x8400] =	vst v63  }
.Ltmp4:
0xbd: {  	_ = 	snop;
	(pc) =	sbr.rel @p1 .LBB2_5-.Ltmp4, $4  }
0xbe: {  	_ = 	snop  }
0xbf: {  	s21 =	sadd.s32 $0x200, s21  }
0xc0: {  	_ =	swait.ge [sflag:s15], $0x800  }
0xc1: {  	[sflag:s15] =	ssyncset.done $0x0  }
0xc2: {  	[sflag:s15] =	ssyncadd.s32 $0xFFFFF800  }
0xc3: {  	[bflag:$0x0] =	sbarrier.arrive $0xFFFF  }
0xc4: {  	[hbm:s8], [sflag:s18] =	dma.local [spmem:s19], $0x2800  }
0xc5: {  	_ =	swait.ge [sflag:s15], $0x2800  }
0xc6: {  	[sflag:s15] =	ssyncset.done $0x0  }
0xc7: {  	[sflag:s15] =	ssyncadd.s32 $0xFFFFD800  }
0xc8: {  	s21 =	sadd.s32 $0x0, s4;
	[bflag:$0x0] =	sbarrier.arrive $0xFFFF  }
0xc9: {  	[spmem:s21] =	stream.linear.scatter [tilespmem:s14], [sflag:$0x1], $0x800, $0x38;
	[tilespmem:$0x8400] =	vst v63  }
0xca: {  	s21 =	simm.s32 $0x2000;
	_ =	swait.ge [sflag:s15], $0x800  }
.LBB2_7:
0xcb: {  	s22 =	sshra.s32 s21, $0x2;
	[sflag:s15] =	ssyncset.done $0x0;
	p1 =	sne.s32 s21, $0x4E000  }
.Ltmp5:
0xcc: {  	s22 =	sadd.s32 s22, s4;
	[sflag:s15] =	ssyncadd.s32 $0xFFFFF800;
	(pc) =	sbr.rel @p1 .LBB2_7-.Ltmp5, $3  }
0xcd: {  	[spmem:s22] =	stream.linear.scatter [tilespmem:s14], [sflag:$0x1], $0x800, $0x38;
	[tilespmem:$0x8400] =	vst v63  }
0xce: {  	s21 =	sadd.s32 $0x2000, s21;
	_ =	sdelay $0x1  }
0xcf: {  	_ =	swait.ge [sflag:s15], $0x800  }
0xd0: {  	[sflag:s15] =	ssyncset.done $0x0  }
0xd1: {  	s21 =	simm.s32 $0x0;
	[sflag:s15] =	ssyncadd.s32 $0xFFFFF800  }
0xd2: {  	[tilespmem:s21], [sflag:$0x1] =	stream.linear.gather [hbm4b:s9+s21], $0x1400, $0x38;
	[tilespmem:$0x8400] =	vst v63  }
0xd3: {  	_ =	swait.ge [sflag:s15], $0x1400  }
0xd4: {  	[sflag:s15] =	ssyncset.done $0x0  }
0xd5: {  	[sflag:s15] =	ssyncadd.s32 $0xFFFFEC00  }
0xd6: {  	s31 =	simm.s32 $0x0;
	[bflag:$0x0] =	sbarrier.arrive $0xFFFF  }
0xd7: {  	[spmem:s1] =	stream.indirect.scatter.add.f32 [tilespmem:s17], [sflag:$0x1], $0x10, s31, s16, $0xb8;
	[tilespmem:$0x8400] =	vst v63  }
0xd8: {  	_ =	swait.ge [sflag:s15], $0x800  }
0xd9: {  	s21 =	simm.s32 $0x200;
	[sflag:s15] =	ssyncset.done $0x0  }
.LBB2_9:
0xda: {  	s22 =	sshra.s32 s21, $0x2;
	[sflag:s15] =	ssyncadd.s32 $0xFFFFF800;
	p1 =	sne.s32 s21, $0x4E00  }
0xdb: {  	[spmem:s1] =	stream.indirect.scatter.add.f32 [tilespmem:s17], [sflag:$0x1], $0x10, s22, s16, $0xb8;
	[tilespmem:$0x8400] =	vst v63  }
.Ltmp6:
0xdc: {  	_ = 	snop;
	(pc) =	sbr.rel @p1 .LBB2_9-.Ltmp6, $4  }
0xdd: {  	_ = 	snop  }
0xde: {  	s21 =	sadd.s32 $0x200, s21  }
0xdf: {  	_ =	swait.ge [sflag:s15], $0x800  }
0xe0: {  	[sflag:s15] =	ssyncset.done $0x0  }
.Ltmp7:
0xe1: {  	(pc) =	sbr.rel .LBB2_20-.Ltmp7, $4  }
0xe2: {  	_ = 	snop  }
0xe3: {  	[sflag:s15] =	ssyncadd.s32 $0xFFFFF800  }
0xe4: {  	[bflag:$0x0] =	sbarrier.arrive $0xFFFF  }
0xe5: {  	[hbm:s10], [sflag:s18] =	dma.local [spmem:s19], $0x2800  }
.LBB2_11:
0xe6: {  	[spmem:s21] =	stream.linear.scatter [tilespmem:s14], [sflag:$0x1], $0x800, $0x38;
	[tilespmem:$0x8400] =	vst v63  }
0xe7: {  	s21 =	sadd.s32 $0x2000, s3;
	_ =	swait.ge [sflag:s15], $0x800  }
.LBB2_12:
0xe8: {  	s22 =	sshra.s32 s21, $0x2;
	[sflag:s15] =	ssyncset.done $0x0;
	p1 =	sne.s32 s21, $0x4E000  }
.Ltmp8:
0xe9: {  	s22 =	sadd.s32 s22, s4;
	[sflag:s15] =	ssyncadd.s32 $0xFFFFF800;
	(pc) =	sbr.rel @p1 .LBB2_12-.Ltmp8, $3  }
0xea: {  	[spmem:s22] =	stream.linear.scatter [tilespmem:s14], [sflag:$0x1], $0x800, $0x38;
	[tilespmem:$0x8400] =	vst v63  }
0xeb: {  	s21 =	sadd.s32 $0x2000, s21;
	_ =	sdelay $0x1  }
0xec: {  	_ =	swait.ge [sflag:s15], $0x800  }
0xed: {  	[sflag:s15] =	ssyncset.done $0x0  }
0xee: {  	s21 =	simm.s32 $0x0;
	[sflag:s15] =	ssyncadd.s32 $0xFFFFF800  }
0xef: {  	[tilespmem:s21], [sflag:$0x1] =	stream.linear.gather [hbm4b:s5+s21], $0x1400, $0x38;
	[tilespmem:$0x8400] =	vst v63  }
0xf0: {  	_ =	swait.ge [sflag:s15], $0x1400  }
0xf1: {  	[sflag:s15] =	ssyncset.done $0x0  }
0xf2: {  	[sflag:s15] =	ssyncadd.s32 $0xFFFFEC00  }
0xf3: {  	s31 =	simm.s32 $0x0;
	[bflag:$0x0] =	sbarrier.arrive $0xFFFF  }
0xf4: {  	[spmem:s1] =	stream.indirect.scatter.add.f32 [tilespmem:s17], [sflag:$0x1], $0x10, s31, s16, $0xb8;
	[tilespmem:$0x8400] =	vst v63  }
0xf5: {  	_ =	swait.ge [sflag:s15], $0x800  }
0xf6: {  	s21 =	simm.s32 $0x200;
	[sflag:s15] =	ssyncset.done $0x0  }
.LBB2_14:
0xf7: {  	s22 =	sshra.s32 s21, $0x2;
	[sflag:s15] =	ssyncadd.s32 $0xFFFFF800;
	p1 =	seq.s32 s21, $0x4E00  }
0xf8: {  	[spmem:s1] =	stream.indirect.scatter.add.f32 [tilespmem:s17], [sflag:$0x1], $0x10, s22, s16, $0xb8;
	[tilespmem:$0x8400] =	vst v63  }
.Ltmp9:
0xf9: {  	_ = 	snop;
	(pc) =	sbr.rel @!p1 .LBB2_14-.Ltmp9, $4  }
0xfa: {  	_ = 	snop  }
0xfb: {  	s21 =	sadd.s32 $0x200, s21  }
0xfc: {  	_ =	swait.ge [sflag:s15], $0x800  }
0xfd: {  	[sflag:s15] =	ssyncset.done $0x0  }
0xfe: {  	[sflag:s15] =	ssyncadd.s32 $0xFFFFF800  }
0xff: {  	[bflag:$0x0] =	sbarrier.arrive $0xFFFF  }
0x100: {  	[hbm:s6], [sflag:s18] =	dma.local [spmem:s19], $0x2800  }
0x101: {  	_ =	swait.ge [sflag:s15], $0x2800  }
0x102: {  	[sflag:s15] =	ssyncset.done $0x0  }
0x103: {  	[sflag:s15] =	ssyncadd.s32 $0xFFFFD800  }
0x104: {  	s21 =	sadd.s32 $0x0, s4;
	[bflag:$0x0] =	sbarrier.arrive $0xFFFF  }
0x105: {  	[spmem:s21] =	stream.linear.scatter [tilespmem:s14], [sflag:$0x1], $0x800, $0x38;
	[tilespmem:$0x8400] =	vst v63  }
0x106: {  	s21 =	simm.s32 $0x2000;
	_ =	swait.ge [sflag:s15], $0x800  }
.LBB2_16:
0x107: {  	s22 =	sshra.s32 s21, $0x2;
	[sflag:s15] =	ssyncset.done $0x0;
	p1 =	sne.s32 s21, $0x4E000  }
.Ltmp10:
0x108: {  	s22 =	sadd.s32 s22, s4;
	[sflag:s15] =	ssyncadd.s32 $0xFFFFF800;
	(pc) =	sbr.rel @p1 .LBB2_16-.Ltmp10, $3  }
0x109: {  	[spmem:s22] =	stream.linear.scatter [tilespmem:s14], [sflag:$0x1], $0x800, $0x38;
	[tilespmem:$0x8400] =	vst v63  }
0x10a: {  	s21 =	sadd.s32 $0x2000, s21;
	_ =	sdelay $0x1  }
0x10b: {  	_ =	swait.ge [sflag:s15], $0x800  }
0x10c: {  	[sflag:s15] =	ssyncset.done $0x0  }
0x10d: {  	s21 =	simm.s32 $0x0;
	[sflag:s15] =	ssyncadd.s32 $0xFFFFF800  }
0x10e: {  	[tilespmem:s21], [sflag:$0x1] =	stream.linear.gather [hbm4b:s11+s21], $0x1400, $0x38;
	[tilespmem:$0x8400] =	vst v63  }
0x10f: {  	_ =	swait.ge [sflag:s15], $0x1400  }
0x110: {  	[sflag:s15] =	ssyncset.done $0x0  }
0x111: {  	[sflag:s15] =	ssyncadd.s32 $0xFFFFEC00  }
0x112: {  	s31 =	simm.s32 $0x0;
	[bflag:$0x0] =	sbarrier.arrive $0xFFFF  }
0x113: {  	[spmem:s1] =	stream.indirect.scatter.add.f32 [tilespmem:s17], [sflag:$0x1], $0x10, s31, s16, $0xb8;
	[tilespmem:$0x8400] =	vst v63  }
0x114: {  	_ =	swait.ge [sflag:s15], $0x800  }
0x115: {  	s21 =	simm.s32 $0x200;
	[sflag:s15] =	ssyncset.done $0x0  }
.LBB2_18:
0x116: {  	s22 =	sshra.s32 s21, $0x2;
	[sflag:s15] =	ssyncadd.s32 $0xFFFFF800;
	p1 =	sne.s32 s21, $0x4E00  }
0x117: {  	[spmem:s1] =	stream.indirect.scatter.add.f32 [tilespmem:s17], [sflag:$0x1], $0x10, s22, s16, $0xb8;
	[tilespmem:$0x8400] =	vst v63  }
.Ltmp11:
0x118: {  	_ = 	snop;
	(pc) =	sbr.rel @p1 .LBB2_18-.Ltmp11, $4  }
0x119: {  	_ = 	snop  }
0x11a: {  	s21 =	sadd.s32 $0x200, s21  }
0x11b: {  	_ =	swait.ge [sflag:s15], $0x800  }
0x11c: {  	[sflag:s15] =	ssyncset.done $0x0  }
.Ltmp12:
0x11d: {  	_ = 	snop;
	(pc) =	sbr.rel .LBB2_19-.Ltmp12, $1  }
0x11e: {  	_ =	sdelay $0x3  }
.LBB2_21:
0x11f: {  	_ =	sfence.sel $0x180000  }
0x120: {  	[bflag:$0x0] =	sbarrier.arrive $0xFFFF  }
0x121: {  	p0 =	sne.s32 s2, $0x0;
	_ =	strace $0x90000047  }
0x122: {  	s0 =	sadd.s32 @!p0 $0x100000, s0;
	[bflag:$0x2] =	sbarrier.arrive $0xFFFF  }
0x123: {  	[sflag:s0] =	ssyncadd.tile.s32 @!p0 $0x1;
	_ =	shalt  }
.Lfunc_end2:
_tile_overlayer_lowered:
.L_overlay_start_2:
0x124: {  	(tag) =	ssettag $0x2  }
0x125: {  	s0 =	rddreg [dreg:$0x0];
	s2 =	stileid.u32  }
0x126: {  	s1 =	rddreg [dreg:$0x1];
	p0 =	sne.s32 s2, $0x0  }
0x127: {  	s3 =	rddreg [dreg:$0x2];
	[bflag:$0x3] =	sbarrier.arrive $0xFFFF;
	s2 =	simm.s32 @!p0 $0x1C01  }
0x128: {  	[timem:s3], [sflag:s2] =	dma.local @!p0 [hbm:s0], s1  }
0x129: {  	s0 =	simm.s32 @!p0 $0x1  }
0x12a: {  	_ =	swait.ge @!p0 [sflag:s0], s1  }
0x12b: {  	s1 =	ssub.s32 @!p0 $0x0, s1;
	[sflag:s0] =	ssyncset.done @!p0 $0x0  }
0x12c: {  	[sflag:s0] =	ssyncadd.s32 @!p0 s1  }
0x12d: {  	[bflag:$0x3] =	sbarrier.arrive $0xFFFF  }
0x12e: {  	_ =	shalt  }

// kernel: kernel.13.cloned.1.call-start
scs
__scs_entry_jumppad:
0x0: {  	(pc) =	sbr.rel $0x88, $3  }
0x1: {  	(tag) =	ssettag $0x0;
	lr =	simm.s32 $0x1  }
0x2: {  	[smem:$0x3F97] =	sst lr;
	_ =	strace $0xD0000000  }
0x3: {  	_ = 	snop  }
0x4: {  	_ = 	snop  }
0x5: {  	_ = 	snop  }
0x6: {  	_ = 	snop  }
0x7: {  	_ = 	snop  }
__scs_overlays_trampoline_lowered:
0x8: {  	[smem:$0x3FA6] =	sst s0  }
0x9: {  	[smem:$0x3FA7] =	sst s1  }
0xa: {  	[smem:$0x3FA8] =	sst s2  }
0xb: {  	[smem:$0x3FA9] =	sst s3  }
0xc: {  	[smem:$0x3FAA] =	sst s4  }
0xd: {  	[smem:$0x3FAB] =	sst s5  }
0xe: {  	[smem:$0x3FAC] =	sst s6  }
0xf: {  	[smem:$0x3FAD] =	sst s7  }
0x10: {  	[smem:$0x3FAE] =	sst s8  }
0x11: {  	[smem:$0x3FAF] =	sst s9;
	s0 =	simm.s32 @!p0 $0x0  }
0x12: {  	s1 =	sld [smem:$0x3F95];
	s0 =	simm.s32 @p0 $0x1  }
0x13: {  	[smem:$0x3FB0] =	sst s0;
	s0 =	simm.s32 @!p1 $0x0  }
0x14: {  	s2 =	sld [smem:$0x3F94];
	s0 =	simm.s32 @p1 $0x1  }
0x15: {  	[smem:$0x3FB1] =	sst s0;
	s0 =	simm.s32 @!p2 $0x0  }
0x16: {  	s3 =	sld [smem:$0x3FDB];
	s0 =	simm.s32 @p2 $0x1  }
0x17: {  	s4 =	simm.s32 $0x1BF5;
	[smem:$0x3FB3] =	sst s0  }
0x18: {  	s0 =	sld [smem:$0x3F96];
	_ =	swait.ge [sflag:s4], $0x0  }
0x19: {  	s7 =	sld [smem:$0x3F97]  }
0x1a: {  	s8 =	sadd.s32 $0xFFFFE003, lr  }
0x1b: {  	s9 =	sadd.s32 $0xFFFFFEF7, lr;
	s5 =	simm.s32 $0xFFFFFFFF;
	p2 =	slt.u32 s8, $0xFFFFF086  }
0x1c: {  	p1 =	slt.u32 s9, $0xF7A;
	s5 =	simm.s32 @!p2 $0x0  }
0x1d: {  	s5 =	simm.s32 @p1 $0x1;
	p0 =	seq.s32 s7, s2  }
0x1e: {  	s7 =	smul.u32 @!p0 $0xF7A, s2;
	p2 =	seq.s32 @!p0 s5, $0x0  }
0x1f: {  	s9 =	smul.u32 $0xF7A, s1;
	s8 =	simm.s32 @!p0 $0x1BF5;
	p2 =	por !p2, p0  }
0x20: {  	[sflag:s8] =	ssyncset.s32 @!p0 $0xFFFFF086;
	s6 =	sadd.s32 @!p0 s3, s7;
	s7 =	simm.s32 @!p0 $0x108  }
0x21: {  	s3 =	sadd.s32 s3, s9;
	s6 =	sadd.s32 @!p0 $0x88, s6;
	s7 =	simm.s32 @p2 $0x1082  }
0x22: {  	[simem:s7], [sflag:s8] =	dma.local @!p0 [hbm:s6], $0xF7A  }
0x23: {  	s9 =	sor.u32 $0xD0000000, s2;
	s6 =	simm.s32 $0x108;
	_ =	swait.ge @!p0 [sflag:s8], $0x0  }
0x24: {  	s3 =	sadd.s32 $0x88, s3;
	s6 =	simm.s32 @!p1 $0x1082;
	[sflag:s4] =	ssyncset.s32 $0xFFFFF086  }
0x25: {  	[simem:s6], [sflag:s4] =	dma.local [hbm:s3], $0xF7A  }
0x26: {  	[smem:$0x3F97] =	sst s1;
	(tag) =	ssettag s2;
	_ =	strace s9  }
0x27: {  	s1 =	sld [smem:$0x3FA7]  }
0x28: {  	s2 =	sld [smem:$0x3FA8]  }
0x29: {  	s4 =	sld [smem:$0x3FAA]  }
0x2a: {  	p0 =	seq.s32 s5, $0x0;
	s5 =	sld [smem:$0x3FAB]  }
0x2b: {  	s6 =	sld [smem:$0x3FAC]  }
0x2c: {  	s7 =	sld [smem:$0x3FAD]  }
0x2d: {  	s3 =	simm.s32 $0x108;
	s8 =	sld [smem:$0x3FAE]  }
0x2e: {  	s3 =	simm.s32 @!p0 $0x1082;
	s9 =	sld [smem:$0x3FAF]  }
0x2f: {  	lr =	sadd.s32 s0, s3;
	s0 =	sld [smem:$0x3FA6]  }
0x30: {  	s3 =	sld [smem:$0x3FA9]  }
0x31: {  	[smem:$0x3FB2] =	sst s10  }
0x32: {  	s10 =	sld [smem:$0x3FB0];
	_ =	sdelay $0x3  }
0x33: {  	p0 =	seq.s32 s10, $0x1;
	s10 =	sld [smem:$0x3FB2];
	_ =	sdelay $0x3  }
0x34: {  	[smem:$0x3FB2] =	sst s10  }
0x35: {  	s10 =	sld [smem:$0x3FB1];
	_ =	sdelay $0x3  }
0x36: {  	p1 =	seq.s32 s10, $0x1;
	s10 =	sld [smem:$0x3FB2];
	_ =	sdelay $0x3  }
0x37: {  	[smem:$0x3FB2] =	sst s10  }
0x38: {  	s10 =	sld [smem:$0x3FB3]  }
0x39: {  	_ = 	snop;
	(pc) =	sbr.ind lr, $3  }
0x3a: {  	_ = 	snop  }
0x3b: {  	_ = 	snop  }
0x3c: {  	p2 =	seq.s32 s10, $0x1;
	s10 =	sld [smem:$0x3FB2]  }
0x3d: {  	_ =	shalt  }
0x3e: {  	_ =	shalt  }
0x3f: {  	_ =	shalt  }
0x40: {  	_ =	shalt  }
0x41: {  	_ =	shalt  }
0x42: {  	_ =	shalt  }
0x43: {  	_ =	shalt  }
0x44: {  	_ =	shalt  }
0x45: {  	_ =	shalt  }
0x46: {  	_ =	shalt  }
0x47: {  	_ =	shalt  }
0x48: {  	_ =	shalt  }
0x49: {  	_ =	shalt  }
0x4a: {  	_ =	shalt  }
0x4b: {  	_ =	shalt  }
0x4c: {  	_ =	shalt  }
0x4d: {  	_ =	shalt  }
0x4e: {  	_ =	shalt  }
0x4f: {  	_ =	shalt  }
0x50: {  	_ =	shalt  }
0x51: {  	_ =	shalt  }
0x52: {  	_ =	shalt  }
0x53: {  	_ =	shalt  }
0x54: {  	_ =	shalt  }
0x55: {  	_ =	shalt  }
0x56: {  	_ =	shalt  }
0x57: {  	_ =	shalt  }
0x58: {  	_ =	shalt  }
0x59: {  	_ =	shalt  }
0x5a: {  	_ =	shalt  }
0x5b: {  	_ =	shalt  }
0x5c: {  	_ =	shalt  }
0x5d: {  	_ =	shalt  }
0x5e: {  	_ =	shalt  }
0x5f: {  	_ =	shalt  }
0x60: {  	_ =	shalt  }
0x61: {  	_ =	shalt  }
0x62: {  	_ =	shalt  }
0x63: {  	_ =	shalt  }
0x64: {  	_ =	shalt  }
0x65: {  	_ =	shalt  }
0x66: {  	_ =	shalt  }
0x67: {  	_ =	shalt  }
0x68: {  	_ =	shalt  }
0x69: {  	_ =	shalt  }
0x6a: {  	_ =	shalt  }
0x6b: {  	_ =	shalt  }
0x6c: {  	_ =	shalt  }
0x6d: {  	_ =	shalt  }
0x6e: {  	_ =	shalt  }
0x6f: {  	_ =	shalt  }
0x70: {  	_ =	shalt  }
0x71: {  	_ =	shalt  }
0x72: {  	_ =	shalt  }
0x73: {  	_ =	shalt  }
0x74: {  	_ =	shalt  }
0x75: {  	_ =	shalt  }
0x76: {  	_ =	shalt  }
0x77: {  	_ =	shalt  }
0x78: {  	_ =	shalt  }
0x79: {  	_ =	shalt  }
0x7a: {  	_ =	shalt  }
0x7b: {  	_ =	shalt  }
0x7c: {  	_ =	shalt  }
0x7d: {  	_ =	shalt  }
0x7e: {  	_ =	shalt  }
0x7f: {  	_ =	shalt  }
0x80: {  	_ =	shalt  }
0x81: {  	_ =	shalt  }
0x82: {  	_ =	shalt  }
0x83: {  	_ =	shalt  }
0x84: {  	_ =	shalt  }
0x85: {  	_ =	shalt  }
0x86: {  	_ =	shalt  }
0x87: {  	_ =	shalt  }
.Lfunc_end0:
.L_simem_size_0:
called_computation.1_lowered:
.L_overlay_start_0:
0x88: {  	s2 =	sld [smem:$0x3FD9]  }
0x89: {  	s3 =	sld [smem:$0x3FFE];
	_ =	sdelay $0x1  }
0x8a: {  	s1 =	srdreg.scid  }
0x8b: {  	s0 =	sand.u32 $0x1, s1  }
0x8c: {  	s17 =	sshll.u32 s0, $0xA;
	s2 =	sadd.s32 s3, s2  }
0x8d: {  	s2 =	sadd.s32 s2, s17  }
0x8e: {  	[smem:$0x3FBE] =	sst s2  }
0x8f: {  	_ = 	snop  }
0x90: {  	s2 =	sld [smem:$0x3FD0];
	(tm) =	ssettm $0x1  }
0x91: {  	s18 =	sld [smem:$0x3FFB];
	_ =	sdelay $0x3  }
0x92: {  	_ =	strace s18  }
0x93: {  	s3 =	sld [smem:$0x3FFC];
	_ =	sdelay $0x3  }
0x94: {  	_ =	strace s3  }
0x95: {  	s3 =	sld [smem:$0x3FFD];
	_ =	sdelay $0x3  }
0x96: {  	_ =	strace s3  }
0x97: {  	_ =	strace $0x8FFFFFFF  }
0x98: {  	s19 =	sld [smem:$0x3FDB];
	_ =	sdelay $0x1  }
0x99: {  	s4 =	simm.s32 $_scs_section_size  }
0x9a: {  	s5 =	simm.s32 $_size__tile_overlayer_lowered;
	s6 =	simm.s32 $_tile_overlayer_lowered  }
0x9b: {  	s22 =	simm.s32 $0x1BFF;
	s21 =	sshll.u32 s6, $0x1;
	s3 =	sadd.s32 s4, s19  }
0x9c: {  	s7 =	simm.s32 $0x0;
	s20 =	sshll.u32 s5, $0x1;
	s5 =	sadd.s32 s21, s3  }
0x9d: {  	[timem:s7], [sflag:s22] =	dma.local [hbm:s5], s20  }
0x9e: {  	_ =	swait.ge [sflag:s22], s20  }
0x9f: {  	s4 =	ssub.s32 $0x0, s20;
	[sflag:s22] =	ssyncset.done $0x0  }
0xa0: {  	[sflag:s22] =	ssyncadd.s32 s4;
	_ =	sdelay $0x1  }
0xa1: {  	s23 =	simm.s32 $0x1B8B  }
0xa2: {  	_ =	swait.ge [sflag:s23], $0x1  }
0xa3: {  	[sflag:s23] =	ssyncset.done $0x0  }
0xa4: {  	s25 =	simm.s32 $0x1B8E;
	s24 =	sld [smem:$0x3FFE];
	[sflag:s23] =	ssyncadd.s32 $0xFFFFFFFF  }
0xa5: {  	s26 =	simm.s32 $execute0_lowered;
	[smem:$0x3FD2] =	sst s25  }
0xa6: {  	s5 =	sshll.u32 s26, $0x1;
	_ =	strace $0x80000049;
	[dreg:$0x1] =	wrdreg $0xFFFFFFFF  }
0xa7: {  	s28 =	simm.s32 $_size_execute0_lowered;
	s3 =	sadd.s32 s3, s5;
	[dreg:$0x0] =	wrdreg $0x0  }
0xa8: {  	s5 =	sshll.u32 s28, $0x1;
	[dreg:$0x2] =	wrdreg s3  }
0xa9: {  	[dreg:$0x3] =	wrdreg s5  }
0xaa: {  	[dreg:$0x4] =	wrdreg $0xC0  }
0xab: {  	_ =	task [dreg:s7], $0x5FFFF  }
0xac: {  	[dreg:$0x1] =	wrdreg $0xFFFFFFFF  }
0xad: {  	[dreg:$0x0] =	wrdreg $0x60  }
0xae: {  	[dreg:$0x2] =	wrdreg s24  }
0xaf: {  	[dreg:$0x3] =	wrdreg s2  }
0xb0: {  	[dreg:$0x4] =	wrdreg $0xB0000  }
0xb1: {  	[dreg:$0x5] =	wrdreg $0x9  }
0xb2: {  	_ =	task.clear_ibuf [dreg:s7], $0x6FFFF;
	_ =	strace $0x90000049  }
0xb3: {  	s29 =	simm.s32 $0x9;
	_ =	strace $0x8000004B  }
0xb4: {  	_ =	swait.ge [sflag:s29], $0x1  }
0xb5: {  	[sflag:s29] =	ssyncadd.s32 $0xFFFFFFFF  }
0xb6: {  	_ =	strace $0x9000004B  }
0xb7: {  	_ =	sfence  }
0xb8: {  	s30 =	sld [smem:$0x0];
	_ =	sdelay $0x2  }
0xb9: {  	s31 =	sshll.u32 s1, $0xD;
	s1 =	sshrl.u32 s1, $0x2  }
0xba: {  	s3 =	sand.u32 $0x4000, s31;
	s1 =	sadd.s32 s1, s30  }
0xbb: {  	s0 =	sor.u32 s3, s0;
	s1 =	sshll.u32 s1, $0x11  }
0xbc: {  	s0 =	sor.u32 s1, s0  }
0xbd: {  	s0 =	sadd.s32 $0x8F2B, s0  }
0xbe: {  	[sflag:s0] =	ssyncadd.remote.s32 $0x1  }
0xbf: {  	_ =	sfence.sel $0xFFFF  }
0xc0: {  	[dreg:$0x0] =	wrdreg $0xFFFFFFFF;
	(pc) =	sbr.abs _section_cstart, $3  }
0xc1: {  	[dreg:$0x1] =	wrdreg $0xFFFFFFFF  }
0xc2: {  	_ =	task.clear_ibuf [dreg:s7], $0x2FFFF;
	_ =	strace $0x9FFFFFFF  }
0xc3: {  	(tm) =	ssettm $0x7FFFFFFF  }
tec
execute0_lowered:
.L_overlay_start_1:
0x0: {  	(tag) =	ssettag $0x1  }
0x1: {  	s0 =	rddreg [dreg:$0x0]  }
0x2: {  	s6 =	rddreg [dreg:$0x1]  }
0x3: {  	s1 =	rddreg [dreg:$0x2];
	s3 =	simm.s32 $0x0  }
0x4: {  	s5 =	srdreg.scid;
	s2 =	stileid.u32;
	s28 =	simm.s32 $0x7000  }
0x5: {  	s29 =	simm.s32 $0x1;
	s30 =	simm.s32 $0x2;
	s18 =	smul.u32 $0x50000, s2  }
0x6: {  	s31 =	simm.s32 $0x3;
	[smem:$0x7FF] =	sst s3;
	s10 =	smul.u32 $0x1800, s2  }
0x7: {  	s4 =	sadd.s32 $0xB8800, s0;
	s7 =	sand.u32 $0x1, s5;
	s12 =	smul.u32 $0x14000, s2  }
0x8: {  	s8 =	sadd.s32 $0xAC800, s0;
	s0 =	sadd.s32 $0x2800, s0;
	s20 =	smul.u32 $0x300, s2  }
0x9: {  	s22 =	smul.u32 $0x2800, s2;
	_ =	strace $0x8000004A;
	s9 =	ssub.s32 $0x2, s7  }
0xa: {  	p0 =	seq.s32 s7, $0x0;
	s11 =	sshrl.u32 s9, $0x1;
	s5 =	sshrl.u32 s18, $0x2  }
0xb: {  	s10 =	sshrl.u32 s10, $0x3;
	s12 =	sshrl.u32 s12, $0x3;
	s23 =	sadd.s32 s6, s20  }
0xc: {  	s9 =	ssub.s32 s9, s11;
	s5 =	sadd.s32 s5, s1;
	s19 =	sadd.s32 $0x6000, s10  }
0xd: {  	s17 =	sadd.s32 s0, s12;
	[dreg:$0x7] =	wrdreg s23;
	s12 =	sadd.s32 s8, s20  }
0xe: {  	s24 =	sadd.s32 $0x3000, s10;
	s0 =	sadd.s32 s0, s22;
	s26 =	sadd.s32 $0x9000, s10  }
0xf: {  	s23 =	simm.s32 $0x3000;
	s13 =	sadd.s32 s6, s19;
	[dreg:$0x8] =	wrdreg s12  }
0x10: {  	s11 =	sadd.s32 s8, s19;
	s21 =	sadd.s32 $0x50000, s17;
	[dreg:$0x9] =	wrdreg s0  }
0x11: {  	s25 =	sadd.s32 s6, s24;
	s14 =	sadd.s32 $0x28000, s17;
	s15 =	sadd.s32 s6, s26  }
0x12: {  	s16 =	sadd.s32 s8, s26;
	s17 =	sadd.s32 $0x78000, s17;
	s18 =	smax.u32 s9, $0x1  }
.Ltmp0:
0x13: {  	s19 =	sadd.s32 $0x4000, s5;
	[dreg:$0x4] =	wrdreg s13;
	(pc) =	sbr.rel .LBB2_1-.Ltmp0, $4  }
0x14: {  	s20 =	sadd.s32 $0x8000, s5;
	s22 =	sadd.s32 $0x10000, s5;
	[dreg:$0x5] =	wrdreg s11  }
0x15: {  	s26 =	simm.s32 $0x80;
	s0 =	simm.s32 $0x4;
	[dreg:$0x6] =	wrdreg s21  }
0x16: {  	s6 =	simm.s32 $0x0;
	[dreg:$0xa] =	wrdreg s25;
	s13 =	sadd.s32 s8, s24  }
0x17: {  	v0 =	vimm.f32 $0.0e+00;
	s21 =	sadd.s32 $0xC000, s5;
	s24 =	simm.s32 $0x5;
	s25 =	simm.s32 $0x1800  }
.LBB2_17:
0x18: {  	s9 =	sshra.s32 s9, $0x2;
	[sflag:s0] =	ssyncadd.s32 $0xFFFFC000  }
0x19: {  	[tilespmem:s23], [sflag:$0x1] =	stream.indirect.gather [hbm4b:s4+s26], $0x80, s9, s26, $0xb8;
	[tilespmem:$0x1F000] =	vst v63  }
0x1a: {  	s10 =	sadd.s32 $0x80, s9  }
0x1b: {  	[tilespmem:s28], [sflag:$0x2] =	stream.indirect.gather [hbm4b:s4+s26], $0x80, s10, s26, $0xb8;
	[tilespmem:$0x1F000] =	vst v63  }
0x1c: {  	_ =	swait.ge [sflag:s29], $0x4000  }
0x1d: {  	[sflag:s29] =	ssyncset.done $0x0  }
0x1e: {  	s12 =	sadd.s32 $0x1800, s9;
	[sflag:s29] =	ssyncadd.s32 $0xFFFFC000  }
0x1f: {  	[spmem:s1] =	stream.indirect.scatter.add.f32 [tilespmem:s23], [sflag:$0x3], $0x80, s12, s26, $0xb8;
	[tilespmem:$0x1F000] =	vst v63  }
0x20: {  	_ =	swait.ge [sflag:s30], $0x4000  }
0x21: {  	[sflag:s30] =	ssyncset.done $0x0  }
0x22: {  	s9 =	sadd.s32 $0x1880, s9;
	[sflag:s30] =	ssyncadd.s32 $0xFFFFC000  }
0x23: {  	[spmem:s1] =	stream.indirect.scatter.add.f32 [tilespmem:s28], [sflag:$0x4], $0x80, s9, s26, $0xb8;
	[tilespmem:$0x1F000] =	vst v63  }
0x24: {  	_ =	swait.ge [sflag:s31], $0x4000  }
0x25: {  	[sflag:s31] =	ssyncset.done $0x0  }
0x26: {  	[sflag:s31] =	ssyncadd.s32 $0xFFFFC000  }
0x27: {  	_ =	swait.ge [sflag:s0], $0x4000  }
0x28: {  	[sflag:s0] =	ssyncset.done $0x0  }
0x29: {  	[sflag:s0] =	ssyncadd.s32 $0xFFFFC000  }
0x2a: {  	[bflag:$0x0] =	sbarrier.arrive $0xFFFF  }
0x2b: {  	[hbm:s17], [sflag:s7] =	dma.local [spmem:s8], $0x2800  }
.LBB2_18:
0x2c: {  	s6 =	sadd.s32 $0x1, s6  }
0x2d: {  	p1 =	sne.s32 s6, s18  }
.Ltmp1:
0x2e: {  	_ =	swait.ge [sflag:s24], $0x2800;
	(pc) =	sbr.rel @!p1 .LBB2_19-.Ltmp1, $3  }
0x2f: {  	[sflag:s24] =	ssyncset.done $0x0  }
0x30: {  	[sflag:s24] =	ssyncadd.s32 $0xFFFFD800  }
0x31: {  	[bflag:$0x0] =	sbarrier.arrive $0xFFFF;
	_ =	sdelay $0x1  }
.LBB2_1:
.Ltmp2:
0x32: {  	(pc) =	sbr.rel @!p0 .LBB2_10-.Ltmp2, $2  }
0x33: {  	_ =	sdelay $0x2  }
0x34: {  	s7 =	sshra.s32 s3, $0x2;
	s8 =	sadd.s32 $0x200, s3  }
.LBB2_2:
0x35: {  	p1 =	seq.s32 s8, $0xFE00;
	[tilespmem:s7+$0x3070] =	vst v0  }
0x36: {  	[tilespmem:s7+$0x3000] =	vst v0  }
0x37: {  	[tilespmem:s7+$0x3010] =	vst v0  }
.Ltmp3:
0x38: {  	[tilespmem:s7+$0x3020] =	vst v0;
	(pc) =	sbr.rel @!p1 .LBB2_2-.Ltmp3, $4  }
0x39: {  	[tilespmem:s7+$0x3030] =	vst v0  }
0x3a: {  	[tilespmem:s7+$0x3040] =	vst v0  }
0x3b: {  	[tilespmem:s7+$0x3050] =	vst v0  }
0x3c: {  	[tilespmem:s7+$0x3060] =	vst v0;
	s7 =	sshra.s32 s8, $0x2;
	s8 =	sadd.s32 $0x200, s8  }
0x3d: {  	[tilespmem:s7+$0x3070] =	vst v0  }
0x3e: {  	[tilespmem:s7+$0x3000] =	vst v0  }
0x3f: {  	[tilespmem:s7+$0x3010] =	vst v0  }
0x40: {  	[tilespmem:s7+$0x3020] =	vst v0  }
0x41: {  	[tilespmem:s7+$0x3030] =	vst v0  }
0x42: {  	[tilespmem:s7+$0x3040] =	vst v0  }
0x43: {  	[tilespmem:s7+$0x3050] =	vst v0  }
0x44: {  	[tilespmem:s7+$0x3060] =	vst v0  }
0x45: {  	[spmem:s5] =	stream.linear.scatter [tilespmem:s23], [sflag:$0x5], $0x4000, $0x38;
	[tilespmem:$0x1F000] =	vst v63  }
0x46: {  	_ =	swait.ge [sflag:s24], $0x4000  }
0x47: {  	[sflag:s24] =	ssyncset.done $0x0  }
0x48: {  	[sflag:s24] =	ssyncadd.s32 $0xFFFFC000  }
0x49: {  	[spmem:s19] =	stream.linear.scatter [tilespmem:s23], [sflag:$0x5], $0x4000, $0x38;
	[tilespmem:$0x1F000] =	vst v63  }
0x4a: {  	_ =	swait.ge [sflag:s24], $0x4000  }
0x4b: {  	[sflag:s24] =	ssyncset.done $0x0  }
0x4c: {  	[sflag:s24] =	ssyncadd.s32 $0xFFFFC000  }
0x4d: {  	[spmem:s20] =	stream.linear.scatter [tilespmem:s23], [sflag:$0x5], $0x4000, $0x38;
	[tilespmem:$0x1F000] =	vst v63  }
0x4e: {  	_ =	swait.ge [sflag:s24], $0x4000  }
0x4f: {  	[sflag:s24] =	ssyncset.done $0x0  }
0x50: {  	[sflag:s24] =	ssyncadd.s32 $0xFFFFC000  }
0x51: {  	[spmem:s21] =	stream.linear.scatter [tilespmem:s23], [sflag:$0x5], $0x4000, $0x38;
	[tilespmem:$0x1F000] =	vst v63  }
0x52: {  	_ =	swait.ge [sflag:s24], $0x4000  }
0x53: {  	[sflag:s24] =	ssyncset.done $0x0  }
0x54: {  	[sflag:s24] =	ssyncadd.s32 $0xFFFFC000  }
0x55: {  	[spmem:s22] =	stream.linear.scatter [tilespmem:s23], [sflag:$0x5], $0x4000, $0x38;
	[tilespmem:$0x1F000] =	vst v63  }
0x56: {  	_ =	swait.ge [sflag:s24], $0x4000  }
0x57: {  	[sflag:s24] =	ssyncset.done $0x0  }
0x58: {  	s11 =	simm.s32 $0x0;
	s8 =	rddreg [dreg:$0x7];
	[sflag:s24] =	ssyncadd.s32 $0xFFFFC000  }
0x59: {  	[tilespmem:s11], [sflag:$0x5] =	stream.linear.gather [hbm4b:s8+s11], $0x1600, $0x38;
	[tilespmem:$0x1F000] =	vst v63  }
0x5a: {  	_ =	swait.ge [sflag:s24], $0x1600  }
0x5b: {  	[sflag:s24] =	ssyncset.done $0x0  }
0x5c: {  	s12 =	rddreg [dreg:$0x8];
	[sflag:s24] =	ssyncadd.s32 $0xFFFFEA00  }
0x5d: {  	[tilespmem:s25], [sflag:$0x5] =	stream.linear.gather [hbm4b:s12+s11], $0x1600, $0x38;
	[tilespmem:$0x1F000] =	vst v63  }
0x5e: {  	_ =	swait.ge [sflag:s24], $0x1600  }
0x5f: {  	[sflag:s24] =	ssyncset.done $0x0  }
0x60: {  	[sflag:s24] =	ssyncadd.s32 $0xFFFFEA00  }
0x61: {  	s9 =	simm.s32 $0x0;
	[bflag:$0x0] =	sbarrier.arrive $0xFFFF  }
0x62: {  	[tilespmem:s23], [sflag:$0x1] =	stream.indirect.gather [hbm4b:s4+s26], $0x80, s9, s26, $0xb8;
	[tilespmem:$0x1F000] =	vst v63  }
0x63: {  	s10 =	simm.s32 $0x80  }
0x64: {  	[tilespmem:s28], [sflag:$0x2] =	stream.indirect.gather [hbm4b:s4+s26], $0x80, s10, s26, $0xb8;
	[tilespmem:$0x1F000] =	vst v63  }
0x65: {  	_ =	swait.ge [sflag:s29], $0x4000  }
0x66: {  	[sflag:s29] =	ssyncset.done $0x0  }
0x67: {  	s11 =	simm.s32 $0x1800;
	[sflag:s29] =	ssyncadd.s32 $0xFFFFC000  }
0x68: {  	[spmem:s1] =	stream.indirect.scatter.add.f32 [tilespmem:s23], [sflag:$0x3], $0x80, s11, s26, $0xb8;
	[tilespmem:$0x1F000] =	vst v63  }
0x69: {  	_ =	swait.ge [sflag:s30], $0x4000  }
0x6a: {  	[sflag:s30] =	ssyncset.done $0x0  }
0x6b: {  	s12 =	simm.s32 $0x1880;
	[sflag:s30] =	ssyncadd.s32 $0xFFFFC000  }
0x6c: {  	[spmem:s1] =	stream.indirect.scatter.add.f32 [tilespmem:s28], [sflag:$0x4], $0x80, s12, s26, $0xb8;
	[tilespmem:$0x1F000] =	vst v63  }
0x6d: {  	_ =	swait.ge [sflag:s31], $0x4000  }
0x6e: {  	[sflag:s31] =	ssyncset.done $0x0  }
0x6f: {  	[sflag:s31] =	ssyncadd.s32 $0xFFFFC000  }
0x70: {  	_ =	swait.ge [sflag:s0], $0x4000  }
0x71: {  	s7 =	simm.s32 $0x400;
	s8 =	simm.s32 $0x800;
	[sflag:s0] =	ssyncset.done $0x0  }
.LBB2_4:
0x72: {  	s9 =	sshra.s32 s7, $0x2  }
0x73: {  	[sflag:s0] =	ssyncadd.s32 $0xFFFFC000;
	s7 =	smov.u32 s8;
	s10 =	sadd.s32 $0x400, s8  }
0x74: {  	[tilespmem:s23], [sflag:$0x1] =	stream.indirect.gather [hbm4b:s4+s26], $0x80, s9, s26, $0xb8;
	[tilespmem:$0x1F000] =	vst v63  }
0x75: {  	p1 =	sne.s32 s8, $0x5400;
	s8 =	sadd.s32 $0x80, s9  }
0x76: {  	[tilespmem:s28], [sflag:$0x2] =	stream.indirect.gather [hbm4b:s4+s26], $0x80, s8, s26, $0xb8;
	[tilespmem:$0x1F000] =	vst v63  }
0x77: {  	_ =	swait.ge [sflag:s29], $0x4000  }
0x78: {  	[sflag:s29] =	ssyncset.done $0x0  }
0x79: {  	s8 =	sadd.s32 $0x1800, s9;
	[sflag:s29] =	ssyncadd.s32 $0xFFFFC000  }
0x7a: {  	[spmem:s1] =	stream.indirect.scatter.add.f32 [tilespmem:s23], [sflag:$0x3], $0x80, s8, s26, $0xb8;
	[tilespmem:$0x1F000] =	vst v63  }
0x7b: {  	_ =	swait.ge [sflag:s30], $0x4000  }
0x7c: {  	[sflag:s30] =	ssyncset.done $0x0  }
0x7d: {  	s8 =	sadd.s32 $0x1880, s9;
	[sflag:s30] =	ssyncadd.s32 $0xFFFFC000  }
0x7e: {  	[spmem:s1] =	stream.indirect.scatter.add.f32 [tilespmem:s28], [sflag:$0x4], $0x80, s8, s26, $0xb8;
	[tilespmem:$0x1F000] =	vst v63  }
.Ltmp4:
0x7f: {  	_ =	swait.ge [sflag:s31], $0x4000;
	(pc) =	sbr.rel @p1 .LBB2_4-.Ltmp4, $4  }
0x80: {  	[sflag:s31] =	ssyncset.done $0x0  }
0x81: {  	[sflag:s31] =	ssyncadd.s32 $0xFFFFC000  }
0x82: {  	_ =	swait.ge [sflag:s0], $0x4000  }
0x83: {  	s8 =	smov.u32 s10;
	[sflag:s0] =	ssyncset.done $0x0  }
0x84: {  	s7 =	sshra.s32 s7, $0x2;
	[sflag:s0] =	ssyncadd.s32 $0xFFFFC000  }
0x85: {  	[tilespmem:s23], [sflag:$0x1] =	stream.indirect.gather [hbm4b:s4+s26], $0x80, s7, s26, $0xb8;
	[tilespmem:$0x1F000] =	vst v63  }
0x86: {  	s8 =	sadd.s32 $0x80, s7  }
0x87: {  	[tilespmem:s28], [sflag:$0x2] =	stream.indirect.gather [hbm4b:s4+s26], $0x80, s8, s26, $0xb8;
	[tilespmem:$0x1F000] =	vst v63  }
0x88: {  	_ =	swait.ge [sflag:s29], $0x4000  }
0x89: {  	[sflag:s29] =	ssyncset.done $0x0  }
0x8a: {  	s11 =	sadd.s32 $0x1800, s7;
	[sflag:s29] =	ssyncadd.s32 $0xFFFFC000  }
0x8b: {  	[spmem:s1] =	stream.indirect.scatter.add.f32 [tilespmem:s23], [sflag:$0x3], $0x80, s11, s26, $0xb8;
	[tilespmem:$0x1F000] =	vst v63  }
0x8c: {  	_ =	swait.ge [sflag:s30], $0x4000  }
0x8d: {  	[sflag:s30] =	ssyncset.done $0x0  }
0x8e: {  	s7 =	sadd.s32 $0x1880, s7;
	[sflag:s30] =	ssyncadd.s32 $0xFFFFC000  }
0x8f: {  	[spmem:s1] =	stream.indirect.scatter.add.f32 [tilespmem:s28], [sflag:$0x4], $0x80, s7, s26, $0xb8;
	[tilespmem:$0x1F000] =	vst v63  }
0x90: {  	_ =	swait.ge [sflag:s31], $0x4000  }
0x91: {  	[sflag:s31] =	ssyncset.done $0x0  }
0x92: {  	[sflag:s31] =	ssyncadd.s32 $0xFFFFC000  }
0x93: {  	_ =	swait.ge [sflag:s0], $0x4000  }
0x94: {  	[sflag:s0] =	ssyncset.done $0x0  }
0x95: {  	[sflag:s0] =	ssyncadd.s32 $0xFFFFC000  }
0x96: {  	s12 =	sshll.u32 s2, $0x6;
	[bflag:$0x0] =	sbarrier.arrive $0xFFFF  }
0x97: {  	s8 =	sshrl.u32 s5, $0x3;
	s7 =	sor.u32 $0x1C05, s12;
	s9 =	rddreg [dreg:$0x9]  }
0x98: {  	[hbm:s9], [sflag:s7] =	dma.local [spmem:s8], $0x2800  }
0x99: {  	_ =	swait.ge [sflag:s24], $0x2800  }
0x9a: {  	[sflag:s24] =	ssyncset.done $0x0  }
0x9b: {  	[sflag:s24] =	ssyncadd.s32 $0xFFFFD800  }
0x9c: {  	s10 =	simm.s32 $0x200;
	s9 =	simm.s32 $0x0;
	[bflag:$0x0] =	sbarrier.arrive $0xFFFF  }
.LBB2_6:
0x9d: {  	p1 =	seq.s32 s10, $0xFE00;
	[tilespmem:s9+$0x3070] =	vst v0  }
0x9e: {  	[tilespmem:s9+$0x3000] =	vst v0  }
0x9f: {  	[tilespmem:s9+$0x3010] =	vst v0  }
.Ltmp5:
0xa0: {  	[tilespmem:s9+$0x3020] =	vst v0;
	(pc) =	sbr.rel @!p1 .LBB2_6-.Ltmp5, $4  }
0xa1: {  	[tilespmem:s9+$0x3030] =	vst v0  }
0xa2: {  	[tilespmem:s9+$0x3040] =	vst v0  }
0xa3: {  	[tilespmem:s9+$0x3050] =	vst v0  }
0xa4: {  	[tilespmem:s9+$0x3060] =	vst v0;
	s9 =	sshra.s32 s10, $0x2;
	s10 =	sadd.s32 $0x200, s10  }
0xa5: {  	[tilespmem:s9+$0x3070] =	vst v0  }
0xa6: {  	[tilespmem:s9+$0x3000] =	vst v0  }
0xa7: {  	[tilespmem:s9+$0x3010] =	vst v0  }
0xa8: {  	[tilespmem:s9+$0x3020] =	vst v0  }
0xa9: {  	[tilespmem:s9+$0x3030] =	vst v0  }
0xaa: {  	[tilespmem:s9+$0x3040] =	vst v0  }
0xab: {  	[tilespmem:s9+$0x3050] =	vst v0  }
0xac: {  	[tilespmem:s9+$0x3060] =	vst v0  }
0xad: {  	[spmem:s5] =	stream.linear.scatter [tilespmem:s23], [sflag:$0x5], $0x4000, $0x38;
	[tilespmem:$0x1F000] =	vst v63  }
0xae: {  	_ =	swait.ge [sflag:s24], $0x4000  }
0xaf: {  	[sflag:s24] =	ssyncset.done $0x0  }
0xb0: {  	[sflag:s24] =	ssyncadd.s32 $0xFFFFC000  }
0xb1: {  	[spmem:s19] =	stream.linear.scatter [tilespmem:s23], [sflag:$0x5], $0x4000, $0x38;
	[tilespmem:$0x1F000] =	vst v63  }
0xb2: {  	_ =	swait.ge [sflag:s24], $0x4000  }
0xb3: {  	[sflag:s24] =	ssyncset.done $0x0  }
0xb4: {  	[sflag:s24] =	ssyncadd.s32 $0xFFFFC000  }
0xb5: {  	[spmem:s20] =	stream.linear.scatter [tilespmem:s23], [sflag:$0x5], $0x4000, $0x38;
	[tilespmem:$0x1F000] =	vst v63  }
0xb6: {  	_ =	swait.ge [sflag:s24], $0x4000  }
0xb7: {  	[sflag:s24] =	ssyncset.done $0x0  }
0xb8: {  	[sflag:s24] =	ssyncadd.s32 $0xFFFFC000  }
0xb9: {  	[spmem:s21] =	stream.linear.scatter [tilespmem:s23], [sflag:$0x5], $0x4000, $0x38;
	[tilespmem:$0x1F000] =	vst v63  }
0xba: {  	_ =	swait.ge [sflag:s24], $0x4000  }
0xbb: {  	[sflag:s24] =	ssyncset.done $0x0  }
0xbc: {  	[sflag:s24] =	ssyncadd.s32 $0xFFFFC000  }
0xbd: {  	[spmem:s22] =	stream.linear.scatter [tilespmem:s23], [sflag:$0x5], $0x4000, $0x38;
	[tilespmem:$0x1F000] =	vst v63  }
0xbe: {  	_ =	swait.ge [sflag:s24], $0x4000  }
0xbf: {  	[sflag:s24] =	ssyncset.done $0x0  }
0xc0: {  	s11 =	simm.s32 $0x0;
	s10 =	rddreg [dreg:$0xa];
	[sflag:s24] =	ssyncadd.s32 $0xFFFFC000  }
0xc1: {  	[tilespmem:s11], [sflag:$0x5] =	stream.linear.gather [hbm4b:s10+s11], $0x1600, $0x38;
	[tilespmem:$0x1F000] =	vst v63  }
0xc2: {  	_ =	swait.ge [sflag:s24], $0x1600  }
0xc3: {  	[sflag:s24] =	ssyncset.done $0x0  }
0xc4: {  	[sflag:s24] =	ssyncadd.s32 $0xFFFFEA00  }
0xc5: {  	[tilespmem:s25], [sflag:$0x5] =	stream.linear.gather [hbm4b:s13+s11], $0x1600, $0x38;
	[tilespmem:$0x1F000] =	vst v63  }
0xc6: {  	_ =	swait.ge [sflag:s24], $0x1600  }
0xc7: {  	[sflag:s24] =	ssyncset.done $0x0  }
0xc8: {  	[sflag:s24] =	ssyncadd.s32 $0xFFFFEA00  }
0xc9: {  	s12 =	simm.s32 $0x0;
	[bflag:$0x0] =	sbarrier.arrive $0xFFFF  }
0xca: {  	[tilespmem:s23], [sflag:$0x1] =	stream.indirect.gather [hbm4b:s4+s26], $0x80, s12, s26, $0xb8;
	[tilespmem:$0x1F000] =	vst v63  }
0xcb: {  	s10 =	simm.s32 $0x80  }
0xcc: {  	[tilespmem:s28], [sflag:$0x2] =	stream.indirect.gather [hbm4b:s4+s26], $0x80, s10, s26, $0xb8;
	[tilespmem:$0x1F000] =	vst v63  }
0xcd: {  	_ =	swait.ge [sflag:s29], $0x4000  }
0xce: {  	[sflag:s29] =	ssyncset.done $0x0  }
0xcf: {  	s11 =	simm.s32 $0x1800;
	[sflag:s29] =	ssyncadd.s32 $0xFFFFC000  }
0xd0: {  	[spmem:s1] =	stream.indirect.scatter.add.f32 [tilespmem:s23], [sflag:$0x3], $0x80, s11, s26, $0xb8;
	[tilespmem:$0x1F000] =	vst v63  }
0xd1: {  	_ =	swait.ge [sflag:s30], $0x4000  }
0xd2: {  	[sflag:s30] =	ssyncset.done $0x0  }
0xd3: {  	s12 =	simm.s32 $0x1880;
	[sflag:s30] =	ssyncadd.s32 $0xFFFFC000  }
0xd4: {  	[spmem:s1] =	stream.indirect.scatter.add.f32 [tilespmem:s28], [sflag:$0x4], $0x80, s12, s26, $0xb8;
	[tilespmem:$0x1F000] =	vst v63  }
0xd5: {  	_ =	swait.ge [sflag:s31], $0x4000  }
0xd6: {  	[sflag:s31] =	ssyncset.done $0x0  }
0xd7: {  	[sflag:s31] =	ssyncadd.s32 $0xFFFFC000  }
0xd8: {  	_ =	swait.ge [sflag:s0], $0x4000  }
0xd9: {  	s9 =	simm.s32 $0x400;
	s10 =	simm.s32 $0x800;
	[sflag:s0] =	ssyncset.done $0x0  }
.LBB2_8:
0xda: {  	s11 =	sshra.s32 s9, $0x2  }
0xdb: {  	[sflag:s0] =	ssyncadd.s32 $0xFFFFC000;
	s9 =	smov.u32 s10;
	s12 =	sadd.s32 $0x400, s10  }
0xdc: {  	[tilespmem:s23], [sflag:$0x1] =	stream.indirect.gather [hbm4b:s4+s26], $0x80, s11, s26, $0xb8;
	[tilespmem:$0x1F000] =	vst v63  }
0xdd: {  	p1 =	sne.s32 s10, $0x5400;
	s10 =	sadd.s32 $0x80, s11  }
0xde: {  	[tilespmem:s28], [sflag:$0x2] =	stream.indirect.gather [hbm4b:s4+s26], $0x80, s10, s26, $0xb8;
	[tilespmem:$0x1F000] =	vst v63  }
0xdf: {  	_ =	swait.ge [sflag:s29], $0x4000  }
0xe0: {  	[sflag:s29] =	ssyncset.done $0x0  }
0xe1: {  	s10 =	sadd.s32 $0x1800, s11;
	[sflag:s29] =	ssyncadd.s32 $0xFFFFC000  }
0xe2: {  	[spmem:s1] =	stream.indirect.scatter.add.f32 [tilespmem:s23], [sflag:$0x3], $0x80, s10, s26, $0xb8;
	[tilespmem:$0x1F000] =	vst v63  }
0xe3: {  	_ =	swait.ge [sflag:s30], $0x4000  }
0xe4: {  	[sflag:s30] =	ssyncset.done $0x0  }
0xe5: {  	s10 =	sadd.s32 $0x1880, s11;
	[sflag:s30] =	ssyncadd.s32 $0xFFFFC000  }
0xe6: {  	[spmem:s1] =	stream.indirect.scatter.add.f32 [tilespmem:s28], [sflag:$0x4], $0x80, s10, s26, $0xb8;
	[tilespmem:$0x1F000] =	vst v63  }
.Ltmp6:
0xe7: {  	_ =	swait.ge [sflag:s31], $0x4000;
	(pc) =	sbr.rel @p1 .LBB2_8-.Ltmp6, $4  }
0xe8: {  	[sflag:s31] =	ssyncset.done $0x0  }
0xe9: {  	[sflag:s31] =	ssyncadd.s32 $0xFFFFC000  }
0xea: {  	_ =	swait.ge [sflag:s0], $0x4000  }
0xeb: {  	s10 =	smov.u32 s12;
	[sflag:s0] =	ssyncset.done $0x0  }
0xec: {  	s9 =	sshra.s32 s9, $0x2;
	[sflag:s0] =	ssyncadd.s32 $0xFFFFC000  }
0xed: {  	[tilespmem:s23], [sflag:$0x1] =	stream.indirect.gather [hbm4b:s4+s26], $0x80, s9, s26, $0xb8;
	[tilespmem:$0x1F000] =	vst v63  }
0xee: {  	s10 =	sadd.s32 $0x80, s9  }
0xef: {  	[tilespmem:s28], [sflag:$0x2] =	stream.indirect.gather [hbm4b:s4+s26], $0x80, s10, s26, $0xb8;
	[tilespmem:$0x1F000] =	vst v63  }
0xf0: {  	_ =	swait.ge [sflag:s29], $0x4000  }
0xf1: {  	[sflag:s29] =	ssyncset.done $0x0  }
0xf2: {  	s12 =	sadd.s32 $0x1800, s9;
	[sflag:s29] =	ssyncadd.s32 $0xFFFFC000  }
0xf3: {  	[spmem:s1] =	stream.indirect.scatter.add.f32 [tilespmem:s23], [sflag:$0x3], $0x80, s12, s26, $0xb8;
	[tilespmem:$0x1F000] =	vst v63  }
0xf4: {  	_ =	swait.ge [sflag:s30], $0x4000  }
0xf5: {  	[sflag:s30] =	ssyncset.done $0x0  }
0xf6: {  	s9 =	sadd.s32 $0x1880, s9;
	[sflag:s30] =	ssyncadd.s32 $0xFFFFC000  }
0xf7: {  	[spmem:s1] =	stream.indirect.scatter.add.f32 [tilespmem:s28], [sflag:$0x4], $0x80, s9, s26, $0xb8;
	[tilespmem:$0x1F000] =	vst v63  }
0xf8: {  	_ =	swait.ge [sflag:s31], $0x4000  }
0xf9: {  	[sflag:s31] =	ssyncset.done $0x0  }
0xfa: {  	[sflag:s31] =	ssyncadd.s32 $0xFFFFC000  }
.Ltmp7:
0xfb: {  	_ =	swait.ge [sflag:s0], $0x4000;
	(pc) =	sbr.rel .LBB2_18-.Ltmp7, $4  }
0xfc: {  	[sflag:s0] =	ssyncset.done $0x0  }
0xfd: {  	[sflag:s0] =	ssyncadd.s32 $0xFFFFC000  }
0xfe: {  	[bflag:$0x0] =	sbarrier.arrive $0xFFFF  }
0xff: {  	[hbm:s14], [sflag:s7] =	dma.local [spmem:s8], $0x2800  }
.LBB2_10:
0x100: {  	p1 =	seq.s32 s8, $0xFE00;
	[tilespmem:s7+$0x3070] =	vst v0  }
0x101: {  	[tilespmem:s7+$0x3000] =	vst v0  }
0x102: {  	[tilespmem:s7+$0x3010] =	vst v0  }
.Ltmp8:
0x103: {  	[tilespmem:s7+$0x3020] =	vst v0;
	(pc) =	sbr.rel @!p1 .LBB2_10-.Ltmp8, $4  }
0x104: {  	[tilespmem:s7+$0x3030] =	vst v0  }
0x105: {  	[tilespmem:s7+$0x3040] =	vst v0  }
0x106: {  	[tilespmem:s7+$0x3050] =	vst v0  }
0x107: {  	[tilespmem:s7+$0x3060] =	vst v0;
	s7 =	sshra.s32 s8, $0x2;
	s8 =	sadd.s32 $0x200, s8  }
0x108: {  	[tilespmem:s7+$0x3070] =	vst v0  }
0x109: {  	[tilespmem:s7+$0x3000] =	vst v0  }
0x10a: {  	[tilespmem:s7+$0x3010] =	vst v0  }
0x10b: {  	[tilespmem:s7+$0x3020] =	vst v0  }
0x10c: {  	[tilespmem:s7+$0x3030] =	vst v0  }
0x10d: {  	[tilespmem:s7+$0x3040] =	vst v0  }
0x10e: {  	[tilespmem:s7+$0x3050] =	vst v0  }
0x10f: {  	[tilespmem:s7+$0x3060] =	vst v0  }
0x110: {  	[spmem:s5] =	stream.linear.scatter [tilespmem:s23], [sflag:$0x5], $0x4000, $0x38;
	[tilespmem:$0x1F000] =	vst v63  }
0x111: {  	_ =	swait.ge [sflag:s24], $0x4000  }
0x112: {  	[sflag:s24] =	ssyncset.done $0x0  }
0x113: {  	[sflag:s24] =	ssyncadd.s32 $0xFFFFC000  }
0x114: {  	[spmem:s19] =	stream.linear.scatter [tilespmem:s23], [sflag:$0x5], $0x4000, $0x38;
	[tilespmem:$0x1F000] =	vst v63  }
0x115: {  	_ =	swait.ge [sflag:s24], $0x4000  }
0x116: {  	[sflag:s24] =	ssyncset.done $0x0  }
0x117: {  	[sflag:s24] =	ssyncadd.s32 $0xFFFFC000  }
0x118: {  	[spmem:s20] =	stream.linear.scatter [tilespmem:s23], [sflag:$0x5], $0x4000, $0x38;
	[tilespmem:$0x1F000] =	vst v63  }
0x119: {  	_ =	swait.ge [sflag:s24], $0x4000  }
0x11a: {  	[sflag:s24] =	ssyncset.done $0x0  }
0x11b: {  	[sflag:s24] =	ssyncadd.s32 $0xFFFFC000  }
0x11c: {  	[spmem:s21] =	stream.linear.scatter [tilespmem:s23], [sflag:$0x5], $0x4000, $0x38;
	[tilespmem:$0x1F000] =	vst v63  }
0x11d: {  	_ =	swait.ge [sflag:s24], $0x4000  }
0x11e: {  	[sflag:s24] =	ssyncset.done $0x0  }
0x11f: {  	[sflag:s24] =	ssyncadd.s32 $0xFFFFC000  }
0x120: {  	[spmem:s22] =	stream.linear.scatter [tilespmem:s23], [sflag:$0x5], $0x4000, $0x38;
	[tilespmem:$0x1F000] =	vst v63  }
0x121: {  	_ =	swait.ge [sflag:s24], $0x4000  }
0x122: {  	[sflag:s24] =	ssyncset.done $0x0  }
0x123: {  	s11 =	simm.s32 $0x0;
	s8 =	rddreg [dreg:$0x4];
	[sflag:s24] =	ssyncadd.s32 $0xFFFFC000  }
0x124: {  	[tilespmem:s11], [sflag:$0x5] =	stream.linear.gather [hbm4b:s8+s11], $0x1600, $0x38;
	[tilespmem:$0x1F000] =	vst v63  }
0x125: {  	_ =	swait.ge [sflag:s24], $0x1600  }
0x126: {  	[sflag:s24] =	ssyncset.done $0x0  }
0x127: {  	s12 =	rddreg [dreg:$0x5];
	[sflag:s24] =	ssyncadd.s32 $0xFFFFEA00  }
0x128: {  	[tilespmem:s25], [sflag:$0x5] =	stream.linear.gather [hbm4b:s12+s11], $0x1600, $0x38;
	[tilespmem:$0x1F000] =	vst v63  }
0x129: {  	_ =	swait.ge [sflag:s24], $0x1600  }
0x12a: {  	[sflag:s24] =	ssyncset.done $0x0  }
0x12b: {  	[sflag:s24] =	ssyncadd.s32 $0xFFFFEA00  }
0x12c: {  	s9 =	simm.s32 $0x0;
	[bflag:$0x0] =	sbarrier.arrive $0xFFFF  }
0x12d: {  	[tilespmem:s23], [sflag:$0x1] =	stream.indirect.gather [hbm4b:s4+s26], $0x80, s9, s26, $0xb8;
	[tilespmem:$0x1F000] =	vst v63  }
0x12e: {  	s10 =	simm.s32 $0x80  }
0x12f: {  	[tilespmem:s28], [sflag:$0x2] =	stream.indirect.gather [hbm4b:s4+s26], $0x80, s10, s26, $0xb8;
	[tilespmem:$0x1F000] =	vst v63  }
0x130: {  	_ =	swait.ge [sflag:s29], $0x4000  }
0x131: {  	[sflag:s29] =	ssyncset.done $0x0  }
0x132: {  	s11 =	simm.s32 $0x1800;
	[sflag:s29] =	ssyncadd.s32 $0xFFFFC000  }
0x133: {  	[spmem:s1] =	stream.indirect.scatter.add.f32 [tilespmem:s23], [sflag:$0x3], $0x80, s11, s26, $0xb8;
	[tilespmem:$0x1F000] =	vst v63  }
0x134: {  	_ =	swait.ge [sflag:s30], $0x4000  }
0x135: {  	[sflag:s30] =	ssyncset.done $0x0  }
0x136: {  	s12 =	simm.s32 $0x1880;
	[sflag:s30] =	ssyncadd.s32 $0xFFFFC000  }
0x137: {  	[spmem:s1] =	stream.indirect.scatter.add.f32 [tilespmem:s28], [sflag:$0x4], $0x80, s12, s26, $0xb8;
	[tilespmem:$0x1F000] =	vst v63  }
0x138: {  	_ =	swait.ge [sflag:s31], $0x4000  }
0x139: {  	[sflag:s31] =	ssyncset.done $0x0  }
0x13a: {  	[sflag:s31] =	ssyncadd.s32 $0xFFFFC000  }
0x13b: {  	_ =	swait.ge [sflag:s0], $0x4000  }
0x13c: {  	s7 =	simm.s32 $0x400;
	s8 =	simm.s32 $0x800;
	[sflag:s0] =	ssyncset.done $0x0  }
.LBB2_12:
0x13d: {  	s9 =	sshra.s32 s7, $0x2  }
0x13e: {  	[sflag:s0] =	ssyncadd.s32 $0xFFFFC000;
	s7 =	smov.u32 s8;
	s10 =	sadd.s32 $0x400, s8  }
0x13f: {  	[tilespmem:s23], [sflag:$0x1] =	stream.indirect.gather [hbm4b:s4+s26], $0x80, s9, s26, $0xb8;
	[tilespmem:$0x1F000] =	vst v63  }
0x140: {  	p1 =	seq.s32 s8, $0x5400;
	s8 =	sadd.s32 $0x80, s9  }
0x141: {  	[tilespmem:s28], [sflag:$0x2] =	stream.indirect.gather [hbm4b:s4+s26], $0x80, s8, s26, $0xb8;
	[tilespmem:$0x1F000] =	vst v63  }
0x142: {  	_ =	swait.ge [sflag:s29], $0x4000  }
0x143: {  	[sflag:s29] =	ssyncset.done $0x0  }
0x144: {  	s8 =	sadd.s32 $0x1800, s9;
	[sflag:s29] =	ssyncadd.s32 $0xFFFFC000  }
0x145: {  	[spmem:s1] =	stream.indirect.scatter.add.f32 [tilespmem:s23], [sflag:$0x3], $0x80, s8, s26, $0xb8;
	[tilespmem:$0x1F000] =	vst v63  }
0x146: {  	_ =	swait.ge [sflag:s30], $0x4000  }
0x147: {  	[sflag:s30] =	ssyncset.done $0x0  }
0x148: {  	s8 =	sadd.s32 $0x1880, s9;
	[sflag:s30] =	ssyncadd.s32 $0xFFFFC000  }
0x149: {  	[spmem:s1] =	stream.indirect.scatter.add.f32 [tilespmem:s28], [sflag:$0x4], $0x80, s8, s26, $0xb8;
	[tilespmem:$0x1F000] =	vst v63  }
.Ltmp9:
0x14a: {  	_ =	swait.ge [sflag:s31], $0x4000;
	(pc) =	sbr.rel @!p1 .LBB2_12-.Ltmp9, $4  }
0x14b: {  	[sflag:s31] =	ssyncset.done $0x0  }
0x14c: {  	[sflag:s31] =	ssyncadd.s32 $0xFFFFC000  }
0x14d: {  	_ =	swait.ge [sflag:s0], $0x4000  }
0x14e: {  	s8 =	smov.u32 s10;
	[sflag:s0] =	ssyncset.done $0x0  }
0x14f: {  	s7 =	sshra.s32 s7, $0x2;
	[sflag:s0] =	ssyncadd.s32 $0xFFFFC000  }
0x150: {  	[tilespmem:s23], [sflag:$0x1] =	stream.indirect.gather [hbm4b:s4+s26], $0x80, s7, s26, $0xb8;
	[tilespmem:$0x1F000] =	vst v63  }
0x151: {  	s8 =	sadd.s32 $0x80, s7  }
0x152: {  	[tilespmem:s28], [sflag:$0x2] =	stream.indirect.gather [hbm4b:s4+s26], $0x80, s8, s26, $0xb8;
	[tilespmem:$0x1F000] =	vst v63  }
0x153: {  	_ =	swait.ge [sflag:s29], $0x4000  }
0x154: {  	[sflag:s29] =	ssyncset.done $0x0  }
0x155: {  	s11 =	sadd.s32 $0x1800, s7;
	[sflag:s29] =	ssyncadd.s32 $0xFFFFC000  }
0x156: {  	[spmem:s1] =	stream.indirect.scatter.add.f32 [tilespmem:s23], [sflag:$0x3], $0x80, s11, s26, $0xb8;
	[tilespmem:$0x1F000] =	vst v63  }
0x157: {  	_ =	swait.ge [sflag:s30], $0x4000  }
0x158: {  	[sflag:s30] =	ssyncset.done $0x0  }
0x159: {  	s7 =	sadd.s32 $0x1880, s7;
	[sflag:s30] =	ssyncadd.s32 $0xFFFFC000  }
0x15a: {  	[spmem:s1] =	stream.indirect.scatter.add.f32 [tilespmem:s28], [sflag:$0x4], $0x80, s7, s26, $0xb8;
	[tilespmem:$0x1F000] =	vst v63  }
0x15b: {  	_ =	swait.ge [sflag:s31], $0x4000  }
0x15c: {  	[sflag:s31] =	ssyncset.done $0x0  }
0x15d: {  	[sflag:s31] =	ssyncadd.s32 $0xFFFFC000  }
0x15e: {  	_ =	swait.ge [sflag:s0], $0x4000  }
0x15f: {  	[sflag:s0] =	ssyncset.done $0x0  }
0x160: {  	[sflag:s0] =	ssyncadd.s32 $0xFFFFC000  }
0x161: {  	s12 =	sshll.u32 s2, $0x6;
	[bflag:$0x0] =	sbarrier.arrive $0xFFFF  }
0x162: {  	s8 =	sshrl.u32 s5, $0x3;
	s7 =	sor.u32 $0x1C05, s12;
	s9 =	rddreg [dreg:$0x6]  }
0x163: {  	[hbm:s9], [sflag:s7] =	dma.local [spmem:s8], $0x2800  }
0x164: {  	_ =	swait.ge [sflag:s24], $0x2800  }
0x165: {  	[sflag:s24] =	ssyncset.done $0x0  }
0x166: {  	[sflag:s24] =	ssyncadd.s32 $0xFFFFD800  }
0x167: {  	s10 =	simm.s32 $0x200;
	s9 =	simm.s32 $0x0;
	[bflag:$0x0] =	sbarrier.arrive $0xFFFF  }
.LBB2_14:
0x168: {  	p1 =	seq.s32 s10, $0xFE00;
	[tilespmem:s9+$0x3070] =	vst v0  }
0x169: {  	[tilespmem:s9+$0x3000] =	vst v0  }
0x16a: {  	[tilespmem:s9+$0x3010] =	vst v0  }
.Ltmp10:
0x16b: {  	[tilespmem:s9+$0x3020] =	vst v0;
	(pc) =	sbr.rel @!p1 .LBB2_14-.Ltmp10, $4  }
0x16c: {  	[tilespmem:s9+$0x3030] =	vst v0  }
0x16d: {  	[tilespmem:s9+$0x3040] =	vst v0  }
0x16e: {  	[tilespmem:s9+$0x3050] =	vst v0  }
0x16f: {  	[tilespmem:s9+$0x3060] =	vst v0;
	s9 =	sshra.s32 s10, $0x2;
	s10 =	sadd.s32 $0x200, s10  }
0x170: {  	[tilespmem:s9+$0x3070] =	vst v0  }
0x171: {  	[tilespmem:s9+$0x3000] =	vst v0  }
0x172: {  	[tilespmem:s9+$0x3010] =	vst v0  }
0x173: {  	[tilespmem:s9+$0x3020] =	vst v0  }
0x174: {  	[tilespmem:s9+$0x3030] =	vst v0  }
0x175: {  	[tilespmem:s9+$0x3040] =	vst v0  }
0x176: {  	[tilespmem:s9+$0x3050] =	vst v0  }
0x177: {  	[tilespmem:s9+$0x3060] =	vst v0  }
0x178: {  	[spmem:s5] =	stream.linear.scatter [tilespmem:s23], [sflag:$0x5], $0x4000, $0x38;
	[tilespmem:$0x1F000] =	vst v63  }
0x179: {  	_ =	swait.ge [sflag:s24], $0x4000  }
0x17a: {  	[sflag:s24] =	ssyncset.done $0x0  }
0x17b: {  	[sflag:s24] =	ssyncadd.s32 $0xFFFFC000  }
0x17c: {  	[spmem:s19] =	stream.linear.scatter [tilespmem:s23], [sflag:$0x5], $0x4000, $0x38;
	[tilespmem:$0x1F000] =	vst v63  }
0x17d: {  	_ =	swait.ge [sflag:s24], $0x4000  }
0x17e: {  	[sflag:s24] =	ssyncset.done $0x0  }
0x17f: {  	[sflag:s24] =	ssyncadd.s32 $0xFFFFC000  }
0x180: {  	[spmem:s20] =	stream.linear.scatter [tilespmem:s23], [sflag:$0x5], $0x4000, $0x38;
	[tilespmem:$0x1F000] =	vst v63  }
0x181: {  	_ =	swait.ge [sflag:s24], $0x4000  }
0x182: {  	[sflag:s24] =	ssyncset.done $0x0  }
0x183: {  	[sflag:s24] =	ssyncadd.s32 $0xFFFFC000  }
0x184: {  	[spmem:s21] =	stream.linear.scatter [tilespmem:s23], [sflag:$0x5], $0x4000, $0x38;
	[tilespmem:$0x1F000] =	vst v63  }
0x185: {  	_ =	swait.ge [sflag:s24], $0x4000  }
0x186: {  	[sflag:s24] =	ssyncset.done $0x0  }
0x187: {  	[sflag:s24] =	ssyncadd.s32 $0xFFFFC000  }
0x188: {  	[spmem:s22] =	stream.linear.scatter [tilespmem:s23], [sflag:$0x5], $0x4000, $0x38;
	[tilespmem:$0x1F000] =	vst v63  }
0x189: {  	_ =	swait.ge [sflag:s24], $0x4000  }
0x18a: {  	[sflag:s24] =	ssyncset.done $0x0  }
0x18b: {  	s11 =	simm.s32 $0x0;
	[sflag:s24] =	ssyncadd.s32 $0xFFFFC000  }
0x18c: {  	[tilespmem:s11], [sflag:$0x5] =	stream.linear.gather [hbm4b:s15+s11], $0x1600, $0x38;
	[tilespmem:$0x1F000] =	vst v63  }
0x18d: {  	_ =	swait.ge [sflag:s24], $0x1600  }
0x18e: {  	[sflag:s24] =	ssyncset.done $0x0  }
0x18f: {  	[sflag:s24] =	ssyncadd.s32 $0xFFFFEA00  }
0x190: {  	[tilespmem:s25], [sflag:$0x5] =	stream.linear.gather [hbm4b:s16+s11], $0x1600, $0x38;
	[tilespmem:$0x1F000] =	vst v63  }
0x191: {  	_ =	swait.ge [sflag:s24], $0x1600  }
0x192: {  	[sflag:s24] =	ssyncset.done $0x0  }
0x193: {  	[sflag:s24] =	ssyncadd.s32 $0xFFFFEA00  }
0x194: {  	s12 =	simm.s32 $0x0;
	[bflag:$0x0] =	sbarrier.arrive $0xFFFF  }
0x195: {  	[tilespmem:s23], [sflag:$0x1] =	stream.indirect.gather [hbm4b:s4+s26], $0x80, s12, s26, $0xb8;
	[tilespmem:$0x1F000] =	vst v63  }
0x196: {  	s10 =	simm.s32 $0x80  }
0x197: {  	[tilespmem:s28], [sflag:$0x2] =	stream.indirect.gather [hbm4b:s4+s26], $0x80, s10, s26, $0xb8;
	[tilespmem:$0x1F000] =	vst v63  }
0x198: {  	_ =	swait.ge [sflag:s29], $0x4000  }
0x199: {  	[sflag:s29] =	ssyncset.done $0x0  }
0x19a: {  	s11 =	simm.s32 $0x1800;
	[sflag:s29] =	ssyncadd.s32 $0xFFFFC000  }
0x19b: {  	[spmem:s1] =	stream.indirect.scatter.add.f32 [tilespmem:s23], [sflag:$0x3], $0x80, s11, s26, $0xb8;
	[tilespmem:$0x1F000] =	vst v63  }
0x19c: {  	_ =	swait.ge [sflag:s30], $0x4000  }
0x19d: {  	[sflag:s30] =	ssyncset.done $0x0  }
0x19e: {  	s12 =	simm.s32 $0x1880;
	[sflag:s30] =	ssyncadd.s32 $0xFFFFC000  }
0x19f: {  	[spmem:s1] =	stream.indirect.scatter.add.f32 [tilespmem:s28], [sflag:$0x4], $0x80, s12, s26, $0xb8;
	[tilespmem:$0x1F000] =	vst v63  }
0x1a0: {  	_ =	swait.ge [sflag:s31], $0x4000  }
0x1a1: {  	[sflag:s31] =	ssyncset.done $0x0  }
0x1a2: {  	[sflag:s31] =	ssyncadd.s32 $0xFFFFC000  }
0x1a3: {  	_ =	swait.ge [sflag:s0], $0x4000  }
0x1a4: {  	s9 =	simm.s32 $0x400;
	s10 =	simm.s32 $0x800;
	[sflag:s0] =	ssyncset.done $0x0  }
.LBB2_16:
0x1a5: {  	s11 =	sshra.s32 s9, $0x2  }
0x1a6: {  	[sflag:s0] =	ssyncadd.s32 $0xFFFFC000;
	s9 =	smov.u32 s10;
	s12 =	sadd.s32 $0x400, s10  }
0x1a7: {  	[tilespmem:s23], [sflag:$0x1] =	stream.indirect.gather [hbm4b:s4+s26], $0x80, s11, s26, $0xb8;
	[tilespmem:$0x1F000] =	vst v63  }
0x1a8: {  	p1 =	sne.s32 s10, $0x5400;
	s10 =	sadd.s32 $0x80, s11  }
0x1a9: {  	[tilespmem:s28], [sflag:$0x2] =	stream.indirect.gather [hbm4b:s4+s26], $0x80, s10, s26, $0xb8;
	[tilespmem:$0x1F000] =	vst v63  }
0x1aa: {  	_ =	swait.ge [sflag:s29], $0x4000  }
0x1ab: {  	[sflag:s29] =	ssyncset.done $0x0  }
0x1ac: {  	s10 =	sadd.s32 $0x1800, s11;
	[sflag:s29] =	ssyncadd.s32 $0xFFFFC000  }
0x1ad: {  	[spmem:s1] =	stream.indirect.scatter.add.f32 [tilespmem:s23], [sflag:$0x3], $0x80, s10, s26, $0xb8;
	[tilespmem:$0x1F000] =	vst v63  }
0x1ae: {  	_ =	swait.ge [sflag:s30], $0x4000  }
0x1af: {  	[sflag:s30] =	ssyncset.done $0x0  }
0x1b0: {  	s10 =	sadd.s32 $0x1880, s11;
	[sflag:s30] =	ssyncadd.s32 $0xFFFFC000  }
0x1b1: {  	[spmem:s1] =	stream.indirect.scatter.add.f32 [tilespmem:s28], [sflag:$0x4], $0x80, s10, s26, $0xb8;
	[tilespmem:$0x1F000] =	vst v63  }
.Ltmp11:
0x1b2: {  	_ =	swait.ge [sflag:s31], $0x4000;
	(pc) =	sbr.rel @p1 .LBB2_16-.Ltmp11, $4  }
0x1b3: {  	[sflag:s31] =	ssyncset.done $0x0  }
0x1b4: {  	[sflag:s31] =	ssyncadd.s32 $0xFFFFC000  }
0x1b5: {  	_ =	swait.ge [sflag:s0], $0x4000  }
0x1b6: {  	s10 =	smov.u32 s12;
	[sflag:s0] =	ssyncset.done $0x0  }
.Ltmp12:
0x1b7: {  	_ = 	snop;
	(pc) =	sbr.rel .LBB2_17-.Ltmp12, $1  }
0x1b8: {  	_ =	sdelay $0x3  }
.LBB2_19:
0x1b9: {  	_ =	sfence.sel $0x180000  }
0x1ba: {  	[bflag:$0x0] =	sbarrier.arrive $0xFFFF  }
0x1bb: {  	_ =	strace $0x9000004A  }
0x1bc: {  	[bflag:$0x2] =	sbarrier.arrive $0xFFFF  }
0x1bd: {  	p0 =	sne.s32 s2, $0x0;
	s0 =	rddreg [dreg:$0x3]  }
0x1be: {  	s0 =	sadd.s32 @!p0 $0x100000, s0  }
0x1bf: {  	[sflag:s0] =	ssyncadd.tile.s32 @!p0 $0x1;
	_ =	shalt  }
.Lfunc_end2:
_tile_overlayer_lowered:
.L_overlay_start_2:
0x1c0: {  	(tag) =	ssettag $0x2  }
0x1c1: {  	s0 =	rddreg [dreg:$0x0];
	s2 =	stileid.u32  }
0x1c2: {  	s1 =	rddreg [dreg:$0x1];
	p0 =	sne.s32 s2, $0x0  }
0x1c3: {  	s3 =	rddreg [dreg:$0x2];
	[bflag:$0x3] =	sbarrier.arrive $0xFFFF;
	s2 =	simm.s32 @!p0 $0x1C05  }
0x1c4: {  	[timem:s3], [sflag:s2] =	dma.local @!p0 [hbm:s0], s1  }
0x1c5: {  	s0 =	simm.s32 @!p0 $0x5  }
0x1c6: {  	_ =	swait.ge @!p0 [sflag:s0], s1  }
0x1c7: {  	s1 =	ssub.s32 @!p0 $0x0, s1;
	[sflag:s0] =	ssyncset.done @!p0 $0x0  }
0x1c8: {  	[sflag:s0] =	ssyncadd.s32 @!p0 s1  }
0x1c9: {  	[bflag:$0x3] =	sbarrier.arrive $0xFFFF  }
0x1ca: {  	_ =	shalt  }

// kernel: kernel.16.cloned.1.call-start
scs
__scs_entry_jumppad:
0x0: {  	(pc) =	sbr.rel $0x88, $3  }
0x1: {  	(tag) =	ssettag $0x0;
	lr =	simm.s32 $0x1  }
0x2: {  	[smem:$0x3F97] =	sst lr;
	_ =	strace $0xD0000000  }
0x3: {  	_ = 	snop  }
0x4: {  	_ = 	snop  }
0x5: {  	_ = 	snop  }
0x6: {  	_ = 	snop  }
0x7: {  	_ = 	snop  }
__scs_overlays_trampoline_lowered:
0x8: {  	[smem:$0x3FA6] =	sst s0  }
0x9: {  	[smem:$0x3FA7] =	sst s1  }
0xa: {  	[smem:$0x3FA8] =	sst s2  }
0xb: {  	[smem:$0x3FA9] =	sst s3  }
0xc: {  	[smem:$0x3FAA] =	sst s4  }
0xd: {  	[smem:$0x3FAB] =	sst s5  }
0xe: {  	[smem:$0x3FAC] =	sst s6  }
0xf: {  	[smem:$0x3FAD] =	sst s7  }
0x10: {  	[smem:$0x3FAE] =	sst s8  }
0x11: {  	[smem:$0x3FAF] =	sst s9;
	s0 =	simm.s32 @!p0 $0x0  }
0x12: {  	s1 =	sld [smem:$0x3F95];
	s0 =	simm.s32 @p0 $0x1  }
0x13: {  	[smem:$0x3FB0] =	sst s0;
	s0 =	simm.s32 @!p1 $0x0  }
0x14: {  	s2 =	sld [smem:$0x3F94];
	s0 =	simm.s32 @p1 $0x1  }
0x15: {  	[smem:$0x3FB1] =	sst s0;
	s0 =	simm.s32 @!p2 $0x0  }
0x16: {  	s3 =	sld [smem:$0x3FDB];
	s0 =	simm.s32 @p2 $0x1  }
0x17: {  	s4 =	simm.s32 $0x1BF5;
	[smem:$0x3FB3] =	sst s0  }
0x18: {  	s0 =	sld [smem:$0x3F96];
	_ =	swait.ge [sflag:s4], $0x0  }
0x19: {  	s7 =	sld [smem:$0x3F97]  }
0x1a: {  	s8 =	sadd.s32 $0xFFFFE003, lr  }
0x1b: {  	s9 =	sadd.s32 $0xFFFFFEF7, lr;
	s5 =	simm.s32 $0xFFFFFFFF;
	p2 =	slt.u32 s8, $0xFFFFF086  }
0x1c: {  	p1 =	slt.u32 s9, $0xF7A;
	s5 =	simm.s32 @!p2 $0x0  }
0x1d: {  	s5 =	simm.s32 @p1 $0x1;
	p0 =	seq.s32 s7, s2  }
0x1e: {  	s7 =	smul.u32 @!p0 $0xF7A, s2;
	p2 =	seq.s32 @!p0 s5, $0x0  }
0x1f: {  	s9 =	smul.u32 $0xF7A, s1;
	s8 =	simm.s32 @!p0 $0x1BF5;
	p2 =	por !p2, p0  }
0x20: {  	[sflag:s8] =	ssyncset.s32 @!p0 $0xFFFFF086;
	s6 =	sadd.s32 @!p0 s3, s7;
	s7 =	simm.s32 @!p0 $0x108  }
0x21: {  	s3 =	sadd.s32 s3, s9;
	s6 =	sadd.s32 @!p0 $0x88, s6;
	s7 =	simm.s32 @p2 $0x1082  }
0x22: {  	[simem:s7], [sflag:s8] =	dma.local @!p0 [hbm:s6], $0xF7A  }
0x23: {  	s9 =	sor.u32 $0xD0000000, s2;
	s6 =	simm.s32 $0x108;
	_ =	swait.ge @!p0 [sflag:s8], $0x0  }
0x24: {  	s3 =	sadd.s32 $0x88, s3;
	s6 =	simm.s32 @!p1 $0x1082;
	[sflag:s4] =	ssyncset.s32 $0xFFFFF086  }
0x25: {  	[simem:s6], [sflag:s4] =	dma.local [hbm:s3], $0xF7A  }
0x26: {  	[smem:$0x3F97] =	sst s1;
	(tag) =	ssettag s2;
	_ =	strace s9  }
0x27: {  	s1 =	sld [smem:$0x3FA7]  }
0x28: {  	s2 =	sld [smem:$0x3FA8]  }
0x29: {  	s4 =	sld [smem:$0x3FAA]  }
0x2a: {  	p0 =	seq.s32 s5, $0x0;
	s5 =	sld [smem:$0x3FAB]  }
0x2b: {  	s6 =	sld [smem:$0x3FAC]  }
0x2c: {  	s7 =	sld [smem:$0x3FAD]  }
0x2d: {  	s3 =	simm.s32 $0x108;
	s8 =	sld [smem:$0x3FAE]  }
0x2e: {  	s3 =	simm.s32 @!p0 $0x1082;
	s9 =	sld [smem:$0x3FAF]  }
0x2f: {  	lr =	sadd.s32 s0, s3;
	s0 =	sld [smem:$0x3FA6]  }
0x30: {  	s3 =	sld [smem:$0x3FA9]  }
0x31: {  	[smem:$0x3FB2] =	sst s10  }
0x32: {  	s10 =	sld [smem:$0x3FB0];
	_ =	sdelay $0x3  }
0x33: {  	p0 =	seq.s32 s10, $0x1;
	s10 =	sld [smem:$0x3FB2];
	_ =	sdelay $0x3  }
0x34: {  	[smem:$0x3FB2] =	sst s10  }
0x35: {  	s10 =	sld [smem:$0x3FB1];
	_ =	sdelay $0x3  }
0x36: {  	p1 =	seq.s32 s10, $0x1;
	s10 =	sld [smem:$0x3FB2];
	_ =	sdelay $0x3  }
0x37: {  	[smem:$0x3FB2] =	sst s10  }
0x38: {  	s10 =	sld [smem:$0x3FB3]  }
0x39: {  	_ = 	snop;
	(pc) =	sbr.ind lr, $3  }
0x3a: {  	_ = 	snop  }
0x3b: {  	_ = 	snop  }
0x3c: {  	p2 =	seq.s32 s10, $0x1;
	s10 =	sld [smem:$0x3FB2]  }
0x3d: {  	_ =	shalt  }
0x3e: {  	_ =	shalt  }
0x3f: {  	_ =	shalt  }
0x40: {  	_ =	shalt  }
0x41: {  	_ =	shalt  }
0x42: {  	_ =	shalt  }
0x43: {  	_ =	shalt  }
0x44: {  	_ =	shalt  }
0x45: {  	_ =	shalt  }
0x46: {  	_ =	shalt  }
0x47: {  	_ =	shalt  }
0x48: {  	_ =	shalt  }
0x49: {  	_ =	shalt  }
0x4a: {  	_ =	shalt  }
0x4b: {  	_ =	shalt  }
0x4c: {  	_ =	shalt  }
0x4d: {  	_ =	shalt  }
0x4e: {  	_ =	shalt  }
0x4f: {  	_ =	shalt  }
0x50: {  	_ =	shalt  }
0x51: {  	_ =	shalt  }
0x52: {  	_ =	shalt  }
0x53: {  	_ =	shalt  }
0x54: {  	_ =	shalt  }
0x55: {  	_ =	shalt  }
0x56: {  	_ =	shalt  }
0x57: {  	_ =	shalt  }
0x58: {  	_ =	shalt  }
0x59: {  	_ =	shalt  }
0x5a: {  	_ =	shalt  }
0x5b: {  	_ =	shalt  }
0x5c: {  	_ =	shalt  }
0x5d: {  	_ =	shalt  }
0x5e: {  	_ =	shalt  }
0x5f: {  	_ =	shalt  }
0x60: {  	_ =	shalt  }
0x61: {  	_ =	shalt  }
0x62: {  	_ =	shalt  }
0x63: {  	_ =	shalt  }
0x64: {  	_ =	shalt  }
0x65: {  	_ =	shalt  }
0x66: {  	_ =	shalt  }
0x67: {  	_ =	shalt  }
0x68: {  	_ =	shalt  }
0x69: {  	_ =	shalt  }
0x6a: {  	_ =	shalt  }
0x6b: {  	_ =	shalt  }
0x6c: {  	_ =	shalt  }
0x6d: {  	_ =	shalt  }
0x6e: {  	_ =	shalt  }
0x6f: {  	_ =	shalt  }
0x70: {  	_ =	shalt  }
0x71: {  	_ =	shalt  }
0x72: {  	_ =	shalt  }
0x73: {  	_ =	shalt  }
0x74: {  	_ =	shalt  }
0x75: {  	_ =	shalt  }
0x76: {  	_ =	shalt  }
0x77: {  	_ =	shalt  }
0x78: {  	_ =	shalt  }
0x79: {  	_ =	shalt  }
0x7a: {  	_ =	shalt  }
0x7b: {  	_ =	shalt  }
0x7c: {  	_ =	shalt  }
0x7d: {  	_ =	shalt  }
0x7e: {  	_ =	shalt  }
0x7f: {  	_ =	shalt  }
0x80: {  	_ =	shalt  }
0x81: {  	_ =	shalt  }
0x82: {  	_ =	shalt  }
0x83: {  	_ =	shalt  }
0x84: {  	_ =	shalt  }
0x85: {  	_ =	shalt  }
0x86: {  	_ =	shalt  }
0x87: {  	_ =	shalt  }
.Lfunc_end0:
.L_simem_size_0:
called_computation.2_lowered:
.L_overlay_start_0:
0x88: {  	s2 =	sld [smem:$0x3FD9]  }
0x89: {  	s3 =	sld [smem:$0x3FFE];
	_ =	sdelay $0x1  }
0x8a: {  	s1 =	srdreg.scid  }
0x8b: {  	s0 =	sand.u32 $0x1, s1  }
0x8c: {  	s17 =	sshll.u32 s0, $0xA;
	s2 =	sadd.s32 s3, s2  }
0x8d: {  	s2 =	sadd.s32 s2, s17  }
0x8e: {  	[smem:$0x3FBE] =	sst s2  }
0x8f: {  	_ = 	snop  }
0x90: {  	s2 =	sld [smem:$0x3FD0];
	(tm) =	ssettm $0x1  }
0x91: {  	s18 =	sld [smem:$0x3FFB];
	_ =	sdelay $0x3  }
0x92: {  	_ =	strace s18  }
0x93: {  	s3 =	sld [smem:$0x3FFC];
	_ =	sdelay $0x3  }
0x94: {  	_ =	strace s3  }
0x95: {  	s3 =	sld [smem:$0x3FFD];
	_ =	sdelay $0x3  }
0x96: {  	_ =	strace s3  }
0x97: {  	_ =	strace $0x8FFFFFFF  }
0x98: {  	s19 =	sld [smem:$0x3FDB];
	_ =	sdelay $0x1  }
0x99: {  	s4 =	simm.s32 $_scs_section_size  }
0x9a: {  	s5 =	simm.s32 $_size__tile_overlayer_lowered;
	s6 =	simm.s32 $_tile_overlayer_lowered  }
0x9b: {  	s22 =	simm.s32 $0x1BFF;
	s21 =	sshll.u32 s6, $0x1;
	s3 =	sadd.s32 s4, s19  }
0x9c: {  	s7 =	simm.s32 $0x0;
	s20 =	sshll.u32 s5, $0x1;
	s5 =	sadd.s32 s21, s3  }
0x9d: {  	[timem:s7], [sflag:s22] =	dma.local [hbm:s5], s20  }
0x9e: {  	_ =	swait.ge [sflag:s22], s20  }
0x9f: {  	s4 =	ssub.s32 $0x0, s20;
	[sflag:s22] =	ssyncset.done $0x0  }
0xa0: {  	[sflag:s22] =	ssyncadd.s32 s4;
	_ =	sdelay $0x1  }
0xa1: {  	s23 =	simm.s32 $0x1B8B  }
0xa2: {  	_ =	swait.ge [sflag:s23], $0x1  }
0xa3: {  	[sflag:s23] =	ssyncset.done $0x0  }
0xa4: {  	s25 =	simm.s32 $0x1B8E;
	s24 =	sld [smem:$0x3FFE];
	[sflag:s23] =	ssyncadd.s32 $0xFFFFFFFF  }
0xa5: {  	s26 =	simm.s32 $execute0_lowered;
	[smem:$0x3FD2] =	sst s25  }
0xa6: {  	s5 =	sshll.u32 s26, $0x1;
	_ =	strace $0x8000004C;
	[dreg:$0x1] =	wrdreg $0xFFFFFFFF  }
0xa7: {  	s28 =	simm.s32 $_size_execute0_lowered;
	s3 =	sadd.s32 s3, s5;
	[dreg:$0x0] =	wrdreg $0x0  }
0xa8: {  	s5 =	sshll.u32 s28, $0x1;
	[dreg:$0x2] =	wrdreg s3  }
0xa9: {  	[dreg:$0x3] =	wrdreg s5  }
0xaa: {  	[dreg:$0x4] =	wrdreg $0xC0  }
0xab: {  	_ =	task [dreg:s7], $0x5FFFF  }
0xac: {  	[dreg:$0x1] =	wrdreg $0xFFFFFFFF  }
0xad: {  	[dreg:$0x0] =	wrdreg $0x60  }
0xae: {  	[dreg:$0x2] =	wrdreg s24  }
0xaf: {  	[dreg:$0x3] =	wrdreg s2  }
0xb0: {  	[dreg:$0x4] =	wrdreg $0xB0000  }
0xb1: {  	[dreg:$0x5] =	wrdreg $0x9  }
0xb2: {  	_ =	task.clear_ibuf [dreg:s7], $0x6FFFF;
	_ =	strace $0x9000004C  }
0xb3: {  	s29 =	simm.s32 $0x9;
	_ =	strace $0x8000004E  }
0xb4: {  	_ =	swait.ge [sflag:s29], $0x1  }
0xb5: {  	[sflag:s29] =	ssyncadd.s32 $0xFFFFFFFF  }
0xb6: {  	_ =	strace $0x9000004E  }
0xb7: {  	_ =	sfence  }
0xb8: {  	s30 =	sld [smem:$0x0];
	_ =	sdelay $0x2  }
0xb9: {  	s31 =	sshll.u32 s1, $0xD;
	s1 =	sshrl.u32 s1, $0x2  }
0xba: {  	s3 =	sand.u32 $0x4000, s31;
	s1 =	sadd.s32 s1, s30  }
0xbb: {  	s0 =	sor.u32 s3, s0;
	s1 =	sshll.u32 s1, $0x11  }
0xbc: {  	s0 =	sor.u32 s1, s0  }
0xbd: {  	s0 =	sadd.s32 $0x8F2B, s0  }
0xbe: {  	[sflag:s0] =	ssyncadd.remote.s32 $0x1  }
0xbf: {  	_ =	sfence.sel $0xFFFF  }
0xc0: {  	[dreg:$0x0] =	wrdreg $0xFFFFFFFF;
	(pc) =	sbr.abs _section_cstart, $3  }
0xc1: {  	[dreg:$0x1] =	wrdreg $0xFFFFFFFF  }
0xc2: {  	_ =	task.clear_ibuf [dreg:s7], $0x2FFFF;
	_ =	strace $0x9FFFFFFF  }
0xc3: {  	(tm) =	ssettm $0x7FFFFFFF  }
tec
execute0_lowered:
.L_overlay_start_1:
0x0: {  	(tag) =	ssettag $0x1  }
0x1: {  	s0 =	rddreg [dreg:$0x0]  }
0x2: {  	s6 =	rddreg [dreg:$0x1]  }
0x3: {  	s1 =	rddreg [dreg:$0x2];
	s3 =	simm.s32 $0x0  }
0x4: {  	s5 =	srdreg.scid;
	s2 =	stileid.u32;
	s28 =	simm.s32 $0x7000  }
0x5: {  	s29 =	simm.s32 $0x1;
	s30 =	simm.s32 $0x2;
	s18 =	smul.u32 $0x50000, s2  }
0x6: {  	s31 =	simm.s32 $0x3;
	[smem:$0x7FF] =	sst s3;
	s10 =	smul.u32 $0x1800, s2  }
0x7: {  	s4 =	sadd.s32 $0x2800, s0;
	s7 =	sand.u32 $0x1, s5;
	s12 =	smul.u32 $0x14000, s2  }
0x8: {  	s8 =	sadd.s32 $0xAC800, s0;
	s0 =	sadd.s32 $0xB8800, s0;
	s20 =	smul.u32 $0x300, s2  }
0x9: {  	s22 =	smul.u32 $0x2800, s2;
	_ =	strace $0x8000004D;
	s9 =	ssub.s32 $0x2, s7  }
0xa: {  	p0 =	seq.s32 s7, $0x0;
	s11 =	sshrl.u32 s9, $0x1;
	s5 =	sshrl.u32 s18, $0x2  }
0xb: {  	s10 =	sshrl.u32 s10, $0x3;
	s12 =	sshrl.u32 s12, $0x3;
	s23 =	sadd.s32 s6, s20  }
0xc: {  	s9 =	ssub.s32 s9, s11;
	s5 =	sadd.s32 s5, s1;
	s19 =	sadd.s32 $0x6000, s10  }
0xd: {  	s17 =	sadd.s32 s0, s12;
	[dreg:$0x7] =	wrdreg s23;
	s12 =	sadd.s32 s8, s20  }
0xe: {  	s24 =	sadd.s32 $0x3000, s10;
	s0 =	sadd.s32 s0, s22;
	s26 =	sadd.s32 $0x9000, s10  }
0xf: {  	s23 =	simm.s32 $0x3000;
	s13 =	sadd.s32 s6, s19;
	[dreg:$0x8] =	wrdreg s12  }
0x10: {  	s11 =	sadd.s32 s8, s19;
	s21 =	sadd.s32 $0x50000, s17;
	[dreg:$0x9] =	wrdreg s0  }
0x11: {  	s25 =	sadd.s32 s6, s24;
	s14 =	sadd.s32 $0x28000, s17;
	s15 =	sadd.s32 s6, s26  }
0x12: {  	s16 =	sadd.s32 s8, s26;
	s17 =	sadd.s32 $0x78000, s17;
	s18 =	smax.u32 s9, $0x1  }
.Ltmp0:
0x13: {  	s19 =	sadd.s32 $0x4000, s5;
	[dreg:$0x4] =	wrdreg s13;
	(pc) =	sbr.rel .LBB2_1-.Ltmp0, $4  }
0x14: {  	s20 =	sadd.s32 $0x8000, s5;
	s22 =	sadd.s32 $0x10000, s5;
	[dreg:$0x5] =	wrdreg s11  }
0x15: {  	s26 =	simm.s32 $0x80;
	s0 =	simm.s32 $0x4;
	[dreg:$0x6] =	wrdreg s21  }
0x16: {  	s6 =	simm.s32 $0x0;
	[dreg:$0xa] =	wrdreg s25;
	s13 =	sadd.s32 s8, s24  }
0x17: {  	v0 =	vimm.f32 $0.0e+00;
	s21 =	sadd.s32 $0xC000, s5;
	s24 =	simm.s32 $0x5;
	s25 =	simm.s32 $0x1800  }
.LBB2_17:
0x18: {  	s9 =	sshra.s32 s9, $0x2;
	[sflag:s0] =	ssyncadd.s32 $0xFFFFC000  }
0x19: {  	[tilespmem:s23], [sflag:$0x1] =	stream.indirect.gather [hbm4b:s4+s26], $0x80, s9, s26, $0xb8;
	[tilespmem:$0x1F000] =	vst v63  }
0x1a: {  	s10 =	sadd.s32 $0x80, s9  }
0x1b: {  	[tilespmem:s28], [sflag:$0x2] =	stream.indirect.gather [hbm4b:s4+s26], $0x80, s10, s26, $0xb8;
	[tilespmem:$0x1F000] =	vst v63  }
0x1c: {  	_ =	swait.ge [sflag:s29], $0x4000  }
0x1d: {  	[sflag:s29] =	ssyncset.done $0x0  }
0x1e: {  	s12 =	sadd.s32 $0x1800, s9;
	[sflag:s29] =	ssyncadd.s32 $0xFFFFC000  }
0x1f: {  	[spmem:s1] =	stream.indirect.scatter.add.f32 [tilespmem:s23], [sflag:$0x3], $0x80, s12, s26, $0xb8;
	[tilespmem:$0x1F000] =	vst v63  }
0x20: {  	_ =	swait.ge [sflag:s30], $0x4000  }
0x21: {  	[sflag:s30] =	ssyncset.done $0x0  }
0x22: {  	s9 =	sadd.s32 $0x1880, s9;
	[sflag:s30] =	ssyncadd.s32 $0xFFFFC000  }
0x23: {  	[spmem:s1] =	stream.indirect.scatter.add.f32 [tilespmem:s28], [sflag:$0x4], $0x80, s9, s26, $0xb8;
	[tilespmem:$0x1F000] =	vst v63  }
0x24: {  	_ =	swait.ge [sflag:s31], $0x4000  }
0x25: {  	[sflag:s31] =	ssyncset.done $0x0  }
0x26: {  	[sflag:s31] =	ssyncadd.s32 $0xFFFFC000  }
0x27: {  	_ =	swait.ge [sflag:s0], $0x4000  }
0x28: {  	[sflag:s0] =	ssyncset.done $0x0  }
0x29: {  	[sflag:s0] =	ssyncadd.s32 $0xFFFFC000  }
0x2a: {  	[bflag:$0x0] =	sbarrier.arrive $0xFFFF  }
0x2b: {  	[hbm:s17], [sflag:s7] =	dma.local [spmem:s8], $0x2800  }
.LBB2_18:
0x2c: {  	s6 =	sadd.s32 $0x1, s6  }
0x2d: {  	p1 =	sne.s32 s6, s18  }
.Ltmp1:
0x2e: {  	_ =	swait.ge [sflag:s24], $0x2800;
	(pc) =	sbr.rel @!p1 .LBB2_19-.Ltmp1, $3  }
0x2f: {  	[sflag:s24] =	ssyncset.done $0x0  }
0x30: {  	[sflag:s24] =	ssyncadd.s32 $0xFFFFD800  }
0x31: {  	[bflag:$0x0] =	sbarrier.arrive $0xFFFF;
	_ =	sdelay $0x1  }
.LBB2_1:
.Ltmp2:
0x32: {  	(pc) =	sbr.rel @!p0 .LBB2_10-.Ltmp2, $2  }
0x33: {  	_ =	sdelay $0x2  }
0x34: {  	s7 =	sshra.s32 s3, $0x2;
	s8 =	sadd.s32 $0x200, s3  }
.LBB2_2:
0x35: {  	p1 =	seq.s32 s8, $0xFE00;
	[tilespmem:s7+$0x3070] =	vst v0  }
0x36: {  	[tilespmem:s7+$0x3000] =	vst v0  }
0x37: {  	[tilespmem:s7+$0x3010] =	vst v0  }
.Ltmp3:
0x38: {  	[tilespmem:s7+$0x3020] =	vst v0;
	(pc) =	sbr.rel @!p1 .LBB2_2-.Ltmp3, $4  }
0x39: {  	[tilespmem:s7+$0x3030] =	vst v0  }
0x3a: {  	[tilespmem:s7+$0x3040] =	vst v0  }
0x3b: {  	[tilespmem:s7+$0x3050] =	vst v0  }
0x3c: {  	[tilespmem:s7+$0x3060] =	vst v0;
	s7 =	sshra.s32 s8, $0x2;
	s8 =	sadd.s32 $0x200, s8  }
0x3d: {  	[tilespmem:s7+$0x3070] =	vst v0  }
0x3e: {  	[tilespmem:s7+$0x3000] =	vst v0  }
0x3f: {  	[tilespmem:s7+$0x3010] =	vst v0  }
0x40: {  	[tilespmem:s7+$0x3020] =	vst v0  }
0x41: {  	[tilespmem:s7+$0x3030] =	vst v0  }
0x42: {  	[tilespmem:s7+$0x3040] =	vst v0  }
0x43: {  	[tilespmem:s7+$0x3050] =	vst v0  }
0x44: {  	[tilespmem:s7+$0x3060] =	vst v0  }
0x45: {  	[spmem:s5] =	stream.linear.scatter [tilespmem:s23], [sflag:$0x5], $0x4000, $0x38;
	[tilespmem:$0x1F000] =	vst v63  }
0x46: {  	_ =	swait.ge [sflag:s24], $0x4000  }
0x47: {  	[sflag:s24] =	ssyncset.done $0x0  }
0x48: {  	[sflag:s24] =	ssyncadd.s32 $0xFFFFC000  }
0x49: {  	[spmem:s19] =	stream.linear.scatter [tilespmem:s23], [sflag:$0x5], $0x4000, $0x38;
	[tilespmem:$0x1F000] =	vst v63  }
0x4a: {  	_ =	swait.ge [sflag:s24], $0x4000  }
0x4b: {  	[sflag:s24] =	ssyncset.done $0x0  }
0x4c: {  	[sflag:s24] =	ssyncadd.s32 $0xFFFFC000  }
0x4d: {  	[spmem:s20] =	stream.linear.scatter [tilespmem:s23], [sflag:$0x5], $0x4000, $0x38;
	[tilespmem:$0x1F000] =	vst v63  }
0x4e: {  	_ =	swait.ge [sflag:s24], $0x4000  }
0x4f: {  	[sflag:s24] =	ssyncset.done $0x0  }
0x50: {  	[sflag:s24] =	ssyncadd.s32 $0xFFFFC000  }
0x51: {  	[spmem:s21] =	stream.linear.scatter [tilespmem:s23], [sflag:$0x5], $0x4000, $0x38;
	[tilespmem:$0x1F000] =	vst v63  }
0x52: {  	_ =	swait.ge [sflag:s24], $0x4000  }
0x53: {  	[sflag:s24] =	ssyncset.done $0x0  }
0x54: {  	[sflag:s24] =	ssyncadd.s32 $0xFFFFC000  }
0x55: {  	[spmem:s22] =	stream.linear.scatter [tilespmem:s23], [sflag:$0x5], $0x4000, $0x38;
	[tilespmem:$0x1F000] =	vst v63  }
0x56: {  	_ =	swait.ge [sflag:s24], $0x4000  }
0x57: {  	[sflag:s24] =	ssyncset.done $0x0  }
0x58: {  	s11 =	simm.s32 $0x0;
	s8 =	rddreg [dreg:$0x7];
	[sflag:s24] =	ssyncadd.s32 $0xFFFFC000  }
0x59: {  	[tilespmem:s11], [sflag:$0x5] =	stream.linear.gather [hbm4b:s8+s11], $0x1600, $0x38;
	[tilespmem:$0x1F000] =	vst v63  }
0x5a: {  	_ =	swait.ge [sflag:s24], $0x1600  }
0x5b: {  	[sflag:s24] =	ssyncset.done $0x0  }
0x5c: {  	s12 =	rddreg [dreg:$0x8];
	[sflag:s24] =	ssyncadd.s32 $0xFFFFEA00  }
0x5d: {  	[tilespmem:s25], [sflag:$0x5] =	stream.linear.gather [hbm4b:s12+s11], $0x1600, $0x38;
	[tilespmem:$0x1F000] =	vst v63  }
0x5e: {  	_ =	swait.ge [sflag:s24], $0x1600  }
0x5f: {  	[sflag:s24] =	ssyncset.done $0x0  }
0x60: {  	[sflag:s24] =	ssyncadd.s32 $0xFFFFEA00  }
0x61: {  	s9 =	simm.s32 $0x0;
	[bflag:$0x0] =	sbarrier.arrive $0xFFFF  }
0x62: {  	[tilespmem:s23], [sflag:$0x1] =	stream.indirect.gather [hbm4b:s4+s26], $0x80, s9, s26, $0xb8;
	[tilespmem:$0x1F000] =	vst v63  }
0x63: {  	s10 =	simm.s32 $0x80  }
0x64: {  	[tilespmem:s28], [sflag:$0x2] =	stream.indirect.gather [hbm4b:s4+s26], $0x80, s10, s26, $0xb8;
	[tilespmem:$0x1F000] =	vst v63  }
0x65: {  	_ =	swait.ge [sflag:s29], $0x4000  }
0x66: {  	[sflag:s29] =	ssyncset.done $0x0  }
0x67: {  	s11 =	simm.s32 $0x1800;
	[sflag:s29] =	ssyncadd.s32 $0xFFFFC000  }
0x68: {  	[spmem:s1] =	stream.indirect.scatter.add.f32 [tilespmem:s23], [sflag:$0x3], $0x80, s11, s26, $0xb8;
	[tilespmem:$0x1F000] =	vst v63  }
0x69: {  	_ =	swait.ge [sflag:s30], $0x4000  }
0x6a: {  	[sflag:s30] =	ssyncset.done $0x0  }
0x6b: {  	s12 =	simm.s32 $0x1880;
	[sflag:s30] =	ssyncadd.s32 $0xFFFFC000  }
0x6c: {  	[spmem:s1] =	stream.indirect.scatter.add.f32 [tilespmem:s28], [sflag:$0x4], $0x80, s12, s26, $0xb8;
	[tilespmem:$0x1F000] =	vst v63  }
0x6d: {  	_ =	swait.ge [sflag:s31], $0x4000  }
0x6e: {  	[sflag:s31] =	ssyncset.done $0x0  }
0x6f: {  	[sflag:s31] =	ssyncadd.s32 $0xFFFFC000  }
0x70: {  	_ =	swait.ge [sflag:s0], $0x4000  }
0x71: {  	s7 =	simm.s32 $0x400;
	s8 =	simm.s32 $0x800;
	[sflag:s0] =	ssyncset.done $0x0  }
.LBB2_4:
0x72: {  	s9 =	sshra.s32 s7, $0x2  }
0x73: {  	[sflag:s0] =	ssyncadd.s32 $0xFFFFC000;
	s7 =	smov.u32 s8;
	s10 =	sadd.s32 $0x400, s8  }
0x74: {  	[tilespmem:s23], [sflag:$0x1] =	stream.indirect.gather [hbm4b:s4+s26], $0x80, s9, s26, $0xb8;
	[tilespmem:$0x1F000] =	vst v63  }
0x75: {  	p1 =	sne.s32 s8, $0x5400;
	s8 =	sadd.s32 $0x80, s9  }
0x76: {  	[tilespmem:s28], [sflag:$0x2] =	stream.indirect.gather [hbm4b:s4+s26], $0x80, s8, s26, $0xb8;
	[tilespmem:$0x1F000] =	vst v63  }
0x77: {  	_ =	swait.ge [sflag:s29], $0x4000  }
0x78: {  	[sflag:s29] =	ssyncset.done $0x0  }
0x79: {  	s8 =	sadd.s32 $0x1800, s9;
	[sflag:s29] =	ssyncadd.s32 $0xFFFFC000  }
0x7a: {  	[spmem:s1] =	stream.indirect.scatter.add.f32 [tilespmem:s23], [sflag:$0x3], $0x80, s8, s26, $0xb8;
	[tilespmem:$0x1F000] =	vst v63  }
0x7b: {  	_ =	swait.ge [sflag:s30], $0x4000  }
0x7c: {  	[sflag:s30] =	ssyncset.done $0x0  }
0x7d: {  	s8 =	sadd.s32 $0x1880, s9;
	[sflag:s30] =	ssyncadd.s32 $0xFFFFC000  }
0x7e: {  	[spmem:s1] =	stream.indirect.scatter.add.f32 [tilespmem:s28], [sflag:$0x4], $0x80, s8, s26, $0xb8;
	[tilespmem:$0x1F000] =	vst v63  }
.Ltmp4:
0x7f: {  	_ =	swait.ge [sflag:s31], $0x4000;
	(pc) =	sbr.rel @p1 .LBB2_4-.Ltmp4, $4  }
0x80: {  	[sflag:s31] =	ssyncset.done $0x0  }
0x81: {  	[sflag:s31] =	ssyncadd.s32 $0xFFFFC000  }
0x82: {  	_ =	swait.ge [sflag:s0], $0x4000  }
0x83: {  	s8 =	smov.u32 s10;
	[sflag:s0] =	ssyncset.done $0x0  }
0x84: {  	s7 =	sshra.s32 s7, $0x2;
	[sflag:s0] =	ssyncadd.s32 $0xFFFFC000  }
0x85: {  	[tilespmem:s23], [sflag:$0x1] =	stream.indirect.gather [hbm4b:s4+s26], $0x80, s7, s26, $0xb8;
	[tilespmem:$0x1F000] =	vst v63  }
0x86: {  	s8 =	sadd.s32 $0x80, s7  }
0x87: {  	[tilespmem:s28], [sflag:$0x2] =	stream.indirect.gather [hbm4b:s4+s26], $0x80, s8, s26, $0xb8;
	[tilespmem:$0x1F000] =	vst v63  }
0x88: {  	_ =	swait.ge [sflag:s29], $0x4000  }
0x89: {  	[sflag:s29] =	ssyncset.done $0x0  }
0x8a: {  	s11 =	sadd.s32 $0x1800, s7;
	[sflag:s29] =	ssyncadd.s32 $0xFFFFC000  }
0x8b: {  	[spmem:s1] =	stream.indirect.scatter.add.f32 [tilespmem:s23], [sflag:$0x3], $0x80, s11, s26, $0xb8;
	[tilespmem:$0x1F000] =	vst v63  }
0x8c: {  	_ =	swait.ge [sflag:s30], $0x4000  }
0x8d: {  	[sflag:s30] =	ssyncset.done $0x0  }
0x8e: {  	s7 =	sadd.s32 $0x1880, s7;
	[sflag:s30] =	ssyncadd.s32 $0xFFFFC000  }
0x8f: {  	[spmem:s1] =	stream.indirect.scatter.add.f32 [tilespmem:s28], [sflag:$0x4], $0x80, s7, s26, $0xb8;
	[tilespmem:$0x1F000] =	vst v63  }
0x90: {  	_ =	swait.ge [sflag:s31], $0x4000  }
0x91: {  	[sflag:s31] =	ssyncset.done $0x0  }
0x92: {  	[sflag:s31] =	ssyncadd.s32 $0xFFFFC000  }
0x93: {  	_ =	swait.ge [sflag:s0], $0x4000  }
0x94: {  	[sflag:s0] =	ssyncset.done $0x0  }
0x95: {  	[sflag:s0] =	ssyncadd.s32 $0xFFFFC000  }
0x96: {  	s12 =	sshll.u32 s2, $0x6;
	[bflag:$0x0] =	sbarrier.arrive $0xFFFF  }
0x97: {  	s8 =	sshrl.u32 s5, $0x3;
	s7 =	sor.u32 $0x1C05, s12;
	s9 =	rddreg [dreg:$0x9]  }
0x98: {  	[hbm:s9], [sflag:s7] =	dma.local [spmem:s8], $0x2800  }
0x99: {  	_ =	swait.ge [sflag:s24], $0x2800  }
0x9a: {  	[sflag:s24] =	ssyncset.done $0x0  }
0x9b: {  	[sflag:s24] =	ssyncadd.s32 $0xFFFFD800  }
0x9c: {  	s10 =	simm.s32 $0x200;
	s9 =	simm.s32 $0x0;
	[bflag:$0x0] =	sbarrier.arrive $0xFFFF  }
.LBB2_6:
0x9d: {  	p1 =	seq.s32 s10, $0xFE00;
	[tilespmem:s9+$0x3070] =	vst v0  }
0x9e: {  	[tilespmem:s9+$0x3000] =	vst v0  }
0x9f: {  	[tilespmem:s9+$0x3010] =	vst v0  }
.Ltmp5:
0xa0: {  	[tilespmem:s9+$0x3020] =	vst v0;
	(pc) =	sbr.rel @!p1 .LBB2_6-.Ltmp5, $4  }
0xa1: {  	[tilespmem:s9+$0x3030] =	vst v0  }
0xa2: {  	[tilespmem:s9+$0x3040] =	vst v0  }
0xa3: {  	[tilespmem:s9+$0x3050] =	vst v0  }
0xa4: {  	[tilespmem:s9+$0x3060] =	vst v0;
	s9 =	sshra.s32 s10, $0x2;
	s10 =	sadd.s32 $0x200, s10  }
0xa5: {  	[tilespmem:s9+$0x3070] =	vst v0  }
0xa6: {  	[tilespmem:s9+$0x3000] =	vst v0  }
0xa7: {  	[tilespmem:s9+$0x3010] =	vst v0  }
0xa8: {  	[tilespmem:s9+$0x3020] =	vst v0  }
0xa9: {  	[tilespmem:s9+$0x3030] =	vst v0  }
0xaa: {  	[tilespmem:s9+$0x3040] =	vst v0  }
0xab: {  	[tilespmem:s9+$0x3050] =	vst v0  }
0xac: {  	[tilespmem:s9+$0x3060] =	vst v0  }
0xad: {  	[spmem:s5] =	stream.linear.scatter [tilespmem:s23], [sflag:$0x5], $0x4000, $0x38;
	[tilespmem:$0x1F000] =	vst v63  }
0xae: {  	_ =	swait.ge [sflag:s24], $0x4000  }
0xaf: {  	[sflag:s24] =	ssyncset.done $0x0  }
0xb0: {  	[sflag:s24] =	ssyncadd.s32 $0xFFFFC000  }
0xb1: {  	[spmem:s19] =	stream.linear.scatter [tilespmem:s23], [sflag:$0x5], $0x4000, $0x38;
	[tilespmem:$0x1F000] =	vst v63  }
0xb2: {  	_ =	swait.ge [sflag:s24], $0x4000  }
0xb3: {  	[sflag:s24] =	ssyncset.done $0x0  }
0xb4: {  	[sflag:s24] =	ssyncadd.s32 $0xFFFFC000  }
0xb5: {  	[spmem:s20] =	stream.linear.scatter [tilespmem:s23], [sflag:$0x5], $0x4000, $0x38;
	[tilespmem:$0x1F000] =	vst v63  }
0xb6: {  	_ =	swait.ge [sflag:s24], $0x4000  }
0xb7: {  	[sflag:s24] =	ssyncset.done $0x0  }
0xb8: {  	[sflag:s24] =	ssyncadd.s32 $0xFFFFC000  }
0xb9: {  	[spmem:s21] =	stream.linear.scatter [tilespmem:s23], [sflag:$0x5], $0x4000, $0x38;
	[tilespmem:$0x1F000] =	vst v63  }
0xba: {  	_ =	swait.ge [sflag:s24], $0x4000  }
0xbb: {  	[sflag:s24] =	ssyncset.done $0x0  }
0xbc: {  	[sflag:s24] =	ssyncadd.s32 $0xFFFFC000  }
0xbd: {  	[spmem:s22] =	stream.linear.scatter [tilespmem:s23], [sflag:$0x5], $0x4000, $0x38;
	[tilespmem:$0x1F000] =	vst v63  }
0xbe: {  	_ =	swait.ge [sflag:s24], $0x4000  }
0xbf: {  	[sflag:s24] =	ssyncset.done $0x0  }
0xc0: {  	s11 =	simm.s32 $0x0;
	s10 =	rddreg [dreg:$0xa];
	[sflag:s24] =	ssyncadd.s32 $0xFFFFC000  }
0xc1: {  	[tilespmem:s11], [sflag:$0x5] =	stream.linear.gather [hbm4b:s10+s11], $0x1600, $0x38;
	[tilespmem:$0x1F000] =	vst v63  }
0xc2: {  	_ =	swait.ge [sflag:s24], $0x1600  }
0xc3: {  	[sflag:s24] =	ssyncset.done $0x0  }
0xc4: {  	[sflag:s24] =	ssyncadd.s32 $0xFFFFEA00  }
0xc5: {  	[tilespmem:s25], [sflag:$0x5] =	stream.linear.gather [hbm4b:s13+s11], $0x1600, $0x38;
	[tilespmem:$0x1F000] =	vst v63  }
0xc6: {  	_ =	swait.ge [sflag:s24], $0x1600  }
0xc7: {  	[sflag:s24] =	ssyncset.done $0x0  }
0xc8: {  	[sflag:s24] =	ssyncadd.s32 $0xFFFFEA00  }
0xc9: {  	s12 =	simm.s32 $0x0;
	[bflag:$0x0] =	sbarrier.arrive $0xFFFF  }
0xca: {  	[tilespmem:s23], [sflag:$0x1] =	stream.indirect.gather [hbm4b:s4+s26], $0x80, s12, s26, $0xb8;
	[tilespmem:$0x1F000] =	vst v63  }
0xcb: {  	s10 =	simm.s32 $0x80  }
0xcc: {  	[tilespmem:s28], [sflag:$0x2] =	stream.indirect.gather [hbm4b:s4+s26], $0x80, s10, s26, $0xb8;
	[tilespmem:$0x1F000] =	vst v63  }
0xcd: {  	_ =	swait.ge [sflag:s29], $0x4000  }
0xce: {  	[sflag:s29] =	ssyncset.done $0x0  }
0xcf: {  	s11 =	simm.s32 $0x1800;
	[sflag:s29] =	ssyncadd.s32 $0xFFFFC000  }
0xd0: {  	[spmem:s1] =	stream.indirect.scatter.add.f32 [tilespmem:s23], [sflag:$0x3], $0x80, s11, s26, $0xb8;
	[tilespmem:$0x1F000] =	vst v63  }
0xd1: {  	_ =	swait.ge [sflag:s30], $0x4000  }
0xd2: {  	[sflag:s30] =	ssyncset.done $0x0  }
0xd3: {  	s12 =	simm.s32 $0x1880;
	[sflag:s30] =	ssyncadd.s32 $0xFFFFC000  }
0xd4: {  	[spmem:s1] =	stream.indirect.scatter.add.f32 [tilespmem:s28], [sflag:$0x4], $0x80, s12, s26, $0xb8;
	[tilespmem:$0x1F000] =	vst v63  }
0xd5: {  	_ =	swait.ge [sflag:s31], $0x4000  }
0xd6: {  	[sflag:s31] =	ssyncset.done $0x0  }
0xd7: {  	[sflag:s31] =	ssyncadd.s32 $0xFFFFC000  }
0xd8: {  	_ =	swait.ge [sflag:s0], $0x4000  }
0xd9: {  	s9 =	simm.s32 $0x400;
	s10 =	simm.s32 $0x800;
	[sflag:s0] =	ssyncset.done $0x0  }
.LBB2_8:
0xda: {  	s11 =	sshra.s32 s9, $0x2  }
0xdb: {  	[sflag:s0] =	ssyncadd.s32 $0xFFFFC000;
	s9 =	smov.u32 s10;
	s12 =	sadd.s32 $0x400, s10  }
0xdc: {  	[tilespmem:s23], [sflag:$0x1] =	stream.indirect.gather [hbm4b:s4+s26], $0x80, s11, s26, $0xb8;
	[tilespmem:$0x1F000] =	vst v63  }
0xdd: {  	p1 =	sne.s32 s10, $0x5400;
	s10 =	sadd.s32 $0x80, s11  }
0xde: {  	[tilespmem:s28], [sflag:$0x2] =	stream.indirect.gather [hbm4b:s4+s26], $0x80, s10, s26, $0xb8;
	[tilespmem:$0x1F000] =	vst v63  }
0xdf: {  	_ =	swait.ge [sflag:s29], $0x4000  }
0xe0: {  	[sflag:s29] =	ssyncset.done $0x0  }
0xe1: {  	s10 =	sadd.s32 $0x1800, s11;
	[sflag:s29] =	ssyncadd.s32 $0xFFFFC000  }
0xe2: {  	[spmem:s1] =	stream.indirect.scatter.add.f32 [tilespmem:s23], [sflag:$0x3], $0x80, s10, s26, $0xb8;
	[tilespmem:$0x1F000] =	vst v63  }
0xe3: {  	_ =	swait.ge [sflag:s30], $0x4000  }
0xe4: {  	[sflag:s30] =	ssyncset.done $0x0  }
0xe5: {  	s10 =	sadd.s32 $0x1880, s11;
	[sflag:s30] =	ssyncadd.s32 $0xFFFFC000  }
0xe6: {  	[spmem:s1] =	stream.indirect.scatter.add.f32 [tilespmem:s28], [sflag:$0x4], $0x80, s10, s26, $0xb8;
	[tilespmem:$0x1F000] =	vst v63  }
.Ltmp6:
0xe7: {  	_ =	swait.ge [sflag:s31], $0x4000;
	(pc) =	sbr.rel @p1 .LBB2_8-.Ltmp6, $4  }
0xe8: {  	[sflag:s31] =	ssyncset.done $0x0  }
0xe9: {  	[sflag:s31] =	ssyncadd.s32 $0xFFFFC000  }
0xea: {  	_ =	swait.ge [sflag:s0], $0x4000  }
0xeb: {  	s10 =	smov.u32 s12;
	[sflag:s0] =	ssyncset.done $0x0  }
0xec: {  	s9 =	sshra.s32 s9, $0x2;
	[sflag:s0] =	ssyncadd.s32 $0xFFFFC000  }
0xed: {  	[tilespmem:s23], [sflag:$0x1] =	stream.indirect.gather [hbm4b:s4+s26], $0x80, s9, s26, $0xb8;
	[tilespmem:$0x1F000] =	vst v63  }
0xee: {  	s10 =	sadd.s32 $0x80, s9  }
0xef: {  	[tilespmem:s28], [sflag:$0x2] =	stream.indirect.gather [hbm4b:s4+s26], $0x80, s10, s26, $0xb8;
	[tilespmem:$0x1F000] =	vst v63  }
0xf0: {  	_ =	swait.ge [sflag:s29], $0x4000  }
0xf1: {  	[sflag:s29] =	ssyncset.done $0x0  }
0xf2: {  	s12 =	sadd.s32 $0x1800, s9;
	[sflag:s29] =	ssyncadd.s32 $0xFFFFC000  }
0xf3: {  	[spmem:s1] =	stream.indirect.scatter.add.f32 [tilespmem:s23], [sflag:$0x3], $0x80, s12, s26, $0xb8;
	[tilespmem:$0x1F000] =	vst v63  }
0xf4: {  	_ =	swait.ge [sflag:s30], $0x4000  }
0xf5: {  	[sflag:s30] =	ssyncset.done $0x0  }
0xf6: {  	s9 =	sadd.s32 $0x1880, s9;
	[sflag:s30] =	ssyncadd.s32 $0xFFFFC000  }
0xf7: {  	[spmem:s1] =	stream.indirect.scatter.add.f32 [tilespmem:s28], [sflag:$0x4], $0x80, s9, s26, $0xb8;
	[tilespmem:$0x1F000] =	vst v63  }
0xf8: {  	_ =	swait.ge [sflag:s31], $0x4000  }
0xf9: {  	[sflag:s31] =	ssyncset.done $0x0  }
0xfa: {  	[sflag:s31] =	ssyncadd.s32 $0xFFFFC000  }
.Ltmp7:
0xfb: {  	_ =	swait.ge [sflag:s0], $0x4000;
	(pc) =	sbr.rel .LBB2_18-.Ltmp7, $4  }
0xfc: {  	[sflag:s0] =	ssyncset.done $0x0  }
0xfd: {  	[sflag:s0] =	ssyncadd.s32 $0xFFFFC000  }
0xfe: {  	[bflag:$0x0] =	sbarrier.arrive $0xFFFF  }
0xff: {  	[hbm:s14], [sflag:s7] =	dma.local [spmem:s8], $0x2800  }
.LBB2_10:
0x100: {  	p1 =	seq.s32 s8, $0xFE00;
	[tilespmem:s7+$0x3070] =	vst v0  }
0x101: {  	[tilespmem:s7+$0x3000] =	vst v0  }
0x102: {  	[tilespmem:s7+$0x3010] =	vst v0  }
.Ltmp8:
0x103: {  	[tilespmem:s7+$0x3020] =	vst v0;
	(pc) =	sbr.rel @!p1 .LBB2_10-.Ltmp8, $4  }
0x104: {  	[tilespmem:s7+$0x3030] =	vst v0  }
0x105: {  	[tilespmem:s7+$0x3040] =	vst v0  }
0x106: {  	[tilespmem:s7+$0x3050] =	vst v0  }
0x107: {  	[tilespmem:s7+$0x3060] =	vst v0;
	s7 =	sshra.s32 s8, $0x2;
	s8 =	sadd.s32 $0x200, s8  }
0x108: {  	[tilespmem:s7+$0x3070] =	vst v0  }
0x109: {  	[tilespmem:s7+$0x3000] =	vst v0  }
0x10a: {  	[tilespmem:s7+$0x3010] =	vst v0  }
0x10b: {  	[tilespmem:s7+$0x3020] =	vst v0  }
0x10c: {  	[tilespmem:s7+$0x3030] =	vst v0  }
0x10d: {  	[tilespmem:s7+$0x3040] =	vst v0  }
0x10e: {  	[tilespmem:s7+$0x3050] =	vst v0  }
0x10f: {  	[tilespmem:s7+$0x3060] =	vst v0  }
0x110: {  	[spmem:s5] =	stream.linear.scatter [tilespmem:s23], [sflag:$0x5], $0x4000, $0x38;
	[tilespmem:$0x1F000] =	vst v63  }
0x111: {  	_ =	swait.ge [sflag:s24], $0x4000  }
0x112: {  	[sflag:s24] =	ssyncset.done $0x0  }
0x113: {  	[sflag:s24] =	ssyncadd.s32 $0xFFFFC000  }
0x114: {  	[spmem:s19] =	stream.linear.scatter [tilespmem:s23], [sflag:$0x5], $0x4000, $0x38;
	[tilespmem:$0x1F000] =	vst v63  }
0x115: {  	_ =	swait.ge [sflag:s24], $0x4000  }
0x116: {  	[sflag:s24] =	ssyncset.done $0x0  }
0x117: {  	[sflag:s24] =	ssyncadd.s32 $0xFFFFC000  }
0x118: {  	[spmem:s20] =	stream.linear.scatter [tilespmem:s23], [sflag:$0x5], $0x4000, $0x38;
	[tilespmem:$0x1F000] =	vst v63  }
0x119: {  	_ =	swait.ge [sflag:s24], $0x4000  }
0x11a: {  	[sflag:s24] =	ssyncset.done $0x0  }
0x11b: {  	[sflag:s24] =	ssyncadd.s32 $0xFFFFC000  }
0x11c: {  	[spmem:s21] =	stream.linear.scatter [tilespmem:s23], [sflag:$0x5], $0x4000, $0x38;
	[tilespmem:$0x1F000] =	vst v63  }
0x11d: {  	_ =	swait.ge [sflag:s24], $0x4000  }
0x11e: {  	[sflag:s24] =	ssyncset.done $0x0  }
0x11f: {  	[sflag:s24] =	ssyncadd.s32 $0xFFFFC000  }
0x120: {  	[spmem:s22] =	stream.linear.scatter [tilespmem:s23], [sflag:$0x5], $0x4000, $0x38;
	[tilespmem:$0x1F000] =	vst v63  }
0x121: {  	_ =	swait.ge [sflag:s24], $0x4000  }
0x122: {  	[sflag:s24] =	ssyncset.done $0x0  }
0x123: {  	s11 =	simm.s32 $0x0;
	s8 =	rddreg [dreg:$0x4];
	[sflag:s24] =	ssyncadd.s32 $0xFFFFC000  }
0x124: {  	[tilespmem:s11], [sflag:$0x5] =	stream.linear.gather [hbm4b:s8+s11], $0x1600, $0x38;
	[tilespmem:$0x1F000] =	vst v63  }
0x125: {  	_ =	swait.ge [sflag:s24], $0x1600  }
0x126: {  	[sflag:s24] =	ssyncset.done $0x0  }
0x127: {  	s12 =	rddreg [dreg:$0x5];
	[sflag:s24] =	ssyncadd.s32 $0xFFFFEA00  }
0x128: {  	[tilespmem:s25], [sflag:$0x5] =	stream.linear.gather [hbm4b:s12+s11], $0x1600, $0x38;
	[tilespmem:$0x1F000] =	vst v63  }
0x129: {  	_ =	swait.ge [sflag:s24], $0x1600  }
0x12a: {  	[sflag:s24] =	ssyncset.done $0x0  }
0x12b: {  	[sflag:s24] =	ssyncadd.s32 $0xFFFFEA00  }
0x12c: {  	s9 =	simm.s32 $0x0;
	[bflag:$0x0] =	sbarrier.arrive $0xFFFF  }
0x12d: {  	[tilespmem:s23], [sflag:$0x1] =	stream.indirect.gather [hbm4b:s4+s26], $0x80, s9, s26, $0xb8;
	[tilespmem:$0x1F000] =	vst v63  }
0x12e: {  	s10 =	simm.s32 $0x80  }
0x12f: {  	[tilespmem:s28], [sflag:$0x2] =	stream.indirect.gather [hbm4b:s4+s26], $0x80, s10, s26, $0xb8;
	[tilespmem:$0x1F000] =	vst v63  }
0x130: {  	_ =	swait.ge [sflag:s29], $0x4000  }
0x131: {  	[sflag:s29] =	ssyncset.done $0x0  }
0x132: {  	s11 =	simm.s32 $0x1800;
	[sflag:s29] =	ssyncadd.s32 $0xFFFFC000  }
0x133: {  	[spmem:s1] =	stream.indirect.scatter.add.f32 [tilespmem:s23], [sflag:$0x3], $0x80, s11, s26, $0xb8;
	[tilespmem:$0x1F000] =	vst v63  }
0x134: {  	_ =	swait.ge [sflag:s30], $0x4000  }
0x135: {  	[sflag:s30] =	ssyncset.done $0x0  }
0x136: {  	s12 =	simm.s32 $0x1880;
	[sflag:s30] =	ssyncadd.s32 $0xFFFFC000  }
0x137: {  	[spmem:s1] =	stream.indirect.scatter.add.f32 [tilespmem:s28], [sflag:$0x4], $0x80, s12, s26, $0xb8;
	[tilespmem:$0x1F000] =	vst v63  }
0x138: {  	_ =	swait.ge [sflag:s31], $0x4000  }
0x139: {  	[sflag:s31] =	ssyncset.done $0x0  }
0x13a: {  	[sflag:s31] =	ssyncadd.s32 $0xFFFFC000  }
0x13b: {  	_ =	swait.ge [sflag:s0], $0x4000  }
0x13c: {  	s7 =	simm.s32 $0x400;
	s8 =	simm.s32 $0x800;
	[sflag:s0] =	ssyncset.done $0x0  }
.LBB2_12:
0x13d: {  	s9 =	sshra.s32 s7, $0x2  }
0x13e: {  	[sflag:s0] =	ssyncadd.s32 $0xFFFFC000;
	s7 =	smov.u32 s8;
	s10 =	sadd.s32 $0x400, s8  }
0x13f: {  	[tilespmem:s23], [sflag:$0x1] =	stream.indirect.gather [hbm4b:s4+s26], $0x80, s9, s26, $0xb8;
	[tilespmem:$0x1F000] =	vst v63  }
0x140: {  	p1 =	seq.s32 s8, $0x5400;
	s8 =	sadd.s32 $0x80, s9  }
0x141: {  	[tilespmem:s28], [sflag:$0x2] =	stream.indirect.gather [hbm4b:s4+s26], $0x80, s8, s26, $0xb8;
	[tilespmem:$0x1F000] =	vst v63  }
0x142: {  	_ =	swait.ge [sflag:s29], $0x4000  }
0x143: {  	[sflag:s29] =	ssyncset.done $0x0  }
0x144: {  	s8 =	sadd.s32 $0x1800, s9;
	[sflag:s29] =	ssyncadd.s32 $0xFFFFC000  }
0x145: {  	[spmem:s1] =	stream.indirect.scatter.add.f32 [tilespmem:s23], [sflag:$0x3], $0x80, s8, s26, $0xb8;
	[tilespmem:$0x1F000] =	vst v63  }
0x146: {  	_ =	swait.ge [sflag:s30], $0x4000  }
0x147: {  	[sflag:s30] =	ssyncset.done $0x0  }
0x148: {  	s8 =	sadd.s32 $0x1880, s9;
	[sflag:s30] =	ssyncadd.s32 $0xFFFFC000  }
0x149: {  	[spmem:s1] =	stream.indirect.scatter.add.f32 [tilespmem:s28], [sflag:$0x4], $0x80, s8, s26, $0xb8;
	[tilespmem:$0x1F000] =	vst v63  }
.Ltmp9:
0x14a: {  	_ =	swait.ge [sflag:s31], $0x4000;
	(pc) =	sbr.rel @!p1 .LBB2_12-.Ltmp9, $4  }
0x14b: {  	[sflag:s31] =	ssyncset.done $0x0  }
0x14c: {  	[sflag:s31] =	ssyncadd.s32 $0xFFFFC000  }
0x14d: {  	_ =	swait.ge [sflag:s0], $0x4000  }
0x14e: {  	s8 =	smov.u32 s10;
	[sflag:s0] =	ssyncset.done $0x0  }
0x14f: {  	s7 =	sshra.s32 s7, $0x2;
	[sflag:s0] =	ssyncadd.s32 $0xFFFFC000  }
0x150: {  	[tilespmem:s23], [sflag:$0x1] =	stream.indirect.gather [hbm4b:s4+s26], $0x80, s7, s26, $0xb8;
	[tilespmem:$0x1F000] =	vst v63  }
0x151: {  	s8 =	sadd.s32 $0x80, s7  }
0x152: {  	[tilespmem:s28], [sflag:$0x2] =	stream.indirect.gather [hbm4b:s4+s26], $0x80, s8, s26, $0xb8;
	[tilespmem:$0x1F000] =	vst v63  }
0x153: {  	_ =	swait.ge [sflag:s29], $0x4000  }
0x154: {  	[sflag:s29] =	ssyncset.done $0x0  }
0x155: {  	s11 =	sadd.s32 $0x1800, s7;
	[sflag:s29] =	ssyncadd.s32 $0xFFFFC000  }
0x156: {  	[spmem:s1] =	stream.indirect.scatter.add.f32 [tilespmem:s23], [sflag:$0x3], $0x80, s11, s26, $0xb8;
	[tilespmem:$0x1F000] =	vst v63  }
0x157: {  	_ =	swait.ge [sflag:s30], $0x4000  }
0x158: {  	[sflag:s30] =	ssyncset.done $0x0  }
0x159: {  	s7 =	sadd.s32 $0x1880, s7;
	[sflag:s30] =	ssyncadd.s32 $0xFFFFC000  }
0x15a: {  	[spmem:s1] =	stream.indirect.scatter.add.f32 [tilespmem:s28], [sflag:$0x4], $0x80, s7, s26, $0xb8;
	[tilespmem:$0x1F000] =	vst v63  }
0x15b: {  	_ =	swait.ge [sflag:s31], $0x4000  }
0x15c: {  	[sflag:s31] =	ssyncset.done $0x0  }
0x15d: {  	[sflag:s31] =	ssyncadd.s32 $0xFFFFC000  }
0x15e: {  	_ =	swait.ge [sflag:s0], $0x4000  }
0x15f: {  	[sflag:s0] =	ssyncset.done $0x0  }
0x160: {  	[sflag:s0] =	ssyncadd.s32 $0xFFFFC000  }
0x161: {  	s12 =	sshll.u32 s2, $0x6;
	[bflag:$0x0] =	sbarrier.arrive $0xFFFF  }
0x162: {  	s8 =	sshrl.u32 s5, $0x3;
	s7 =	sor.u32 $0x1C05, s12;
	s9 =	rddreg [dreg:$0x6]  }
0x163: {  	[hbm:s9], [sflag:s7] =	dma.local [spmem:s8], $0x2800  }
0x164: {  	_ =	swait.ge [sflag:s24], $0x2800  }
0x165: {  	[sflag:s24] =	ssyncset.done $0x0  }
0x166: {  	[sflag:s24] =	ssyncadd.s32 $0xFFFFD800  }
0x167: {  	s10 =	simm.s32 $0x200;
	s9 =	simm.s32 $0x0;
	[bflag:$0x0] =	sbarrier.arrive $0xFFFF  }
.LBB2_14:
0x168: {  	p1 =	seq.s32 s10, $0xFE00;
	[tilespmem:s9+$0x3070] =	vst v0  }
0x169: {  	[tilespmem:s9+$0x3000] =	vst v0  }
0x16a: {  	[tilespmem:s9+$0x3010] =	vst v0  }
.Ltmp10:
0x16b: {  	[tilespmem:s9+$0x3020] =	vst v0;
	(pc) =	sbr.rel @!p1 .LBB2_14-.Ltmp10, $4  }
0x16c: {  	[tilespmem:s9+$0x3030] =	vst v0  }
0x16d: {  	[tilespmem:s9+$0x3040] =	vst v0  }
0x16e: {  	[tilespmem:s9+$0x3050] =	vst v0  }
0x16f: {  	[tilespmem:s9+$0x3060] =	vst v0;
	s9 =	sshra.s32 s10, $0x2;
	s10 =	sadd.s32 $0x200, s10  }
0x170: {  	[tilespmem:s9+$0x3070] =	vst v0  }
0x171: {  	[tilespmem:s9+$0x3000] =	vst v0  }
0x172: {  	[tilespmem:s9+$0x3010] =	vst v0  }
0x173: {  	[tilespmem:s9+$0x3020] =	vst v0  }
0x174: {  	[tilespmem:s9+$0x3030] =	vst v0  }
0x175: {  	[tilespmem:s9+$0x3040] =	vst v0  }
0x176: {  	[tilespmem:s9+$0x3050] =	vst v0  }
0x177: {  	[tilespmem:s9+$0x3060] =	vst v0  }
0x178: {  	[spmem:s5] =	stream.linear.scatter [tilespmem:s23], [sflag:$0x5], $0x4000, $0x38;
	[tilespmem:$0x1F000] =	vst v63  }
0x179: {  	_ =	swait.ge [sflag:s24], $0x4000  }
0x17a: {  	[sflag:s24] =	ssyncset.done $0x0  }
0x17b: {  	[sflag:s24] =	ssyncadd.s32 $0xFFFFC000  }
0x17c: {  	[spmem:s19] =	stream.linear.scatter [tilespmem:s23], [sflag:$0x5], $0x4000, $0x38;
	[tilespmem:$0x1F000] =	vst v63  }
0x17d: {  	_ =	swait.ge [sflag:s24], $0x4000  }
0x17e: {  	[sflag:s24] =	ssyncset.done $0x0  }
0x17f: {  	[sflag:s24] =	ssyncadd.s32 $0xFFFFC000  }
0x180: {  	[spmem:s20] =	stream.linear.scatter [tilespmem:s23], [sflag:$0x5], $0x4000, $0x38;
	[tilespmem:$0x1F000] =	vst v63  }
0x181: {  	_ =	swait.ge [sflag:s24], $0x4000  }
0x182: {  	[sflag:s24] =	ssyncset.done $0x0  }
0x183: {  	[sflag:s24] =	ssyncadd.s32 $0xFFFFC000  }
0x184: {  	[spmem:s21] =	stream.linear.scatter [tilespmem:s23], [sflag:$0x5], $0x4000, $0x38;
	[tilespmem:$0x1F000] =	vst v63  }
0x185: {  	_ =	swait.ge [sflag:s24], $0x4000  }
0x186: {  	[sflag:s24] =	ssyncset.done $0x0  }
0x187: {  	[sflag:s24] =	ssyncadd.s32 $0xFFFFC000  }
0x188: {  	[spmem:s22] =	stream.linear.scatter [tilespmem:s23], [sflag:$0x5], $0x4000, $0x38;
	[tilespmem:$0x1F000] =	vst v63  }
0x189: {  	_ =	swait.ge [sflag:s24], $0x4000  }
0x18a: {  	[sflag:s24] =	ssyncset.done $0x0  }
0x18b: {  	s11 =	simm.s32 $0x0;
	[sflag:s24] =	ssyncadd.s32 $0xFFFFC000  }
0x18c: {  	[tilespmem:s11], [sflag:$0x5] =	stream.linear.gather [hbm4b:s15+s11], $0x1600, $0x38;
	[tilespmem:$0x1F000] =	vst v63  }
0x18d: {  	_ =	swait.ge [sflag:s24], $0x1600  }
0x18e: {  	[sflag:s24] =	ssyncset.done $0x0  }
0x18f: {  	[sflag:s24] =	ssyncadd.s32 $0xFFFFEA00  }
0x190: {  	[tilespmem:s25], [sflag:$0x5] =	stream.linear.gather [hbm4b:s16+s11], $0x1600, $0x38;
	[tilespmem:$0x1F000] =	vst v63  }
0x191: {  	_ =	swait.ge [sflag:s24], $0x1600  }
0x192: {  	[sflag:s24] =	ssyncset.done $0x0  }
0x193: {  	[sflag:s24] =	ssyncadd.s32 $0xFFFFEA00  }
0x194: {  	s12 =	simm.s32 $0x0;
	[bflag:$0x0] =	sbarrier.arrive $0xFFFF  }
0x195: {  	[tilespmem:s23], [sflag:$0x1] =	stream.indirect.gather [hbm4b:s4+s26], $0x80, s12, s26, $0xb8;
	[tilespmem:$0x1F000] =	vst v63  }
0x196: {  	s10 =	simm.s32 $0x80  }
0x197: {  	[tilespmem:s28], [sflag:$0x2] =	stream.indirect.gather [hbm4b:s4+s26], $0x80, s10, s26, $0xb8;
	[tilespmem:$0x1F000] =	vst v63  }
0x198: {  	_ =	swait.ge [sflag:s29], $0x4000  }
0x199: {  	[sflag:s29] =	ssyncset.done $0x0  }
0x19a: {  	s11 =	simm.s32 $0x1800;
	[sflag:s29] =	ssyncadd.s32 $0xFFFFC000  }
0x19b: {  	[spmem:s1] =	stream.indirect.scatter.add.f32 [tilespmem:s23], [sflag:$0x3], $0x80, s11, s26, $0xb8;
	[tilespmem:$0x1F000] =	vst v63  }
0x19c: {  	_ =	swait.ge [sflag:s30], $0x4000  }
0x19d: {  	[sflag:s30] =	ssyncset.done $0x0  }
0x19e: {  	s12 =	simm.s32 $0x1880;
	[sflag:s30] =	ssyncadd.s32 $0xFFFFC000  }
0x19f: {  	[spmem:s1] =	stream.indirect.scatter.add.f32 [tilespmem:s28], [sflag:$0x4], $0x80, s12, s26, $0xb8;
	[tilespmem:$0x1F000] =	vst v63  }
0x1a0: {  	_ =	swait.ge [sflag:s31], $0x4000  }
0x1a1: {  	[sflag:s31] =	ssyncset.done $0x0  }
0x1a2: {  	[sflag:s31] =	ssyncadd.s32 $0xFFFFC000  }
0x1a3: {  	_ =	swait.ge [sflag:s0], $0x4000  }
0x1a4: {  	s9 =	simm.s32 $0x400;
	s10 =	simm.s32 $0x800;
	[sflag:s0] =	ssyncset.done $0x0  }
.LBB2_16:
0x1a5: {  	s11 =	sshra.s32 s9, $0x2  }
0x1a6: {  	[sflag:s0] =	ssyncadd.s32 $0xFFFFC000;
	s9 =	smov.u32 s10;
	s12 =	sadd.s32 $0x400, s10  }
0x1a7: {  	[tilespmem:s23], [sflag:$0x1] =	stream.indirect.gather [hbm4b:s4+s26], $0x80, s11, s26, $0xb8;
	[tilespmem:$0x1F000] =	vst v63  }
0x1a8: {  	p1 =	sne.s32 s10, $0x5400;
	s10 =	sadd.s32 $0x80, s11  }
0x1a9: {  	[tilespmem:s28], [sflag:$0x2] =	stream.indirect.gather [hbm4b:s4+s26], $0x80, s10, s26, $0xb8;
	[tilespmem:$0x1F000] =	vst v63  }
0x1aa: {  	_ =	swait.ge [sflag:s29], $0x4000  }
0x1ab: {  	[sflag:s29] =	ssyncset.done $0x0  }
0x1ac: {  	s10 =	sadd.s32 $0x1800, s11;
	[sflag:s29] =	ssyncadd.s32 $0xFFFFC000  }
0x1ad: {  	[spmem:s1] =	stream.indirect.scatter.add.f32 [tilespmem:s23], [sflag:$0x3], $0x80, s10, s26, $0xb8;
	[tilespmem:$0x1F000] =	vst v63  }
0x1ae: {  	_ =	swait.ge [sflag:s30], $0x4000  }
0x1af: {  	[sflag:s30] =	ssyncset.done $0x0  }
0x1b0: {  	s10 =	sadd.s32 $0x1880, s11;
	[sflag:s30] =	ssyncadd.s32 $0xFFFFC000  }
0x1b1: {  	[spmem:s1] =	stream.indirect.scatter.add.f32 [tilespmem:s28], [sflag:$0x4], $0x80, s10, s26, $0xb8;
	[tilespmem:$0x1F000] =	vst v63  }
.Ltmp11:
0x1b2: {  	_ =	swait.ge [sflag:s31], $0x4000;
	(pc) =	sbr.rel @p1 .LBB2_16-.Ltmp11, $4  }
0x1b3: {  	[sflag:s31] =	ssyncset.done $0x0  }
0x1b4: {  	[sflag:s31] =	ssyncadd.s32 $0xFFFFC000  }
0x1b5: {  	_ =	swait.ge [sflag:s0], $0x4000  }
0x1b6: {  	s10 =	smov.u32 s12;
	[sflag:s0] =	ssyncset.done $0x0  }
.Ltmp12:
0x1b7: {  	_ = 	snop;
	(pc) =	sbr.rel .LBB2_17-.Ltmp12, $1  }
0x1b8: {  	_ =	sdelay $0x3  }
.LBB2_19:
0x1b9: {  	_ =	sfence.sel $0x180000  }
0x1ba: {  	[bflag:$0x0] =	sbarrier.arrive $0xFFFF  }
0x1bb: {  	_ =	strace $0x9000004D  }
0x1bc: {  	[bflag:$0x2] =	sbarrier.arrive $0xFFFF  }
0x1bd: {  	p0 =	sne.s32 s2, $0x0;
	s0 =	rddreg [dreg:$0x3]  }
0x1be: {  	s0 =	sadd.s32 @!p0 $0x100000, s0  }
0x1bf: {  	[sflag:s0] =	ssyncadd.tile.s32 @!p0 $0x1;
	_ =	shalt  }
.Lfunc_end2:
_tile_overlayer_lowered:
.L_overlay_start_2:
0x1c0: {  	(tag) =	ssettag $0x2  }
0x1c1: {  	s0 =	rddreg [dreg:$0x0];
	s2 =	stileid.u32  }
0x1c2: {  	s1 =	rddreg [dreg:$0x1];
	p0 =	sne.s32 s2, $0x0  }
0x1c3: {  	s3 =	rddreg [dreg:$0x2];
	[bflag:$0x3] =	sbarrier.arrive $0xFFFF;
	s2 =	simm.s32 @!p0 $0x1C05  }
0x1c4: {  	[timem:s3], [sflag:s2] =	dma.local @!p0 [hbm:s0], s1  }
0x1c5: {  	s0 =	simm.s32 @!p0 $0x5  }
0x1c6: {  	_ =	swait.ge @!p0 [sflag:s0], s1  }
0x1c7: {  	s1 =	ssub.s32 @!p0 $0x0, s1;
	[sflag:s0] =	ssyncset.done @!p0 $0x0  }
0x1c8: {  	[sflag:s0] =	ssyncadd.s32 @!p0 s1  }
0x1c9: {  	[bflag:$0x3] =	sbarrier.arrive $0xFFFF  }
0x1ca: {  	_ =	shalt  }

</sc_bundles>
